<compile_context>
chip_gen: v7x
topology: tpu7x:2x2x1
jax: 0.10.2.dev20260603
libtpu: 0.0.44.dev20260713+nightly
codegen_flags: <defaults>
</compile_context>

<pallas_src>
import functools

import jax
import jax.numpy as jnp
from jax import lax
from jax.experimental import pallas as pl
from jax.experimental.pallas import tpu as pltpu
from jax.experimental.pallas import tpu_sc as plsc

NC = 2
NS = 16
NW = NC * NS

D = 128
C_SZ = 128


def _flat_zero(buf, n_words):
    z = jnp.zeros((16,), jnp.float32)
    cols = buf.shape[-1]

    def body(i, _):
        r = i // (cols // 16)
        c = (i % (cols // 16)) * 16
        buf[r, pl.ds(c, 16)] = z
        return 0

    lax.fori_loop(0, n_words // 16, body, 0)


def _make_deg_kernel(n_pad, n_edges):
    npt = n_pad // NS
    epw = n_edges // NW
    nch = epw // C_SZ
    n_wr = 5
    wr = npt // n_wr
    mesh = plsc.VectorSubcoreMesh(core_axis_name="c", subcore_axis_name="s")

    @functools.partial(
        pl.kernel,
        out_type=jax.ShapeDtypeStruct((NC, n_pad, D), jnp.float32),
        mesh=mesh,
        scratch_types=[
            pltpu.VMEM_SHARED((n_pad, D), jnp.float32),
            [pltpu.VMEM((C_SZ,), jnp.int32)] * 2,
            pltpu.VMEM((C_SZ, D), jnp.float32),
            pltpu.VMEM((wr, D), jnp.float32),
            [pltpu.SemaphoreType.DMA] * 2,
        ],
    )
    def deg_kernel(row1, deg_out, dacc, idx, ones, zbuf, sem_i):
        cid = lax.axis_index("c")
        sid = lax.axis_index("s")
        wid = cid * NS + sid
        nb = sid * npt
        eb = wid * epw

        _flat_zero(zbuf, wr * D)
        one = jnp.ones((16,), jnp.float32)

        def fill_ones(i, _):
            r = i // (D // 16)
            c = (i % (D // 16)) * 16
            ones[r, pl.ds(c, 16)] = one
            return 0

        lax.fori_loop(0, C_SZ * D // 16, fill_ones, 0)
        for k in range(n_wr):
            pltpu.sync_copy(zbuf, dacc.at[pl.ds(nb + k * wr, wr)])
        plsc.subcore_barrier()

        def load_idx(j, b):
            pltpu.async_copy(row1.at[pl.ds(eb + j * C_SZ, C_SZ)], idx[b],
                             sem_i[b])

        def wait_idx(j, b):
            pltpu.make_async_copy(row1.at[pl.ds(eb + j * C_SZ, C_SZ)],
                                  idx[b], sem_i[b]).wait()

        load_idx(0, 0)

        def step(j, b):
            @pl.when(j + 1 < nch)
            def _():
                load_idx(j + 1, 1 - b)
            wait_idx(j, b)
            pltpu.sync_copy(ones, dacc.at[idx[b]], add=True)

        def pair(j2, _):
            j = j2 * 2
            step(j, 0)
            step(j + 1, 1)
            return 0

        lax.fori_loop(0, nch // 2, pair, 0)
        if nch % 2 == 1:
            step(nch - 1, (nch - 1) % 2)
        plsc.subcore_barrier()
        for k in range(n_wr):
            pltpu.sync_copy(dacc.at[pl.ds(nb + k * wr, wr)], zbuf)
            pltpu.sync_copy(zbuf, deg_out.at[cid, pl.ds(nb + k * wr, wr)])

    return deg_kernel


def _make_scatter_kernel(n_pad, n_edges):
    npt = n_pad // NS
    epw = n_edges // NW
    nch = epw // C_SZ
    wr = C_SZ
    n_wr = npt // wr
    mesh = plsc.VectorSubcoreMesh(core_axis_name="c", subcore_axis_name="s")

    @functools.partial(
        pl.kernel,
        out_type=jax.ShapeDtypeStruct((NC, n_pad, D), jnp.float32),
        mesh=mesh,
        scratch_types=[
            pltpu.VMEM_SHARED((n_pad, D), jnp.float32),
            [pltpu.VMEM((C_SZ,), jnp.int32)] * 3,
            [pltpu.VMEM((C_SZ,), jnp.int32)] * 3,
            [pltpu.VMEM((C_SZ, D), jnp.float32)] * 2,
            [pltpu.SemaphoreType.DMA] * 2,
            [pltpu.SemaphoreType.DMA] * 2,
            [pltpu.SemaphoreType.DMA] * 3,
        ],
    )
    def scatter_kernel(g, row1, col1, sp_out, acc, ridx, cidx, rows,
                       sem_g, sem_s, sem_i):
        cid = lax.axis_index("c")
        sid = lax.axis_index("s")
        wid = cid * NS + sid
        nb = sid * npt
        eb = wid * epw
        zbuf = rows[0]

        _flat_zero(zbuf, wr * D)
        for k in range(n_wr):
            pltpu.async_copy(zbuf, acc.at[pl.ds(nb + k * wr, wr)], sem_s[0])
        for k in range(n_wr):
            pltpu.make_async_copy(zbuf, acc.at[pl.ds(nb + k * wr, wr)],
                                  sem_s[0]).wait()
        plsc.subcore_barrier()

        def load_idx(j, b3):
            pltpu.async_copy(row1.at[pl.ds(eb + j * C_SZ, C_SZ)], ridx[b3],
                             sem_i[b3])
            pltpu.async_copy(col1.at[pl.ds(eb + j * C_SZ, C_SZ)], cidx[b3],
                             sem_i[b3])

        def wait_idx(j, b3):
            pltpu.make_async_copy(row1.at[pl.ds(eb + j * C_SZ, C_SZ)],
                                  ridx[b3], sem_i[b3]).wait()
            pltpu.make_async_copy(col1.at[pl.ds(eb + j * C_SZ, C_SZ)],
                                  cidx[b3], sem_i[b3]).wait()

        def wait_gather(b2, b3):
            pltpu.make_async_copy(g.at[cidx[b3]], rows[b2], sem_g[b2]).wait()

        def wait_scatter(b2, b3):
            pltpu.make_async_copy(rows[b2], acc.at[ridx[b3]],
                                  sem_s[b2]).wait()

        load_idx(0, 0)
        wait_idx(0, 0)
        pltpu.async_copy(g.at[cidx[0]], rows[0], sem_g[0])
        load_idx(1, 1)

        def step(j, jb):
            b2, b3 = jb % 2, jb % 3
            n2, n3 = (jb + 1) % 2, (jb + 1) % 3

            @pl.when(j + 1 < nch)
            def _():
                wait_idx(j + 1, n3)

                @pl.when(j >= 1)
                def _():
                    wait_scatter(n2, (jb + 2) % 3)
                pltpu.async_copy(g.at[cidx[n3]], rows[n2], sem_g[n2])

            wait_gather(b2, b3)
            pltpu.async_copy(rows[b2], acc.at[ridx[b3]], sem_s[b2], add=True)

            @pl.when(j + 2 < nch)
            def _():
                load_idx(j + 2, (jb + 2) % 3)

        def six(i6, _):
            for jb in range(6):
                step(i6 * 6 + jb, jb)
            return 0

        lax.fori_loop(0, nch // 6, six, 0)
        for j in range(nch - nch % 6, nch):
            step(j, j % 6)
        last = nch - 1
        wait_scatter((last - 1) % 2, (last - 1) % 3)
        wait_scatter(last % 2, last % 3)
        plsc.subcore_barrier()

        def rd(k, b):
            return (acc.at[pl.ds(nb + k * wr, wr)], rows[b], sem_g[b])

        def wo(k, b):
            return (rows[b], sp_out.at[cid, pl.ds(nb + k * wr, wr)], sem_s[b])

        pltpu.async_copy(*rd(0, 0))
        for k in range(n_wr):
            b = k % 2
            if k + 1 < n_wr:
                if k >= 1:
                    pltpu.make_async_copy(*wo(k - 1, 1 - b)).wait()
                pltpu.async_copy(*rd(k + 1, 1 - b))
            pltpu.make_async_copy(*rd(k, b)).wait()
            pltpu.async_copy(*wo(k, b))
        if n_wr >= 2:
            pltpu.make_async_copy(*wo(n_wr - 2, (n_wr - 2) % 2)).wait()
        pltpu.make_async_copy(*wo(n_wr - 1, (n_wr - 1) % 2)).wait()

    return scatter_kernel


def _scale_body(deg_ref, x_ref, g_ref, dinv_ref):
    d = deg_ref[0].astype(jnp.float32) + deg_ref[1].astype(jnp.float32)
    dinv = lax.rsqrt(1.0 + d)
    g_ref[...] = dinv * x_ref[...]
    dinv_ref[...] = dinv


def _mlp_body(relu, sp_ref, g_ref, dinv_ref, w_ref, b_ref, o_ref):
    dinv = dinv_ref[...]
    h1 = dinv * (sp_ref[0] + sp_ref[1] + g_ref[...])
    h = lax.dot_general(h1, w_ref[...], (((1,), (1,)), ((), ())),
                        preferred_element_type=jnp.float32) + b_ref[...]
    if relu:
        o_ref[...] = dinv * jnp.maximum(h, 0.0)
    else:
        o_ref[...] = h


def _tc_scale(deg_parts, x, nb):
    n = x.shape[0]
    return pl.pallas_call(
        _scale_body,
        grid=(n // nb,),
        in_specs=[
            pl.BlockSpec((NC, nb, D), lambda i: (0, i, 0)),
            pl.BlockSpec((nb, D), lambda i: (i, 0)),
        ],
        out_specs=[
            pl.BlockSpec((nb, D), lambda i: (i, 0)),
            pl.BlockSpec((nb, D), lambda i: (i, 0)),
        ],
        out_shape=[
            jax.ShapeDtypeStruct((n, D), jnp.float32),
            jax.ShapeDtypeStruct((n, D), jnp.float32),
        ],
    )(deg_parts, x)


def _tc_mlp(sp, g, dinvb, w, b2d, nb, relu):
    n = g.shape[0]
    return pl.pallas_call(
        functools.partial(_mlp_body, relu),
        grid=(n // nb,),
        in_specs=[
            pl.BlockSpec((NC, nb, D), lambda i: (0, i, 0)),
            pl.BlockSpec((nb, D), lambda i: (i, 0)),
            pl.BlockSpec((nb, D), lambda i: (i, 0)),
            pl.BlockSpec((D, D), lambda i: (0, 0)),
            pl.BlockSpec((1, D), lambda i: (0, 0)),
        ],
        out_specs=pl.BlockSpec((nb, D), lambda i: (i, 0)),
        out_shape=jax.ShapeDtypeStruct((n, D), jnp.float32),
    )(sp, g, dinvb, w, b2d)


@jax.jit
def kernel(x, edge_index, W1, b1, W2, b2):
    n = x.shape[0]
    e = edge_index.shape[1]
    n_pad = ((n + NW * 8 - 1) // (NW * 8)) * (NW * 8)
    nb = 1000

    e_pad = ((e + NW * C_SZ - 1) // (NW * C_SZ)) * (NW * C_SZ)
    pad = e_pad - e
    row1 = jnp.concatenate(
        [edge_index[0].astype(jnp.int32),
         n + jnp.arange(pad, dtype=jnp.int32) % (n_pad - n)])
    col1 = jnp.concatenate(
        [edge_index[1].astype(jnp.int32),
         jnp.arange(pad, dtype=jnp.int32) % n])

    deg_parts = _make_deg_kernel(n_pad, e_pad)(row1)
    g, dinvb = _tc_scale(deg_parts, x, nb)

    edge_scatter = _make_scatter_kernel(n_pad, e_pad)
    s1 = edge_scatter(g, row1, col1)
    g2 = _tc_mlp(s1, g, dinvb, W1, b1.reshape(1, D), nb, relu=True)
    s2 = edge_scatter(g2, row1, col1)
    return _tc_mlp(s2, g2, dinvb, W2, b2.reshape(1, D), nb, relu=False)

# --- scband reference (transcript-rebuilt; emitter-appended) ---
"""Pipeline reference for scband-simple-gcn-40226663694509 (READ-ONLY COPY).

The authoritative reference and input builder live on the scoring server;
editing this copy changes nothing except your own understanding.
"""

import jax, jax.numpy as jnp
import numpy as np

N_NODES = 10000
N_EDGES = 320000
IN_DIM = 128
HIDDEN_DIM = 128
OUT_DIM = 128


def setup_inputs(seed: int = 0) -> dict:
    key = jax.random.key(seed)
    k1, k2, k3, k4, k5, k6 = jax.random.split(key, 6)
    x = jax.random.normal(k1, (N_NODES, IN_DIM), dtype=jnp.float32)
    edge_index = jax.random.randint(k2, (2, N_EDGES), 0, N_NODES, dtype=jnp.int64)
    # nn.Linear params: weight [out, in], bias [out]
    W1 = jax.random.normal(k3, (HIDDEN_DIM, IN_DIM), dtype=jnp.float32) * (1.0 / np.sqrt(IN_DIM))
    b1 = jax.random.normal(k4, (HIDDEN_DIM,), dtype=jnp.float32) * (1.0 / np.sqrt(IN_DIM))
    W2 = jax.random.normal(k5, (OUT_DIM, HIDDEN_DIM), dtype=jnp.float32) * (1.0 / np.sqrt(HIDDEN_DIM))
    b2 = jax.random.normal(k6, (OUT_DIM,), dtype=jnp.float32) * (1.0 / np.sqrt(HIDDEN_DIM))
    return {"x": x, "edge_index": edge_index, "W1": W1, "b1": b1, "W2": W2, "b2": b2}


def reference(x, edge_index, W1, b1, W2, b2):
    N = x.shape[0]
    self_loop = jnp.arange(N, dtype=edge_index.dtype)
    row = jnp.concatenate([edge_index[0], self_loop])
    col = jnp.concatenate([edge_index[1], self_loop])
    # degree (duplicate edges sum, matching coalesce-of-ones semantics)
    deg = jax.ops.segment_sum(jnp.ones(row.shape[0], dtype=x.dtype), row, num_segments=N)
    deg_inv_sqrt = jnp.power(jnp.maximum(deg, 1.0), -0.5)
    v = deg_inv_sqrt[row] * deg_inv_sqrt[col]

    def spmm(h):
        # A @ h with A = D^{-1/2} (A + I) D^{-1/2}; duplicates sum naturally
        msgs = v[:, None] * jnp.take(h, col, axis=0)
        return jax.ops.segment_sum(msgs, row, num_segments=N)

    h = spmm(x)
    h = jax.nn.relu(h @ W1.T + b1)
    # dropout is identity in eval/deterministic mode
    h = spmm(h)
    return h @ W2.T + b2

if __name__ == "__main__":
    import jax
    _d = setup_inputs()
    print(jax.jit(kernel)(*tuple(_d.values())))

</pallas_src>

<mosaic_0001>
#map = affine_map<(d0, d1) -> (0)>
#map1 = affine_map<(d0, d1) -> (0, 0, 0)>
module attributes {stable_mosaic.version = 14 : i64} {
  func.func @deg_kernel(%arg0: i32, %arg1: i32, %arg2: memref<323584xi32, #tpu.memory_space<hbm>>, %arg3: memref<2x10240x128xf32, #tpu.memory_space<hbm>>, %arg4: memref<10240x128xf32, #tpu.memory_space<vmem_shared>>, %arg5: memref<128xi32, #tpu.memory_space<vmem>>, %arg6: memref<128xi32, #tpu.memory_space<vmem>>, %arg7: memref<128x128xf32, #tpu.memory_space<vmem>>, %arg8: memref<128x128xf32, #tpu.memory_space<vmem>>, %arg9: memref<!tpu.dma_semaphore, #tpu.memory_space<semaphore_mem>>, %arg10: memref<!tpu.dma_semaphore, #tpu.memory_space<semaphore_mem>>) attributes {dimension_semantics = [#tpu.dimension_semantics<core_parallel>, #tpu.dimension_semantics<subcore_parallel>], iteration_bounds = array<i64: 2, 16>, scalar_prefetch = 0 : i64, scratch_operands = 7 : i64, tpu.core_type = #tpu.core_type<sc_vector_subcore>, window_params = [{transform_indices = #map}, {transform_indices = #map1}]} {
    %mul3A = arith.constant 16 : i32
    %mul3A_0 = arith.muli %arg0, %mul3A : i32
    %add3A = arith.addi %mul3A_0, %arg1 : i32
    %mul3A_1 = arith.constant 640 : i32
    %mul3A_2 = arith.muli %arg1, %mul3A_1 : i32
    %mul3A_3 = arith.constant 10112 : i32
    %mul3A_4 = arith.muli %add3A, %mul3A_3 : i32
    %broadcast_in_dim3A = arith.constant 0.000000e+00 : f32
    %broadcast_in_dim3A_5 = vector.broadcast %broadcast_in_dim3A : f32 to vector<16xf32>
    %scan3A = arith.constant 0 : i32
    %scan3A_6 = arith.constant 0 : i32
    %scan3A_7 = arith.constant 1024 : i32
    %scan3A_8 = arith.addi %scan3A_6, %scan3A_7 : i32
    %scan3A_9 = arith.constant 1 : i32
    %scan3A_10 = scf.for %scan3A_65 = %scan3A_6 to %scan3A_8 step %scan3A_9 iter_args(%scan3A_66 = %scan3A) -> (i32)  : i32 {
      %jit3A = arith.constant 8 : i32
      %div3A = arith.divsi %scan3A_65, %jit3A : i32
      %sign3A = arith.constant 0 : i32
      %sign3A_67 = arith.cmpi sgt, %scan3A_65, %sign3A : i32
      %sign3A_68 = arith.extui %sign3A_67 : i1 to i32
      %sign3A_69 = arith.constant 0 : i32
      %sign3A_70 = arith.cmpi slt, %scan3A_65, %sign3A_69 : i32
      %sign3A_71 = arith.extui %sign3A_70 : i1 to i32
      %sign3A_72 = arith.subi %sign3A_68, %sign3A_71 : i32
      %sign3A_73 = arith.constant 0 : i32
      %sign3A_74 = arith.cmpi sgt, %jit3A, %sign3A_73 : i32
      %sign3A_75 = arith.extui %sign3A_74 : i1 to i32
      %sign3A_76 = arith.constant 0 : i32
      %sign3A_77 = arith.cmpi slt, %jit3A, %sign3A_76 : i32
      %sign3A_78 = arith.extui %sign3A_77 : i1 to i32
      %sign3A_79 = arith.subi %sign3A_75, %sign3A_78 : i32
      %ne3A = arith.cmpi ne, %sign3A_72, %sign3A_79 : i32
      %rem3A = arith.remsi %scan3A_65, %jit3A : i32
      %ne3A_80 = arith.constant 0 : i32
      %ne3A_81 = arith.cmpi ne, %rem3A, %ne3A_80 : i32
      %and3A = arith.andi %ne3A, %ne3A_81 : i1
      %sub3A = arith.constant 1 : i32
      %sub3A_82 = arith.subi %div3A, %sub3A : i32
      %select_n3A = arith.select %and3A, %sub3A_82, %div3A : i32
      %jit3A_83 = arith.constant 8 : i32
      %eq3A = arith.constant 0 : i32
      %eq3A_84 = arith.cmpi eq, %jit3A_83, %eq3A : i32
      %jit3A_85 = arith.constant 1 : i32
      %select_n3A_86 = arith.select %eq3A_84, %jit3A_85, %jit3A_83 : i32
      %rem3A_87 = arith.remsi %scan3A_65, %select_n3A_86 : i32
      %ne3A_88 = arith.constant 0 : i32
      %ne3A_89 = arith.cmpi ne, %rem3A_87, %ne3A_88 : i32
      %lt3A = arith.constant 0 : i32
      %lt3A_90 = arith.cmpi slt, %rem3A_87, %lt3A : i32
      %lt3A_91 = arith.constant 0 : i32
      %lt3A_92 = arith.cmpi slt, %select_n3A_86, %lt3A_91 : i32
      %ne3A_93 = arith.xori %lt3A_90, %lt3A_92 : i1
      %and3A_94 = arith.andi %ne3A_93, %ne3A_89 : i1
      %add3A_95 = arith.addi %rem3A_87, %select_n3A_86 : i32
      %select_n3A_96 = arith.select %and3A_94, %add3A_95, %rem3A_87 : i32
      %mul3A_97 = arith.constant 16 : i32
      %mul3A_98 = arith.muli %select_n3A_96, %mul3A_97 : i32
      %swap3A = arith.index_cast %select_n3A : i32 to index
      %swap3A_99 = arith.index_cast %mul3A_98 : i32 to index
      %swap3A_100 = tpu.vector_load %arg8[%swap3A, %swap3A_99] {strides = array<i32>} : memref<128x128xf32, #tpu.memory_space<vmem>>, vector<1x16xf32>,
      %swap3A_101 = vector.shape_cast %swap3A_100 : vector<1x16xf32> to vector<16xf32>
      %swap3A_102 = vector.shape_cast %broadcast_in_dim3A_5 : vector<16xf32> to vector<1x16xf32>
      tpu.vector_store %arg8[%swap3A, %swap3A_99], %swap3A_102 {strides = array<i32>} : memref<128x128xf32, #tpu.memory_space<vmem>>, vector<1x16xf32>,
      %scan3A_103 = arith.constant 0 : i32
      scf.yield %scan3A_103 : i32
    }
    %scan3A_11 = arith.constant 1024 : i32
    %broadcast_in_dim3A_12 = arith.constant 1.000000e+00 : f32
    %broadcast_in_dim3A_13 = vector.broadcast %broadcast_in_dim3A_12 : f32 to vector<16xf32>
    %scan3A_14 = arith.constant 0 : i32
    %scan3A_15 = arith.constant 0 : i32
    %scan3A_16 = arith.constant 1024 : i32
    %scan3A_17 = arith.addi %scan3A_15, %scan3A_16 : i32
    %scan3A_18 = arith.constant 1 : i32
    %scan3A_19 = scf.for %scan3A_65 = %scan3A_15 to %scan3A_17 step %scan3A_18 iter_args(%scan3A_66 = %scan3A_14) -> (i32)  : i32 {
      %jit3A = arith.constant 8 : i32
      %div3A = arith.divsi %scan3A_65, %jit3A : i32
      %sign3A = arith.constant 0 : i32
      %sign3A_67 = arith.cmpi sgt, %scan3A_65, %sign3A : i32
      %sign3A_68 = arith.extui %sign3A_67 : i1 to i32
      %sign3A_69 = arith.constant 0 : i32
      %sign3A_70 = arith.cmpi slt, %scan3A_65, %sign3A_69 : i32
      %sign3A_71 = arith.extui %sign3A_70 : i1 to i32
      %sign3A_72 = arith.subi %sign3A_68, %sign3A_71 : i32
      %sign3A_73 = arith.constant 0 : i32
      %sign3A_74 = arith.cmpi sgt, %jit3A, %sign3A_73 : i32
      %sign3A_75 = arith.extui %sign3A_74 : i1 to i32
      %sign3A_76 = arith.constant 0 : i32
      %sign3A_77 = arith.cmpi slt, %jit3A, %sign3A_76 : i32
      %sign3A_78 = arith.extui %sign3A_77 : i1 to i32
      %sign3A_79 = arith.subi %sign3A_75, %sign3A_78 : i32
      %ne3A = arith.cmpi ne, %sign3A_72, %sign3A_79 : i32
      %rem3A = arith.remsi %scan3A_65, %jit3A : i32
      %ne3A_80 = arith.constant 0 : i32
      %ne3A_81 = arith.cmpi ne, %rem3A, %ne3A_80 : i32
      %and3A = arith.andi %ne3A, %ne3A_81 : i1
      %sub3A = arith.constant 1 : i32
      %sub3A_82 = arith.subi %div3A, %sub3A : i32
      %select_n3A = arith.select %and3A, %sub3A_82, %div3A : i32
      %jit3A_83 = arith.constant 8 : i32
      %eq3A = arith.constant 0 : i32
      %eq3A_84 = arith.cmpi eq, %jit3A_83, %eq3A : i32
      %jit3A_85 = arith.constant 1 : i32
      %select_n3A_86 = arith.select %eq3A_84, %jit3A_85, %jit3A_83 : i32
      %rem3A_87 = arith.remsi %scan3A_65, %select_n3A_86 : i32
      %ne3A_88 = arith.constant 0 : i32
      %ne3A_89 = arith.cmpi ne, %rem3A_87, %ne3A_88 : i32
      %lt3A = arith.constant 0 : i32
      %lt3A_90 = arith.cmpi slt, %rem3A_87, %lt3A : i32
      %lt3A_91 = arith.constant 0 : i32
      %lt3A_92 = arith.cmpi slt, %select_n3A_86, %lt3A_91 : i32
      %ne3A_93 = arith.xori %lt3A_90, %lt3A_92 : i1
      %and3A_94 = arith.andi %ne3A_93, %ne3A_89 : i1
      %add3A_95 = arith.addi %rem3A_87, %select_n3A_86 : i32
      %select_n3A_96 = arith.select %and3A_94, %add3A_95, %rem3A_87 : i32
      %mul3A_97 = arith.constant 16 : i32
      %mul3A_98 = arith.muli %select_n3A_96, %mul3A_97 : i32
      %swap3A = arith.index_cast %select_n3A : i32 to index
      %swap3A_99 = arith.index_cast %mul3A_98 : i32 to index
      %swap3A_100 = tpu.vector_load %arg7[%swap3A, %swap3A_99] {strides = array<i32>} : memref<128x128xf32, #tpu.memory_space<vmem>>, vector<1x16xf32>,
      %swap3A_101 = vector.shape_cast %swap3A_100 : vector<1x16xf32> to vector<16xf32>
      %swap3A_102 = vector.shape_cast %broadcast_in_dim3A_13 : vector<16xf32> to vector<1x16xf32>
      tpu.vector_store %arg7[%swap3A, %swap3A_99], %swap3A_102 {strides = array<i32>} : memref<128x128xf32, #tpu.memory_space<vmem>>, vector<1x16xf32>,
      %scan3A_103 = arith.constant 0 : i32
      scf.yield %scan3A_103 : i32
    }
    %scan3A_20 = arith.constant 1024 : i32
    %add3A_21 = arith.constant 0 : i32
    %add3A_22 = arith.addi %mul3A_2, %add3A_21 : i32
    "tpu.region"() ({
      %run_scoped3A = tpu.sem_alloc : memref<!tpu.dma_semaphore, #tpu.memory_space<semaphore_mem>>
      %dma_start3A_65 = arith.constant 0 : i32
      %dma_start3A_66 = tpu.memref_slice %arg4[%add3A_22, %dma_start3A_65] : memref<10240x128xf32, #tpu.memory_space<vmem_shared>> -> memref<128x128xf32, #tpu.memory_space<vmem_shared>>
      %dma_start3A_67 = arith.constant 0 : i32
      %dma_start3A_68 = tpu.memref_slice %arg4[%add3A_22, %dma_start3A_67] : memref<10240x128xf32, #tpu.memory_space<vmem_shared>> -> memref<128x128xf32, #tpu.memory_space<vmem_shared>>
      tpu.enqueue_dma source(%arg8 : memref<128x128xf32, #tpu.memory_space<vmem>>) target(%dma_start3A_68 : memref<128x128xf32, #tpu.memory_space<vmem_shared>>) target_semaphore(%run_scoped3A : memref<!tpu.dma_semaphore, #tpu.memory_space<semaphore_mem>>)
      %dma_wait3A_69 = arith.constant 0 : i32
      %dma_wait3A_70 = tpu.memref_slice %arg4[%add3A_22, %dma_wait3A_69] : memref<10240x128xf32, #tpu.memory_space<vmem_shared>> -> memref<128x128xf32, #tpu.memory_space<vmem_shared>>
      %dma_wait3A_71 = arith.constant 0 : i32
      %dma_wait3A_72 = tpu.memref_slice %arg4[%add3A_22, %dma_wait3A_71] : memref<10240x128xf32, #tpu.memory_space<vmem_shared>> -> memref<128x128xf32, #tpu.memory_space<vmem_shared>>
      tpu.wait_dma2 semaphore(%run_scoped3A : memref<!tpu.dma_semaphore, #tpu.memory_space<semaphore_mem>>) src(%arg8 : memref<128x128xf32, #tpu.memory_space<vmem>>) dst(%dma_wait3A_72 : memref<128x128xf32, #tpu.memory_space<vmem_shared>>)
      tpu.yield
    }) : () -> ()
    %add3A_23 = arith.constant 128 : i32
    %add3A_24 = arith.addi %mul3A_2, %add3A_23 : i32
    "tpu.region"() ({
      %run_scoped3A = tpu.sem_alloc : memref<!tpu.dma_semaphore, #tpu.memory_space<semaphore_mem>>
      %dma_start3A_65 = arith.constant 0 : i32
      %dma_start3A_66 = tpu.memref_slice %arg4[%add3A_24, %dma_start3A_65] : memref<10240x128xf32, #tpu.memory_space<vmem_shared>> -> memref<128x128xf32, #tpu.memory_space<vmem_shared>>
      %dma_start3A_67 = arith.constant 0 : i32
      %dma_start3A_68 = tpu.memref_slice %arg4[%add3A_24, %dma_start3A_67] : memref<10240x128xf32, #tpu.memory_space<vmem_shared>> -> memref<128x128xf32, #tpu.memory_space<vmem_shared>>
      tpu.enqueue_dma source(%arg8 : memref<128x128xf32, #tpu.memory_space<vmem>>) target(%dma_start3A_68 : memref<128x128xf32, #tpu.memory_space<vmem_shared>>) target_semaphore(%run_scoped3A : memref<!tpu.dma_semaphore, #tpu.memory_space<semaphore_mem>>)
      %dma_wait3A_69 = arith.constant 0 : i32
      %dma_wait3A_70 = tpu.memref_slice %arg4[%add3A_24, %dma_wait3A_69] : memref<10240x128xf32, #tpu.memory_space<vmem_shared>> -> memref<128x128xf32, #tpu.memory_space<vmem_shared>>
      %dma_wait3A_71 = arith.constant 0 : i32
      %dma_wait3A_72 = tpu.memref_slice %arg4[%add3A_24, %dma_wait3A_71] : memref<10240x128xf32, #tpu.memory_space<vmem_shared>> -> memref<128x128xf32, #tpu.memory_space<vmem_shared>>
      tpu.wait_dma2 semaphore(%run_scoped3A : memref<!tpu.dma_semaphore, #tpu.memory_space<semaphore_mem>>) src(%arg8 : memref<128x128xf32, #tpu.memory_space<vmem>>) dst(%dma_wait3A_72 : memref<128x128xf32, #tpu.memory_space<vmem_shared>>)
      tpu.yield
    }) : () -> ()
    %add3A_25 = arith.constant 256 : i32
    %add3A_26 = arith.addi %mul3A_2, %add3A_25 : i32
    "tpu.region"() ({
      %run_scoped3A = tpu.sem_alloc : memref<!tpu.dma_semaphore, #tpu.memory_space<semaphore_mem>>
      %dma_start3A_65 = arith.constant 0 : i32
      %dma_start3A_66 = tpu.memref_slice %arg4[%add3A_26, %dma_start3A_65] : memref<10240x128xf32, #tpu.memory_space<vmem_shared>> -> memref<128x128xf32, #tpu.memory_space<vmem_shared>>
      %dma_start3A_67 = arith.constant 0 : i32
      %dma_start3A_68 = tpu.memref_slice %arg4[%add3A_26, %dma_start3A_67] : memref<10240x128xf32, #tpu.memory_space<vmem_shared>> -> memref<128x128xf32, #tpu.memory_space<vmem_shared>>
      tpu.enqueue_dma source(%arg8 : memref<128x128xf32, #tpu.memory_space<vmem>>) target(%dma_start3A_68 : memref<128x128xf32, #tpu.memory_space<vmem_shared>>) target_semaphore(%run_scoped3A : memref<!tpu.dma_semaphore, #tpu.memory_space<semaphore_mem>>)
      %dma_wait3A_69 = arith.constant 0 : i32
      %dma_wait3A_70 = tpu.memref_slice %arg4[%add3A_26, %dma_wait3A_69] : memref<10240x128xf32, #tpu.memory_space<vmem_shared>> -> memref<128x128xf32, #tpu.memory_space<vmem_shared>>
      %dma_wait3A_71 = arith.constant 0 : i32
      %dma_wait3A_72 = tpu.memref_slice %arg4[%add3A_26, %dma_wait3A_71] : memref<10240x128xf32, #tpu.memory_space<vmem_shared>> -> memref<128x128xf32, #tpu.memory_space<vmem_shared>>
      tpu.wait_dma2 semaphore(%run_scoped3A : memref<!tpu.dma_semaphore, #tpu.memory_space<semaphore_mem>>) src(%arg8 : memref<128x128xf32, #tpu.memory_space<vmem>>) dst(%dma_wait3A_72 : memref<128x128xf32, #tpu.memory_space<vmem_shared>>)
      tpu.yield
    }) : () -> ()
    %add3A_27 = arith.constant 384 : i32
    %add3A_28 = arith.addi %mul3A_2, %add3A_27 : i32
    "tpu.region"() ({
      %run_scoped3A = tpu.sem_alloc : memref<!tpu.dma_semaphore, #tpu.memory_space<semaphore_mem>>
      %dma_start3A_65 = arith.constant 0 : i32
      %dma_start3A_66 = tpu.memref_slice %arg4[%add3A_28, %dma_start3A_65] : memref<10240x128xf32, #tpu.memory_space<vmem_shared>> -> memref<128x128xf32, #tpu.memory_space<vmem_shared>>
      %dma_start3A_67 = arith.constant 0 : i32
      %dma_start3A_68 = tpu.memref_slice %arg4[%add3A_28, %dma_start3A_67] : memref<10240x128xf32, #tpu.memory_space<vmem_shared>> -> memref<128x128xf32, #tpu.memory_space<vmem_shared>>
      tpu.enqueue_dma source(%arg8 : memref<128x128xf32, #tpu.memory_space<vmem>>) target(%dma_start3A_68 : memref<128x128xf32, #tpu.memory_space<vmem_shared>>) target_semaphore(%run_scoped3A : memref<!tpu.dma_semaphore, #tpu.memory_space<semaphore_mem>>)
      %dma_wait3A_69 = arith.constant 0 : i32
      %dma_wait3A_70 = tpu.memref_slice %arg4[%add3A_28, %dma_wait3A_69] : memref<10240x128xf32, #tpu.memory_space<vmem_shared>> -> memref<128x128xf32, #tpu.memory_space<vmem_shared>>
      %dma_wait3A_71 = arith.constant 0 : i32
      %dma_wait3A_72 = tpu.memref_slice %arg4[%add3A_28, %dma_wait3A_71] : memref<10240x128xf32, #tpu.memory_space<vmem_shared>> -> memref<128x128xf32, #tpu.memory_space<vmem_shared>>
      tpu.wait_dma2 semaphore(%run_scoped3A : memref<!tpu.dma_semaphore, #tpu.memory_space<semaphore_mem>>) src(%arg8 : memref<128x128xf32, #tpu.memory_space<vmem>>) dst(%dma_wait3A_72 : memref<128x128xf32, #tpu.memory_space<vmem_shared>>)
      tpu.yield
    }) : () -> ()
    %add3A_29 = arith.constant 512 : i32
    %add3A_30 = arith.addi %mul3A_2, %add3A_29 : i32
    "tpu.region"() ({
      %run_scoped3A = tpu.sem_alloc : memref<!tpu.dma_semaphore, #tpu.memory_space<semaphore_mem>>
      %dma_start3A_65 = arith.constant 0 : i32
      %dma_start3A_66 = tpu.memref_slice %arg4[%add3A_30, %dma_start3A_65] : memref<10240x128xf32, #tpu.memory_space<vmem_shared>> -> memref<128x128xf32, #tpu.memory_space<vmem_shared>>
      %dma_start3A_67 = arith.constant 0 : i32
      %dma_start3A_68 = tpu.memref_slice %arg4[%add3A_30, %dma_start3A_67] : memref<10240x128xf32, #tpu.memory_space<vmem_shared>> -> memref<128x128xf32, #tpu.memory_space<vmem_shared>>
      tpu.enqueue_dma source(%arg8 : memref<128x128xf32, #tpu.memory_space<vmem>>) target(%dma_start3A_68 : memref<128x128xf32, #tpu.memory_space<vmem_shared>>) target_semaphore(%run_scoped3A : memref<!tpu.dma_semaphore, #tpu.memory_space<semaphore_mem>>)
      %dma_wait3A_69 = arith.constant 0 : i32
      %dma_wait3A_70 = tpu.memref_slice %arg4[%add3A_30, %dma_wait3A_69] : memref<10240x128xf32, #tpu.memory_space<vmem_shared>> -> memref<128x128xf32, #tpu.memory_space<vmem_shared>>
      %dma_wait3A_71 = arith.constant 0 : i32
      %dma_wait3A_72 = tpu.memref_slice %arg4[%add3A_30, %dma_wait3A_71] : memref<10240x128xf32, #tpu.memory_space<vmem_shared>> -> memref<128x128xf32, #tpu.memory_space<vmem_shared>>
      tpu.wait_dma2 semaphore(%run_scoped3A : memref<!tpu.dma_semaphore, #tpu.memory_space<semaphore_mem>>) src(%arg8 : memref<128x128xf32, #tpu.memory_space<vmem>>) dst(%dma_wait3A_72 : memref<128x128xf32, #tpu.memory_space<vmem_shared>>)
      tpu.yield
    }) : () -> ()
    %barrier3A = arith.constant 0 : index
    tpu.barrier barrier_id(%barrier3A)
    %add3A_31 = arith.constant 0 : i32
    %add3A_32 = arith.addi %mul3A_4, %add3A_31 : i32
    %dma_start3A = tpu.memref_slice %arg2[%add3A_32] : memref<323584xi32, #tpu.memory_space<hbm>> -> memref<128xi32, #tpu.memory_space<hbm>>
    %dma_start3A_33 = tpu.memref_slice %arg2[%add3A_32] : memref<323584xi32, #tpu.memory_space<hbm>> -> memref<128xi32, #tpu.memory_space<hbm>>
    tpu.enqueue_dma source(%dma_start3A_33 : memref<128xi32, #tpu.memory_space<hbm>>) target(%arg5 : memref<128xi32, #tpu.memory_space<vmem>>) target_semaphore(%arg9 : memref<!tpu.dma_semaphore, #tpu.memory_space<semaphore_mem>>)
    %scan3A_34 = arith.constant 0 : i32
    %scan3A_35 = arith.constant 0 : i32
    %scan3A_36 = arith.constant 39 : i32
    %scan3A_37 = arith.addi %scan3A_35, %scan3A_36 : i32
    %scan3A_38 = arith.constant 1 : i32
    %scan3A_39 = scf.for %scan3A_65 = %scan3A_35 to %scan3A_37 step %scan3A_38 iter_args(%scan3A_66 = %scan3A_34) -> (i32)  : i32 {
      %mul3A_67 = arith.constant 2 : i32
      %mul3A_68 = arith.muli %scan3A_65, %mul3A_67 : i32
      %add3A_69 = arith.constant 1 : i32
      %add3A_70 = arith.addi %mul3A_68, %add3A_69 : i32
      %lt3A = arith.constant 79 : i32
      %lt3A_71 = arith.cmpi slt, %add3A_70, %lt3A : i32
      %convert_element_type3A = arith.extui %lt3A_71 : i1 to i32
      %cond3A = arith.constant 0 : i32
      %cond3A_72 = arith.cmpi ne, %convert_element_type3A, %cond3A : i32
      scf.if %cond3A_72 {
        %add3A_93 = arith.constant 1 : i32
        %add3A_94 = arith.addi %mul3A_68, %add3A_93 : i32
        %mul3A_95 = arith.constant 128 : i32
        %mul3A_96 = arith.muli %add3A_94, %mul3A_95 : i32
        %add3A_97 = arith.addi %mul3A_4, %mul3A_96 : i32
        %dma_start3A_98 = tpu.memref_slice %arg2[%add3A_97] : memref<323584xi32, #tpu.memory_space<hbm>> -> memref<128xi32, #tpu.memory_space<hbm>>
        %dma_start3A_99 = tpu.memref_slice %arg2[%add3A_97] : memref<323584xi32, #tpu.memory_space<hbm>> -> memref<128xi32, #tpu.memory_space<hbm>>
        tpu.enqueue_dma source(%dma_start3A_99 : memref<128xi32, #tpu.memory_space<hbm>>) target(%arg6 : memref<128xi32, #tpu.memory_space<vmem>>) target_semaphore(%arg10 : memref<!tpu.dma_semaphore, #tpu.memory_space<semaphore_mem>>)
      } else {
      }
      %mul3A_73 = arith.constant 128 : i32
      %mul3A_74 = arith.muli %mul3A_68, %mul3A_73 : i32
      %add3A_75 = arith.addi %mul3A_4, %mul3A_74 : i32
      %dma_wait3A_76 = tpu.memref_slice %arg2[%add3A_75] : memref<323584xi32, #tpu.memory_space<hbm>> -> memref<128xi32, #tpu.memory_space<hbm>>
      %dma_wait3A_77 = tpu.memref_slice %arg2[%add3A_75] : memref<323584xi32, #tpu.memory_space<hbm>> -> memref<128xi32, #tpu.memory_space<hbm>>
      tpu.wait_dma2 semaphore(%arg9 : memref<!tpu.dma_semaphore, #tpu.memory_space<semaphore_mem>>) src(%dma_wait3A_77 : memref<128xi32, #tpu.memory_space<hbm>>) dst(%arg5 : memref<128xi32, #tpu.memory_space<vmem>>)
      "tpu.region"() ({
        %run_scoped3A = tpu.sem_alloc : memref<!tpu.dma_semaphore, #tpu.memory_space<semaphore_mem>>
        %dma_start3A_93 = arith.constant 0 : i32
        %dma_start3A_94 = arith.constant 0 : i32
        %dma_start3A_95 = tpu.memref_slice %arg4[%dma_start3A_93, %dma_start3A_94] : memref<10240x128xf32, #tpu.memory_space<vmem_shared>> -> memref<10240x128xf32, #tpu.memory_space<vmem_shared>>
        tpu.enqueue_indirect_dma source(%arg7 : memref<128x128xf32, #tpu.memory_space<vmem>>) target(%dma_start3A_95 : memref<10240x128xf32, #tpu.memory_space<vmem_shared>>) offsets(%arg5 : memref<128xi32, #tpu.memory_space<vmem>>) semaphore(%run_scoped3A : memref<!tpu.dma_semaphore, #tpu.memory_space<semaphore_mem>>) {add = true}
        %dma_wait3A_96 = arith.constant 0 : i32
        %dma_wait3A_97 = arith.constant 0 : i32
        %dma_wait3A_98 = tpu.memref_slice %arg4[%dma_wait3A_96, %dma_wait3A_97] : memref<10240x128xf32, #tpu.memory_space<vmem_shared>> -> memref<10240x128xf32, #tpu.memory_space<vmem_shared>>
        tpu.wait_indirect_dma semaphore(%run_scoped3A : memref<!tpu.dma_semaphore, #tpu.memory_space<semaphore_mem>>) src(%arg7 : memref<128x128xf32, #tpu.memory_space<vmem>>) dst(%dma_wait3A_98 : memref<10240x128xf32, #tpu.memory_space<vmem_shared>>)
        tpu.yield
      }) : () -> ()
      %add3A_78 = arith.constant 1 : i32
      %add3A_79 = arith.addi %mul3A_68, %add3A_78 : i32
      %add3A_80 = arith.constant 1 : i32
      %add3A_81 = arith.addi %add3A_79, %add3A_80 : i32
      %lt3A_82 = arith.constant 79 : i32
      %lt3A_83 = arith.cmpi slt, %add3A_81, %lt3A_82 : i32
      %convert_element_type3A_84 = arith.extui %lt3A_83 : i1 to i32
      %cond3A_85 = arith.constant 0 : i32
      %cond3A_86 = arith.cmpi ne, %convert_element_type3A_84, %cond3A_85 : i32
      scf.if %cond3A_86 {
        %add3A_93 = arith.constant 1 : i32
        %add3A_94 = arith.addi %add3A_79, %add3A_93 : i32
        %mul3A_95 = arith.constant 128 : i32
        %mul3A_96 = arith.muli %add3A_94, %mul3A_95 : i32
        %add3A_97 = arith.addi %mul3A_4, %mul3A_96 : i32
        %dma_start3A_98 = tpu.memref_slice %arg2[%add3A_97] : memref<323584xi32, #tpu.memory_space<hbm>> -> memref<128xi32, #tpu.memory_space<hbm>>
        %dma_start3A_99 = tpu.memref_slice %arg2[%add3A_97] : memref<323584xi32, #tpu.memory_space<hbm>> -> memref<128xi32, #tpu.memory_space<hbm>>
        tpu.enqueue_dma source(%dma_start3A_99 : memref<128xi32, #tpu.memory_space<hbm>>) target(%arg5 : memref<128xi32, #tpu.memory_space<vmem>>) target_semaphore(%arg9 : memref<!tpu.dma_semaphore, #tpu.memory_space<semaphore_mem>>)
      } else {
      }
      %mul3A_87 = arith.constant 128 : i32
      %mul3A_88 = arith.muli %add3A_79, %mul3A_87 : i32
      %add3A_89 = arith.addi %mul3A_4, %mul3A_88 : i32
      %dma_wait3A_90 = tpu.memref_slice %arg2[%add3A_89] : memref<323584xi32, #tpu.memory_space<hbm>> -> memref<128xi32, #tpu.memory_space<hbm>>
      %dma_wait3A_91 = tpu.memref_slice %arg2[%add3A_89] : memref<323584xi32, #tpu.memory_space<hbm>> -> memref<128xi32, #tpu.memory_space<hbm>>
      tpu.wait_dma2 semaphore(%arg10 : memref<!tpu.dma_semaphore, #tpu.memory_space<semaphore_mem>>) src(%dma_wait3A_91 : memref<128xi32, #tpu.memory_space<hbm>>) dst(%arg6 : memref<128xi32, #tpu.memory_space<vmem>>)
      "tpu.region"() ({
        %run_scoped3A = tpu.sem_alloc : memref<!tpu.dma_semaphore, #tpu.memory_space<semaphore_mem>>
        %dma_start3A_93 = arith.constant 0 : i32
        %dma_start3A_94 = arith.constant 0 : i32
        %dma_start3A_95 = tpu.memref_slice %arg4[%dma_start3A_93, %dma_start3A_94] : memref<10240x128xf32, #tpu.memory_space<vmem_shared>> -> memref<10240x128xf32, #tpu.memory_space<vmem_shared>>
        tpu.enqueue_indirect_dma source(%arg7 : memref<128x128xf32, #tpu.memory_space<vmem>>) target(%dma_start3A_95 : memref<10240x128xf32, #tpu.memory_space<vmem_shared>>) offsets(%arg6 : memref<128xi32, #tpu.memory_space<vmem>>) semaphore(%run_scoped3A : memref<!tpu.dma_semaphore, #tpu.memory_space<semaphore_mem>>) {add = true}
        %dma_wait3A_96 = arith.constant 0 : i32
        %dma_wait3A_97 = arith.constant 0 : i32
        %dma_wait3A_98 = tpu.memref_slice %arg4[%dma_wait3A_96, %dma_wait3A_97] : memref<10240x128xf32, #tpu.memory_space<vmem_shared>> -> memref<10240x128xf32, #tpu.memory_space<vmem_shared>>
        tpu.wait_indirect_dma semaphore(%run_scoped3A : memref<!tpu.dma_semaphore, #tpu.memory_space<semaphore_mem>>) src(%arg7 : memref<128x128xf32, #tpu.memory_space<vmem>>) dst(%dma_wait3A_98 : memref<10240x128xf32, #tpu.memory_space<vmem_shared>>)
        tpu.yield
      }) : () -> ()
      %scan3A_92 = arith.constant 0 : i32
      scf.yield %scan3A_92 : i32
    }
    %scan3A_40 = arith.constant 39 : i32
    %add3A_41 = arith.constant 9984 : i32
    %add3A_42 = arith.addi %mul3A_4, %add3A_41 : i32
    %dma_wait3A = tpu.memref_slice %arg2[%add3A_42] : memref<323584xi32, #tpu.memory_space<hbm>> -> memref<128xi32, #tpu.memory_space<hbm>>
    %dma_wait3A_43 = tpu.memref_slice %arg2[%add3A_42] : memref<323584xi32, #tpu.memory_space<hbm>> -> memref<128xi32, #tpu.memory_space<hbm>>
    tpu.wait_dma2 semaphore(%arg9 : memref<!tpu.dma_semaphore, #tpu.memory_space<semaphore_mem>>) src(%dma_wait3A_43 : memref<128xi32, #tpu.memory_space<hbm>>) dst(%arg5 : memref<128xi32, #tpu.memory_space<vmem>>)
    "tpu.region"() ({
      %run_scoped3A = tpu.sem_alloc : memref<!tpu.dma_semaphore, #tpu.memory_space<semaphore_mem>>
      %dma_start3A_65 = arith.constant 0 : i32
      %dma_start3A_66 = arith.constant 0 : i32
      %dma_start3A_67 = tpu.memref_slice %arg4[%dma_start3A_65, %dma_start3A_66] : memref<10240x128xf32, #tpu.memory_space<vmem_shared>> -> memref<10240x128xf32, #tpu.memory_space<vmem_shared>>
      tpu.enqueue_indirect_dma source(%arg7 : memref<128x128xf32, #tpu.memory_space<vmem>>) target(%dma_start3A_67 : memref<10240x128xf32, #tpu.memory_space<vmem_shared>>) offsets(%arg5 : memref<128xi32, #tpu.memory_space<vmem>>) semaphore(%run_scoped3A : memref<!tpu.dma_semaphore, #tpu.memory_space<semaphore_mem>>) {add = true}
      %dma_wait3A_68 = arith.constant 0 : i32
      %dma_wait3A_69 = arith.constant 0 : i32
      %dma_wait3A_70 = tpu.memref_slice %arg4[%dma_wait3A_68, %dma_wait3A_69] : memref<10240x128xf32, #tpu.memory_space<vmem_shared>> -> memref<10240x128xf32, #tpu.memory_space<vmem_shared>>
      tpu.wait_indirect_dma semaphore(%run_scoped3A : memref<!tpu.dma_semaphore, #tpu.memory_space<semaphore_mem>>) src(%arg7 : memref<128x128xf32, #tpu.memory_space<vmem>>) dst(%dma_wait3A_70 : memref<10240x128xf32, #tpu.memory_space<vmem_shared>>)
      tpu.yield
    }) : () -> ()
    %barrier3A_44 = arith.constant 0 : index
    tpu.barrier barrier_id(%barrier3A_44)
    %add3A_45 = arith.constant 0 : i32
    %add3A_46 = arith.addi %mul3A_2, %add3A_45 : i32
    "tpu.region"() ({
      %run_scoped3A = tpu.sem_alloc : memref<!tpu.dma_semaphore, #tpu.memory_space<semaphore_mem>>
      %dma_start3A_65 = arith.constant 0 : i32
      %dma_start3A_66 = tpu.memref_slice %arg4[%add3A_46, %dma_start3A_65] : memref<10240x128xf32, #tpu.memory_space<vmem_shared>> -> memref<128x128xf32, #tpu.memory_space<vmem_shared>>
      %dma_start3A_67 = arith.constant 0 : i32
      %dma_start3A_68 = tpu.memref_slice %arg4[%add3A_46, %dma_start3A_67] : memref<10240x128xf32, #tpu.memory_space<vmem_shared>> -> memref<128x128xf32, #tpu.memory_space<vmem_shared>>
      tpu.enqueue_dma source(%dma_start3A_68 : memref<128x128xf32, #tpu.memory_space<vmem_shared>>) target(%arg8 : memref<128x128xf32, #tpu.memory_space<vmem>>) target_semaphore(%run_scoped3A : memref<!tpu.dma_semaphore, #tpu.memory_space<semaphore_mem>>)
      %dma_wait3A_69 = arith.constant 0 : i32
      %dma_wait3A_70 = tpu.memref_slice %arg4[%add3A_46, %dma_wait3A_69] : memref<10240x128xf32, #tpu.memory_space<vmem_shared>> -> memref<128x128xf32, #tpu.memory_space<vmem_shared>>
      %dma_wait3A_71 = arith.constant 0 : i32
      %dma_wait3A_72 = tpu.memref_slice %arg4[%add3A_46, %dma_wait3A_71] : memref<10240x128xf32, #tpu.memory_space<vmem_shared>> -> memref<128x128xf32, #tpu.memory_space<vmem_shared>>
      tpu.wait_dma2 semaphore(%run_scoped3A : memref<!tpu.dma_semaphore, #tpu.memory_space<semaphore_mem>>) src(%dma_wait3A_72 : memref<128x128xf32, #tpu.memory_space<vmem_shared>>) dst(%arg8 : memref<128x128xf32, #tpu.memory_space<vmem>>)
      tpu.yield
    }) : () -> ()
    %add3A_47 = arith.constant 0 : i32
    %add3A_48 = arith.addi %mul3A_2, %add3A_47 : i32
    "tpu.region"() ({
      %run_scoped3A = tpu.sem_alloc : memref<!tpu.dma_semaphore, #tpu.memory_space<semaphore_mem>>
      %dma_start3A_65 = arith.constant 0 : i32
      %dma_start3A_66 = tpu.memref_slice %arg3[%arg0, %add3A_48, %dma_start3A_65] : memref<2x10240x128xf32, #tpu.memory_space<hbm>> -> memref<1x128x128xf32, #tpu.memory_space<hbm>>
      %dma_start3A_67 = tpu.memref_squeeze %dma_start3A_66 : memref<1x128x128xf32, #tpu.memory_space<hbm>> -> memref<128x128xf32, #tpu.memory_space<hbm>>
      %dma_start3A_68 = arith.constant 0 : i32
      %dma_start3A_69 = tpu.memref_slice %arg3[%arg0, %add3A_48, %dma_start3A_68] : memref<2x10240x128xf32, #tpu.memory_space<hbm>> -> memref<1x128x128xf32, #tpu.memory_space<hbm>>
      %dma_start3A_70 = tpu.memref_squeeze %dma_start3A_69 : memref<1x128x128xf32, #tpu.memory_space<hbm>> -> memref<128x128xf32, #tpu.memory_space<hbm>>
      tpu.enqueue_dma source(%arg8 : memref<128x128xf32, #tpu.memory_space<vmem>>) target(%dma_start3A_70 : memref<128x128xf32, #tpu.memory_space<hbm>>) target_semaphore(%run_scoped3A : memref<!tpu.dma_semaphore, #tpu.memory_space<semaphore_mem>>)
      %dma_wait3A_71 = arith.constant 0 : i32
      %dma_wait3A_72 = tpu.memref_slice %arg3[%arg0, %add3A_48, %dma_wait3A_71] : memref<2x10240x128xf32, #tpu.memory_space<hbm>> -> memref<1x128x128xf32, #tpu.memory_space<hbm>>
      %dma_wait3A_73 = tpu.memref_squeeze %dma_wait3A_72 : memref<1x128x128xf32, #tpu.memory_space<hbm>> -> memref<128x128xf32, #tpu.memory_space<hbm>>
      %dma_wait3A_74 = arith.constant 0 : i32
      %dma_wait3A_75 = tpu.memref_slice %arg3[%arg0, %add3A_48, %dma_wait3A_74] : memref<2x10240x128xf32, #tpu.memory_space<hbm>> -> memref<1x128x128xf32, #tpu.memory_space<hbm>>
      %dma_wait3A_76 = tpu.memref_squeeze %dma_wait3A_75 : memref<1x128x128xf32, #tpu.memory_space<hbm>> -> memref<128x128xf32, #tpu.memory_space<hbm>>
      tpu.wait_dma2 semaphore(%run_scoped3A : memref<!tpu.dma_semaphore, #tpu.memory_space<semaphore_mem>>) src(%arg8 : memref<128x128xf32, #tpu.memory_space<vmem>>) dst(%dma_wait3A_76 : memref<128x128xf32, #tpu.memory_space<hbm>>)
      tpu.yield
    }) : () -> ()
    %add3A_49 = arith.constant 128 : i32
    %add3A_50 = arith.addi %mul3A_2, %add3A_49 : i32
    "tpu.region"() ({
      %run_scoped3A = tpu.sem_alloc : memref<!tpu.dma_semaphore, #tpu.memory_space<semaphore_mem>>
      %dma_start3A_65 = arith.constant 0 : i32
      %dma_start3A_66 = tpu.memref_slice %arg4[%add3A_50, %dma_start3A_65] : memref<10240x128xf32, #tpu.memory_space<vmem_shared>> -> memref<128x128xf32, #tpu.memory_space<vmem_shared>>
      %dma_start3A_67 = arith.constant 0 : i32
      %dma_start3A_68 = tpu.memref_slice %arg4[%add3A_50, %dma_start3A_67] : memref<10240x128xf32, #tpu.memory_space<vmem_shared>> -> memref<128x128xf32, #tpu.memory_space<vmem_shared>>
      tpu.enqueue_dma source(%dma_start3A_68 : memref<128x128xf32, #tpu.memory_space<vmem_shared>>) target(%arg8 : memref<128x128xf32, #tpu.memory_space<vmem>>) target_semaphore(%run_scoped3A : memref<!tpu.dma_semaphore, #tpu.memory_space<semaphore_mem>>)
      %dma_wait3A_69 = arith.constant 0 : i32
      %dma_wait3A_70 = tpu.memref_slice %arg4[%add3A_50, %dma_wait3A_69] : memref<10240x128xf32, #tpu.memory_space<vmem_shared>> -> memref<128x128xf32, #tpu.memory_space<vmem_shared>>
      %dma_wait3A_71 = arith.constant 0 : i32
      %dma_wait3A_72 = tpu.memref_slice %arg4[%add3A_50, %dma_wait3A_71] : memref<10240x128xf32, #tpu.memory_space<vmem_shared>> -> memref<128x128xf32, #tpu.memory_space<vmem_shared>>
      tpu.wait_dma2 semaphore(%run_scoped3A : memref<!tpu.dma_semaphore, #tpu.memory_space<semaphore_mem>>) src(%dma_wait3A_72 : memref<128x128xf32, #tpu.memory_space<vmem_shared>>) dst(%arg8 : memref<128x128xf32, #tpu.memory_space<vmem>>)
      tpu.yield
    }) : () -> ()
    %add3A_51 = arith.constant 128 : i32
    %add3A_52 = arith.addi %mul3A_2, %add3A_51 : i32
    "tpu.region"() ({
      %run_scoped3A = tpu.sem_alloc : memref<!tpu.dma_semaphore, #tpu.memory_space<semaphore_mem>>
      %dma_start3A_65 = arith.constant 0 : i32
      %dma_start3A_66 = tpu.memref_slice %arg3[%arg0, %add3A_52, %dma_start3A_65] : memref<2x10240x128xf32, #tpu.memory_space<hbm>> -> memref<1x128x128xf32, #tpu.memory_space<hbm>>
      %dma_start3A_67 = tpu.memref_squeeze %dma_start3A_66 : memref<1x128x128xf32, #tpu.memory_space<hbm>> -> memref<128x128xf32, #tpu.memory_space<hbm>>
      %dma_start3A_68 = arith.constant 0 : i32
      %dma_start3A_69 = tpu.memref_slice %arg3[%arg0, %add3A_52, %dma_start3A_68] : memref<2x10240x128xf32, #tpu.memory_space<hbm>> -> memref<1x128x128xf32, #tpu.memory_space<hbm>>
      %dma_start3A_70 = tpu.memref_squeeze %dma_start3A_69 : memref<1x128x128xf32, #tpu.memory_space<hbm>> -> memref<128x128xf32, #tpu.memory_space<hbm>>
      tpu.enqueue_dma source(%arg8 : memref<128x128xf32, #tpu.memory_space<vmem>>) target(%dma_start3A_70 : memref<128x128xf32, #tpu.memory_space<hbm>>) target_semaphore(%run_scoped3A : memref<!tpu.dma_semaphore, #tpu.memory_space<semaphore_mem>>)
      %dma_wait3A_71 = arith.constant 0 : i32
      %dma_wait3A_72 = tpu.memref_slice %arg3[%arg0, %add3A_52, %dma_wait3A_71] : memref<2x10240x128xf32, #tpu.memory_space<hbm>> -> memref<1x128x128xf32, #tpu.memory_space<hbm>>
      %dma_wait3A_73 = tpu.memref_squeeze %dma_wait3A_72 : memref<1x128x128xf32, #tpu.memory_space<hbm>> -> memref<128x128xf32, #tpu.memory_space<hbm>>
      %dma_wait3A_74 = arith.constant 0 : i32
      %dma_wait3A_75 = tpu.memref_slice %arg3[%arg0, %add3A_52, %dma_wait3A_74] : memref<2x10240x128xf32, #tpu.memory_space<hbm>> -> memref<1x128x128xf32, #tpu.memory_space<hbm>>
      %dma_wait3A_76 = tpu.memref_squeeze %dma_wait3A_75 : memref<1x128x128xf32, #tpu.memory_space<hbm>> -> memref<128x128xf32, #tpu.memory_space<hbm>>
      tpu.wait_dma2 semaphore(%run_scoped3A : memref<!tpu.dma_semaphore, #tpu.memory_space<semaphore_mem>>) src(%arg8 : memref<128x128xf32, #tpu.memory_space<vmem>>) dst(%dma_wait3A_76 : memref<128x128xf32, #tpu.memory_space<hbm>>)
      tpu.yield
    }) : () -> ()
    %add3A_53 = arith.constant 256 : i32
    %add3A_54 = arith.addi %mul3A_2, %add3A_53 : i32
    "tpu.region"() ({
      %run_scoped3A = tpu.sem_alloc : memref<!tpu.dma_semaphore, #tpu.memory_space<semaphore_mem>>
      %dma_start3A_65 = arith.constant 0 : i32
      %dma_start3A_66 = tpu.memref_slice %arg4[%add3A_54, %dma_start3A_65] : memref<10240x128xf32, #tpu.memory_space<vmem_shared>> -> memref<128x128xf32, #tpu.memory_space<vmem_shared>>
      %dma_start3A_67 = arith.constant 0 : i32
      %dma_start3A_68 = tpu.memref_slice %arg4[%add3A_54, %dma_start3A_67] : memref<10240x128xf32, #tpu.memory_space<vmem_shared>> -> memref<128x128xf32, #tpu.memory_space<vmem_shared>>
      tpu.enqueue_dma source(%dma_start3A_68 : memref<128x128xf32, #tpu.memory_space<vmem_shared>>) target(%arg8 : memref<128x128xf32, #tpu.memory_space<vmem>>) target_semaphore(%run_scoped3A : memref<!tpu.dma_semaphore, #tpu.memory_space<semaphore_mem>>)
      %dma_wait3A_69 = arith.constant 0 : i32
      %dma_wait3A_70 = tpu.memref_slice %arg4[%add3A_54, %dma_wait3A_69] : memref<10240x128xf32, #tpu.memory_space<vmem_shared>> -> memref<128x128xf32, #tpu.memory_space<vmem_shared>>
      %dma_wait3A_71 = arith.constant 0 : i32
      %dma_wait3A_72 = tpu.memref_slice %arg4[%add3A_54, %dma_wait3A_71] : memref<10240x128xf32, #tpu.memory_space<vmem_shared>> -> memref<128x128xf32, #tpu.memory_space<vmem_shared>>
      tpu.wait_dma2 semaphore(%run_scoped3A : memref<!tpu.dma_semaphore, #tpu.memory_space<semaphore_mem>>) src(%dma_wait3A_72 : memref<128x128xf32, #tpu.memory_space<vmem_shared>>) dst(%arg8 : memref<128x128xf32, #tpu.memory_space<vmem>>)
      tpu.yield
    }) : () -> ()
    %add3A_55 = arith.constant 256 : i32
    %add3A_56 = arith.addi %mul3A_2, %add3A_55 : i32
    "tpu.region"() ({
      %run_scoped3A = tpu.sem_alloc : memref<!tpu.dma_semaphore, #tpu.memory_space<semaphore_mem>>
      %dma_start3A_65 = arith.constant 0 : i32
      %dma_start3A_66 = tpu.memref_slice %arg3[%arg0, %add3A_56, %dma_start3A_65] : memref<2x10240x128xf32, #tpu.memory_space<hbm>> -> memref<1x128x128xf32, #tpu.memory_space<hbm>>
      %dma_start3A_67 = tpu.memref_squeeze %dma_start3A_66 : memref<1x128x128xf32, #tpu.memory_space<hbm>> -> memref<128x128xf32, #tpu.memory_space<hbm>>
      %dma_start3A_68 = arith.constant 0 : i32
      %dma_start3A_69 = tpu.memref_slice %arg3[%arg0, %add3A_56, %dma_start3A_68] : memref<2x10240x128xf32, #tpu.memory_space<hbm>> -> memref<1x128x128xf32, #tpu.memory_space<hbm>>
      %dma_start3A_70 = tpu.memref_squeeze %dma_start3A_69 : memref<1x128x128xf32, #tpu.memory_space<hbm>> -> memref<128x128xf32, #tpu.memory_space<hbm>>
      tpu.enqueue_dma source(%arg8 : memref<128x128xf32, #tpu.memory_space<vmem>>) target(%dma_start3A_70 : memref<128x128xf32, #tpu.memory_space<hbm>>) target_semaphore(%run_scoped3A : memref<!tpu.dma_semaphore, #tpu.memory_space<semaphore_mem>>)
      %dma_wait3A_71 = arith.constant 0 : i32
      %dma_wait3A_72 = tpu.memref_slice %arg3[%arg0, %add3A_56, %dma_wait3A_71] : memref<2x10240x128xf32, #tpu.memory_space<hbm>> -> memref<1x128x128xf32, #tpu.memory_space<hbm>>
      %dma_wait3A_73 = tpu.memref_squeeze %dma_wait3A_72 : memref<1x128x128xf32, #tpu.memory_space<hbm>> -> memref<128x128xf32, #tpu.memory_space<hbm>>
      %dma_wait3A_74 = arith.constant 0 : i32
      %dma_wait3A_75 = tpu.memref_slice %arg3[%arg0, %add3A_56, %dma_wait3A_74] : memref<2x10240x128xf32, #tpu.memory_space<hbm>> -> memref<1x128x128xf32, #tpu.memory_space<hbm>>
      %dma_wait3A_76 = tpu.memref_squeeze %dma_wait3A_75 : memref<1x128x128xf32, #tpu.memory_space<hbm>> -> memref<128x128xf32, #tpu.memory_space<hbm>>
      tpu.wait_dma2 semaphore(%run_scoped3A : memref<!tpu.dma_semaphore, #tpu.memory_space<semaphore_mem>>) src(%arg8 : memref<128x128xf32, #tpu.memory_space<vmem>>) dst(%dma_wait3A_76 : memref<128x128xf32, #tpu.memory_space<hbm>>)
      tpu.yield
    }) : () -> ()
    %add3A_57 = arith.constant 384 : i32
    %add3A_58 = arith.addi %mul3A_2, %add3A_57 : i32
    "tpu.region"() ({
      %run_scoped3A = tpu.sem_alloc : memref<!tpu.dma_semaphore, #tpu.memory_space<semaphore_mem>>
      %dma_start3A_65 = arith.constant 0 : i32
      %dma_start3A_66 = tpu.memref_slice %arg4[%add3A_58, %dma_start3A_65] : memref<10240x128xf32, #tpu.memory_space<vmem_shared>> -> memref<128x128xf32, #tpu.memory_space<vmem_shared>>
      %dma_start3A_67 = arith.constant 0 : i32
      %dma_start3A_68 = tpu.memref_slice %arg4[%add3A_58, %dma_start3A_67] : memref<10240x128xf32, #tpu.memory_space<vmem_shared>> -> memref<128x128xf32, #tpu.memory_space<vmem_shared>>
      tpu.enqueue_dma source(%dma_start3A_68 : memref<128x128xf32, #tpu.memory_space<vmem_shared>>) target(%arg8 : memref<128x128xf32, #tpu.memory_space<vmem>>) target_semaphore(%run_scoped3A : memref<!tpu.dma_semaphore, #tpu.memory_space<semaphore_mem>>)
      %dma_wait3A_69 = arith.constant 0 : i32
      %dma_wait3A_70 = tpu.memref_slice %arg4[%add3A_58, %dma_wait3A_69] : memref<10240x128xf32, #tpu.memory_space<vmem_shared>> -> memref<128x128xf32, #tpu.memory_space<vmem_shared>>
      %dma_wait3A_71 = arith.constant 0 : i32
      %dma_wait3A_72 = tpu.memref_slice %arg4[%add3A_58, %dma_wait3A_71] : memref<10240x128xf32, #tpu.memory_space<vmem_shared>> -> memref<128x128xf32, #tpu.memory_space<vmem_shared>>
      tpu.wait_dma2 semaphore(%run_scoped3A : memref<!tpu.dma_semaphore, #tpu.memory_space<semaphore_mem>>) src(%dma_wait3A_72 : memref<128x128xf32, #tpu.memory_space<vmem_shared>>) dst(%arg8 : memref<128x128xf32, #tpu.memory_space<vmem>>)
      tpu.yield
    }) : () -> ()
    %add3A_59 = arith.constant 384 : i32
    %add3A_60 = arith.addi %mul3A_2, %add3A_59 : i32
    "tpu.region"() ({
      %run_scoped3A = tpu.sem_alloc : memref<!tpu.dma_semaphore, #tpu.memory_space<semaphore_mem>>
      %dma_start3A_65 = arith.constant 0 : i32
      %dma_start3A_66 = tpu.memref_slice %arg3[%arg0, %add3A_60, %dma_start3A_65] : memref<2x10240x128xf32, #tpu.memory_space<hbm>> -> memref<1x128x128xf32, #tpu.memory_space<hbm>>
      %dma_start3A_67 = tpu.memref_squeeze %dma_start3A_66 : memref<1x128x128xf32, #tpu.memory_space<hbm>> -> memref<128x128xf32, #tpu.memory_space<hbm>>
      %dma_start3A_68 = arith.constant 0 : i32
      %dma_start3A_69 = tpu.memref_slice %arg3[%arg0, %add3A_60, %dma_start3A_68] : memref<2x10240x128xf32, #tpu.memory_space<hbm>> -> memref<1x128x128xf32, #tpu.memory_space<hbm>>
      %dma_start3A_70 = tpu.memref_squeeze %dma_start3A_69 : memref<1x128x128xf32, #tpu.memory_space<hbm>> -> memref<128x128xf32, #tpu.memory_space<hbm>>
      tpu.enqueue_dma source(%arg8 : memref<128x128xf32, #tpu.memory_space<vmem>>) target(%dma_start3A_70 : memref<128x128xf32, #tpu.memory_space<hbm>>) target_semaphore(%run_scoped3A : memref<!tpu.dma_semaphore, #tpu.memory_space<semaphore_mem>>)
      %dma_wait3A_71 = arith.constant 0 : i32
      %dma_wait3A_72 = tpu.memref_slice %arg3[%arg0, %add3A_60, %dma_wait3A_71] : memref<2x10240x128xf32, #tpu.memory_space<hbm>> -> memref<1x128x128xf32, #tpu.memory_space<hbm>>
      %dma_wait3A_73 = tpu.memref_squeeze %dma_wait3A_72 : memref<1x128x128xf32, #tpu.memory_space<hbm>> -> memref<128x128xf32, #tpu.memory_space<hbm>>
      %dma_wait3A_74 = arith.constant 0 : i32
      %dma_wait3A_75 = tpu.memref_slice %arg3[%arg0, %add3A_60, %dma_wait3A_74] : memref<2x10240x128xf32, #tpu.memory_space<hbm>> -> memref<1x128x128xf32, #tpu.memory_space<hbm>>
      %dma_wait3A_76 = tpu.memref_squeeze %dma_wait3A_75 : memref<1x128x128xf32, #tpu.memory_space<hbm>> -> memref<128x128xf32, #tpu.memory_space<hbm>>
      tpu.wait_dma2 semaphore(%run_scoped3A : memref<!tpu.dma_semaphore, #tpu.memory_space<semaphore_mem>>) src(%arg8 : memref<128x128xf32, #tpu.memory_space<vmem>>) dst(%dma_wait3A_76 : memref<128x128xf32, #tpu.memory_space<hbm>>)
      tpu.yield
    }) : () -> ()
    %add3A_61 = arith.constant 512 : i32
    %add3A_62 = arith.addi %mul3A_2, %add3A_61 : i32
    "tpu.region"() ({
      %run_scoped3A = tpu.sem_alloc : memref<!tpu.dma_semaphore, #tpu.memory_space<semaphore_mem>>
      %dma_start3A_65 = arith.constant 0 : i32
      %dma_start3A_66 = tpu.memref_slice %arg4[%add3A_62, %dma_start3A_65] : memref<10240x128xf32, #tpu.memory_space<vmem_shared>> -> memref<128x128xf32, #tpu.memory_space<vmem_shared>>
      %dma_start3A_67 = arith.constant 0 : i32
      %dma_start3A_68 = tpu.memref_slice %arg4[%add3A_62, %dma_start3A_67] : memref<10240x128xf32, #tpu.memory_space<vmem_shared>> -> memref<128x128xf32, #tpu.memory_space<vmem_shared>>
      tpu.enqueue_dma source(%dma_start3A_68 : memref<128x128xf32, #tpu.memory_space<vmem_shared>>) target(%arg8 : memref<128x128xf32, #tpu.memory_space<vmem>>) target_semaphore(%run_scoped3A : memref<!tpu.dma_semaphore, #tpu.memory_space<semaphore_mem>>)
      %dma_wait3A_69 = arith.constant 0 : i32
      %dma_wait3A_70 = tpu.memref_slice %arg4[%add3A_62, %dma_wait3A_69] : memref<10240x128xf32, #tpu.memory_space<vmem_shared>> -> memref<128x128xf32, #tpu.memory_space<vmem_shared>>
      %dma_wait3A_71 = arith.constant 0 : i32
      %dma_wait3A_72 = tpu.memref_slice %arg4[%add3A_62, %dma_wait3A_71] : memref<10240x128xf32, #tpu.memory_space<vmem_shared>> -> memref<128x128xf32, #tpu.memory_space<vmem_shared>>
      tpu.wait_dma2 semaphore(%run_scoped3A : memref<!tpu.dma_semaphore, #tpu.memory_space<semaphore_mem>>) src(%dma_wait3A_72 : memref<128x128xf32, #tpu.memory_space<vmem_shared>>) dst(%arg8 : memref<128x128xf32, #tpu.memory_space<vmem>>)
      tpu.yield
    }) : () -> ()
    %add3A_63 = arith.constant 512 : i32
    %add3A_64 = arith.addi %mul3A_2, %add3A_63 : i32
    "tpu.region"() ({
      %run_scoped3A = tpu.sem_alloc : memref<!tpu.dma_semaphore, #tpu.memory_space<semaphore_mem>>
      %dma_start3A_65 = arith.constant 0 : i32
      %dma_start3A_66 = tpu.memref_slice %arg3[%arg0, %add3A_64, %dma_start3A_65] : memref<2x10240x128xf32, #tpu.memory_space<hbm>> -> memref<1x128x128xf32, #tpu.memory_space<hbm>>
      %dma_start3A_67 = tpu.memref_squeeze %dma_start3A_66 : memref<1x128x128xf32, #tpu.memory_space<hbm>> -> memref<128x128xf32, #tpu.memory_space<hbm>>
      %dma_start3A_68 = arith.constant 0 : i32
      %dma_start3A_69 = tpu.memref_slice %arg3[%arg0, %add3A_64, %dma_start3A_68] : memref<2x10240x128xf32, #tpu.memory_space<hbm>> -> memref<1x128x128xf32, #tpu.memory_space<hbm>>
      %dma_start3A_70 = tpu.memref_squeeze %dma_start3A_69 : memref<1x128x128xf32, #tpu.memory_space<hbm>> -> memref<128x128xf32, #tpu.memory_space<hbm>>
      tpu.enqueue_dma source(%arg8 : memref<128x128xf32, #tpu.memory_space<vmem>>) target(%dma_start3A_70 : memref<128x128xf32, #tpu.memory_space<hbm>>) target_semaphore(%run_scoped3A : memref<!tpu.dma_semaphore, #tpu.memory_space<semaphore_mem>>)
      %dma_wait3A_71 = arith.constant 0 : i32
      %dma_wait3A_72 = tpu.memref_slice %arg3[%arg0, %add3A_64, %dma_wait3A_71] : memref<2x10240x128xf32, #tpu.memory_space<hbm>> -> memref<1x128x128xf32, #tpu.memory_space<hbm>>
      %dma_wait3A_73 = tpu.memref_squeeze %dma_wait3A_72 : memref<1x128x128xf32, #tpu.memory_space<hbm>> -> memref<128x128xf32, #tpu.memory_space<hbm>>
      %dma_wait3A_74 = arith.constant 0 : i32
      %dma_wait3A_75 = tpu.memref_slice %arg3[%arg0, %add3A_64, %dma_wait3A_74] : memref<2x10240x128xf32, #tpu.memory_space<hbm>> -> memref<1x128x128xf32, #tpu.memory_space<hbm>>
      %dma_wait3A_76 = tpu.memref_squeeze %dma_wait3A_75 : memref<1x128x128xf32, #tpu.memory_space<hbm>> -> memref<128x128xf32, #tpu.memory_space<hbm>>
      tpu.wait_dma2 semaphore(%run_scoped3A : memref<!tpu.dma_semaphore, #tpu.memory_space<semaphore_mem>>) src(%arg8 : memref<128x128xf32, #tpu.memory_space<vmem>>) dst(%dma_wait3A_76 : memref<128x128xf32, #tpu.memory_space<hbm>>)
      tpu.yield
    }) : () -> ()
    return
  }
}

#map = affine_map<(d0, d1) -> (0, 0)>
#map1 = affine_map<(d0, d1) -> (0)>
#map2 = affine_map<(d0, d1) -> (0, 0, 0)>
module attributes {stable_mosaic.version = 14 : i64} {
  func.func @scatter_kernel(%arg0: i32, %arg1: i32, %arg2: memref<10000x128xf32, #tpu.memory_space<hbm>>, %arg3: memref<323584xi32, #tpu.memory_space<hbm>>, %arg4: memref<323584xi32, #tpu.memory_space<hbm>>, %arg5: memref<2x10240x128xf32, #tpu.memory_space<hbm>>, %arg6: memref<10240x128xf32, #tpu.memory_space<vmem_shared>>, %arg7: memref<128xi32, #tpu.memory_space<vmem>>, %arg8: memref<128xi32, #tpu.memory_space<vmem>>, %arg9: memref<128xi32, #tpu.memory_space<vmem>>, %arg10: memref<128xi32, #tpu.memory_space<vmem>>, %arg11: memref<128xi32, #tpu.memory_space<vmem>>, %arg12: memref<128xi32, #tpu.memory_space<vmem>>, %arg13: memref<128x128xf32, #tpu.memory_space<vmem>>, %arg14: memref<128x128xf32, #tpu.memory_space<vmem>>, %arg15: memref<!tpu.dma_semaphore, #tpu.memory_space<semaphore_mem>>, %arg16: memref<!tpu.dma_semaphore, #tpu.memory_space<semaphore_mem>>, %arg17: memref<!tpu.dma_semaphore, #tpu.memory_space<semaphore_mem>>, %arg18: memref<!tpu.dma_semaphore, #tpu.memory_space<semaphore_mem>>, %arg19: memref<!tpu.dma_semaphore, #tpu.memory_space<semaphore_mem>>, %arg20: memref<!tpu.dma_semaphore, #tpu.memory_space<semaphore_mem>>, %arg21: memref<!tpu.dma_semaphore, #tpu.memory_space<semaphore_mem>>) attributes {dimension_semantics = [#tpu.dimension_semantics<core_parallel>, #tpu.dimension_semantics<subcore_parallel>], iteration_bounds = array<i64: 2, 16>, scalar_prefetch = 0 : i64, scratch_operands = 16 : i64, tpu.core_type = #tpu.core_type<sc_vector_subcore>, window_params = [{transform_indices = #map}, {transform_indices = #map1}, {transform_indices = #map1}, {transform_indices = #map2}]} {
    %mul3A = arith.constant 16 : i32
    %mul3A_0 = arith.muli %arg0, %mul3A : i32
    %add3A = arith.addi %mul3A_0, %arg1 : i32
    %mul3A_1 = arith.constant 640 : i32
    %mul3A_2 = arith.muli %arg1, %mul3A_1 : i32
    %mul3A_3 = arith.constant 10112 : i32
    %mul3A_4 = arith.muli %add3A, %mul3A_3 : i32
    %broadcast_in_dim3A = arith.constant 0.000000e+00 : f32
    %broadcast_in_dim3A_5 = vector.broadcast %broadcast_in_dim3A : f32 to vector<16xf32>
    %scan3A = arith.constant 0 : i32
    %scan3A_6 = arith.constant 0 : i32
    %scan3A_7 = arith.constant 1024 : i32
    %scan3A_8 = arith.addi %scan3A_6, %scan3A_7 : i32
    %scan3A_9 = arith.constant 1 : i32
    %scan3A_10 = scf.for %scan3A_257 = %scan3A_6 to %scan3A_8 step %scan3A_9 iter_args(%scan3A_258 = %scan3A) -> (i32)  : i32 {
      %jit3A = arith.constant 8 : i32
      %div3A = arith.divsi %scan3A_257, %jit3A : i32
      %sign3A = arith.constant 0 : i32
      %sign3A_259 = arith.cmpi sgt, %scan3A_257, %sign3A : i32
      %sign3A_260 = arith.extui %sign3A_259 : i1 to i32
      %sign3A_261 = arith.constant 0 : i32
      %sign3A_262 = arith.cmpi slt, %scan3A_257, %sign3A_261 : i32
      %sign3A_263 = arith.extui %sign3A_262 : i1 to i32
      %sign3A_264 = arith.subi %sign3A_260, %sign3A_263 : i32
      %sign3A_265 = arith.constant 0 : i32
      %sign3A_266 = arith.cmpi sgt, %jit3A, %sign3A_265 : i32
      %sign3A_267 = arith.extui %sign3A_266 : i1 to i32
      %sign3A_268 = arith.constant 0 : i32
      %sign3A_269 = arith.cmpi slt, %jit3A, %sign3A_268 : i32
      %sign3A_270 = arith.extui %sign3A_269 : i1 to i32
      %sign3A_271 = arith.subi %sign3A_267, %sign3A_270 : i32
      %ne3A = arith.cmpi ne, %sign3A_264, %sign3A_271 : i32
      %rem3A = arith.remsi %scan3A_257, %jit3A : i32
      %ne3A_272 = arith.constant 0 : i32
      %ne3A_273 = arith.cmpi ne, %rem3A, %ne3A_272 : i32
      %and3A = arith.andi %ne3A, %ne3A_273 : i1
      %sub3A = arith.constant 1 : i32
      %sub3A_274 = arith.subi %div3A, %sub3A : i32
      %select_n3A = arith.select %and3A, %sub3A_274, %div3A : i32
      %jit3A_275 = arith.constant 8 : i32
      %eq3A = arith.constant 0 : i32
      %eq3A_276 = arith.cmpi eq, %jit3A_275, %eq3A : i32
      %jit3A_277 = arith.constant 1 : i32
      %select_n3A_278 = arith.select %eq3A_276, %jit3A_277, %jit3A_275 : i32
      %rem3A_279 = arith.remsi %scan3A_257, %select_n3A_278 : i32
      %ne3A_280 = arith.constant 0 : i32
      %ne3A_281 = arith.cmpi ne, %rem3A_279, %ne3A_280 : i32
      %lt3A = arith.constant 0 : i32
      %lt3A_282 = arith.cmpi slt, %rem3A_279, %lt3A : i32
      %lt3A_283 = arith.constant 0 : i32
      %lt3A_284 = arith.cmpi slt, %select_n3A_278, %lt3A_283 : i32
      %ne3A_285 = arith.xori %lt3A_282, %lt3A_284 : i1
      %and3A_286 = arith.andi %ne3A_285, %ne3A_281 : i1
      %add3A_287 = arith.addi %rem3A_279, %select_n3A_278 : i32
      %select_n3A_288 = arith.select %and3A_286, %add3A_287, %rem3A_279 : i32
      %mul3A_289 = arith.constant 16 : i32
      %mul3A_290 = arith.muli %select_n3A_288, %mul3A_289 : i32
      %swap3A = arith.index_cast %select_n3A : i32 to index
      %swap3A_291 = arith.index_cast %mul3A_290 : i32 to index
      %swap3A_292 = tpu.vector_load %arg13[%swap3A, %swap3A_291] {strides = array<i32>} : memref<128x128xf32, #tpu.memory_space<vmem>>, vector<1x16xf32>,
      %swap3A_293 = vector.shape_cast %swap3A_292 : vector<1x16xf32> to vector<16xf32>
      %swap3A_294 = vector.shape_cast %broadcast_in_dim3A_5 : vector<16xf32> to vector<1x16xf32>
      tpu.vector_store %arg13[%swap3A, %swap3A_291], %swap3A_294 {strides = array<i32>} : memref<128x128xf32, #tpu.memory_space<vmem>>, vector<1x16xf32>,
      %scan3A_295 = arith.constant 0 : i32
      scf.yield %scan3A_295 : i32
    }
    %scan3A_11 = arith.constant 1024 : i32
    %add3A_12 = arith.constant 0 : i32
    %add3A_13 = arith.addi %mul3A_2, %add3A_12 : i32
    %dma_start3A = arith.constant 0 : i32
    %dma_start3A_14 = tpu.memref_slice %arg6[%add3A_13, %dma_start3A] : memref<10240x128xf32, #tpu.memory_space<vmem_shared>> -> memref<128x128xf32, #tpu.memory_space<vmem_shared>>
    %dma_start3A_15 = arith.constant 0 : i32
    %dma_start3A_16 = tpu.memref_slice %arg6[%add3A_13, %dma_start3A_15] : memref<10240x128xf32, #tpu.memory_space<vmem_shared>> -> memref<128x128xf32, #tpu.memory_space<vmem_shared>>
    tpu.enqueue_dma source(%arg13 : memref<128x128xf32, #tpu.memory_space<vmem>>) target(%dma_start3A_16 : memref<128x128xf32, #tpu.memory_space<vmem_shared>>) target_semaphore(%arg17 : memref<!tpu.dma_semaphore, #tpu.memory_space<semaphore_mem>>)
    %add3A_17 = arith.constant 128 : i32
    %add3A_18 = arith.addi %mul3A_2, %add3A_17 : i32
    %dma_start3A_19 = arith.constant 0 : i32
    %dma_start3A_20 = tpu.memref_slice %arg6[%add3A_18, %dma_start3A_19] : memref<10240x128xf32, #tpu.memory_space<vmem_shared>> -> memref<128x128xf32, #tpu.memory_space<vmem_shared>>
    %dma_start3A_21 = arith.constant 0 : i32
    %dma_start3A_22 = tpu.memref_slice %arg6[%add3A_18, %dma_start3A_21] : memref<10240x128xf32, #tpu.memory_space<vmem_shared>> -> memref<128x128xf32, #tpu.memory_space<vmem_shared>>
    tpu.enqueue_dma source(%arg13 : memref<128x128xf32, #tpu.memory_space<vmem>>) target(%dma_start3A_22 : memref<128x128xf32, #tpu.memory_space<vmem_shared>>) target_semaphore(%arg17 : memref<!tpu.dma_semaphore, #tpu.memory_space<semaphore_mem>>)
    %add3A_23 = arith.constant 256 : i32
    %add3A_24 = arith.addi %mul3A_2, %add3A_23 : i32
    %dma_start3A_25 = arith.constant 0 : i32
    %dma_start3A_26 = tpu.memref_slice %arg6[%add3A_24, %dma_start3A_25] : memref<10240x128xf32, #tpu.memory_space<vmem_shared>> -> memref<128x128xf32, #tpu.memory_space<vmem_shared>>
    %dma_start3A_27 = arith.constant 0 : i32
    %dma_start3A_28 = tpu.memref_slice %arg6[%add3A_24, %dma_start3A_27] : memref<10240x128xf32, #tpu.memory_space<vmem_shared>> -> memref<128x128xf32, #tpu.memory_space<vmem_shared>>
    tpu.enqueue_dma source(%arg13 : memref<128x128xf32, #tpu.memory_space<vmem>>) target(%dma_start3A_28 : memref<128x128xf32, #tpu.memory_space<vmem_shared>>) target_semaphore(%arg17 : memref<!tpu.dma_semaphore, #tpu.memory_space<semaphore_mem>>)
    %add3A_29 = arith.constant 384 : i32
    %add3A_30 = arith.addi %mul3A_2, %add3A_29 : i32
    %dma_start3A_31 = arith.constant 0 : i32
    %dma_start3A_32 = tpu.memref_slice %arg6[%add3A_30, %dma_start3A_31] : memref<10240x128xf32, #tpu.memory_space<vmem_shared>> -> memref<128x128xf32, #tpu.memory_space<vmem_shared>>
    %dma_start3A_33 = arith.constant 0 : i32
    %dma_start3A_34 = tpu.memref_slice %arg6[%add3A_30, %dma_start3A_33] : memref<10240x128xf32, #tpu.memory_space<vmem_shared>> -> memref<128x128xf32, #tpu.memory_space<vmem_shared>>
    tpu.enqueue_dma source(%arg13 : memref<128x128xf32, #tpu.memory_space<vmem>>) target(%dma_start3A_34 : memref<128x128xf32, #tpu.memory_space<vmem_shared>>) target_semaphore(%arg17 : memref<!tpu.dma_semaphore, #tpu.memory_space<semaphore_mem>>)
    %add3A_35 = arith.constant 512 : i32
    %add3A_36 = arith.addi %mul3A_2, %add3A_35 : i32
    %dma_start3A_37 = arith.constant 0 : i32
    %dma_start3A_38 = tpu.memref_slice %arg6[%add3A_36, %dma_start3A_37] : memref<10240x128xf32, #tpu.memory_space<vmem_shared>> -> memref<128x128xf32, #tpu.memory_space<vmem_shared>>
    %dma_start3A_39 = arith.constant 0 : i32
    %dma_start3A_40 = tpu.memref_slice %arg6[%add3A_36, %dma_start3A_39] : memref<10240x128xf32, #tpu.memory_space<vmem_shared>> -> memref<128x128xf32, #tpu.memory_space<vmem_shared>>
    tpu.enqueue_dma source(%arg13 : memref<128x128xf32, #tpu.memory_space<vmem>>) target(%dma_start3A_40 : memref<128x128xf32, #tpu.memory_space<vmem_shared>>) target_semaphore(%arg17 : memref<!tpu.dma_semaphore, #tpu.memory_space<semaphore_mem>>)
    %add3A_41 = arith.constant 0 : i32
    %add3A_42 = arith.addi %mul3A_2, %add3A_41 : i32
    %dma_wait3A = arith.constant 0 : i32
    %dma_wait3A_43 = tpu.memref_slice %arg6[%add3A_42, %dma_wait3A] : memref<10240x128xf32, #tpu.memory_space<vmem_shared>> -> memref<128x128xf32, #tpu.memory_space<vmem_shared>>
    %dma_wait3A_44 = arith.constant 0 : i32
    %dma_wait3A_45 = tpu.memref_slice %arg6[%add3A_42, %dma_wait3A_44] : memref<10240x128xf32, #tpu.memory_space<vmem_shared>> -> memref<128x128xf32, #tpu.memory_space<vmem_shared>>
    tpu.wait_dma2 semaphore(%arg17 : memref<!tpu.dma_semaphore, #tpu.memory_space<semaphore_mem>>) src(%arg13 : memref<128x128xf32, #tpu.memory_space<vmem>>) dst(%dma_wait3A_45 : memref<128x128xf32, #tpu.memory_space<vmem_shared>>)
    %add3A_46 = arith.constant 128 : i32
    %add3A_47 = arith.addi %mul3A_2, %add3A_46 : i32
    %dma_wait3A_48 = arith.constant 0 : i32
    %dma_wait3A_49 = tpu.memref_slice %arg6[%add3A_47, %dma_wait3A_48] : memref<10240x128xf32, #tpu.memory_space<vmem_shared>> -> memref<128x128xf32, #tpu.memory_space<vmem_shared>>
    %dma_wait3A_50 = arith.constant 0 : i32
    %dma_wait3A_51 = tpu.memref_slice %arg6[%add3A_47, %dma_wait3A_50] : memref<10240x128xf32, #tpu.memory_space<vmem_shared>> -> memref<128x128xf32, #tpu.memory_space<vmem_shared>>
    tpu.wait_dma2 semaphore(%arg17 : memref<!tpu.dma_semaphore, #tpu.memory_space<semaphore_mem>>) src(%arg13 : memref<128x128xf32, #tpu.memory_space<vmem>>) dst(%dma_wait3A_51 : memref<128x128xf32, #tpu.memory_space<vmem_shared>>)
    %add3A_52 = arith.constant 256 : i32
    %add3A_53 = arith.addi %mul3A_2, %add3A_52 : i32
    %dma_wait3A_54 = arith.constant 0 : i32
    %dma_wait3A_55 = tpu.memref_slice %arg6[%add3A_53, %dma_wait3A_54] : memref<10240x128xf32, #tpu.memory_space<vmem_shared>> -> memref<128x128xf32, #tpu.memory_space<vmem_shared>>
    %dma_wait3A_56 = arith.constant 0 : i32
    %dma_wait3A_57 = tpu.memref_slice %arg6[%add3A_53, %dma_wait3A_56] : memref<10240x128xf32, #tpu.memory_space<vmem_shared>> -> memref<128x128xf32, #tpu.memory_space<vmem_shared>>
    tpu.wait_dma2 semaphore(%arg17 : memref<!tpu.dma_semaphore, #tpu.memory_space<semaphore_mem>>) src(%arg13 : memref<128x128xf32, #tpu.memory_space<vmem>>) dst(%dma_wait3A_57 : memref<128x128xf32, #tpu.memory_space<vmem_shared>>)
    %add3A_58 = arith.constant 384 : i32
    %add3A_59 = arith.addi %mul3A_2, %add3A_58 : i32
    %dma_wait3A_60 = arith.constant 0 : i32
    %dma_wait3A_61 = tpu.memref_slice %arg6[%add3A_59, %dma_wait3A_60] : memref<10240x128xf32, #tpu.memory_space<vmem_shared>> -> memref<128x128xf32, #tpu.memory_space<vmem_shared>>
    %dma_wait3A_62 = arith.constant 0 : i32
    %dma_wait3A_63 = tpu.memref_slice %arg6[%add3A_59, %dma_wait3A_62] : memref<10240x128xf32, #tpu.memory_space<vmem_shared>> -> memref<128x128xf32, #tpu.memory_space<vmem_shared>>
    tpu.wait_dma2 semaphore(%arg17 : memref<!tpu.dma_semaphore, #tpu.memory_space<semaphore_mem>>) src(%arg13 : memref<128x128xf32, #tpu.memory_space<vmem>>) dst(%dma_wait3A_63 : memref<128x128xf32, #tpu.memory_space<vmem_shared>>)
    %add3A_64 = arith.constant 512 : i32
    %add3A_65 = arith.addi %mul3A_2, %add3A_64 : i32
    %dma_wait3A_66 = arith.constant 0 : i32
    %dma_wait3A_67 = tpu.memref_slice %arg6[%add3A_65, %dma_wait3A_66] : memref<10240x128xf32, #tpu.memory_space<vmem_shared>> -> memref<128x128xf32, #tpu.memory_space<vmem_shared>>
    %dma_wait3A_68 = arith.constant 0 : i32
    %dma_wait3A_69 = tpu.memref_slice %arg6[%add3A_65, %dma_wait3A_68] : memref<10240x128xf32, #tpu.memory_space<vmem_shared>> -> memref<128x128xf32, #tpu.memory_space<vmem_shared>>
    tpu.wait_dma2 semaphore(%arg17 : memref<!tpu.dma_semaphore, #tpu.memory_space<semaphore_mem>>) src(%arg13 : memref<128x128xf32, #tpu.memory_space<vmem>>) dst(%dma_wait3A_69 : memref<128x128xf32, #tpu.memory_space<vmem_shared>>)
    %barrier3A = arith.constant 0 : index
    tpu.barrier barrier_id(%barrier3A)
    %add3A_70 = arith.constant 0 : i32
    %add3A_71 = arith.addi %mul3A_4, %add3A_70 : i32
    %dma_start3A_72 = tpu.memref_slice %arg3[%add3A_71] : memref<323584xi32, #tpu.memory_space<hbm>> -> memref<128xi32, #tpu.memory_space<hbm>>
    %dma_start3A_73 = tpu.memref_slice %arg3[%add3A_71] : memref<323584xi32, #tpu.memory_space<hbm>> -> memref<128xi32, #tpu.memory_space<hbm>>
    tpu.enqueue_dma source(%dma_start3A_73 : memref<128xi32, #tpu.memory_space<hbm>>) target(%arg7 : memref<128xi32, #tpu.memory_space<vmem>>) target_semaphore(%arg19 : memref<!tpu.dma_semaphore, #tpu.memory_space<semaphore_mem>>)
    %add3A_74 = arith.constant 0 : i32
    %add3A_75 = arith.addi %mul3A_4, %add3A_74 : i32
    %dma_start3A_76 = tpu.memref_slice %arg4[%add3A_75] : memref<323584xi32, #tpu.memory_space<hbm>> -> memref<128xi32, #tpu.memory_space<hbm>>
    %dma_start3A_77 = tpu.memref_slice %arg4[%add3A_75] : memref<323584xi32, #tpu.memory_space<hbm>> -> memref<128xi32, #tpu.memory_space<hbm>>
    tpu.enqueue_dma source(%dma_start3A_77 : memref<128xi32, #tpu.memory_space<hbm>>) target(%arg10 : memref<128xi32, #tpu.memory_space<vmem>>) target_semaphore(%arg19 : memref<!tpu.dma_semaphore, #tpu.memory_space<semaphore_mem>>)
    %add3A_78 = arith.constant 0 : i32
    %add3A_79 = arith.addi %mul3A_4, %add3A_78 : i32
    %dma_wait3A_80 = tpu.memref_slice %arg3[%add3A_79] : memref<323584xi32, #tpu.memory_space<hbm>> -> memref<128xi32, #tpu.memory_space<hbm>>
    %dma_wait3A_81 = tpu.memref_slice %arg3[%add3A_79] : memref<323584xi32, #tpu.memory_space<hbm>> -> memref<128xi32, #tpu.memory_space<hbm>>
    tpu.wait_dma2 semaphore(%arg19 : memref<!tpu.dma_semaphore, #tpu.memory_space<semaphore_mem>>) src(%dma_wait3A_81 : memref<128xi32, #tpu.memory_space<hbm>>) dst(%arg7 : memref<128xi32, #tpu.memory_space<vmem>>)
    %add3A_82 = arith.constant 0 : i32
    %add3A_83 = arith.addi %mul3A_4, %add3A_82 : i32
    %dma_wait3A_84 = tpu.memref_slice %arg4[%add3A_83] : memref<323584xi32, #tpu.memory_space<hbm>> -> memref<128xi32, #tpu.memory_space<hbm>>
    %dma_wait3A_85 = tpu.memref_slice %arg4[%add3A_83] : memref<323584xi32, #tpu.memory_space<hbm>> -> memref<128xi32, #tpu.memory_space<hbm>>
    tpu.wait_dma2 semaphore(%arg19 : memref<!tpu.dma_semaphore, #tpu.memory_space<semaphore_mem>>) src(%dma_wait3A_85 : memref<128xi32, #tpu.memory_space<hbm>>) dst(%arg10 : memref<128xi32, #tpu.memory_space<vmem>>)
    %dma_start3A_86 = arith.constant 0 : i32
    %dma_start3A_87 = arith.constant 0 : i32
    %dma_start3A_88 = tpu.memref_slice %arg2[%dma_start3A_86, %dma_start3A_87] : memref<10000x128xf32, #tpu.memory_space<hbm>> -> memref<10000x128xf32, #tpu.memory_space<hbm>>
    tpu.enqueue_indirect_dma source(%dma_start3A_88 : memref<10000x128xf32, #tpu.memory_space<hbm>>) target(%arg13 : memref<128x128xf32, #tpu.memory_space<vmem>>) offsets(%arg10 : memref<128xi32, #tpu.memory_space<vmem>>) semaphore(%arg15 : memref<!tpu.dma_semaphore, #tpu.memory_space<semaphore_mem>>)
    %add3A_89 = arith.constant 128 : i32
    %add3A_90 = arith.addi %mul3A_4, %add3A_89 : i32
    %dma_start3A_91 = tpu.memref_slice %arg3[%add3A_90] : memref<323584xi32, #tpu.memory_space<hbm>> -> memref<128xi32, #tpu.memory_space<hbm>>
    %dma_start3A_92 = tpu.memref_slice %arg3[%add3A_90] : memref<323584xi32, #tpu.memory_space<hbm>> -> memref<128xi32, #tpu.memory_space<hbm>>
    tpu.enqueue_dma source(%dma_start3A_92 : memref<128xi32, #tpu.memory_space<hbm>>) target(%arg8 : memref<128xi32, #tpu.memory_space<vmem>>) target_semaphore(%arg20 : memref<!tpu.dma_semaphore, #tpu.memory_space<semaphore_mem>>)
    %add3A_93 = arith.constant 128 : i32
    %add3A_94 = arith.addi %mul3A_4, %add3A_93 : i32
    %dma_start3A_95 = tpu.memref_slice %arg4[%add3A_94] : memref<323584xi32, #tpu.memory_space<hbm>> -> memref<128xi32, #tpu.memory_space<hbm>>
    %dma_start3A_96 = tpu.memref_slice %arg4[%add3A_94] : memref<323584xi32, #tpu.memory_space<hbm>> -> memref<128xi32, #tpu.memory_space<hbm>>
    tpu.enqueue_dma source(%dma_start3A_96 : memref<128xi32, #tpu.memory_space<hbm>>) target(%arg11 : memref<128xi32, #tpu.memory_space<vmem>>) target_semaphore(%arg20 : memref<!tpu.dma_semaphore, #tpu.memory_space<semaphore_mem>>)
    %scan3A_97 = arith.constant 0 : i32
    %scan3A_98 = arith.constant 0 : i32
    %scan3A_99 = arith.constant 13 : i32
    %scan3A_100 = arith.addi %scan3A_98, %scan3A_99 : i32
    %scan3A_101 = arith.constant 1 : i32
    %scan3A_102 = scf.for %scan3A_257 = %scan3A_98 to %scan3A_100 step %scan3A_101 iter_args(%scan3A_258 = %scan3A_97) -> (i32)  : i32 {
      %mul3A_259 = arith.constant 6 : i32
      %mul3A_260 = arith.muli %scan3A_257, %mul3A_259 : i32
      %add3A_261 = arith.constant 0 : i32
      %add3A_262 = arith.addi %mul3A_260, %add3A_261 : i32
      %add3A_263 = arith.constant 1 : i32
      %add3A_264 = arith.addi %add3A_262, %add3A_263 : i32
      %lt3A = arith.constant 79 : i32
      %lt3A_265 = arith.cmpi slt, %add3A_264, %lt3A : i32
      %convert_element_type3A = arith.extui %lt3A_265 : i1 to i32
      %cond3A = arith.constant 0 : i32
      %cond3A_266 = arith.cmpi ne, %convert_element_type3A, %cond3A : i32
      scf.if %cond3A_266 {
        %add3A_401 = arith.constant 1 : i32
        %add3A_402 = arith.addi %add3A_262, %add3A_401 : i32
        %mul3A_403 = arith.constant 128 : i32
        %mul3A_404 = arith.muli %add3A_402, %mul3A_403 : i32
        %add3A_405 = arith.addi %mul3A_4, %mul3A_404 : i32
        %dma_wait3A_406 = tpu.memref_slice %arg3[%add3A_405] : memref<323584xi32, #tpu.memory_space<hbm>> -> memref<128xi32, #tpu.memory_space<hbm>>
        %dma_wait3A_407 = tpu.memref_slice %arg3[%add3A_405] : memref<323584xi32, #tpu.memory_space<hbm>> -> memref<128xi32, #tpu.memory_space<hbm>>
        tpu.wait_dma2 semaphore(%arg20 : memref<!tpu.dma_semaphore, #tpu.memory_space<semaphore_mem>>) src(%dma_wait3A_407 : memref<128xi32, #tpu.memory_space<hbm>>) dst(%arg8 : memref<128xi32, #tpu.memory_space<vmem>>)
        %mul3A_408 = arith.constant 128 : i32
        %mul3A_409 = arith.muli %add3A_402, %mul3A_408 : i32
        %add3A_410 = arith.addi %mul3A_4, %mul3A_409 : i32
        %dma_wait3A_411 = tpu.memref_slice %arg4[%add3A_410] : memref<323584xi32, #tpu.memory_space<hbm>> -> memref<128xi32, #tpu.memory_space<hbm>>
        %dma_wait3A_412 = tpu.memref_slice %arg4[%add3A_410] : memref<323584xi32, #tpu.memory_space<hbm>> -> memref<128xi32, #tpu.memory_space<hbm>>
        tpu.wait_dma2 semaphore(%arg20 : memref<!tpu.dma_semaphore, #tpu.memory_space<semaphore_mem>>) src(%dma_wait3A_412 : memref<128xi32, #tpu.memory_space<hbm>>) dst(%arg11 : memref<128xi32, #tpu.memory_space<vmem>>)
        %ge3A = arith.constant 1 : i32
        %ge3A_413 = arith.cmpi sge, %add3A_262, %ge3A : i32
        %convert_element_type3A_414 = arith.extui %ge3A_413 : i1 to i32
        %cond3A_415 = arith.constant 0 : i32
        %cond3A_416 = arith.cmpi ne, %convert_element_type3A_414, %cond3A_415 : i32
        scf.if %cond3A_416 {
          %dma_wait3A_420 = arith.constant 0 : i32
          %dma_wait3A_421 = arith.constant 0 : i32
          %dma_wait3A_422 = tpu.memref_slice %arg6[%dma_wait3A_420, %dma_wait3A_421] : memref<10240x128xf32, #tpu.memory_space<vmem_shared>> -> memref<10240x128xf32, #tpu.memory_space<vmem_shared>>
          tpu.wait_indirect_dma semaphore(%arg18 : memref<!tpu.dma_semaphore, #tpu.memory_space<semaphore_mem>>) src(%arg14 : memref<128x128xf32, #tpu.memory_space<vmem>>) dst(%dma_wait3A_422 : memref<10240x128xf32, #tpu.memory_space<vmem_shared>>)
        } else {
        }
        %dma_start3A_417 = arith.constant 0 : i32
        %dma_start3A_418 = arith.constant 0 : i32
        %dma_start3A_419 = tpu.memref_slice %arg2[%dma_start3A_417, %dma_start3A_418] : memref<10000x128xf32, #tpu.memory_space<hbm>> -> memref<10000x128xf32, #tpu.memory_space<hbm>>
        tpu.enqueue_indirect_dma source(%dma_start3A_419 : memref<10000x128xf32, #tpu.memory_space<hbm>>) target(%arg14 : memref<128x128xf32, #tpu.memory_space<vmem>>) offsets(%arg11 : memref<128xi32, #tpu.memory_space<vmem>>) semaphore(%arg16 : memref<!tpu.dma_semaphore, #tpu.memory_space<semaphore_mem>>)
      } else {
      }
      %dma_wait3A_267 = arith.constant 0 : i32
      %dma_wait3A_268 = arith.constant 0 : i32
      %dma_wait3A_269 = tpu.memref_slice %arg2[%dma_wait3A_267, %dma_wait3A_268] : memref<10000x128xf32, #tpu.memory_space<hbm>> -> memref<10000x128xf32, #tpu.memory_space<hbm>>
      tpu.wait_indirect_dma semaphore(%arg15 : memref<!tpu.dma_semaphore, #tpu.memory_space<semaphore_mem>>) src(%dma_wait3A_269 : memref<10000x128xf32, #tpu.memory_space<hbm>>) dst(%arg13 : memref<128x128xf32, #tpu.memory_space<vmem>>)
      %dma_start3A_270 = arith.constant 0 : i32
      %dma_start3A_271 = arith.constant 0 : i32
      %dma_start3A_272 = tpu.memref_slice %arg6[%dma_start3A_270, %dma_start3A_271] : memref<10240x128xf32, #tpu.memory_space<vmem_shared>> -> memref<10240x128xf32, #tpu.memory_space<vmem_shared>>
      tpu.enqueue_indirect_dma source(%arg13 : memref<128x128xf32, #tpu.memory_space<vmem>>) target(%dma_start3A_272 : memref<10240x128xf32, #tpu.memory_space<vmem_shared>>) offsets(%arg7 : memref<128xi32, #tpu.memory_space<vmem>>) semaphore(%arg17 : memref<!tpu.dma_semaphore, #tpu.memory_space<semaphore_mem>>) {add = true}
      %add3A_273 = arith.constant 2 : i32
      %add3A_274 = arith.addi %add3A_262, %add3A_273 : i32
      %lt3A_275 = arith.constant 79 : i32
      %lt3A_276 = arith.cmpi slt, %add3A_274, %lt3A_275 : i32
      %convert_element_type3A_277 = arith.extui %lt3A_276 : i1 to i32
      %cond3A_278 = arith.constant 0 : i32
      %cond3A_279 = arith.cmpi ne, %convert_element_type3A_277, %cond3A_278 : i32
      scf.if %cond3A_279 {
        %add3A_401 = arith.constant 2 : i32
        %add3A_402 = arith.addi %add3A_262, %add3A_401 : i32
        %mul3A_403 = arith.constant 128 : i32
        %mul3A_404 = arith.muli %add3A_402, %mul3A_403 : i32
        %add3A_405 = arith.addi %mul3A_4, %mul3A_404 : i32
        %dma_start3A_406 = tpu.memref_slice %arg3[%add3A_405] : memref<323584xi32, #tpu.memory_space<hbm>> -> memref<128xi32, #tpu.memory_space<hbm>>
        %dma_start3A_407 = tpu.memref_slice %arg3[%add3A_405] : memref<323584xi32, #tpu.memory_space<hbm>> -> memref<128xi32, #tpu.memory_space<hbm>>
        tpu.enqueue_dma source(%dma_start3A_407 : memref<128xi32, #tpu.memory_space<hbm>>) target(%arg9 : memref<128xi32, #tpu.memory_space<vmem>>) target_semaphore(%arg21 : memref<!tpu.dma_semaphore, #tpu.memory_space<semaphore_mem>>)
        %mul3A_408 = arith.constant 128 : i32
        %mul3A_409 = arith.muli %add3A_402, %mul3A_408 : i32
        %add3A_410 = arith.addi %mul3A_4, %mul3A_409 : i32
        %dma_start3A_411 = tpu.memref_slice %arg4[%add3A_410] : memref<323584xi32, #tpu.memory_space<hbm>> -> memref<128xi32, #tpu.memory_space<hbm>>
        %dma_start3A_412 = tpu.memref_slice %arg4[%add3A_410] : memref<323584xi32, #tpu.memory_space<hbm>> -> memref<128xi32, #tpu.memory_space<hbm>>
        tpu.enqueue_dma source(%dma_start3A_412 : memref<128xi32, #tpu.memory_space<hbm>>) target(%arg12 : memref<128xi32, #tpu.memory_space<vmem>>) target_semaphore(%arg21 : memref<!tpu.dma_semaphore, #tpu.memory_space<semaphore_mem>>)
      } else {
      }
      %mul3A_280 = arith.constant 6 : i32
      %mul3A_281 = arith.muli %scan3A_257, %mul3A_280 : i32
      %add3A_282 = arith.constant 1 : i32
      %add3A_283 = arith.addi %mul3A_281, %add3A_282 : i32
      %add3A_284 = arith.constant 1 : i32
      %add3A_285 = arith.addi %add3A_283, %add3A_284 : i32
      %lt3A_286 = arith.constant 79 : i32
      %lt3A_287 = arith.cmpi slt, %add3A_285, %lt3A_286 : i32
      %convert_element_type3A_288 = arith.extui %lt3A_287 : i1 to i32
      %cond3A_289 = arith.constant 0 : i32
      %cond3A_290 = arith.cmpi ne, %convert_element_type3A_288, %cond3A_289 : i32
      scf.if %cond3A_290 {
        %add3A_401 = arith.constant 1 : i32
        %add3A_402 = arith.addi %add3A_283, %add3A_401 : i32
        %mul3A_403 = arith.constant 128 : i32
        %mul3A_404 = arith.muli %add3A_402, %mul3A_403 : i32
        %add3A_405 = arith.addi %mul3A_4, %mul3A_404 : i32
        %dma_wait3A_406 = tpu.memref_slice %arg3[%add3A_405] : memref<323584xi32, #tpu.memory_space<hbm>> -> memref<128xi32, #tpu.memory_space<hbm>>
        %dma_wait3A_407 = tpu.memref_slice %arg3[%add3A_405] : memref<323584xi32, #tpu.memory_space<hbm>> -> memref<128xi32, #tpu.memory_space<hbm>>
        tpu.wait_dma2 semaphore(%arg21 : memref<!tpu.dma_semaphore, #tpu.memory_space<semaphore_mem>>) src(%dma_wait3A_407 : memref<128xi32, #tpu.memory_space<hbm>>) dst(%arg9 : memref<128xi32, #tpu.memory_space<vmem>>)
        %mul3A_408 = arith.constant 128 : i32
        %mul3A_409 = arith.muli %add3A_402, %mul3A_408 : i32
        %add3A_410 = arith.addi %mul3A_4, %mul3A_409 : i32
        %dma_wait3A_411 = tpu.memref_slice %arg4[%add3A_410] : memref<323584xi32, #tpu.memory_space<hbm>> -> memref<128xi32, #tpu.memory_space<hbm>>
        %dma_wait3A_412 = tpu.memref_slice %arg4[%add3A_410] : memref<323584xi32, #tpu.memory_space<hbm>> -> memref<128xi32, #tpu.memory_space<hbm>>
        tpu.wait_dma2 semaphore(%arg21 : memref<!tpu.dma_semaphore, #tpu.memory_space<semaphore_mem>>) src(%dma_wait3A_412 : memref<128xi32, #tpu.memory_space<hbm>>) dst(%arg12 : memref<128xi32, #tpu.memory_space<vmem>>)
        %ge3A = arith.constant 1 : i32
        %ge3A_413 = arith.cmpi sge, %add3A_283, %ge3A : i32
        %convert_element_type3A_414 = arith.extui %ge3A_413 : i1 to i32
        %cond3A_415 = arith.constant 0 : i32
        %cond3A_416 = arith.cmpi ne, %convert_element_type3A_414, %cond3A_415 : i32
        scf.if %cond3A_416 {
          %dma_wait3A_420 = arith.constant 0 : i32
          %dma_wait3A_421 = arith.constant 0 : i32
          %dma_wait3A_422 = tpu.memref_slice %arg6[%dma_wait3A_420, %dma_wait3A_421] : memref<10240x128xf32, #tpu.memory_space<vmem_shared>> -> memref<10240x128xf32, #tpu.memory_space<vmem_shared>>
          tpu.wait_indirect_dma semaphore(%arg17 : memref<!tpu.dma_semaphore, #tpu.memory_space<semaphore_mem>>) src(%arg13 : memref<128x128xf32, #tpu.memory_space<vmem>>) dst(%dma_wait3A_422 : memref<10240x128xf32, #tpu.memory_space<vmem_shared>>)
        } else {
        }
        %dma_start3A_417 = arith.constant 0 : i32
        %dma_start3A_418 = arith.constant 0 : i32
        %dma_start3A_419 = tpu.memref_slice %arg2[%dma_start3A_417, %dma_start3A_418] : memref<10000x128xf32, #tpu.memory_space<hbm>> -> memref<10000x128xf32, #tpu.memory_space<hbm>>
        tpu.enqueue_indirect_dma source(%dma_start3A_419 : memref<10000x128xf32, #tpu.memory_space<hbm>>) target(%arg13 : memref<128x128xf32, #tpu.memory_space<vmem>>) offsets(%arg12 : memref<128xi32, #tpu.memory_space<vmem>>) semaphore(%arg15 : memref<!tpu.dma_semaphore, #tpu.memory_space<semaphore_mem>>)
      } else {
      }
      %dma_wait3A_291 = arith.constant 0 : i32
      %dma_wait3A_292 = arith.constant 0 : i32
      %dma_wait3A_293 = tpu.memref_slice %arg2[%dma_wait3A_291, %dma_wait3A_292] : memref<10000x128xf32, #tpu.memory_space<hbm>> -> memref<10000x128xf32, #tpu.memory_space<hbm>>
      tpu.wait_indirect_dma semaphore(%arg16 : memref<!tpu.dma_semaphore, #tpu.memory_space<semaphore_mem>>) src(%dma_wait3A_293 : memref<10000x128xf32, #tpu.memory_space<hbm>>) dst(%arg14 : memref<128x128xf32, #tpu.memory_space<vmem>>)
      %dma_start3A_294 = arith.constant 0 : i32
      %dma_start3A_295 = arith.constant 0 : i32
      %dma_start3A_296 = tpu.memref_slice %arg6[%dma_start3A_294, %dma_start3A_295] : memref<10240x128xf32, #tpu.memory_space<vmem_shared>> -> memref<10240x128xf32, #tpu.memory_space<vmem_shared>>
      tpu.enqueue_indirect_dma source(%arg14 : memref<128x128xf32, #tpu.memory_space<vmem>>) target(%dma_start3A_296 : memref<10240x128xf32, #tpu.memory_space<vmem_shared>>) offsets(%arg8 : memref<128xi32, #tpu.memory_space<vmem>>) semaphore(%arg18 : memref<!tpu.dma_semaphore, #tpu.memory_space<semaphore_mem>>) {add = true}
      %add3A_297 = arith.constant 2 : i32
      %add3A_298 = arith.addi %add3A_283, %add3A_297 : i32
      %lt3A_299 = arith.constant 79 : i32
      %lt3A_300 = arith.cmpi slt, %add3A_298, %lt3A_299 : i32
      %convert_element_type3A_301 = arith.extui %lt3A_300 : i1 to i32
      %cond3A_302 = arith.constant 0 : i32
      %cond3A_303 = arith.cmpi ne, %convert_element_type3A_301, %cond3A_302 : i32
      scf.if %cond3A_303 {
        %add3A_401 = arith.constant 2 : i32
        %add3A_402 = arith.addi %add3A_283, %add3A_401 : i32
        %mul3A_403 = arith.constant 128 : i32
        %mul3A_404 = arith.muli %add3A_402, %mul3A_403 : i32
        %add3A_405 = arith.addi %mul3A_4, %mul3A_404 : i32
        %dma_start3A_406 = tpu.memref_slice %arg3[%add3A_405] : memref<323584xi32, #tpu.memory_space<hbm>> -> memref<128xi32, #tpu.memory_space<hbm>>
        %dma_start3A_407 = tpu.memref_slice %arg3[%add3A_405] : memref<323584xi32, #tpu.memory_space<hbm>> -> memref<128xi32, #tpu.memory_space<hbm>>
        tpu.enqueue_dma source(%dma_start3A_407 : memref<128xi32, #tpu.memory_space<hbm>>) target(%arg7 : memref<128xi32, #tpu.memory_space<vmem>>) target_semaphore(%arg19 : memref<!tpu.dma_semaphore, #tpu.memory_space<semaphore_mem>>)
        %mul3A_408 = arith.constant 128 : i32
        %mul3A_409 = arith.muli %add3A_402, %mul3A_408 : i32
        %add3A_410 = arith.addi %mul3A_4, %mul3A_409 : i32
        %dma_start3A_411 = tpu.memref_slice %arg4[%add3A_410] : memref<323584xi32, #tpu.memory_space<hbm>> -> memref<128xi32, #tpu.memory_space<hbm>>
        %dma_start3A_412 = tpu.memref_slice %arg4[%add3A_410] : memref<323584xi32, #tpu.memory_space<hbm>> -> memref<128xi32, #tpu.memory_space<hbm>>
        tpu.enqueue_dma source(%dma_start3A_412 : memref<128xi32, #tpu.memory_space<hbm>>) target(%arg10 : memref<128xi32, #tpu.memory_space<vmem>>) target_semaphore(%arg19 : memref<!tpu.dma_semaphore, #tpu.memory_space<semaphore_mem>>)
      } else {
      }
      %mul3A_304 = arith.constant 6 : i32
      %mul3A_305 = arith.muli %scan3A_257, %mul3A_304 : i32
      %add3A_306 = arith.constant 2 : i32
      %add3A_307 = arith.addi %mul3A_305, %add3A_306 : i32
      %add3A_308 = arith.constant 1 : i32
      %add3A_309 = arith.addi %add3A_307, %add3A_308 : i32
      %lt3A_310 = arith.constant 79 : i32
      %lt3A_311 = arith.cmpi slt, %add3A_309, %lt3A_310 : i32
      %convert_element_type3A_312 = arith.extui %lt3A_311 : i1 to i32
      %cond3A_313 = arith.constant 0 : i32
      %cond3A_314 = arith.cmpi ne, %convert_element_type3A_312, %cond3A_313 : i32
      scf.if %cond3A_314 {
        %add3A_401 = arith.constant 1 : i32
        %add3A_402 = arith.addi %add3A_307, %add3A_401 : i32
        %mul3A_403 = arith.constant 128 : i32
        %mul3A_404 = arith.muli %add3A_402, %mul3A_403 : i32
        %add3A_405 = arith.addi %mul3A_4, %mul3A_404 : i32
        %dma_wait3A_406 = tpu.memref_slice %arg3[%add3A_405] : memref<323584xi32, #tpu.memory_space<hbm>> -> memref<128xi32, #tpu.memory_space<hbm>>
        %dma_wait3A_407 = tpu.memref_slice %arg3[%add3A_405] : memref<323584xi32, #tpu.memory_space<hbm>> -> memref<128xi32, #tpu.memory_space<hbm>>
        tpu.wait_dma2 semaphore(%arg19 : memref<!tpu.dma_semaphore, #tpu.memory_space<semaphore_mem>>) src(%dma_wait3A_407 : memref<128xi32, #tpu.memory_space<hbm>>) dst(%arg7 : memref<128xi32, #tpu.memory_space<vmem>>)
        %mul3A_408 = arith.constant 128 : i32
        %mul3A_409 = arith.muli %add3A_402, %mul3A_408 : i32
        %add3A_410 = arith.addi %mul3A_4, %mul3A_409 : i32
        %dma_wait3A_411 = tpu.memref_slice %arg4[%add3A_410] : memref<323584xi32, #tpu.memory_space<hbm>> -> memref<128xi32, #tpu.memory_space<hbm>>
        %dma_wait3A_412 = tpu.memref_slice %arg4[%add3A_410] : memref<323584xi32, #tpu.memory_space<hbm>> -> memref<128xi32, #tpu.memory_space<hbm>>
        tpu.wait_dma2 semaphore(%arg19 : memref<!tpu.dma_semaphore, #tpu.memory_space<semaphore_mem>>) src(%dma_wait3A_412 : memref<128xi32, #tpu.memory_space<hbm>>) dst(%arg10 : memref<128xi32, #tpu.memory_space<vmem>>)
        %ge3A = arith.constant 1 : i32
        %ge3A_413 = arith.cmpi sge, %add3A_307, %ge3A : i32
        %convert_element_type3A_414 = arith.extui %ge3A_413 : i1 to i32
        %cond3A_415 = arith.constant 0 : i32
        %cond3A_416 = arith.cmpi ne, %convert_element_type3A_414, %cond3A_415 : i32
        scf.if %cond3A_416 {
          %dma_wait3A_420 = arith.constant 0 : i32
          %dma_wait3A_421 = arith.constant 0 : i32
          %dma_wait3A_422 = tpu.memref_slice %arg6[%dma_wait3A_420, %dma_wait3A_421] : memref<10240x128xf32, #tpu.memory_space<vmem_shared>> -> memref<10240x128xf32, #tpu.memory_space<vmem_shared>>
          tpu.wait_indirect_dma semaphore(%arg18 : memref<!tpu.dma_semaphore, #tpu.memory_space<semaphore_mem>>) src(%arg14 : memref<128x128xf32, #tpu.memory_space<vmem>>) dst(%dma_wait3A_422 : memref<10240x128xf32, #tpu.memory_space<vmem_shared>>)
        } else {
        }
        %dma_start3A_417 = arith.constant 0 : i32
        %dma_start3A_418 = arith.constant 0 : i32
        %dma_start3A_419 = tpu.memref_slice %arg2[%dma_start3A_417, %dma_start3A_418] : memref<10000x128xf32, #tpu.memory_space<hbm>> -> memref<10000x128xf32, #tpu.memory_space<hbm>>
        tpu.enqueue_indirect_dma source(%dma_start3A_419 : memref<10000x128xf32, #tpu.memory_space<hbm>>) target(%arg14 : memref<128x128xf32, #tpu.memory_space<vmem>>) offsets(%arg10 : memref<128xi32, #tpu.memory_space<vmem>>) semaphore(%arg16 : memref<!tpu.dma_semaphore, #tpu.memory_space<semaphore_mem>>)
      } else {
      }
      %dma_wait3A_315 = arith.constant 0 : i32
      %dma_wait3A_316 = arith.constant 0 : i32
      %dma_wait3A_317 = tpu.memref_slice %arg2[%dma_wait3A_315, %dma_wait3A_316] : memref<10000x128xf32, #tpu.memory_space<hbm>> -> memref<10000x128xf32, #tpu.memory_space<hbm>>
      tpu.wait_indirect_dma semaphore(%arg15 : memref<!tpu.dma_semaphore, #tpu.memory_space<semaphore_mem>>) src(%dma_wait3A_317 : memref<10000x128xf32, #tpu.memory_space<hbm>>) dst(%arg13 : memref<128x128xf32, #tpu.memory_space<vmem>>)
      %dma_start3A_318 = arith.constant 0 : i32
      %dma_start3A_319 = arith.constant 0 : i32
      %dma_start3A_320 = tpu.memref_slice %arg6[%dma_start3A_318, %dma_start3A_319] : memref<10240x128xf32, #tpu.memory_space<vmem_shared>> -> memref<10240x128xf32, #tpu.memory_space<vmem_shared>>
      tpu.enqueue_indirect_dma source(%arg13 : memref<128x128xf32, #tpu.memory_space<vmem>>) target(%dma_start3A_320 : memref<10240x128xf32, #tpu.memory_space<vmem_shared>>) offsets(%arg9 : memref<128xi32, #tpu.memory_space<vmem>>) semaphore(%arg17 : memref<!tpu.dma_semaphore, #tpu.memory_space<semaphore_mem>>) {add = true}
      %add3A_321 = arith.constant 2 : i32
      %add3A_322 = arith.addi %add3A_307, %add3A_321 : i32
      %lt3A_323 = arith.constant 79 : i32
      %lt3A_324 = arith.cmpi slt, %add3A_322, %lt3A_323 : i32
      %convert_element_type3A_325 = arith.extui %lt3A_324 : i1 to i32
      %cond3A_326 = arith.constant 0 : i32
      %cond3A_327 = arith.cmpi ne, %convert_element_type3A_325, %cond3A_326 : i32
      scf.if %cond3A_327 {
        %add3A_401 = arith.constant 2 : i32
        %add3A_402 = arith.addi %add3A_307, %add3A_401 : i32
        %mul3A_403 = arith.constant 128 : i32
        %mul3A_404 = arith.muli %add3A_402, %mul3A_403 : i32
        %add3A_405 = arith.addi %mul3A_4, %mul3A_404 : i32
        %dma_start3A_406 = tpu.memref_slice %arg3[%add3A_405] : memref<323584xi32, #tpu.memory_space<hbm>> -> memref<128xi32, #tpu.memory_space<hbm>>
        %dma_start3A_407 = tpu.memref_slice %arg3[%add3A_405] : memref<323584xi32, #tpu.memory_space<hbm>> -> memref<128xi32, #tpu.memory_space<hbm>>
        tpu.enqueue_dma source(%dma_start3A_407 : memref<128xi32, #tpu.memory_space<hbm>>) target(%arg8 : memref<128xi32, #tpu.memory_space<vmem>>) target_semaphore(%arg20 : memref<!tpu.dma_semaphore, #tpu.memory_space<semaphore_mem>>)
        %mul3A_408 = arith.constant 128 : i32
        %mul3A_409 = arith.muli %add3A_402, %mul3A_408 : i32
        %add3A_410 = arith.addi %mul3A_4, %mul3A_409 : i32
        %dma_start3A_411 = tpu.memref_slice %arg4[%add3A_410] : memref<323584xi32, #tpu.memory_space<hbm>> -> memref<128xi32, #tpu.memory_space<hbm>>
        %dma_start3A_412 = tpu.memref_slice %arg4[%add3A_410] : memref<323584xi32, #tpu.memory_space<hbm>> -> memref<128xi32, #tpu.memory_space<hbm>>
        tpu.enqueue_dma source(%dma_start3A_412 : memref<128xi32, #tpu.memory_space<hbm>>) target(%arg11 : memref<128xi32, #tpu.memory_space<vmem>>) target_semaphore(%arg20 : memref<!tpu.dma_semaphore, #tpu.memory_space<semaphore_mem>>)
      } else {
      }
      %mul3A_328 = arith.constant 6 : i32
      %mul3A_329 = arith.muli %scan3A_257, %mul3A_328 : i32
      %add3A_330 = arith.constant 3 : i32
      %add3A_331 = arith.addi %mul3A_329, %add3A_330 : i32
      %add3A_332 = arith.constant 1 : i32
      %add3A_333 = arith.addi %add3A_331, %add3A_332 : i32
      %lt3A_334 = arith.constant 79 : i32
      %lt3A_335 = arith.cmpi slt, %add3A_333, %lt3A_334 : i32
      %convert_element_type3A_336 = arith.extui %lt3A_335 : i1 to i32
      %cond3A_337 = arith.constant 0 : i32
      %cond3A_338 = arith.cmpi ne, %convert_element_type3A_336, %cond3A_337 : i32
      scf.if %cond3A_338 {
        %add3A_401 = arith.constant 1 : i32
        %add3A_402 = arith.addi %add3A_331, %add3A_401 : i32
        %mul3A_403 = arith.constant 128 : i32
        %mul3A_404 = arith.muli %add3A_402, %mul3A_403 : i32
        %add3A_405 = arith.addi %mul3A_4, %mul3A_404 : i32
        %dma_wait3A_406 = tpu.memref_slice %arg3[%add3A_405] : memref<323584xi32, #tpu.memory_space<hbm>> -> memref<128xi32, #tpu.memory_space<hbm>>
        %dma_wait3A_407 = tpu.memref_slice %arg3[%add3A_405] : memref<323584xi32, #tpu.memory_space<hbm>> -> memref<128xi32, #tpu.memory_space<hbm>>
        tpu.wait_dma2 semaphore(%arg20 : memref<!tpu.dma_semaphore, #tpu.memory_space<semaphore_mem>>) src(%dma_wait3A_407 : memref<128xi32, #tpu.memory_space<hbm>>) dst(%arg8 : memref<128xi32, #tpu.memory_space<vmem>>)
        %mul3A_408 = arith.constant 128 : i32
        %mul3A_409 = arith.muli %add3A_402, %mul3A_408 : i32
        %add3A_410 = arith.addi %mul3A_4, %mul3A_409 : i32
        %dma_wait3A_411 = tpu.memref_slice %arg4[%add3A_410] : memref<323584xi32, #tpu.memory_space<hbm>> -> memref<128xi32, #tpu.memory_space<hbm>>
        %dma_wait3A_412 = tpu.memref_slice %arg4[%add3A_410] : memref<323584xi32, #tpu.memory_space<hbm>> -> memref<128xi32, #tpu.memory_space<hbm>>
        tpu.wait_dma2 semaphore(%arg20 : memref<!tpu.dma_semaphore, #tpu.memory_space<semaphore_mem>>) src(%dma_wait3A_412 : memref<128xi32, #tpu.memory_space<hbm>>) dst(%arg11 : memref<128xi32, #tpu.memory_space<vmem>>)
        %ge3A = arith.constant 1 : i32
        %ge3A_413 = arith.cmpi sge, %add3A_331, %ge3A : i32
        %convert_element_type3A_414 = arith.extui %ge3A_413 : i1 to i32
        %cond3A_415 = arith.constant 0 : i32
        %cond3A_416 = arith.cmpi ne, %convert_element_type3A_414, %cond3A_415 : i32
        scf.if %cond3A_416 {
          %dma_wait3A_420 = arith.constant 0 : i32
          %dma_wait3A_421 = arith.constant 0 : i32
          %dma_wait3A_422 = tpu.memref_slice %arg6[%dma_wait3A_420, %dma_wait3A_421] : memref<10240x128xf32, #tpu.memory_space<vmem_shared>> -> memref<10240x128xf32, #tpu.memory_space<vmem_shared>>
          tpu.wait_indirect_dma semaphore(%arg17 : memref<!tpu.dma_semaphore, #tpu.memory_space<semaphore_mem>>) src(%arg13 : memref<128x128xf32, #tpu.memory_space<vmem>>) dst(%dma_wait3A_422 : memref<10240x128xf32, #tpu.memory_space<vmem_shared>>)
        } else {
        }
        %dma_start3A_417 = arith.constant 0 : i32
        %dma_start3A_418 = arith.constant 0 : i32
        %dma_start3A_419 = tpu.memref_slice %arg2[%dma_start3A_417, %dma_start3A_418] : memref<10000x128xf32, #tpu.memory_space<hbm>> -> memref<10000x128xf32, #tpu.memory_space<hbm>>
        tpu.enqueue_indirect_dma source(%dma_start3A_419 : memref<10000x128xf32, #tpu.memory_space<hbm>>) target(%arg13 : memref<128x128xf32, #tpu.memory_space<vmem>>) offsets(%arg11 : memref<128xi32, #tpu.memory_space<vmem>>) semaphore(%arg15 : memref<!tpu.dma_semaphore, #tpu.memory_space<semaphore_mem>>)
      } else {
      }
      %dma_wait3A_339 = arith.constant 0 : i32
      %dma_wait3A_340 = arith.constant 0 : i32
      %dma_wait3A_341 = tpu.memref_slice %arg2[%dma_wait3A_339, %dma_wait3A_340] : memref<10000x128xf32, #tpu.memory_space<hbm>> -> memref<10000x128xf32, #tpu.memory_space<hbm>>
      tpu.wait_indirect_dma semaphore(%arg16 : memref<!tpu.dma_semaphore, #tpu.memory_space<semaphore_mem>>) src(%dma_wait3A_341 : memref<10000x128xf32, #tpu.memory_space<hbm>>) dst(%arg14 : memref<128x128xf32, #tpu.memory_space<vmem>>)
      %dma_start3A_342 = arith.constant 0 : i32
      %dma_start3A_343 = arith.constant 0 : i32
      %dma_start3A_344 = tpu.memref_slice %arg6[%dma_start3A_342, %dma_start3A_343] : memref<10240x128xf32, #tpu.memory_space<vmem_shared>> -> memref<10240x128xf32, #tpu.memory_space<vmem_shared>>
      tpu.enqueue_indirect_dma source(%arg14 : memref<128x128xf32, #tpu.memory_space<vmem>>) target(%dma_start3A_344 : memref<10240x128xf32, #tpu.memory_space<vmem_shared>>) offsets(%arg7 : memref<128xi32, #tpu.memory_space<vmem>>) semaphore(%arg18 : memref<!tpu.dma_semaphore, #tpu.memory_space<semaphore_mem>>) {add = true}
      %add3A_345 = arith.constant 2 : i32
      %add3A_346 = arith.addi %add3A_331, %add3A_345 : i32
      %lt3A_347 = arith.constant 79 : i32
      %lt3A_348 = arith.cmpi slt, %add3A_346, %lt3A_347 : i32
      %convert_element_type3A_349 = arith.extui %lt3A_348 : i1 to i32
      %cond3A_350 = arith.constant 0 : i32
      %cond3A_351 = arith.cmpi ne, %convert_element_type3A_349, %cond3A_350 : i32
      scf.if %cond3A_351 {
        %add3A_401 = arith.constant 2 : i32
        %add3A_402 = arith.addi %add3A_331, %add3A_401 : i32
        %mul3A_403 = arith.constant 128 : i32
        %mul3A_404 = arith.muli %add3A_402, %mul3A_403 : i32
        %add3A_405 = arith.addi %mul3A_4, %mul3A_404 : i32
        %dma_start3A_406 = tpu.memref_slice %arg3[%add3A_405] : memref<323584xi32, #tpu.memory_space<hbm>> -> memref<128xi32, #tpu.memory_space<hbm>>
        %dma_start3A_407 = tpu.memref_slice %arg3[%add3A_405] : memref<323584xi32, #tpu.memory_space<hbm>> -> memref<128xi32, #tpu.memory_space<hbm>>
        tpu.enqueue_dma source(%dma_start3A_407 : memref<128xi32, #tpu.memory_space<hbm>>) target(%arg9 : memref<128xi32, #tpu.memory_space<vmem>>) target_semaphore(%arg21 : memref<!tpu.dma_semaphore, #tpu.memory_space<semaphore_mem>>)
        %mul3A_408 = arith.constant 128 : i32
        %mul3A_409 = arith.muli %add3A_402, %mul3A_408 : i32
        %add3A_410 = arith.addi %mul3A_4, %mul3A_409 : i32
        %dma_start3A_411 = tpu.memref_slice %arg4[%add3A_410] : memref<323584xi32, #tpu.memory_space<hbm>> -> memref<128xi32, #tpu.memory_space<hbm>>
        %dma_start3A_412 = tpu.memref_slice %arg4[%add3A_410] : memref<323584xi32, #tpu.memory_space<hbm>> -> memref<128xi32, #tpu.memory_space<hbm>>
        tpu.enqueue_dma source(%dma_start3A_412 : memref<128xi32, #tpu.memory_space<hbm>>) target(%arg12 : memref<128xi32, #tpu.memory_space<vmem>>) target_semaphore(%arg21 : memref<!tpu.dma_semaphore, #tpu.memory_space<semaphore_mem>>)
      } else {
      }
      %mul3A_352 = arith.constant 6 : i32
      %mul3A_353 = arith.muli %scan3A_257, %mul3A_352 : i32
      %add3A_354 = arith.constant 4 : i32
      %add3A_355 = arith.addi %mul3A_353, %add3A_354 : i32
      %add3A_356 = arith.constant 1 : i32
      %add3A_357 = arith.addi %add3A_355, %add3A_356 : i32
      %lt3A_358 = arith.constant 79 : i32
      %lt3A_359 = arith.cmpi slt, %add3A_357, %lt3A_358 : i32
      %convert_element_type3A_360 = arith.extui %lt3A_359 : i1 to i32
      %cond3A_361 = arith.constant 0 : i32
      %cond3A_362 = arith.cmpi ne, %convert_element_type3A_360, %cond3A_361 : i32
      scf.if %cond3A_362 {
        %add3A_401 = arith.constant 1 : i32
        %add3A_402 = arith.addi %add3A_355, %add3A_401 : i32
        %mul3A_403 = arith.constant 128 : i32
        %mul3A_404 = arith.muli %add3A_402, %mul3A_403 : i32
        %add3A_405 = arith.addi %mul3A_4, %mul3A_404 : i32
        %dma_wait3A_406 = tpu.memref_slice %arg3[%add3A_405] : memref<323584xi32, #tpu.memory_space<hbm>> -> memref<128xi32, #tpu.memory_space<hbm>>
        %dma_wait3A_407 = tpu.memref_slice %arg3[%add3A_405] : memref<323584xi32, #tpu.memory_space<hbm>> -> memref<128xi32, #tpu.memory_space<hbm>>
        tpu.wait_dma2 semaphore(%arg21 : memref<!tpu.dma_semaphore, #tpu.memory_space<semaphore_mem>>) src(%dma_wait3A_407 : memref<128xi32, #tpu.memory_space<hbm>>) dst(%arg9 : memref<128xi32, #tpu.memory_space<vmem>>)
        %mul3A_408 = arith.constant 128 : i32
        %mul3A_409 = arith.muli %add3A_402, %mul3A_408 : i32
        %add3A_410 = arith.addi %mul3A_4, %mul3A_409 : i32
        %dma_wait3A_411 = tpu.memref_slice %arg4[%add3A_410] : memref<323584xi32, #tpu.memory_space<hbm>> -> memref<128xi32, #tpu.memory_space<hbm>>
        %dma_wait3A_412 = tpu.memref_slice %arg4[%add3A_410] : memref<323584xi32, #tpu.memory_space<hbm>> -> memref<128xi32, #tpu.memory_space<hbm>>
        tpu.wait_dma2 semaphore(%arg21 : memref<!tpu.dma_semaphore, #tpu.memory_space<semaphore_mem>>) src(%dma_wait3A_412 : memref<128xi32, #tpu.memory_space<hbm>>) dst(%arg12 : memref<128xi32, #tpu.memory_space<vmem>>)
        %ge3A = arith.constant 1 : i32
        %ge3A_413 = arith.cmpi sge, %add3A_355, %ge3A : i32
        %convert_element_type3A_414 = arith.extui %ge3A_413 : i1 to i32
        %cond3A_415 = arith.constant 0 : i32
        %cond3A_416 = arith.cmpi ne, %convert_element_type3A_414, %cond3A_415 : i32
        scf.if %cond3A_416 {
          %dma_wait3A_420 = arith.constant 0 : i32
          %dma_wait3A_421 = arith.constant 0 : i32
          %dma_wait3A_422 = tpu.memref_slice %arg6[%dma_wait3A_420, %dma_wait3A_421] : memref<10240x128xf32, #tpu.memory_space<vmem_shared>> -> memref<10240x128xf32, #tpu.memory_space<vmem_shared>>
          tpu.wait_indirect_dma semaphore(%arg18 : memref<!tpu.dma_semaphore, #tpu.memory_space<semaphore_mem>>) src(%arg14 : memref<128x128xf32, #tpu.memory_space<vmem>>) dst(%dma_wait3A_422 : memref<10240x128xf32, #tpu.memory_space<vmem_shared>>)
        } else {
        }
        %dma_start3A_417 = arith.constant 0 : i32
        %dma_start3A_418 = arith.constant 0 : i32
        %dma_start3A_419 = tpu.memref_slice %arg2[%dma_start3A_417, %dma_start3A_418] : memref<10000x128xf32, #tpu.memory_space<hbm>> -> memref<10000x128xf32, #tpu.memory_space<hbm>>
        tpu.enqueue_indirect_dma source(%dma_start3A_419 : memref<10000x128xf32, #tpu.memory_space<hbm>>) target(%arg14 : memref<128x128xf32, #tpu.memory_space<vmem>>) offsets(%arg12 : memref<128xi32, #tpu.memory_space<vmem>>) semaphore(%arg16 : memref<!tpu.dma_semaphore, #tpu.memory_space<semaphore_mem>>)
      } else {
      }
      %dma_wait3A_363 = arith.constant 0 : i32
      %dma_wait3A_364 = arith.constant 0 : i32
      %dma_wait3A_365 = tpu.memref_slice %arg2[%dma_wait3A_363, %dma_wait3A_364] : memref<10000x128xf32, #tpu.memory_space<hbm>> -> memref<10000x128xf32, #tpu.memory_space<hbm>>
      tpu.wait_indirect_dma semaphore(%arg15 : memref<!tpu.dma_semaphore, #tpu.memory_space<semaphore_mem>>) src(%dma_wait3A_365 : memref<10000x128xf32, #tpu.memory_space<hbm>>) dst(%arg13 : memref<128x128xf32, #tpu.memory_space<vmem>>)
      %dma_start3A_366 = arith.constant 0 : i32
      %dma_start3A_367 = arith.constant 0 : i32
      %dma_start3A_368 = tpu.memref_slice %arg6[%dma_start3A_366, %dma_start3A_367] : memref<10240x128xf32, #tpu.memory_space<vmem_shared>> -> memref<10240x128xf32, #tpu.memory_space<vmem_shared>>
      tpu.enqueue_indirect_dma source(%arg13 : memref<128x128xf32, #tpu.memory_space<vmem>>) target(%dma_start3A_368 : memref<10240x128xf32, #tpu.memory_space<vmem_shared>>) offsets(%arg8 : memref<128xi32, #tpu.memory_space<vmem>>) semaphore(%arg17 : memref<!tpu.dma_semaphore, #tpu.memory_space<semaphore_mem>>) {add = true}
      %add3A_369 = arith.constant 2 : i32
      %add3A_370 = arith.addi %add3A_355, %add3A_369 : i32
      %lt3A_371 = arith.constant 79 : i32
      %lt3A_372 = arith.cmpi slt, %add3A_370, %lt3A_371 : i32
      %convert_element_type3A_373 = arith.extui %lt3A_372 : i1 to i32
      %cond3A_374 = arith.constant 0 : i32
      %cond3A_375 = arith.cmpi ne, %convert_element_type3A_373, %cond3A_374 : i32
      scf.if %cond3A_375 {
        %add3A_401 = arith.constant 2 : i32
        %add3A_402 = arith.addi %add3A_355, %add3A_401 : i32
        %mul3A_403 = arith.constant 128 : i32
        %mul3A_404 = arith.muli %add3A_402, %mul3A_403 : i32
        %add3A_405 = arith.addi %mul3A_4, %mul3A_404 : i32
        %dma_start3A_406 = tpu.memref_slice %arg3[%add3A_405] : memref<323584xi32, #tpu.memory_space<hbm>> -> memref<128xi32, #tpu.memory_space<hbm>>
        %dma_start3A_407 = tpu.memref_slice %arg3[%add3A_405] : memref<323584xi32, #tpu.memory_space<hbm>> -> memref<128xi32, #tpu.memory_space<hbm>>
        tpu.enqueue_dma source(%dma_start3A_407 : memref<128xi32, #tpu.memory_space<hbm>>) target(%arg7 : memref<128xi32, #tpu.memory_space<vmem>>) target_semaphore(%arg19 : memref<!tpu.dma_semaphore, #tpu.memory_space<semaphore_mem>>)
        %mul3A_408 = arith.constant 128 : i32
        %mul3A_409 = arith.muli %add3A_402, %mul3A_408 : i32
        %add3A_410 = arith.addi %mul3A_4, %mul3A_409 : i32
        %dma_start3A_411 = tpu.memref_slice %arg4[%add3A_410] : memref<323584xi32, #tpu.memory_space<hbm>> -> memref<128xi32, #tpu.memory_space<hbm>>
        %dma_start3A_412 = tpu.memref_slice %arg4[%add3A_410] : memref<323584xi32, #tpu.memory_space<hbm>> -> memref<128xi32, #tpu.memory_space<hbm>>
        tpu.enqueue_dma source(%dma_start3A_412 : memref<128xi32, #tpu.memory_space<hbm>>) target(%arg10 : memref<128xi32, #tpu.memory_space<vmem>>) target_semaphore(%arg19 : memref<!tpu.dma_semaphore, #tpu.memory_space<semaphore_mem>>)
      } else {
      }
      %mul3A_376 = arith.constant 6 : i32
      %mul3A_377 = arith.muli %scan3A_257, %mul3A_376 : i32
      %add3A_378 = arith.constant 5 : i32
      %add3A_379 = arith.addi %mul3A_377, %add3A_378 : i32
      %add3A_380 = arith.constant 1 : i32
      %add3A_381 = arith.addi %add3A_379, %add3A_380 : i32
      %lt3A_382 = arith.constant 79 : i32
      %lt3A_383 = arith.cmpi slt, %add3A_381, %lt3A_382 : i32
      %convert_element_type3A_384 = arith.extui %lt3A_383 : i1 to i32
      %cond3A_385 = arith.constant 0 : i32
      %cond3A_386 = arith.cmpi ne, %convert_element_type3A_384, %cond3A_385 : i32
      scf.if %cond3A_386 {
        %add3A_401 = arith.constant 1 : i32
        %add3A_402 = arith.addi %add3A_379, %add3A_401 : i32
        %mul3A_403 = arith.constant 128 : i32
        %mul3A_404 = arith.muli %add3A_402, %mul3A_403 : i32
        %add3A_405 = arith.addi %mul3A_4, %mul3A_404 : i32
        %dma_wait3A_406 = tpu.memref_slice %arg3[%add3A_405] : memref<323584xi32, #tpu.memory_space<hbm>> -> memref<128xi32, #tpu.memory_space<hbm>>
        %dma_wait3A_407 = tpu.memref_slice %arg3[%add3A_405] : memref<323584xi32, #tpu.memory_space<hbm>> -> memref<128xi32, #tpu.memory_space<hbm>>
        tpu.wait_dma2 semaphore(%arg19 : memref<!tpu.dma_semaphore, #tpu.memory_space<semaphore_mem>>) src(%dma_wait3A_407 : memref<128xi32, #tpu.memory_space<hbm>>) dst(%arg7 : memref<128xi32, #tpu.memory_space<vmem>>)
        %mul3A_408 = arith.constant 128 : i32
        %mul3A_409 = arith.muli %add3A_402, %mul3A_408 : i32
        %add3A_410 = arith.addi %mul3A_4, %mul3A_409 : i32
        %dma_wait3A_411 = tpu.memref_slice %arg4[%add3A_410] : memref<323584xi32, #tpu.memory_space<hbm>> -> memref<128xi32, #tpu.memory_space<hbm>>
        %dma_wait3A_412 = tpu.memref_slice %arg4[%add3A_410] : memref<323584xi32, #tpu.memory_space<hbm>> -> memref<128xi32, #tpu.memory_space<hbm>>
        tpu.wait_dma2 semaphore(%arg19 : memref<!tpu.dma_semaphore, #tpu.memory_space<semaphore_mem>>) src(%dma_wait3A_412 : memref<128xi32, #tpu.memory_space<hbm>>) dst(%arg10 : memref<128xi32, #tpu.memory_space<vmem>>)
        %ge3A = arith.constant 1 : i32
        %ge3A_413 = arith.cmpi sge, %add3A_379, %ge3A : i32
        %convert_element_type3A_414 = arith.extui %ge3A_413 : i1 to i32
        %cond3A_415 = arith.constant 0 : i32
        %cond3A_416 = arith.cmpi ne, %convert_element_type3A_414, %cond3A_415 : i32
        scf.if %cond3A_416 {
          %dma_wait3A_420 = arith.constant 0 : i32
          %dma_wait3A_421 = arith.constant 0 : i32
          %dma_wait3A_422 = tpu.memref_slice %arg6[%dma_wait3A_420, %dma_wait3A_421] : memref<10240x128xf32, #tpu.memory_space<vmem_shared>> -> memref<10240x128xf32, #tpu.memory_space<vmem_shared>>
          tpu.wait_indirect_dma semaphore(%arg17 : memref<!tpu.dma_semaphore, #tpu.memory_space<semaphore_mem>>) src(%arg13 : memref<128x128xf32, #tpu.memory_space<vmem>>) dst(%dma_wait3A_422 : memref<10240x128xf32, #tpu.memory_space<vmem_shared>>)
        } else {
        }
        %dma_start3A_417 = arith.constant 0 : i32
        %dma_start3A_418 = arith.constant 0 : i32
        %dma_start3A_419 = tpu.memref_slice %arg2[%dma_start3A_417, %dma_start3A_418] : memref<10000x128xf32, #tpu.memory_space<hbm>> -> memref<10000x128xf32, #tpu.memory_space<hbm>>
        tpu.enqueue_indirect_dma source(%dma_start3A_419 : memref<10000x128xf32, #tpu.memory_space<hbm>>) target(%arg13 : memref<128x128xf32, #tpu.memory_space<vmem>>) offsets(%arg10 : memref<128xi32, #tpu.memory_space<vmem>>) semaphore(%arg15 : memref<!tpu.dma_semaphore, #tpu.memory_space<semaphore_mem>>)
      } else {
      }
      %dma_wait3A_387 = arith.constant 0 : i32
      %dma_wait3A_388 = arith.constant 0 : i32
      %dma_wait3A_389 = tpu.memref_slice %arg2[%dma_wait3A_387, %dma_wait3A_388] : memref<10000x128xf32, #tpu.memory_space<hbm>> -> memref<10000x128xf32, #tpu.memory_space<hbm>>
      tpu.wait_indirect_dma semaphore(%arg16 : memref<!tpu.dma_semaphore, #tpu.memory_space<semaphore_mem>>) src(%dma_wait3A_389 : memref<10000x128xf32, #tpu.memory_space<hbm>>) dst(%arg14 : memref<128x128xf32, #tpu.memory_space<vmem>>)
      %dma_start3A_390 = arith.constant 0 : i32
      %dma_start3A_391 = arith.constant 0 : i32
      %dma_start3A_392 = tpu.memref_slice %arg6[%dma_start3A_390, %dma_start3A_391] : memref<10240x128xf32, #tpu.memory_space<vmem_shared>> -> memref<10240x128xf32, #tpu.memory_space<vmem_shared>>
      tpu.enqueue_indirect_dma source(%arg14 : memref<128x128xf32, #tpu.memory_space<vmem>>) target(%dma_start3A_392 : memref<10240x128xf32, #tpu.memory_space<vmem_shared>>) offsets(%arg9 : memref<128xi32, #tpu.memory_space<vmem>>) semaphore(%arg18 : memref<!tpu.dma_semaphore, #tpu.memory_space<semaphore_mem>>) {add = true}
      %add3A_393 = arith.constant 2 : i32
      %add3A_394 = arith.addi %add3A_379, %add3A_393 : i32
      %lt3A_395 = arith.constant 79 : i32
      %lt3A_396 = arith.cmpi slt, %add3A_394, %lt3A_395 : i32
      %convert_element_type3A_397 = arith.extui %lt3A_396 : i1 to i32
      %cond3A_398 = arith.constant 0 : i32
      %cond3A_399 = arith.cmpi ne, %convert_element_type3A_397, %cond3A_398 : i32
      scf.if %cond3A_399 {
        %add3A_401 = arith.constant 2 : i32
        %add3A_402 = arith.addi %add3A_379, %add3A_401 : i32
        %mul3A_403 = arith.constant 128 : i32
        %mul3A_404 = arith.muli %add3A_402, %mul3A_403 : i32
        %add3A_405 = arith.addi %mul3A_4, %mul3A_404 : i32
        %dma_start3A_406 = tpu.memref_slice %arg3[%add3A_405] : memref<323584xi32, #tpu.memory_space<hbm>> -> memref<128xi32, #tpu.memory_space<hbm>>
        %dma_start3A_407 = tpu.memref_slice %arg3[%add3A_405] : memref<323584xi32, #tpu.memory_space<hbm>> -> memref<128xi32, #tpu.memory_space<hbm>>
        tpu.enqueue_dma source(%dma_start3A_407 : memref<128xi32, #tpu.memory_space<hbm>>) target(%arg8 : memref<128xi32, #tpu.memory_space<vmem>>) target_semaphore(%arg20 : memref<!tpu.dma_semaphore, #tpu.memory_space<semaphore_mem>>)
        %mul3A_408 = arith.constant 128 : i32
        %mul3A_409 = arith.muli %add3A_402, %mul3A_408 : i32
        %add3A_410 = arith.addi %mul3A_4, %mul3A_409 : i32
        %dma_start3A_411 = tpu.memref_slice %arg4[%add3A_410] : memref<323584xi32, #tpu.memory_space<hbm>> -> memref<128xi32, #tpu.memory_space<hbm>>
        %dma_start3A_412 = tpu.memref_slice %arg4[%add3A_410] : memref<323584xi32, #tpu.memory_space<hbm>> -> memref<128xi32, #tpu.memory_space<hbm>>
        tpu.enqueue_dma source(%dma_start3A_412 : memref<128xi32, #tpu.memory_space<hbm>>) target(%arg11 : memref<128xi32, #tpu.memory_space<vmem>>) target_semaphore(%arg20 : memref<!tpu.dma_semaphore, #tpu.memory_space<semaphore_mem>>)
      } else {
      }
      %scan3A_400 = arith.constant 0 : i32
      scf.yield %scan3A_400 : i32
    }
    %scan3A_103 = arith.constant 13 : i32
    %dma_wait3A_104 = arith.constant 0 : i32
    %dma_wait3A_105 = arith.constant 0 : i32
    %dma_wait3A_106 = tpu.memref_slice %arg2[%dma_wait3A_104, %dma_wait3A_105] : memref<10000x128xf32, #tpu.memory_space<hbm>> -> memref<10000x128xf32, #tpu.memory_space<hbm>>
    tpu.wait_indirect_dma semaphore(%arg15 : memref<!tpu.dma_semaphore, #tpu.memory_space<semaphore_mem>>) src(%dma_wait3A_106 : memref<10000x128xf32, #tpu.memory_space<hbm>>) dst(%arg13 : memref<128x128xf32, #tpu.memory_space<vmem>>)
    %dma_start3A_107 = arith.constant 0 : i32
    %dma_start3A_108 = arith.constant 0 : i32
    %dma_start3A_109 = tpu.memref_slice %arg6[%dma_start3A_107, %dma_start3A_108] : memref<10240x128xf32, #tpu.memory_space<vmem_shared>> -> memref<10240x128xf32, #tpu.memory_space<vmem_shared>>
    tpu.enqueue_indirect_dma source(%arg13 : memref<128x128xf32, #tpu.memory_space<vmem>>) target(%dma_start3A_109 : memref<10240x128xf32, #tpu.memory_space<vmem_shared>>) offsets(%arg7 : memref<128xi32, #tpu.memory_space<vmem>>) semaphore(%arg17 : memref<!tpu.dma_semaphore, #tpu.memory_space<semaphore_mem>>) {add = true}
    %dma_wait3A_110 = arith.constant 0 : i32
    %dma_wait3A_111 = arith.constant 0 : i32
    %dma_wait3A_112 = tpu.memref_slice %arg6[%dma_wait3A_110, %dma_wait3A_111] : memref<10240x128xf32, #tpu.memory_space<vmem_shared>> -> memref<10240x128xf32, #tpu.memory_space<vmem_shared>>
    tpu.wait_indirect_dma semaphore(%arg18 : memref<!tpu.dma_semaphore, #tpu.memory_space<semaphore_mem>>) src(%arg14 : memref<128x128xf32, #tpu.memory_space<vmem>>) dst(%dma_wait3A_112 : memref<10240x128xf32, #tpu.memory_space<vmem_shared>>)
    %dma_wait3A_113 = arith.constant 0 : i32
    %dma_wait3A_114 = arith.constant 0 : i32
    %dma_wait3A_115 = tpu.memref_slice %arg6[%dma_wait3A_113, %dma_wait3A_114] : memref<10240x128xf32, #tpu.memory_space<vmem_shared>> -> memref<10240x128xf32, #tpu.memory_space<vmem_shared>>
    tpu.wait_indirect_dma semaphore(%arg17 : memref<!tpu.dma_semaphore, #tpu.memory_space<semaphore_mem>>) src(%arg13 : memref<128x128xf32, #tpu.memory_space<vmem>>) dst(%dma_wait3A_115 : memref<10240x128xf32, #tpu.memory_space<vmem_shared>>)
    %barrier3A_116 = arith.constant 0 : index
    tpu.barrier barrier_id(%barrier3A_116)
    %add3A_117 = arith.constant 0 : i32
    %add3A_118 = arith.addi %mul3A_2, %add3A_117 : i32
    %dma_start3A_119 = arith.constant 0 : i32
    %dma_start3A_120 = tpu.memref_slice %arg6[%add3A_118, %dma_start3A_119] : memref<10240x128xf32, #tpu.memory_space<vmem_shared>> -> memref<128x128xf32, #tpu.memory_space<vmem_shared>>
    %dma_start3A_121 = arith.constant 0 : i32
    %dma_start3A_122 = tpu.memref_slice %arg6[%add3A_118, %dma_start3A_121] : memref<10240x128xf32, #tpu.memory_space<vmem_shared>> -> memref<128x128xf32, #tpu.memory_space<vmem_shared>>
    tpu.enqueue_dma source(%dma_start3A_122 : memref<128x128xf32, #tpu.memory_space<vmem_shared>>) target(%arg13 : memref<128x128xf32, #tpu.memory_space<vmem>>) target_semaphore(%arg15 : memref<!tpu.dma_semaphore, #tpu.memory_space<semaphore_mem>>)
    %add3A_123 = arith.constant 128 : i32
    %add3A_124 = arith.addi %mul3A_2, %add3A_123 : i32
    %dma_start3A_125 = arith.constant 0 : i32
    %dma_start3A_126 = tpu.memref_slice %arg6[%add3A_124, %dma_start3A_125] : memref<10240x128xf32, #tpu.memory_space<vmem_shared>> -> memref<128x128xf32, #tpu.memory_space<vmem_shared>>
    %dma_start3A_127 = arith.constant 0 : i32
    %dma_start3A_128 = tpu.memref_slice %arg6[%add3A_124, %dma_start3A_127] : memref<10240x128xf32, #tpu.memory_space<vmem_shared>> -> memref<128x128xf32, #tpu.memory_space<vmem_shared>>
    tpu.enqueue_dma source(%dma_start3A_128 : memref<128x128xf32, #tpu.memory_space<vmem_shared>>) target(%arg14 : memref<128x128xf32, #tpu.memory_space<vmem>>) target_semaphore(%arg16 : memref<!tpu.dma_semaphore, #tpu.memory_space<semaphore_mem>>)
    %add3A_129 = arith.constant 0 : i32
    %add3A_130 = arith.addi %mul3A_2, %add3A_129 : i32
    %dma_wait3A_131 = arith.constant 0 : i32
    %dma_wait3A_132 = tpu.memref_slice %arg6[%add3A_130, %dma_wait3A_131] : memref<10240x128xf32, #tpu.memory_space<vmem_shared>> -> memref<128x128xf32, #tpu.memory_space<vmem_shared>>
    %dma_wait3A_133 = arith.constant 0 : i32
    %dma_wait3A_134 = tpu.memref_slice %arg6[%add3A_130, %dma_wait3A_133] : memref<10240x128xf32, #tpu.memory_space<vmem_shared>> -> memref<128x128xf32, #tpu.memory_space<vmem_shared>>
    tpu.wait_dma2 semaphore(%arg15 : memref<!tpu.dma_semaphore, #tpu.memory_space<semaphore_mem>>) src(%dma_wait3A_134 : memref<128x128xf32, #tpu.memory_space<vmem_shared>>) dst(%arg13 : memref<128x128xf32, #tpu.memory_space<vmem>>)
    %add3A_135 = arith.constant 0 : i32
    %add3A_136 = arith.addi %mul3A_2, %add3A_135 : i32
    %dma_start3A_137 = arith.constant 0 : i32
    %dma_start3A_138 = tpu.memref_slice %arg5[%arg0, %add3A_136, %dma_start3A_137] : memref<2x10240x128xf32, #tpu.memory_space<hbm>> -> memref<1x128x128xf32, #tpu.memory_space<hbm>>
    %dma_start3A_139 = tpu.memref_squeeze %dma_start3A_138 : memref<1x128x128xf32, #tpu.memory_space<hbm>> -> memref<128x128xf32, #tpu.memory_space<hbm>>
    %dma_start3A_140 = arith.constant 0 : i32
    %dma_start3A_141 = tpu.memref_slice %arg5[%arg0, %add3A_136, %dma_start3A_140] : memref<2x10240x128xf32, #tpu.memory_space<hbm>> -> memref<1x128x128xf32, #tpu.memory_space<hbm>>
    %dma_start3A_142 = tpu.memref_squeeze %dma_start3A_141 : memref<1x128x128xf32, #tpu.memory_space<hbm>> -> memref<128x128xf32, #tpu.memory_space<hbm>>
    tpu.enqueue_dma source(%arg13 : memref<128x128xf32, #tpu.memory_space<vmem>>) target(%dma_start3A_142 : memref<128x128xf32, #tpu.memory_space<hbm>>) target_semaphore(%arg17 : memref<!tpu.dma_semaphore, #tpu.memory_space<semaphore_mem>>)
    %add3A_143 = arith.constant 0 : i32
    %add3A_144 = arith.addi %mul3A_2, %add3A_143 : i32
    %dma_wait3A_145 = arith.constant 0 : i32
    %dma_wait3A_146 = tpu.memref_slice %arg5[%arg0, %add3A_144, %dma_wait3A_145] : memref<2x10240x128xf32, #tpu.memory_space<hbm>> -> memref<1x128x128xf32, #tpu.memory_space<hbm>>
    %dma_wait3A_147 = tpu.memref_squeeze %dma_wait3A_146 : memref<1x128x128xf32, #tpu.memory_space<hbm>> -> memref<128x128xf32, #tpu.memory_space<hbm>>
    %dma_wait3A_148 = arith.constant 0 : i32
    %dma_wait3A_149 = tpu.memref_slice %arg5[%arg0, %add3A_144, %dma_wait3A_148] : memref<2x10240x128xf32, #tpu.memory_space<hbm>> -> memref<1x128x128xf32, #tpu.memory_space<hbm>>
    %dma_wait3A_150 = tpu.memref_squeeze %dma_wait3A_149 : memref<1x128x128xf32, #tpu.memory_space<hbm>> -> memref<128x128xf32, #tpu.memory_space<hbm>>
    tpu.wait_dma2 semaphore(%arg17 : memref<!tpu.dma_semaphore, #tpu.memory_space<semaphore_mem>>) src(%arg13 : memref<128x128xf32, #tpu.memory_space<vmem>>) dst(%dma_wait3A_150 : memref<128x128xf32, #tpu.memory_space<hbm>>)
    %add3A_151 = arith.constant 256 : i32
    %add3A_152 = arith.addi %mul3A_2, %add3A_151 : i32
    %dma_start3A_153 = arith.constant 0 : i32
    %dma_start3A_154 = tpu.memref_slice %arg6[%add3A_152, %dma_start3A_153] : memref<10240x128xf32, #tpu.memory_space<vmem_shared>> -> memref<128x128xf32, #tpu.memory_space<vmem_shared>>
    %dma_start3A_155 = arith.constant 0 : i32
    %dma_start3A_156 = tpu.memref_slice %arg6[%add3A_152, %dma_start3A_155] : memref<10240x128xf32, #tpu.memory_space<vmem_shared>> -> memref<128x128xf32, #tpu.memory_space<vmem_shared>>
    tpu.enqueue_dma source(%dma_start3A_156 : memref<128x128xf32, #tpu.memory_space<vmem_shared>>) target(%arg13 : memref<128x128xf32, #tpu.memory_space<vmem>>) target_semaphore(%arg15 : memref<!tpu.dma_semaphore, #tpu.memory_space<semaphore_mem>>)
    %add3A_157 = arith.constant 128 : i32
    %add3A_158 = arith.addi %mul3A_2, %add3A_157 : i32
    %dma_wait3A_159 = arith.constant 0 : i32
    %dma_wait3A_160 = tpu.memref_slice %arg6[%add3A_158, %dma_wait3A_159] : memref<10240x128xf32, #tpu.memory_space<vmem_shared>> -> memref<128x128xf32, #tpu.memory_space<vmem_shared>>
    %dma_wait3A_161 = arith.constant 0 : i32
    %dma_wait3A_162 = tpu.memref_slice %arg6[%add3A_158, %dma_wait3A_161] : memref<10240x128xf32, #tpu.memory_space<vmem_shared>> -> memref<128x128xf32, #tpu.memory_space<vmem_shared>>
    tpu.wait_dma2 semaphore(%arg16 : memref<!tpu.dma_semaphore, #tpu.memory_space<semaphore_mem>>) src(%dma_wait3A_162 : memref<128x128xf32, #tpu.memory_space<vmem_shared>>) dst(%arg14 : memref<128x128xf32, #tpu.memory_space<vmem>>)
    %add3A_163 = arith.constant 128 : i32
    %add3A_164 = arith.addi %mul3A_2, %add3A_163 : i32
    %dma_start3A_165 = arith.constant 0 : i32
    %dma_start3A_166 = tpu.memref_slice %arg5[%arg0, %add3A_164, %dma_start3A_165] : memref<2x10240x128xf32, #tpu.memory_space<hbm>> -> memref<1x128x128xf32, #tpu.memory_space<hbm>>
    %dma_start3A_167 = tpu.memref_squeeze %dma_start3A_166 : memref<1x128x128xf32, #tpu.memory_space<hbm>> -> memref<128x128xf32, #tpu.memory_space<hbm>>
    %dma_start3A_168 = arith.constant 0 : i32
    %dma_start3A_169 = tpu.memref_slice %arg5[%arg0, %add3A_164, %dma_start3A_168] : memref<2x10240x128xf32, #tpu.memory_space<hbm>> -> memref<1x128x128xf32, #tpu.memory_space<hbm>>
    %dma_start3A_170 = tpu.memref_squeeze %dma_start3A_169 : memref<1x128x128xf32, #tpu.memory_space<hbm>> -> memref<128x128xf32, #tpu.memory_space<hbm>>
    tpu.enqueue_dma source(%arg14 : memref<128x128xf32, #tpu.memory_space<vmem>>) target(%dma_start3A_170 : memref<128x128xf32, #tpu.memory_space<hbm>>) target_semaphore(%arg18 : memref<!tpu.dma_semaphore, #tpu.memory_space<semaphore_mem>>)
    %add3A_171 = arith.constant 128 : i32
    %add3A_172 = arith.addi %mul3A_2, %add3A_171 : i32
    %dma_wait3A_173 = arith.constant 0 : i32
    %dma_wait3A_174 = tpu.memref_slice %arg5[%arg0, %add3A_172, %dma_wait3A_173] : memref<2x10240x128xf32, #tpu.memory_space<hbm>> -> memref<1x128x128xf32, #tpu.memory_space<hbm>>
    %dma_wait3A_175 = tpu.memref_squeeze %dma_wait3A_174 : memref<1x128x128xf32, #tpu.memory_space<hbm>> -> memref<128x128xf32, #tpu.memory_space<hbm>>
    %dma_wait3A_176 = arith.constant 0 : i32
    %dma_wait3A_177 = tpu.memref_slice %arg5[%arg0, %add3A_172, %dma_wait3A_176] : memref<2x10240x128xf32, #tpu.memory_space<hbm>> -> memref<1x128x128xf32, #tpu.memory_space<hbm>>
    %dma_wait3A_178 = tpu.memref_squeeze %dma_wait3A_177 : memref<1x128x128xf32, #tpu.memory_space<hbm>> -> memref<128x128xf32, #tpu.memory_space<hbm>>
    tpu.wait_dma2 semaphore(%arg18 : memref<!tpu.dma_semaphore, #tpu.memory_space<semaphore_mem>>) src(%arg14 : memref<128x128xf32, #tpu.memory_space<vmem>>) dst(%dma_wait3A_178 : memref<128x128xf32, #tpu.memory_space<hbm>>)
    %add3A_179 = arith.constant 384 : i32
    %add3A_180 = arith.addi %mul3A_2, %add3A_179 : i32
    %dma_start3A_181 = arith.constant 0 : i32
    %dma_start3A_182 = tpu.memref_slice %arg6[%add3A_180, %dma_start3A_181] : memref<10240x128xf32, #tpu.memory_space<vmem_shared>> -> memref<128x128xf32, #tpu.memory_space<vmem_shared>>
    %dma_start3A_183 = arith.constant 0 : i32
    %dma_start3A_184 = tpu.memref_slice %arg6[%add3A_180, %dma_start3A_183] : memref<10240x128xf32, #tpu.memory_space<vmem_shared>> -> memref<128x128xf32, #tpu.memory_space<vmem_shared>>
    tpu.enqueue_dma source(%dma_start3A_184 : memref<128x128xf32, #tpu.memory_space<vmem_shared>>) target(%arg14 : memref<128x128xf32, #tpu.memory_space<vmem>>) target_semaphore(%arg16 : memref<!tpu.dma_semaphore, #tpu.memory_space<semaphore_mem>>)
    %add3A_185 = arith.constant 256 : i32
    %add3A_186 = arith.addi %mul3A_2, %add3A_185 : i32
    %dma_wait3A_187 = arith.constant 0 : i32
    %dma_wait3A_188 = tpu.memref_slice %arg6[%add3A_186, %dma_wait3A_187] : memref<10240x128xf32, #tpu.memory_space<vmem_shared>> -> memref<128x128xf32, #tpu.memory_space<vmem_shared>>
    %dma_wait3A_189 = arith.constant 0 : i32
    %dma_wait3A_190 = tpu.memref_slice %arg6[%add3A_186, %dma_wait3A_189] : memref<10240x128xf32, #tpu.memory_space<vmem_shared>> -> memref<128x128xf32, #tpu.memory_space<vmem_shared>>
    tpu.wait_dma2 semaphore(%arg15 : memref<!tpu.dma_semaphore, #tpu.memory_space<semaphore_mem>>) src(%dma_wait3A_190 : memref<128x128xf32, #tpu.memory_space<vmem_shared>>) dst(%arg13 : memref<128x128xf32, #tpu.memory_space<vmem>>)
    %add3A_191 = arith.constant 256 : i32
    %add3A_192 = arith.addi %mul3A_2, %add3A_191 : i32
    %dma_start3A_193 = arith.constant 0 : i32
    %dma_start3A_194 = tpu.memref_slice %arg5[%arg0, %add3A_192, %dma_start3A_193] : memref<2x10240x128xf32, #tpu.memory_space<hbm>> -> memref<1x128x128xf32, #tpu.memory_space<hbm>>
    %dma_start3A_195 = tpu.memref_squeeze %dma_start3A_194 : memref<1x128x128xf32, #tpu.memory_space<hbm>> -> memref<128x128xf32, #tpu.memory_space<hbm>>
    %dma_start3A_196 = arith.constant 0 : i32
    %dma_start3A_197 = tpu.memref_slice %arg5[%arg0, %add3A_192, %dma_start3A_196] : memref<2x10240x128xf32, #tpu.memory_space<hbm>> -> memref<1x128x128xf32, #tpu.memory_space<hbm>>
    %dma_start3A_198 = tpu.memref_squeeze %dma_start3A_197 : memref<1x128x128xf32, #tpu.memory_space<hbm>> -> memref<128x128xf32, #tpu.memory_space<hbm>>
    tpu.enqueue_dma source(%arg13 : memref<128x128xf32, #tpu.memory_space<vmem>>) target(%dma_start3A_198 : memref<128x128xf32, #tpu.memory_space<hbm>>) target_semaphore(%arg17 : memref<!tpu.dma_semaphore, #tpu.memory_space<semaphore_mem>>)
    %add3A_199 = arith.constant 256 : i32
    %add3A_200 = arith.addi %mul3A_2, %add3A_199 : i32
    %dma_wait3A_201 = arith.constant 0 : i32
    %dma_wait3A_202 = tpu.memref_slice %arg5[%arg0, %add3A_200, %dma_wait3A_201] : memref<2x10240x128xf32, #tpu.memory_space<hbm>> -> memref<1x128x128xf32, #tpu.memory_space<hbm>>
    %dma_wait3A_203 = tpu.memref_squeeze %dma_wait3A_202 : memref<1x128x128xf32, #tpu.memory_space<hbm>> -> memref<128x128xf32, #tpu.memory_space<hbm>>
    %dma_wait3A_204 = arith.constant 0 : i32
    %dma_wait3A_205 = tpu.memref_slice %arg5[%arg0, %add3A_200, %dma_wait3A_204] : memref<2x10240x128xf32, #tpu.memory_space<hbm>> -> memref<1x128x128xf32, #tpu.memory_space<hbm>>
    %dma_wait3A_206 = tpu.memref_squeeze %dma_wait3A_205 : memref<1x128x128xf32, #tpu.memory_space<hbm>> -> memref<128x128xf32, #tpu.memory_space<hbm>>
    tpu.wait_dma2 semaphore(%arg17 : memref<!tpu.dma_semaphore, #tpu.memory_space<semaphore_mem>>) src(%arg13 : memref<128x128xf32, #tpu.memory_space<vmem>>) dst(%dma_wait3A_206 : memref<128x128xf32, #tpu.memory_space<hbm>>)
    %add3A_207 = arith.constant 512 : i32
    %add3A_208 = arith.addi %mul3A_2, %add3A_207 : i32
    %dma_start3A_209 = arith.constant 0 : i32
    %dma_start3A_210 = tpu.memref_slice %arg6[%add3A_208, %dma_start3A_209] : memref<10240x128xf32, #tpu.memory_space<vmem_shared>> -> memref<128x128xf32, #tpu.memory_space<vmem_shared>>
    %dma_start3A_211 = arith.constant 0 : i32
    %dma_start3A_212 = tpu.memref_slice %arg6[%add3A_208, %dma_start3A_211] : memref<10240x128xf32, #tpu.memory_space<vmem_shared>> -> memref<128x128xf32, #tpu.memory_space<vmem_shared>>
    tpu.enqueue_dma source(%dma_start3A_212 : memref<128x128xf32, #tpu.memory_space<vmem_shared>>) target(%arg13 : memref<128x128xf32, #tpu.memory_space<vmem>>) target_semaphore(%arg15 : memref<!tpu.dma_semaphore, #tpu.memory_space<semaphore_mem>>)
    %add3A_213 = arith.constant 384 : i32
    %add3A_214 = arith.addi %mul3A_2, %add3A_213 : i32
    %dma_wait3A_215 = arith.constant 0 : i32
    %dma_wait3A_216 = tpu.memref_slice %arg6[%add3A_214, %dma_wait3A_215] : memref<10240x128xf32, #tpu.memory_space<vmem_shared>> -> memref<128x128xf32, #tpu.memory_space<vmem_shared>>
    %dma_wait3A_217 = arith.constant 0 : i32
    %dma_wait3A_218 = tpu.memref_slice %arg6[%add3A_214, %dma_wait3A_217] : memref<10240x128xf32, #tpu.memory_space<vmem_shared>> -> memref<128x128xf32, #tpu.memory_space<vmem_shared>>
    tpu.wait_dma2 semaphore(%arg16 : memref<!tpu.dma_semaphore, #tpu.memory_space<semaphore_mem>>) src(%dma_wait3A_218 : memref<128x128xf32, #tpu.memory_space<vmem_shared>>) dst(%arg14 : memref<128x128xf32, #tpu.memory_space<vmem>>)
    %add3A_219 = arith.constant 384 : i32
    %add3A_220 = arith.addi %mul3A_2, %add3A_219 : i32
    %dma_start3A_221 = arith.constant 0 : i32
    %dma_start3A_222 = tpu.memref_slice %arg5[%arg0, %add3A_220, %dma_start3A_221] : memref<2x10240x128xf32, #tpu.memory_space<hbm>> -> memref<1x128x128xf32, #tpu.memory_space<hbm>>
    %dma_start3A_223 = tpu.memref_squeeze %dma_start3A_222 : memref<1x128x128xf32, #tpu.memory_space<hbm>> -> memref<128x128xf32, #tpu.memory_space<hbm>>
    %dma_start3A_224 = arith.constant 0 : i32
    %dma_start3A_225 = tpu.memref_slice %arg5[%arg0, %add3A_220, %dma_start3A_224] : memref<2x10240x128xf32, #tpu.memory_space<hbm>> -> memref<1x128x128xf32, #tpu.memory_space<hbm>>
    %dma_start3A_226 = tpu.memref_squeeze %dma_start3A_225 : memref<1x128x128xf32, #tpu.memory_space<hbm>> -> memref<128x128xf32, #tpu.memory_space<hbm>>
    tpu.enqueue_dma source(%arg14 : memref<128x128xf32, #tpu.memory_space<vmem>>) target(%dma_start3A_226 : memref<128x128xf32, #tpu.memory_space<hbm>>) target_semaphore(%arg18 : memref<!tpu.dma_semaphore, #tpu.memory_space<semaphore_mem>>)
    %add3A_227 = arith.constant 512 : i32
    %add3A_228 = arith.addi %mul3A_2, %add3A_227 : i32
    %dma_wait3A_229 = arith.constant 0 : i32
    %dma_wait3A_230 = tpu.memref_slice %arg6[%add3A_228, %dma_wait3A_229] : memref<10240x128xf32, #tpu.memory_space<vmem_shared>> -> memref<128x128xf32, #tpu.memory_space<vmem_shared>>
    %dma_wait3A_231 = arith.constant 0 : i32
    %dma_wait3A_232 = tpu.memref_slice %arg6[%add3A_228, %dma_wait3A_231] : memref<10240x128xf32, #tpu.memory_space<vmem_shared>> -> memref<128x128xf32, #tpu.memory_space<vmem_shared>>
    tpu.wait_dma2 semaphore(%arg15 : memref<!tpu.dma_semaphore, #tpu.memory_space<semaphore_mem>>) src(%dma_wait3A_232 : memref<128x128xf32, #tpu.memory_space<vmem_shared>>) dst(%arg13 : memref<128x128xf32, #tpu.memory_space<vmem>>)
    %add3A_233 = arith.constant 512 : i32
    %add3A_234 = arith.addi %mul3A_2, %add3A_233 : i32
    %dma_start3A_235 = arith.constant 0 : i32
    %dma_start3A_236 = tpu.memref_slice %arg5[%arg0, %add3A_234, %dma_start3A_235] : memref<2x10240x128xf32, #tpu.memory_space<hbm>> -> memref<1x128x128xf32, #tpu.memory_space<hbm>>
    %dma_start3A_237 = tpu.memref_squeeze %dma_start3A_236 : memref<1x128x128xf32, #tpu.memory_space<hbm>> -> memref<128x128xf32, #tpu.memory_space<hbm>>
    %dma_start3A_238 = arith.constant 0 : i32
    %dma_start3A_239 = tpu.memref_slice %arg5[%arg0, %add3A_234, %dma_start3A_238] : memref<2x10240x128xf32, #tpu.memory_space<hbm>> -> memref<1x128x128xf32, #tpu.memory_space<hbm>>
    %dma_start3A_240 = tpu.memref_squeeze %dma_start3A_239 : memref<1x128x128xf32, #tpu.memory_space<hbm>> -> memref<128x128xf32, #tpu.memory_space<hbm>>
    tpu.enqueue_dma source(%arg13 : memref<128x128xf32, #tpu.memory_space<vmem>>) target(%dma_start3A_240 : memref<128x128xf32, #tpu.memory_space<hbm>>) target_semaphore(%arg17 : memref<!tpu.dma_semaphore, #tpu.memory_space<semaphore_mem>>)
    %add3A_241 = arith.constant 384 : i32
    %add3A_242 = arith.addi %mul3A_2, %add3A_241 : i32
    %dma_wait3A_243 = arith.constant 0 : i32
    %dma_wait3A_244 = tpu.memref_slice %arg5[%arg0, %add3A_242, %dma_wait3A_243] : memref<2x10240x128xf32, #tpu.memory_space<hbm>> -> memref<1x128x128xf32, #tpu.memory_space<hbm>>
    %dma_wait3A_245 = tpu.memref_squeeze %dma_wait3A_244 : memref<1x128x128xf32, #tpu.memory_space<hbm>> -> memref<128x128xf32, #tpu.memory_space<hbm>>
    %dma_wait3A_246 = arith.constant 0 : i32
    %dma_wait3A_247 = tpu.memref_slice %arg5[%arg0, %add3A_242, %dma_wait3A_246] : memref<2x10240x128xf32, #tpu.memory_space<hbm>> -> memref<1x128x128xf32, #tpu.memory_space<hbm>>
    %dma_wait3A_248 = tpu.memref_squeeze %dma_wait3A_247 : memref<1x128x128xf32, #tpu.memory_space<hbm>> -> memref<128x128xf32, #tpu.memory_space<hbm>>
    tpu.wait_dma2 semaphore(%arg18 : memref<!tpu.dma_semaphore, #tpu.memory_space<semaphore_mem>>) src(%arg14 : memref<128x128xf32, #tpu.memory_space<vmem>>) dst(%dma_wait3A_248 : memref<128x128xf32, #tpu.memory_space<hbm>>)
    %add3A_249 = arith.constant 512 : i32
    %add3A_250 = arith.addi %mul3A_2, %add3A_249 : i32
    %dma_wait3A_251 = arith.constant 0 : i32
    %dma_wait3A_252 = tpu.memref_slice %arg5[%arg0, %add3A_250, %dma_wait3A_251] : memref<2x10240x128xf32, #tpu.memory_space<hbm>> -> memref<1x128x128xf32, #tpu.memory_space<hbm>>
    %dma_wait3A_253 = tpu.memref_squeeze %dma_wait3A_252 : memref<1x128x128xf32, #tpu.memory_space<hbm>> -> memref<128x128xf32, #tpu.memory_space<hbm>>
    %dma_wait3A_254 = arith.constant 0 : i32
    %dma_wait3A_255 = tpu.memref_slice %arg5[%arg0, %add3A_250, %dma_wait3A_254] : memref<2x10240x128xf32, #tpu.memory_space<hbm>> -> memref<1x128x128xf32, #tpu.memory_space<hbm>>
    %dma_wait3A_256 = tpu.memref_squeeze %dma_wait3A_255 : memref<1x128x128xf32, #tpu.memory_space<hbm>> -> memref<128x128xf32, #tpu.memory_space<hbm>>
    tpu.wait_dma2 semaphore(%arg17 : memref<!tpu.dma_semaphore, #tpu.memory_space<semaphore_mem>>) src(%arg13 : memref<128x128xf32, #tpu.memory_space<vmem>>) dst(%dma_wait3A_256 : memref<128x128xf32, #tpu.memory_space<hbm>>)
    return
  }
}

#map = affine_map<(d0, d1) -> (0, 0)>
#map1 = affine_map<(d0, d1) -> (0)>
#map2 = affine_map<(d0, d1) -> (0, 0, 0)>
module attributes {stable_mosaic.version = 14 : i64} {
  func.func @scatter_kernel(%arg0: i32, %arg1: i32, %arg2: memref<10000x128xf32, #tpu.memory_space<hbm>>, %arg3: memref<323584xi32, #tpu.memory_space<hbm>>, %arg4: memref<323584xi32, #tpu.memory_space<hbm>>, %arg5: memref<2x10240x128xf32, #tpu.memory_space<hbm>>, %arg6: memref<10240x128xf32, #tpu.memory_space<vmem_shared>>, %arg7: memref<128xi32, #tpu.memory_space<vmem>>, %arg8: memref<128xi32, #tpu.memory_space<vmem>>, %arg9: memref<128xi32, #tpu.memory_space<vmem>>, %arg10: memref<128xi32, #tpu.memory_space<vmem>>, %arg11: memref<128xi32, #tpu.memory_space<vmem>>, %arg12: memref<128xi32, #tpu.memory_space<vmem>>, %arg13: memref<128x128xf32, #tpu.memory_space<vmem>>, %arg14: memref<128x128xf32, #tpu.memory_space<vmem>>, %arg15: memref<!tpu.dma_semaphore, #tpu.memory_space<semaphore_mem>>, %arg16: memref<!tpu.dma_semaphore, #tpu.memory_space<semaphore_mem>>, %arg17: memref<!tpu.dma_semaphore, #tpu.memory_space<semaphore_mem>>, %arg18: memref<!tpu.dma_semaphore, #tpu.memory_space<semaphore_mem>>, %arg19: memref<!tpu.dma_semaphore, #tpu.memory_space<semaphore_mem>>, %arg20: memref<!tpu.dma_semaphore, #tpu.memory_space<semaphore_mem>>, %arg21: memref<!tpu.dma_semaphore, #tpu.memory_space<semaphore_mem>>) attributes {dimension_semantics = [#tpu.dimension_semantics<core_parallel>, #tpu.dimension_semantics<subcore_parallel>], iteration_bounds = array<i64: 2, 16>, scalar_prefetch = 0 : i64, scratch_operands = 16 : i64, tpu.core_type = #tpu.core_type<sc_vector_subcore>, window_params = [{transform_indices = #map}, {transform_indices = #map1}, {transform_indices = #map1}, {transform_indices = #map2}]} {
    %mul3A = arith.constant 16 : i32
    %mul3A_0 = arith.muli %arg0, %mul3A : i32
    %add3A = arith.addi %mul3A_0, %arg1 : i32
    %mul3A_1 = arith.constant 640 : i32
    %mul3A_2 = arith.muli %arg1, %mul3A_1 : i32
    %mul3A_3 = arith.constant 10112 : i32
    %mul3A_4 = arith.muli %add3A, %mul3A_3 : i32
    %broadcast_in_dim3A = arith.constant 0.000000e+00 : f32
    %broadcast_in_dim3A_5 = vector.broadcast %broadcast_in_dim3A : f32 to vector<16xf32>
    %scan3A = arith.constant 0 : i32
    %scan3A_6 = arith.constant 0 : i32
    %scan3A_7 = arith.constant 1024 : i32
    %scan3A_8 = arith.addi %scan3A_6, %scan3A_7 : i32
    %scan3A_9 = arith.constant 1 : i32
    %scan3A_10 = scf.for %scan3A_257 = %scan3A_6 to %scan3A_8 step %scan3A_9 iter_args(%scan3A_258 = %scan3A) -> (i32)  : i32 {
      %jit3A = arith.constant 8 : i32
      %div3A = arith.divsi %scan3A_257, %jit3A : i32
      %sign3A = arith.constant 0 : i32
      %sign3A_259 = arith.cmpi sgt, %scan3A_257, %sign3A : i32
      %sign3A_260 = arith.extui %sign3A_259 : i1 to i32
      %sign3A_261 = arith.constant 0 : i32
      %sign3A_262 = arith.cmpi slt, %scan3A_257, %sign3A_261 : i32
      %sign3A_263 = arith.extui %sign3A_262 : i1 to i32
      %sign3A_264 = arith.subi %sign3A_260, %sign3A_263 : i32
      %sign3A_265 = arith.constant 0 : i32
      %sign3A_266 = arith.cmpi sgt, %jit3A, %sign3A_265 : i32
      %sign3A_267 = arith.extui %sign3A_266 : i1 to i32
      %sign3A_268 = arith.constant 0 : i32
      %sign3A_269 = arith.cmpi slt, %jit3A, %sign3A_268 : i32
      %sign3A_270 = arith.extui %sign3A_269 : i1 to i32
      %sign3A_271 = arith.subi %sign3A_267, %sign3A_270 : i32
      %ne3A = arith.cmpi ne, %sign3A_264, %sign3A_271 : i32
      %rem3A = arith.remsi %scan3A_257, %jit3A : i32
      %ne3A_272 = arith.constant 0 : i32
      %ne3A_273 = arith.cmpi ne, %rem3A, %ne3A_272 : i32
      %and3A = arith.andi %ne3A, %ne3A_273 : i1
      %sub3A = arith.constant 1 : i32
      %sub3A_274 = arith.subi %div3A, %sub3A : i32
      %select_n3A = arith.select %and3A, %sub3A_274, %div3A : i32
      %jit3A_275 = arith.constant 8 : i32
      %eq3A = arith.constant 0 : i32
      %eq3A_276 = arith.cmpi eq, %jit3A_275, %eq3A : i32
      %jit3A_277 = arith.constant 1 : i32
      %select_n3A_278 = arith.select %eq3A_276, %jit3A_277, %jit3A_275 : i32
      %rem3A_279 = arith.remsi %scan3A_257, %select_n3A_278 : i32
      %ne3A_280 = arith.constant 0 : i32
      %ne3A_281 = arith.cmpi ne, %rem3A_279, %ne3A_280 : i32
      %lt3A = arith.constant 0 : i32
      %lt3A_282 = arith.cmpi slt, %rem3A_279, %lt3A : i32
      %lt3A_283 = arith.constant 0 : i32
      %lt3A_284 = arith.cmpi slt, %select_n3A_278, %lt3A_283 : i32
      %ne3A_285 = arith.xori %lt3A_282, %lt3A_284 : i1
      %and3A_286 = arith.andi %ne3A_285, %ne3A_281 : i1
      %add3A_287 = arith.addi %rem3A_279, %select_n3A_278 : i32
      %select_n3A_288 = arith.select %and3A_286, %add3A_287, %rem3A_279 : i32
      %mul3A_289 = arith.constant 16 : i32
      %mul3A_290 = arith.muli %select_n3A_288, %mul3A_289 : i32
      %swap3A = arith.index_cast %select_n3A : i32 to index
      %swap3A_291 = arith.index_cast %mul3A_290 : i32 to index
      %swap3A_292 = tpu.vector_load %arg13[%swap3A, %swap3A_291] {strides = array<i32>} : memref<128x128xf32, #tpu.memory_space<vmem>>, vector<1x16xf32>,
      %swap3A_293 = vector.shape_cast %swap3A_292 : vector<1x16xf32> to vector<16xf32>
      %swap3A_294 = vector.shape_cast %broadcast_in_dim3A_5 : vector<16xf32> to vector<1x16xf32>
      tpu.vector_store %arg13[%swap3A, %swap3A_291], %swap3A_294 {strides = array<i32>} : memref<128x128xf32, #tpu.memory_space<vmem>>, vector<1x16xf32>,
      %scan3A_295 = arith.constant 0 : i32
      scf.yield %scan3A_295 : i32
    }
    %scan3A_11 = arith.constant 1024 : i32
    %add3A_12 = arith.constant 0 : i32
    %add3A_13 = arith.addi %mul3A_2, %add3A_12 : i32
    %dma_start3A = arith.constant 0 : i32
    %dma_start3A_14 = tpu.memref_slice %arg6[%add3A_13, %dma_start3A] : memref<10240x128xf32, #tpu.memory_space<vmem_shared>> -> memref<128x128xf32, #tpu.memory_space<vmem_shared>>
    %dma_start3A_15 = arith.constant 0 : i32
    %dma_start3A_16 = tpu.memref_slice %arg6[%add3A_13, %dma_start3A_15] : memref<10240x128xf32, #tpu.memory_space<vmem_shared>> -> memref<128x128xf32, #tpu.memory_space<vmem_shared>>
    tpu.enqueue_dma source(%arg13 : memref<128x128xf32, #tpu.memory_space<vmem>>) target(%dma_start3A_16 : memref<128x128xf32, #tpu.memory_space<vmem_shared>>) target_semaphore(%arg17 : memref<!tpu.dma_semaphore, #tpu.memory_space<semaphore_mem>>)
    %add3A_17 = arith.constant 128 : i32
    %add3A_18 = arith.addi %mul3A_2, %add3A_17 : i32
    %dma_start3A_19 = arith.constant 0 : i32
    %dma_start3A_20 = tpu.memref_slice %arg6[%add3A_18, %dma_start3A_19] : memref<10240x128xf32, #tpu.memory_space<vmem_shared>> -> memref<128x128xf32, #tpu.memory_space<vmem_shared>>
    %dma_start3A_21 = arith.constant 0 : i32
    %dma_start3A_22 = tpu.memref_slice %arg6[%add3A_18, %dma_start3A_21] : memref<10240x128xf32, #tpu.memory_space<vmem_shared>> -> memref<128x128xf32, #tpu.memory_space<vmem_shared>>
    tpu.enqueue_dma source(%arg13 : memref<128x128xf32, #tpu.memory_space<vmem>>) target(%dma_start3A_22 : memref<128x128xf32, #tpu.memory_space<vmem_shared>>) target_semaphore(%arg17 : memref<!tpu.dma_semaphore, #tpu.memory_space<semaphore_mem>>)
    %add3A_23 = arith.constant 256 : i32
    %add3A_24 = arith.addi %mul3A_2, %add3A_23 : i32
    %dma_start3A_25 = arith.constant 0 : i32
    %dma_start3A_26 = tpu.memref_slice %arg6[%add3A_24, %dma_start3A_25] : memref<10240x128xf32, #tpu.memory_space<vmem_shared>> -> memref<128x128xf32, #tpu.memory_space<vmem_shared>>
    %dma_start3A_27 = arith.constant 0 : i32
    %dma_start3A_28 = tpu.memref_slice %arg6[%add3A_24, %dma_start3A_27] : memref<10240x128xf32, #tpu.memory_space<vmem_shared>> -> memref<128x128xf32, #tpu.memory_space<vmem_shared>>
    tpu.enqueue_dma source(%arg13 : memref<128x128xf32, #tpu.memory_space<vmem>>) target(%dma_start3A_28 : memref<128x128xf32, #tpu.memory_space<vmem_shared>>) target_semaphore(%arg17 : memref<!tpu.dma_semaphore, #tpu.memory_space<semaphore_mem>>)
    %add3A_29 = arith.constant 384 : i32
    %add3A_30 = arith.addi %mul3A_2, %add3A_29 : i32
    %dma_start3A_31 = arith.constant 0 : i32
    %dma_start3A_32 = tpu.memref_slice %arg6[%add3A_30, %dma_start3A_31] : memref<10240x128xf32, #tpu.memory_space<vmem_shared>> -> memref<128x128xf32, #tpu.memory_space<vmem_shared>>
    %dma_start3A_33 = arith.constant 0 : i32
    %dma_start3A_34 = tpu.memref_slice %arg6[%add3A_30, %dma_start3A_33] : memref<10240x128xf32, #tpu.memory_space<vmem_shared>> -> memref<128x128xf32, #tpu.memory_space<vmem_shared>>
    tpu.enqueue_dma source(%arg13 : memref<128x128xf32, #tpu.memory_space<vmem>>) target(%dma_start3A_34 : memref<128x128xf32, #tpu.memory_space<vmem_shared>>) target_semaphore(%arg17 : memref<!tpu.dma_semaphore, #tpu.memory_space<semaphore_mem>>)
    %add3A_35 = arith.constant 512 : i32
    %add3A_36 = arith.addi %mul3A_2, %add3A_35 : i32
    %dma_start3A_37 = arith.constant 0 : i32
    %dma_start3A_38 = tpu.memref_slice %arg6[%add3A_36, %dma_start3A_37] : memref<10240x128xf32, #tpu.memory_space<vmem_shared>> -> memref<128x128xf32, #tpu.memory_space<vmem_shared>>
    %dma_start3A_39 = arith.constant 0 : i32
    %dma_start3A_40 = tpu.memref_slice %arg6[%add3A_36, %dma_start3A_39] : memref<10240x128xf32, #tpu.memory_space<vmem_shared>> -> memref<128x128xf32, #tpu.memory_space<vmem_shared>>
    tpu.enqueue_dma source(%arg13 : memref<128x128xf32, #tpu.memory_space<vmem>>) target(%dma_start3A_40 : memref<128x128xf32, #tpu.memory_space<vmem_shared>>) target_semaphore(%arg17 : memref<!tpu.dma_semaphore, #tpu.memory_space<semaphore_mem>>)
    %add3A_41 = arith.constant 0 : i32
    %add3A_42 = arith.addi %mul3A_2, %add3A_41 : i32
    %dma_wait3A = arith.constant 0 : i32
    %dma_wait3A_43 = tpu.memref_slice %arg6[%add3A_42, %dma_wait3A] : memref<10240x128xf32, #tpu.memory_space<vmem_shared>> -> memref<128x128xf32, #tpu.memory_space<vmem_shared>>
    %dma_wait3A_44 = arith.constant 0 : i32
    %dma_wait3A_45 = tpu.memref_slice %arg6[%add3A_42, %dma_wait3A_44] : memref<10240x128xf32, #tpu.memory_space<vmem_shared>> -> memref<128x128xf32, #tpu.memory_space<vmem_shared>>
    tpu.wait_dma2 semaphore(%arg17 : memref<!tpu.dma_semaphore, #tpu.memory_space<semaphore_mem>>) src(%arg13 : memref<128x128xf32, #tpu.memory_space<vmem>>) dst(%dma_wait3A_45 : memref<128x128xf32, #tpu.memory_space<vmem_shared>>)
    %add3A_46 = arith.constant 128 : i32
    %add3A_47 = arith.addi %mul3A_2, %add3A_46 : i32
    %dma_wait3A_48 = arith.constant 0 : i32
    %dma_wait3A_49 = tpu.memref_slice %arg6[%add3A_47, %dma_wait3A_48] : memref<10240x128xf32, #tpu.memory_space<vmem_shared>> -> memref<128x128xf32, #tpu.memory_space<vmem_shared>>
    %dma_wait3A_50 = arith.constant 0 : i32
    %dma_wait3A_51 = tpu.memref_slice %arg6[%add3A_47, %dma_wait3A_50] : memref<10240x128xf32, #tpu.memory_space<vmem_shared>> -> memref<128x128xf32, #tpu.memory_space<vmem_shared>>
    tpu.wait_dma2 semaphore(%arg17 : memref<!tpu.dma_semaphore, #tpu.memory_space<semaphore_mem>>) src(%arg13 : memref<128x128xf32, #tpu.memory_space<vmem>>) dst(%dma_wait3A_51 : memref<128x128xf32, #tpu.memory_space<vmem_shared>>)
    %add3A_52 = arith.constant 256 : i32
    %add3A_53 = arith.addi %mul3A_2, %add3A_52 : i32
    %dma_wait3A_54 = arith.constant 0 : i32
    %dma_wait3A_55 = tpu.memref_slice %arg6[%add3A_53, %dma_wait3A_54] : memref<10240x128xf32, #tpu.memory_space<vmem_shared>> -> memref<128x128xf32, #tpu.memory_space<vmem_shared>>
    %dma_wait3A_56 = arith.constant 0 : i32
    %dma_wait3A_57 = tpu.memref_slice %arg6[%add3A_53, %dma_wait3A_56] : memref<10240x128xf32, #tpu.memory_space<vmem_shared>> -> memref<128x128xf32, #tpu.memory_space<vmem_shared>>
    tpu.wait_dma2 semaphore(%arg17 : memref<!tpu.dma_semaphore, #tpu.memory_space<semaphore_mem>>) src(%arg13 : memref<128x128xf32, #tpu.memory_space<vmem>>) dst(%dma_wait3A_57 : memref<128x128xf32, #tpu.memory_space<vmem_shared>>)
    %add3A_58 = arith.constant 384 : i32
    %add3A_59 = arith.addi %mul3A_2, %add3A_58 : i32
    %dma_wait3A_60 = arith.constant 0 : i32
    %dma_wait3A_61 = tpu.memref_slice %arg6[%add3A_59, %dma_wait3A_60] : memref<10240x128xf32, #tpu.memory_space<vmem_shared>> -> memref<128x128xf32, #tpu.memory_space<vmem_shared>>
    %dma_wait3A_62 = arith.constant 0 : i32
    %dma_wait3A_63 = tpu.memref_slice %arg6[%add3A_59, %dma_wait3A_62] : memref<10240x128xf32, #tpu.memory_space<vmem_shared>> -> memref<128x128xf32, #tpu.memory_space<vmem_shared>>
    tpu.wait_dma2 semaphore(%arg17 : memref<!tpu.dma_semaphore, #tpu.memory_space<semaphore_mem>>) src(%arg13 : memref<128x128xf32, #tpu.memory_space<vmem>>) dst(%dma_wait3A_63 : memref<128x128xf32, #tpu.memory_space<vmem_shared>>)
    %add3A_64 = arith.constant 512 : i32
    %add3A_65 = arith.addi %mul3A_2, %add3A_64 : i32
    %dma_wait3A_66 = arith.constant 0 : i32
    %dma_wait3A_67 = tpu.memref_slice %arg6[%add3A_65, %dma_wait3A_66] : memref<10240x128xf32, #tpu.memory_space<vmem_shared>> -> memref<128x128xf32, #tpu.memory_space<vmem_shared>>
    %dma_wait3A_68 = arith.constant 0 : i32
    %dma_wait3A_69 = tpu.memref_slice %arg6[%add3A_65, %dma_wait3A_68] : memref<10240x128xf32, #tpu.memory_space<vmem_shared>> -> memref<128x128xf32, #tpu.memory_space<vmem_shared>>
    tpu.wait_dma2 semaphore(%arg17 : memref<!tpu.dma_semaphore, #tpu.memory_space<semaphore_mem>>) src(%arg13 : memref<128x128xf32, #tpu.memory_space<vmem>>) dst(%dma_wait3A_69 : memref<128x128xf32, #tpu.memory_space<vmem_shared>>)
    %barrier3A = arith.constant 0 : index
    tpu.barrier barrier_id(%barrier3A)
    %add3A_70 = arith.constant 0 : i32
    %add3A_71 = arith.addi %mul3A_4, %add3A_70 : i32
    %dma_start3A_72 = tpu.memref_slice %arg3[%add3A_71] : memref<323584xi32, #tpu.memory_space<hbm>> -> memref<128xi32, #tpu.memory_space<hbm>>
    %dma_start3A_73 = tpu.memref_slice %arg3[%add3A_71] : memref<323584xi32, #tpu.memory_space<hbm>> -> memref<128xi32, #tpu.memory_space<hbm>>
    tpu.enqueue_dma source(%dma_start3A_73 : memref<128xi32, #tpu.memory_space<hbm>>) target(%arg7 : memref<128xi32, #tpu.memory_space<vmem>>) target_semaphore(%arg19 : memref<!tpu.dma_semaphore, #tpu.memory_space<semaphore_mem>>)
    %add3A_74 = arith.constant 0 : i32
    %add3A_75 = arith.addi %mul3A_4, %add3A_74 : i32
    %dma_start3A_76 = tpu.memref_slice %arg4[%add3A_75] : memref<323584xi32, #tpu.memory_space<hbm>> -> memref<128xi32, #tpu.memory_space<hbm>>
    %dma_start3A_77 = tpu.memref_slice %arg4[%add3A_75] : memref<323584xi32, #tpu.memory_space<hbm>> -> memref<128xi32, #tpu.memory_space<hbm>>
    tpu.enqueue_dma source(%dma_start3A_77 : memref<128xi32, #tpu.memory_space<hbm>>) target(%arg10 : memref<128xi32, #tpu.memory_space<vmem>>) target_semaphore(%arg19 : memref<!tpu.dma_semaphore, #tpu.memory_space<semaphore_mem>>)
    %add3A_78 = arith.constant 0 : i32
    %add3A_79 = arith.addi %mul3A_4, %add3A_78 : i32
    %dma_wait3A_80 = tpu.memref_slice %arg3[%add3A_79] : memref<323584xi32, #tpu.memory_space<hbm>> -> memref<128xi32, #tpu.memory_space<hbm>>
    %dma_wait3A_81 = tpu.memref_slice %arg3[%add3A_79] : memref<323584xi32, #tpu.memory_space<hbm>> -> memref<128xi32, #tpu.memory_space<hbm>>
    tpu.wait_dma2 semaphore(%arg19 : memref<!tpu.dma_semaphore, #tpu.memory_space<semaphore_mem>>) src(%dma_wait3A_81 : memref<128xi32, #tpu.memory_space<hbm>>) dst(%arg7 : memref<128xi32, #tpu.memory_space<vmem>>)
    %add3A_82 = arith.constant 0 : i32
    %add3A_83 = arith.addi %mul3A_4, %add3A_82 : i32
    %dma_wait3A_84 = tpu.memref_slice %arg4[%add3A_83] : memref<323584xi32, #tpu.memory_space<hbm>> -> memref<128xi32, #tpu.memory_space<hbm>>
    %dma_wait3A_85 = tpu.memref_slice %arg4[%add3A_83] : memref<323584xi32, #tpu.memory_space<hbm>> -> memref<128xi32, #tpu.memory_space<hbm>>
    tpu.wait_dma2 semaphore(%arg19 : memref<!tpu.dma_semaphore, #tpu.memory_space<semaphore_mem>>) src(%dma_wait3A_85 : memref<128xi32, #tpu.memory_space<hbm>>) dst(%arg10 : memref<128xi32, #tpu.memory_space<vmem>>)
    %dma_start3A_86 = arith.constant 0 : i32
    %dma_start3A_87 = arith.constant 0 : i32
    %dma_start3A_88 = tpu.memref_slice %arg2[%dma_start3A_86, %dma_start3A_87] : memref<10000x128xf32, #tpu.memory_space<hbm>> -> memref<10000x128xf32, #tpu.memory_space<hbm>>
    tpu.enqueue_indirect_dma source(%dma_start3A_88 : memref<10000x128xf32, #tpu.memory_space<hbm>>) target(%arg13 : memref<128x128xf32, #tpu.memory_space<vmem>>) offsets(%arg10 : memref<128xi32, #tpu.memory_space<vmem>>) semaphore(%arg15 : memref<!tpu.dma_semaphore, #tpu.memory_space<semaphore_mem>>)
    %add3A_89 = arith.constant 128 : i32
    %add3A_90 = arith.addi %mul3A_4, %add3A_89 : i32
    %dma_start3A_91 = tpu.memref_slice %arg3[%add3A_90] : memref<323584xi32, #tpu.memory_space<hbm>> -> memref<128xi32, #tpu.memory_space<hbm>>
    %dma_start3A_92 = tpu.memref_slice %arg3[%add3A_90] : memref<323584xi32, #tpu.memory_space<hbm>> -> memref<128xi32, #tpu.memory_space<hbm>>
    tpu.enqueue_dma source(%dma_start3A_92 : memref<128xi32, #tpu.memory_space<hbm>>) target(%arg8 : memref<128xi32, #tpu.memory_space<vmem>>) target_semaphore(%arg20 : memref<!tpu.dma_semaphore, #tpu.memory_space<semaphore_mem>>)
    %add3A_93 = arith.constant 128 : i32
    %add3A_94 = arith.addi %mul3A_4, %add3A_93 : i32
    %dma_start3A_95 = tpu.memref_slice %arg4[%add3A_94] : memref<323584xi32, #tpu.memory_space<hbm>> -> memref<128xi32, #tpu.memory_space<hbm>>
    %dma_start3A_96 = tpu.memref_slice %arg4[%add3A_94] : memref<323584xi32, #tpu.memory_space<hbm>> -> memref<128xi32, #tpu.memory_space<hbm>>
    tpu.enqueue_dma source(%dma_start3A_96 : memref<128xi32, #tpu.memory_space<hbm>>) target(%arg11 : memref<128xi32, #tpu.memory_space<vmem>>) target_semaphore(%arg20 : memref<!tpu.dma_semaphore, #tpu.memory_space<semaphore_mem>>)
    %scan3A_97 = arith.constant 0 : i32
    %scan3A_98 = arith.constant 0 : i32
    %scan3A_99 = arith.constant 13 : i32
    %scan3A_100 = arith.addi %scan3A_98, %scan3A_99 : i32
    %scan3A_101 = arith.constant 1 : i32
    %scan3A_102 = scf.for %scan3A_257 = %scan3A_98 to %scan3A_100 step %scan3A_101 iter_args(%scan3A_258 = %scan3A_97) -> (i32)  : i32 {
      %mul3A_259 = arith.constant 6 : i32
      %mul3A_260 = arith.muli %scan3A_257, %mul3A_259 : i32
      %add3A_261 = arith.constant 0 : i32
      %add3A_262 = arith.addi %mul3A_260, %add3A_261 : i32
      %add3A_263 = arith.constant 1 : i32
      %add3A_264 = arith.addi %add3A_262, %add3A_263 : i32
      %lt3A = arith.constant 79 : i32
      %lt3A_265 = arith.cmpi slt, %add3A_264, %lt3A : i32
      %convert_element_type3A = arith.extui %lt3A_265 : i1 to i32
      %cond3A = arith.constant 0 : i32
      %cond3A_266 = arith.cmpi ne, %convert_element_type3A, %cond3A : i32
      scf.if %cond3A_266 {
        %add3A_401 = arith.constant 1 : i32
        %add3A_402 = arith.addi %add3A_262, %add3A_401 : i32
        %mul3A_403 = arith.constant 128 : i32
        %mul3A_404 = arith.muli %add3A_402, %mul3A_403 : i32
        %add3A_405 = arith.addi %mul3A_4, %mul3A_404 : i32
        %dma_wait3A_406 = tpu.memref_slice %arg3[%add3A_405] : memref<323584xi32, #tpu.memory_space<hbm>> -> memref<128xi32, #tpu.memory_space<hbm>>
        %dma_wait3A_407 = tpu.memref_slice %arg3[%add3A_405] : memref<323584xi32, #tpu.memory_space<hbm>> -> memref<128xi32, #tpu.memory_space<hbm>>
        tpu.wait_dma2 semaphore(%arg20 : memref<!tpu.dma_semaphore, #tpu.memory_space<semaphore_mem>>) src(%dma_wait3A_407 : memref<128xi32, #tpu.memory_space<hbm>>) dst(%arg8 : memref<128xi32, #tpu.memory_space<vmem>>)
        %mul3A_408 = arith.constant 128 : i32
        %mul3A_409 = arith.muli %add3A_402, %mul3A_408 : i32
        %add3A_410 = arith.addi %mul3A_4, %mul3A_409 : i32
        %dma_wait3A_411 = tpu.memref_slice %arg4[%add3A_410] : memref<323584xi32, #tpu.memory_space<hbm>> -> memref<128xi32, #tpu.memory_space<hbm>>
        %dma_wait3A_412 = tpu.memref_slice %arg4[%add3A_410] : memref<323584xi32, #tpu.memory_space<hbm>> -> memref<128xi32, #tpu.memory_space<hbm>>
        tpu.wait_dma2 semaphore(%arg20 : memref<!tpu.dma_semaphore, #tpu.memory_space<semaphore_mem>>) src(%dma_wait3A_412 : memref<128xi32, #tpu.memory_space<hbm>>) dst(%arg11 : memref<128xi32, #tpu.memory_space<vmem>>)
        %ge3A = arith.constant 1 : i32
        %ge3A_413 = arith.cmpi sge, %add3A_262, %ge3A : i32
        %convert_element_type3A_414 = arith.extui %ge3A_413 : i1 to i32
        %cond3A_415 = arith.constant 0 : i32
        %cond3A_416 = arith.cmpi ne, %convert_element_type3A_414, %cond3A_415 : i32
        scf.if %cond3A_416 {
          %dma_wait3A_420 = arith.constant 0 : i32
          %dma_wait3A_421 = arith.constant 0 : i32
          %dma_wait3A_422 = tpu.memref_slice %arg6[%dma_wait3A_420, %dma_wait3A_421] : memref<10240x128xf32, #tpu.memory_space<vmem_shared>> -> memref<10240x128xf32, #tpu.memory_space<vmem_shared>>
          tpu.wait_indirect_dma semaphore(%arg18 : memref<!tpu.dma_semaphore, #tpu.memory_space<semaphore_mem>>) src(%arg14 : memref<128x128xf32, #tpu.memory_space<vmem>>) dst(%dma_wait3A_422 : memref<10240x128xf32, #tpu.memory_space<vmem_shared>>)
        } else {
        }
        %dma_start3A_417 = arith.constant 0 : i32
        %dma_start3A_418 = arith.constant 0 : i32
        %dma_start3A_419 = tpu.memref_slice %arg2[%dma_start3A_417, %dma_start3A_418] : memref<10000x128xf32, #tpu.memory_space<hbm>> -> memref<10000x128xf32, #tpu.memory_space<hbm>>
        tpu.enqueue_indirect_dma source(%dma_start3A_419 : memref<10000x128xf32, #tpu.memory_space<hbm>>) target(%arg14 : memref<128x128xf32, #tpu.memory_space<vmem>>) offsets(%arg11 : memref<128xi32, #tpu.memory_space<vmem>>) semaphore(%arg16 : memref<!tpu.dma_semaphore, #tpu.memory_space<semaphore_mem>>)
      } else {
      }
      %dma_wait3A_267 = arith.constant 0 : i32
      %dma_wait3A_268 = arith.constant 0 : i32
      %dma_wait3A_269 = tpu.memref_slice %arg2[%dma_wait3A_267, %dma_wait3A_268] : memref<10000x128xf32, #tpu.memory_space<hbm>> -> memref<10000x128xf32, #tpu.memory_space<hbm>>
      tpu.wait_indirect_dma semaphore(%arg15 : memref<!tpu.dma_semaphore, #tpu.memory_space<semaphore_mem>>) src(%dma_wait3A_269 : memref<10000x128xf32, #tpu.memory_space<hbm>>) dst(%arg13 : memref<128x128xf32, #tpu.memory_space<vmem>>)
      %dma_start3A_270 = arith.constant 0 : i32
      %dma_start3A_271 = arith.constant 0 : i32
      %dma_start3A_272 = tpu.memref_slice %arg6[%dma_start3A_270, %dma_start3A_271] : memref<10240x128xf32, #tpu.memory_space<vmem_shared>> -> memref<10240x128xf32, #tpu.memory_space<vmem_shared>>
      tpu.enqueue_indirect_dma source(%arg13 : memref<128x128xf32, #tpu.memory_space<vmem>>) target(%dma_start3A_272 : memref<10240x128xf32, #tpu.memory_space<vmem_shared>>) offsets(%arg7 : memref<128xi32, #tpu.memory_space<vmem>>) semaphore(%arg17 : memref<!tpu.dma_semaphore, #tpu.memory_space<semaphore_mem>>) {add = true}
      %add3A_273 = arith.constant 2 : i32
      %add3A_274 = arith.addi %add3A_262, %add3A_273 : i32
      %lt3A_275 = arith.constant 79 : i32
      %lt3A_276 = arith.cmpi slt, %add3A_274, %lt3A_275 : i32
      %convert_element_type3A_277 = arith.extui %lt3A_276 : i1 to i32
      %cond3A_278 = arith.constant 0 : i32
      %cond3A_279 = arith.cmpi ne, %convert_element_type3A_277, %cond3A_278 : i32
      scf.if %cond3A_279 {
        %add3A_401 = arith.constant 2 : i32
        %add3A_402 = arith.addi %add3A_262, %add3A_401 : i32
        %mul3A_403 = arith.constant 128 : i32
        %mul3A_404 = arith.muli %add3A_402, %mul3A_403 : i32
        %add3A_405 = arith.addi %mul3A_4, %mul3A_404 : i32
        %dma_start3A_406 = tpu.memref_slice %arg3[%add3A_405] : memref<323584xi32, #tpu.memory_space<hbm>> -> memref<128xi32, #tpu.memory_space<hbm>>
        %dma_start3A_407 = tpu.memref_slice %arg3[%add3A_405] : memref<323584xi32, #tpu.memory_space<hbm>> -> memref<128xi32, #tpu.memory_space<hbm>>
        tpu.enqueue_dma source(%dma_start3A_407 : memref<128xi32, #tpu.memory_space<hbm>>) target(%arg9 : memref<128xi32, #tpu.memory_space<vmem>>) target_semaphore(%arg21 : memref<!tpu.dma_semaphore, #tpu.memory_space<semaphore_mem>>)
        %mul3A_408 = arith.constant 128 : i32
        %mul3A_409 = arith.muli %add3A_402, %mul3A_408 : i32
        %add3A_410 = arith.addi %mul3A_4, %mul3A_409 : i32
        %dma_start3A_411 = tpu.memref_slice %arg4[%add3A_410] : memref<323584xi32, #tpu.memory_space<hbm>> -> memref<128xi32, #tpu.memory_space<hbm>>
        %dma_start3A_412 = tpu.memref_slice %arg4[%add3A_410] : memref<323584xi32, #tpu.memory_space<hbm>> -> memref<128xi32, #tpu.memory_space<hbm>>
        tpu.enqueue_dma source(%dma_start3A_412 : memref<128xi32, #tpu.memory_space<hbm>>) target(%arg12 : memref<128xi32, #tpu.memory_space<vmem>>) target_semaphore(%arg21 : memref<!tpu.dma_semaphore, #tpu.memory_space<semaphore_mem>>)
      } else {
      }
      %mul3A_280 = arith.constant 6 : i32
      %mul3A_281 = arith.muli %scan3A_257, %mul3A_280 : i32
      %add3A_282 = arith.constant 1 : i32
      %add3A_283 = arith.addi %mul3A_281, %add3A_282 : i32
      %add3A_284 = arith.constant 1 : i32
      %add3A_285 = arith.addi %add3A_283, %add3A_284 : i32
      %lt3A_286 = arith.constant 79 : i32
      %lt3A_287 = arith.cmpi slt, %add3A_285, %lt3A_286 : i32
      %convert_element_type3A_288 = arith.extui %lt3A_287 : i1 to i32
      %cond3A_289 = arith.constant 0 : i32
      %cond3A_290 = arith.cmpi ne, %convert_element_type3A_288, %cond3A_289 : i32
      scf.if %cond3A_290 {
        %add3A_401 = arith.constant 1 : i32
        %add3A_402 = arith.addi %add3A_283, %add3A_401 : i32
        %mul3A_403 = arith.constant 128 : i32
        %mul3A_404 = arith.muli %add3A_402, %mul3A_403 : i32
        %add3A_405 = arith.addi %mul3A_4, %mul3A_404 : i32
        %dma_wait3A_406 = tpu.memref_slice %arg3[%add3A_405] : memref<323584xi32, #tpu.memory_space<hbm>> -> memref<128xi32, #tpu.memory_space<hbm>>
        %dma_wait3A_407 = tpu.memref_slice %arg3[%add3A_405] : memref<323584xi32, #tpu.memory_space<hbm>> -> memref<128xi32, #tpu.memory_space<hbm>>
        tpu.wait_dma2 semaphore(%arg21 : memref<!tpu.dma_semaphore, #tpu.memory_space<semaphore_mem>>) src(%dma_wait3A_407 : memref<128xi32, #tpu.memory_space<hbm>>) dst(%arg9 : memref<128xi32, #tpu.memory_space<vmem>>)
        %mul3A_408 = arith.constant 128 : i32
        %mul3A_409 = arith.muli %add3A_402, %mul3A_408 : i32
        %add3A_410 = arith.addi %mul3A_4, %mul3A_409 : i32
        %dma_wait3A_411 = tpu.memref_slice %arg4[%add3A_410] : memref<323584xi32, #tpu.memory_space<hbm>> -> memref<128xi32, #tpu.memory_space<hbm>>
        %dma_wait3A_412 = tpu.memref_slice %arg4[%add3A_410] : memref<323584xi32, #tpu.memory_space<hbm>> -> memref<128xi32, #tpu.memory_space<hbm>>
        tpu.wait_dma2 semaphore(%arg21 : memref<!tpu.dma_semaphore, #tpu.memory_space<semaphore_mem>>) src(%dma_wait3A_412 : memref<128xi32, #tpu.memory_space<hbm>>) dst(%arg12 : memref<128xi32, #tpu.memory_space<vmem>>)
        %ge3A = arith.constant 1 : i32
        %ge3A_413 = arith.cmpi sge, %add3A_283, %ge3A : i32
        %convert_element_type3A_414 = arith.extui %ge3A_413 : i1 to i32
        %cond3A_415 = arith.constant 0 : i32
        %cond3A_416 = arith.cmpi ne, %convert_element_type3A_414, %cond3A_415 : i32
        scf.if %cond3A_416 {
          %dma_wait3A_420 = arith.constant 0 : i32
          %dma_wait3A_421 = arith.constant 0 : i32
          %dma_wait3A_422 = tpu.memref_slice %arg6[%dma_wait3A_420, %dma_wait3A_421] : memref<10240x128xf32, #tpu.memory_space<vmem_shared>> -> memref<10240x128xf32, #tpu.memory_space<vmem_shared>>
          tpu.wait_indirect_dma semaphore(%arg17 : memref<!tpu.dma_semaphore, #tpu.memory_space<semaphore_mem>>) src(%arg13 : memref<128x128xf32, #tpu.memory_space<vmem>>) dst(%dma_wait3A_422 : memref<10240x128xf32, #tpu.memory_space<vmem_shared>>)
        } else {
        }
        %dma_start3A_417 = arith.constant 0 : i32
        %dma_start3A_418 = arith.constant 0 : i32
        %dma_start3A_419 = tpu.memref_slice %arg2[%dma_start3A_417, %dma_start3A_418] : memref<10000x128xf32, #tpu.memory_space<hbm>> -> memref<10000x128xf32, #tpu.memory_space<hbm>>
        tpu.enqueue_indirect_dma source(%dma_start3A_419 : memref<10000x128xf32, #tpu.memory_space<hbm>>) target(%arg13 : memref<128x128xf32, #tpu.memory_space<vmem>>) offsets(%arg12 : memref<128xi32, #tpu.memory_space<vmem>>) semaphore(%arg15 : memref<!tpu.dma_semaphore, #tpu.memory_space<semaphore_mem>>)
      } else {
      }
      %dma_wait3A_291 = arith.constant 0 : i32
      %dma_wait3A_292 = arith.constant 0 : i32
      %dma_wait3A_293 = tpu.memref_slice %arg2[%dma_wait3A_291, %dma_wait3A_292] : memref<10000x128xf32, #tpu.memory_space<hbm>> -> memref<10000x128xf32, #tpu.memory_space<hbm>>
      tpu.wait_indirect_dma semaphore(%arg16 : memref<!tpu.dma_semaphore, #tpu.memory_space<semaphore_mem>>) src(%dma_wait3A_293 : memref<10000x128xf32, #tpu.memory_space<hbm>>) dst(%arg14 : memref<128x128xf32, #tpu.memory_space<vmem>>)
      %dma_start3A_294 = arith.constant 0 : i32
      %dma_start3A_295 = arith.constant 0 : i32
      %dma_start3A_296 = tpu.memref_slice %arg6[%dma_start3A_294, %dma_start3A_295] : memref<10240x128xf32, #tpu.memory_space<vmem_shared>> -> memref<10240x128xf32, #tpu.memory_space<vmem_shared>>
      tpu.enqueue_indirect_dma source(%arg14 : memref<128x128xf32, #tpu.memory_space<vmem>>) target(%dma_start3A_296 : memref<10240x128xf32, #tpu.memory_space<vmem_shared>>) offsets(%arg8 : memref<128xi32, #tpu.memory_space<vmem>>) semaphore(%arg18 : memref<!tpu.dma_semaphore, #tpu.memory_space<semaphore_mem>>) {add = true}
      %add3A_297 = arith.constant 2 : i32
      %add3A_298 = arith.addi %add3A_283, %add3A_297 : i32
      %lt3A_299 = arith.constant 79 : i32
      %lt3A_300 = arith.cmpi slt, %add3A_298, %lt3A_299 : i32
      %convert_element_type3A_301 = arith.extui %lt3A_300 : i1 to i32
      %cond3A_302 = arith.constant 0 : i32
      %cond3A_303 = arith.cmpi ne, %convert_element_type3A_301, %cond3A_302 : i32
      scf.if %cond3A_303 {
        %add3A_401 = arith.constant 2 : i32
        %add3A_402 = arith.addi %add3A_283, %add3A_401 : i32
        %mul3A_403 = arith.constant 128 : i32
        %mul3A_404 = arith.muli %add3A_402, %mul3A_403 : i32
        %add3A_405 = arith.addi %mul3A_4, %mul3A_404 : i32
        %dma_start3A_406 = tpu.memref_slice %arg3[%add3A_405] : memref<323584xi32, #tpu.memory_space<hbm>> -> memref<128xi32, #tpu.memory_space<hbm>>
        %dma_start3A_407 = tpu.memref_slice %arg3[%add3A_405] : memref<323584xi32, #tpu.memory_space<hbm>> -> memref<128xi32, #tpu.memory_space<hbm>>
        tpu.enqueue_dma source(%dma_start3A_407 : memref<128xi32, #tpu.memory_space<hbm>>) target(%arg7 : memref<128xi32, #tpu.memory_space<vmem>>) target_semaphore(%arg19 : memref<!tpu.dma_semaphore, #tpu.memory_space<semaphore_mem>>)
        %mul3A_408 = arith.constant 128 : i32
        %mul3A_409 = arith.muli %add3A_402, %mul3A_408 : i32
        %add3A_410 = arith.addi %mul3A_4, %mul3A_409 : i32
        %dma_start3A_411 = tpu.memref_slice %arg4[%add3A_410] : memref<323584xi32, #tpu.memory_space<hbm>> -> memref<128xi32, #tpu.memory_space<hbm>>
        %dma_start3A_412 = tpu.memref_slice %arg4[%add3A_410] : memref<323584xi32, #tpu.memory_space<hbm>> -> memref<128xi32, #tpu.memory_space<hbm>>
        tpu.enqueue_dma source(%dma_start3A_412 : memref<128xi32, #tpu.memory_space<hbm>>) target(%arg10 : memref<128xi32, #tpu.memory_space<vmem>>) target_semaphore(%arg19 : memref<!tpu.dma_semaphore, #tpu.memory_space<semaphore_mem>>)
      } else {
      }
      %mul3A_304 = arith.constant 6 : i32
      %mul3A_305 = arith.muli %scan3A_257, %mul3A_304 : i32
      %add3A_306 = arith.constant 2 : i32
      %add3A_307 = arith.addi %mul3A_305, %add3A_306 : i32
      %add3A_308 = arith.constant 1 : i32
      %add3A_309 = arith.addi %add3A_307, %add3A_308 : i32
      %lt3A_310 = arith.constant 79 : i32
      %lt3A_311 = arith.cmpi slt, %add3A_309, %lt3A_310 : i32
      %convert_element_type3A_312 = arith.extui %lt3A_311 : i1 to i32
      %cond3A_313 = arith.constant 0 : i32
      %cond3A_314 = arith.cmpi ne, %convert_element_type3A_312, %cond3A_313 : i32
      scf.if %cond3A_314 {
        %add3A_401 = arith.constant 1 : i32
        %add3A_402 = arith.addi %add3A_307, %add3A_401 : i32
        %mul3A_403 = arith.constant 128 : i32
        %mul3A_404 = arith.muli %add3A_402, %mul3A_403 : i32
        %add3A_405 = arith.addi %mul3A_4, %mul3A_404 : i32
        %dma_wait3A_406 = tpu.memref_slice %arg3[%add3A_405] : memref<323584xi32, #tpu.memory_space<hbm>> -> memref<128xi32, #tpu.memory_space<hbm>>
        %dma_wait3A_407 = tpu.memref_slice %arg3[%add3A_405] : memref<323584xi32, #tpu.memory_space<hbm>> -> memref<128xi32, #tpu.memory_space<hbm>>
        tpu.wait_dma2 semaphore(%arg19 : memref<!tpu.dma_semaphore, #tpu.memory_space<semaphore_mem>>) src(%dma_wait3A_407 : memref<128xi32, #tpu.memory_space<hbm>>) dst(%arg7 : memref<128xi32, #tpu.memory_space<vmem>>)
        %mul3A_408 = arith.constant 128 : i32
        %mul3A_409 = arith.muli %add3A_402, %mul3A_408 : i32
        %add3A_410 = arith.addi %mul3A_4, %mul3A_409 : i32
        %dma_wait3A_411 = tpu.memref_slice %arg4[%add3A_410] : memref<323584xi32, #tpu.memory_space<hbm>> -> memref<128xi32, #tpu.memory_space<hbm>>
        %dma_wait3A_412 = tpu.memref_slice %arg4[%add3A_410] : memref<323584xi32, #tpu.memory_space<hbm>> -> memref<128xi32, #tpu.memory_space<hbm>>
        tpu.wait_dma2 semaphore(%arg19 : memref<!tpu.dma_semaphore, #tpu.memory_space<semaphore_mem>>) src(%dma_wait3A_412 : memref<128xi32, #tpu.memory_space<hbm>>) dst(%arg10 : memref<128xi32, #tpu.memory_space<vmem>>)
        %ge3A = arith.constant 1 : i32
        %ge3A_413 = arith.cmpi sge, %add3A_307, %ge3A : i32
        %convert_element_type3A_414 = arith.extui %ge3A_413 : i1 to i32
        %cond3A_415 = arith.constant 0 : i32
        %cond3A_416 = arith.cmpi ne, %convert_element_type3A_414, %cond3A_415 : i32
        scf.if %cond3A_416 {
          %dma_wait3A_420 = arith.constant 0 : i32
          %dma_wait3A_421 = arith.constant 0 : i32
          %dma_wait3A_422 = tpu.memref_slice %arg6[%dma_wait3A_420, %dma_wait3A_421] : memref<10240x128xf32, #tpu.memory_space<vmem_shared>> -> memref<10240x128xf32, #tpu.memory_space<vmem_shared>>
          tpu.wait_indirect_dma semaphore(%arg18 : memref<!tpu.dma_semaphore, #tpu.memory_space<semaphore_mem>>) src(%arg14 : memref<128x128xf32, #tpu.memory_space<vmem>>) dst(%dma_wait3A_422 : memref<10240x128xf32, #tpu.memory_space<vmem_shared>>)
        } else {
        }
        %dma_start3A_417 = arith.constant 0 : i32
        %dma_start3A_418 = arith.constant 0 : i32
        %dma_start3A_419 = tpu.memref_slice %arg2[%dma_start3A_417, %dma_start3A_418] : memref<10000x128xf32, #tpu.memory_space<hbm>> -> memref<10000x128xf32, #tpu.memory_space<hbm>>
        tpu.enqueue_indirect_dma source(%dma_start3A_419 : memref<10000x128xf32, #tpu.memory_space<hbm>>) target(%arg14 : memref<128x128xf32, #tpu.memory_space<vmem>>) offsets(%arg10 : memref<128xi32, #tpu.memory_space<vmem>>) semaphore(%arg16 : memref<!tpu.dma_semaphore, #tpu.memory_space<semaphore_mem>>)
      } else {
      }
      %dma_wait3A_315 = arith.constant 0 : i32
      %dma_wait3A_316 = arith.constant 0 : i32
      %dma_wait3A_317 = tpu.memref_slice %arg2[%dma_wait3A_315, %dma_wait3A_316] : memref<10000x128xf32, #tpu.memory_space<hbm>> -> memref<10000x128xf32, #tpu.memory_space<hbm>>
      tpu.wait_indirect_dma semaphore(%arg15 : memref<!tpu.dma_semaphore, #tpu.memory_space<semaphore_mem>>) src(%dma_wait3A_317 : memref<10000x128xf32, #tpu.memory_space<hbm>>) dst(%arg13 : memref<128x128xf32, #tpu.memory_space<vmem>>)
      %dma_start3A_318 = arith.constant 0 : i32
      %dma_start3A_319 = arith.constant 0 : i32
      %dma_start3A_320 = tpu.memref_slice %arg6[%dma_start3A_318, %dma_start3A_319] : memref<10240x128xf32, #tpu.memory_space<vmem_shared>> -> memref<10240x128xf32, #tpu.memory_space<vmem_shared>>
      tpu.enqueue_indirect_dma source(%arg13 : memref<128x128xf32, #tpu.memory_space<vmem>>) target(%dma_start3A_320 : memref<10240x128xf32, #tpu.memory_space<vmem_shared>>) offsets(%arg9 : memref<128xi32, #tpu.memory_space<vmem>>) semaphore(%arg17 : memref<!tpu.dma_semaphore, #tpu.memory_space<semaphore_mem>>) {add = true}
      %add3A_321 = arith.constant 2 : i32
      %add3A_322 = arith.addi %add3A_307, %add3A_321 : i32
      %lt3A_323 = arith.constant 79 : i32
      %lt3A_324 = arith.cmpi slt, %add3A_322, %lt3A_323 : i32
      %convert_element_type3A_325 = arith.extui %lt3A_324 : i1 to i32
      %cond3A_326 = arith.constant 0 : i32
      %cond3A_327 = arith.cmpi ne, %convert_element_type3A_325, %cond3A_326 : i32
      scf.if %cond3A_327 {
        %add3A_401 = arith.constant 2 : i32
        %add3A_402 = arith.addi %add3A_307, %add3A_401 : i32
        %mul3A_403 = arith.constant 128 : i32
        %mul3A_404 = arith.muli %add3A_402, %mul3A_403 : i32
        %add3A_405 = arith.addi %mul3A_4, %mul3A_404 : i32
        %dma_start3A_406 = tpu.memref_slice %arg3[%add3A_405] : memref<323584xi32, #tpu.memory_space<hbm>> -> memref<128xi32, #tpu.memory_space<hbm>>
        %dma_start3A_407 = tpu.memref_slice %arg3[%add3A_405] : memref<323584xi32, #tpu.memory_space<hbm>> -> memref<128xi32, #tpu.memory_space<hbm>>
        tpu.enqueue_dma source(%dma_start3A_407 : memref<128xi32, #tpu.memory_space<hbm>>) target(%arg8 : memref<128xi32, #tpu.memory_space<vmem>>) target_semaphore(%arg20 : memref<!tpu.dma_semaphore, #tpu.memory_space<semaphore_mem>>)
        %mul3A_408 = arith.constant 128 : i32
        %mul3A_409 = arith.muli %add3A_402, %mul3A_408 : i32
        %add3A_410 = arith.addi %mul3A_4, %mul3A_409 : i32
        %dma_start3A_411 = tpu.memref_slice %arg4[%add3A_410] : memref<323584xi32, #tpu.memory_space<hbm>> -> memref<128xi32, #tpu.memory_space<hbm>>
        %dma_start3A_412 = tpu.memref_slice %arg4[%add3A_410] : memref<323584xi32, #tpu.memory_space<hbm>> -> memref<128xi32, #tpu.memory_space<hbm>>
        tpu.enqueue_dma source(%dma_start3A_412 : memref<128xi32, #tpu.memory_space<hbm>>) target(%arg11 : memref<128xi32, #tpu.memory_space<vmem>>) target_semaphore(%arg20 : memref<!tpu.dma_semaphore, #tpu.memory_space<semaphore_mem>>)
      } else {
      }
      %mul3A_328 = arith.constant 6 : i32
      %mul3A_329 = arith.muli %scan3A_257, %mul3A_328 : i32
      %add3A_330 = arith.constant 3 : i32
      %add3A_331 = arith.addi %mul3A_329, %add3A_330 : i32
      %add3A_332 = arith.constant 1 : i32
      %add3A_333 = arith.addi %add3A_331, %add3A_332 : i32
      %lt3A_334 = arith.constant 79 : i32
      %lt3A_335 = arith.cmpi slt, %add3A_333, %lt3A_334 : i32
      %convert_element_type3A_336 = arith.extui %lt3A_335 : i1 to i32
      %cond3A_337 = arith.constant 0 : i32
      %cond3A_338 = arith.cmpi ne, %convert_element_type3A_336, %cond3A_337 : i32
      scf.if %cond3A_338 {
        %add3A_401 = arith.constant 1 : i32
        %add3A_402 = arith.addi %add3A_331, %add3A_401 : i32
        %mul3A_403 = arith.constant 128 : i32
        %mul3A_404 = arith.muli %add3A_402, %mul3A_403 : i32
        %add3A_405 = arith.addi %mul3A_4, %mul3A_404 : i32
        %dma_wait3A_406 = tpu.memref_slice %arg3[%add3A_405] : memref<323584xi32, #tpu.memory_space<hbm>> -> memref<128xi32, #tpu.memory_space<hbm>>
        %dma_wait3A_407 = tpu.memref_slice %arg3[%add3A_405] : memref<323584xi32, #tpu.memory_space<hbm>> -> memref<128xi32, #tpu.memory_space<hbm>>
        tpu.wait_dma2 semaphore(%arg20 : memref<!tpu.dma_semaphore, #tpu.memory_space<semaphore_mem>>) src(%dma_wait3A_407 : memref<128xi32, #tpu.memory_space<hbm>>) dst(%arg8 : memref<128xi32, #tpu.memory_space<vmem>>)
        %mul3A_408 = arith.constant 128 : i32
        %mul3A_409 = arith.muli %add3A_402, %mul3A_408 : i32
        %add3A_410 = arith.addi %mul3A_4, %mul3A_409 : i32
        %dma_wait3A_411 = tpu.memref_slice %arg4[%add3A_410] : memref<323584xi32, #tpu.memory_space<hbm>> -> memref<128xi32, #tpu.memory_space<hbm>>
        %dma_wait3A_412 = tpu.memref_slice %arg4[%add3A_410] : memref<323584xi32, #tpu.memory_space<hbm>> -> memref<128xi32, #tpu.memory_space<hbm>>
        tpu.wait_dma2 semaphore(%arg20 : memref<!tpu.dma_semaphore, #tpu.memory_space<semaphore_mem>>) src(%dma_wait3A_412 : memref<128xi32, #tpu.memory_space<hbm>>) dst(%arg11 : memref<128xi32, #tpu.memory_space<vmem>>)
        %ge3A = arith.constant 1 : i32
        %ge3A_413 = arith.cmpi sge, %add3A_331, %ge3A : i32
        %convert_element_type3A_414 = arith.extui %ge3A_413 : i1 to i32
        %cond3A_415 = arith.constant 0 : i32
        %cond3A_416 = arith.cmpi ne, %convert_element_type3A_414, %cond3A_415 : i32
        scf.if %cond3A_416 {
          %dma_wait3A_420 = arith.constant 0 : i32
          %dma_wait3A_421 = arith.constant 0 : i32
          %dma_wait3A_422 = tpu.memref_slice %arg6[%dma_wait3A_420, %dma_wait3A_421] : memref<10240x128xf32, #tpu.memory_space<vmem_shared>> -> memref<10240x128xf32, #tpu.memory_space<vmem_shared>>
          tpu.wait_indirect_dma semaphore(%arg17 : memref<!tpu.dma_semaphore, #tpu.memory_space<semaphore_mem>>) src(%arg13 : memref<128x128xf32, #tpu.memory_space<vmem>>) dst(%dma_wait3A_422 : memref<10240x128xf32, #tpu.memory_space<vmem_shared>>)
        } else {
        }
        %dma_start3A_417 = arith.constant 0 : i32
        %dma_start3A_418 = arith.constant 0 : i32
        %dma_start3A_419 = tpu.memref_slice %arg2[%dma_start3A_417, %dma_start3A_418] : memref<10000x128xf32, #tpu.memory_space<hbm>> -> memref<10000x128xf32, #tpu.memory_space<hbm>>
        tpu.enqueue_indirect_dma source(%dma_start3A_419 : memref<10000x128xf32, #tpu.memory_space<hbm>>) target(%arg13 : memref<128x128xf32, #tpu.memory_space<vmem>>) offsets(%arg11 : memref<128xi32, #tpu.memory_space<vmem>>) semaphore(%arg15 : memref<!tpu.dma_semaphore, #tpu.memory_space<semaphore_mem>>)
      } else {
      }
      %dma_wait3A_339 = arith.constant 0 : i32
      %dma_wait3A_340 = arith.constant 0 : i32
      %dma_wait3A_341 = tpu.memref_slice %arg2[%dma_wait3A_339, %dma_wait3A_340] : memref<10000x128xf32, #tpu.memory_space<hbm>> -> memref<10000x128xf32, #tpu.memory_space<hbm>>
      tpu.wait_indirect_dma semaphore(%arg16 : memref<!tpu.dma_semaphore, #tpu.memory_space<semaphore_mem>>) src(%dma_wait3A_341 : memref<10000x128xf32, #tpu.memory_space<hbm>>) dst(%arg14 : memref<128x128xf32, #tpu.memory_space<vmem>>)
      %dma_start3A_342 = arith.constant 0 : i32
      %dma_start3A_343 = arith.constant 0 : i32
      %dma_start3A_344 = tpu.memref_slice %arg6[%dma_start3A_342, %dma_start3A_343] : memref<10240x128xf32, #tpu.memory_space<vmem_shared>> -> memref<10240x128xf32, #tpu.memory_space<vmem_shared>>
      tpu.enqueue_indirect_dma source(%arg14 : memref<128x128xf32, #tpu.memory_space<vmem>>) target(%dma_start3A_344 : memref<10240x128xf32, #tpu.memory_space<vmem_shared>>) offsets(%arg7 : memref<128xi32, #tpu.memory_space<vmem>>) semaphore(%arg18 : memref<!tpu.dma_semaphore, #tpu.memory_space<semaphore_mem>>) {add = true}
      %add3A_345 = arith.constant 2 : i32
      %add3A_346 = arith.addi %add3A_331, %add3A_345 : i32
      %lt3A_347 = arith.constant 79 : i32
      %lt3A_348 = arith.cmpi slt, %add3A_346, %lt3A_347 : i32
      %convert_element_type3A_349 = arith.extui %lt3A_348 : i1 to i32
      %cond3A_350 = arith.constant 0 : i32
      %cond3A_351 = arith.cmpi ne, %convert_element_type3A_349, %cond3A_350 : i32
      scf.if %cond3A_351 {
        %add3A_401 = arith.constant 2 : i32
        %add3A_402 = arith.addi %add3A_331, %add3A_401 : i32
        %mul3A_403 = arith.constant 128 : i32
        %mul3A_404 = arith.muli %add3A_402, %mul3A_403 : i32
        %add3A_405 = arith.addi %mul3A_4, %mul3A_404 : i32
        %dma_start3A_406 = tpu.memref_slice %arg3[%add3A_405] : memref<323584xi32, #tpu.memory_space<hbm>> -> memref<128xi32, #tpu.memory_space<hbm>>
        %dma_start3A_407 = tpu.memref_slice %arg3[%add3A_405] : memref<323584xi32, #tpu.memory_space<hbm>> -> memref<128xi32, #tpu.memory_space<hbm>>
        tpu.enqueue_dma source(%dma_start3A_407 : memref<128xi32, #tpu.memory_space<hbm>>) target(%arg9 : memref<128xi32, #tpu.memory_space<vmem>>) target_semaphore(%arg21 : memref<!tpu.dma_semaphore, #tpu.memory_space<semaphore_mem>>)
        %mul3A_408 = arith.constant 128 : i32
        %mul3A_409 = arith.muli %add3A_402, %mul3A_408 : i32
        %add3A_410 = arith.addi %mul3A_4, %mul3A_409 : i32
        %dma_start3A_411 = tpu.memref_slice %arg4[%add3A_410] : memref<323584xi32, #tpu.memory_space<hbm>> -> memref<128xi32, #tpu.memory_space<hbm>>
        %dma_start3A_412 = tpu.memref_slice %arg4[%add3A_410] : memref<323584xi32, #tpu.memory_space<hbm>> -> memref<128xi32, #tpu.memory_space<hbm>>
        tpu.enqueue_dma source(%dma_start3A_412 : memref<128xi32, #tpu.memory_space<hbm>>) target(%arg12 : memref<128xi32, #tpu.memory_space<vmem>>) target_semaphore(%arg21 : memref<!tpu.dma_semaphore, #tpu.memory_space<semaphore_mem>>)
      } else {
      }
      %mul3A_352 = arith.constant 6 : i32
      %mul3A_353 = arith.muli %scan3A_257, %mul3A_352 : i32
      %add3A_354 = arith.constant 4 : i32
      %add3A_355 = arith.addi %mul3A_353, %add3A_354 : i32
      %add3A_356 = arith.constant 1 : i32
      %add3A_357 = arith.addi %add3A_355, %add3A_356 : i32
      %lt3A_358 = arith.constant 79 : i32
      %lt3A_359 = arith.cmpi slt, %add3A_357, %lt3A_358 : i32
      %convert_element_type3A_360 = arith.extui %lt3A_359 : i1 to i32
      %cond3A_361 = arith.constant 0 : i32
      %cond3A_362 = arith.cmpi ne, %convert_element_type3A_360, %cond3A_361 : i32
      scf.if %cond3A_362 {
        %add3A_401 = arith.constant 1 : i32
        %add3A_402 = arith.addi %add3A_355, %add3A_401 : i32
        %mul3A_403 = arith.constant 128 : i32
        %mul3A_404 = arith.muli %add3A_402, %mul3A_403 : i32
        %add3A_405 = arith.addi %mul3A_4, %mul3A_404 : i32
        %dma_wait3A_406 = tpu.memref_slice %arg3[%add3A_405] : memref<323584xi32, #tpu.memory_space<hbm>> -> memref<128xi32, #tpu.memory_space<hbm>>
        %dma_wait3A_407 = tpu.memref_slice %arg3[%add3A_405] : memref<323584xi32, #tpu.memory_space<hbm>> -> memref<128xi32, #tpu.memory_space<hbm>>
        tpu.wait_dma2 semaphore(%arg21 : memref<!tpu.dma_semaphore, #tpu.memory_space<semaphore_mem>>) src(%dma_wait3A_407 : memref<128xi32, #tpu.memory_space<hbm>>) dst(%arg9 : memref<128xi32, #tpu.memory_space<vmem>>)
        %mul3A_408 = arith.constant 128 : i32
        %mul3A_409 = arith.muli %add3A_402, %mul3A_408 : i32
        %add3A_410 = arith.addi %mul3A_4, %mul3A_409 : i32
        %dma_wait3A_411 = tpu.memref_slice %arg4[%add3A_410] : memref<323584xi32, #tpu.memory_space<hbm>> -> memref<128xi32, #tpu.memory_space<hbm>>
        %dma_wait3A_412 = tpu.memref_slice %arg4[%add3A_410] : memref<323584xi32, #tpu.memory_space<hbm>> -> memref<128xi32, #tpu.memory_space<hbm>>
        tpu.wait_dma2 semaphore(%arg21 : memref<!tpu.dma_semaphore, #tpu.memory_space<semaphore_mem>>) src(%dma_wait3A_412 : memref<128xi32, #tpu.memory_space<hbm>>) dst(%arg12 : memref<128xi32, #tpu.memory_space<vmem>>)
        %ge3A = arith.constant 1 : i32
        %ge3A_413 = arith.cmpi sge, %add3A_355, %ge3A : i32
        %convert_element_type3A_414 = arith.extui %ge3A_413 : i1 to i32
        %cond3A_415 = arith.constant 0 : i32
        %cond3A_416 = arith.cmpi ne, %convert_element_type3A_414, %cond3A_415 : i32
        scf.if %cond3A_416 {
          %dma_wait3A_420 = arith.constant 0 : i32
          %dma_wait3A_421 = arith.constant 0 : i32
          %dma_wait3A_422 = tpu.memref_slice %arg6[%dma_wait3A_420, %dma_wait3A_421] : memref<10240x128xf32, #tpu.memory_space<vmem_shared>> -> memref<10240x128xf32, #tpu.memory_space<vmem_shared>>
          tpu.wait_indirect_dma semaphore(%arg18 : memref<!tpu.dma_semaphore, #tpu.memory_space<semaphore_mem>>) src(%arg14 : memref<128x128xf32, #tpu.memory_space<vmem>>) dst(%dma_wait3A_422 : memref<10240x128xf32, #tpu.memory_space<vmem_shared>>)
        } else {
        }
        %dma_start3A_417 = arith.constant 0 : i32
        %dma_start3A_418 = arith.constant 0 : i32
        %dma_start3A_419 = tpu.memref_slice %arg2[%dma_start3A_417, %dma_start3A_418] : memref<10000x128xf32, #tpu.memory_space<hbm>> -> memref<10000x128xf32, #tpu.memory_space<hbm>>
        tpu.enqueue_indirect_dma source(%dma_start3A_419 : memref<10000x128xf32, #tpu.memory_space<hbm>>) target(%arg14 : memref<128x128xf32, #tpu.memory_space<vmem>>) offsets(%arg12 : memref<128xi32, #tpu.memory_space<vmem>>) semaphore(%arg16 : memref<!tpu.dma_semaphore, #tpu.memory_space<semaphore_mem>>)
      } else {
      }
      %dma_wait3A_363 = arith.constant 0 : i32
      %dma_wait3A_364 = arith.constant 0 : i32
      %dma_wait3A_365 = tpu.memref_slice %arg2[%dma_wait3A_363, %dma_wait3A_364] : memref<10000x128xf32, #tpu.memory_space<hbm>> -> memref<10000x128xf32, #tpu.memory_space<hbm>>
      tpu.wait_indirect_dma semaphore(%arg15 : memref<!tpu.dma_semaphore, #tpu.memory_space<semaphore_mem>>) src(%dma_wait3A_365 : memref<10000x128xf32, #tpu.memory_space<hbm>>) dst(%arg13 : memref<128x128xf32, #tpu.memory_space<vmem>>)
      %dma_start3A_366 = arith.constant 0 : i32
      %dma_start3A_367 = arith.constant 0 : i32
      %dma_start3A_368 = tpu.memref_slice %arg6[%dma_start3A_366, %dma_start3A_367] : memref<10240x128xf32, #tpu.memory_space<vmem_shared>> -> memref<10240x128xf32, #tpu.memory_space<vmem_shared>>
      tpu.enqueue_indirect_dma source(%arg13 : memref<128x128xf32, #tpu.memory_space<vmem>>) target(%dma_start3A_368 : memref<10240x128xf32, #tpu.memory_space<vmem_shared>>) offsets(%arg8 : memref<128xi32, #tpu.memory_space<vmem>>) semaphore(%arg17 : memref<!tpu.dma_semaphore, #tpu.memory_space<semaphore_mem>>) {add = true}
      %add3A_369 = arith.constant 2 : i32
      %add3A_370 = arith.addi %add3A_355, %add3A_369 : i32
      %lt3A_371 = arith.constant 79 : i32
      %lt3A_372 = arith.cmpi slt, %add3A_370, %lt3A_371 : i32
      %convert_element_type3A_373 = arith.extui %lt3A_372 : i1 to i32
      %cond3A_374 = arith.constant 0 : i32
      %cond3A_375 = arith.cmpi ne, %convert_element_type3A_373, %cond3A_374 : i32
      scf.if %cond3A_375 {
        %add3A_401 = arith.constant 2 : i32
        %add3A_402 = arith.addi %add3A_355, %add3A_401 : i32
        %mul3A_403 = arith.constant 128 : i32
        %mul3A_404 = arith.muli %add3A_402, %mul3A_403 : i32
        %add3A_405 = arith.addi %mul3A_4, %mul3A_404 : i32
        %dma_start3A_406 = tpu.memref_slice %arg3[%add3A_405] : memref<323584xi32, #tpu.memory_space<hbm>> -> memref<128xi32, #tpu.memory_space<hbm>>
        %dma_start3A_407 = tpu.memref_slice %arg3[%add3A_405] : memref<323584xi32, #tpu.memory_space<hbm>> -> memref<128xi32, #tpu.memory_space<hbm>>
        tpu.enqueue_dma source(%dma_start3A_407 : memref<128xi32, #tpu.memory_space<hbm>>) target(%arg7 : memref<128xi32, #tpu.memory_space<vmem>>) target_semaphore(%arg19 : memref<!tpu.dma_semaphore, #tpu.memory_space<semaphore_mem>>)
        %mul3A_408 = arith.constant 128 : i32
        %mul3A_409 = arith.muli %add3A_402, %mul3A_408 : i32
        %add3A_410 = arith.addi %mul3A_4, %mul3A_409 : i32
        %dma_start3A_411 = tpu.memref_slice %arg4[%add3A_410] : memref<323584xi32, #tpu.memory_space<hbm>> -> memref<128xi32, #tpu.memory_space<hbm>>
        %dma_start3A_412 = tpu.memref_slice %arg4[%add3A_410] : memref<323584xi32, #tpu.memory_space<hbm>> -> memref<128xi32, #tpu.memory_space<hbm>>
        tpu.enqueue_dma source(%dma_start3A_412 : memref<128xi32, #tpu.memory_space<hbm>>) target(%arg10 : memref<128xi32, #tpu.memory_space<vmem>>) target_semaphore(%arg19 : memref<!tpu.dma_semaphore, #tpu.memory_space<semaphore_mem>>)
      } else {
      }
      %mul3A_376 = arith.constant 6 : i32
      %mul3A_377 = arith.muli %scan3A_257, %mul3A_376 : i32
      %add3A_378 = arith.constant 5 : i32
      %add3A_379 = arith.addi %mul3A_377, %add3A_378 : i32
      %add3A_380 = arith.constant 1 : i32
      %add3A_381 = arith.addi %add3A_379, %add3A_380 : i32
      %lt3A_382 = arith.constant 79 : i32
      %lt3A_383 = arith.cmpi slt, %add3A_381, %lt3A_382 : i32
      %convert_element_type3A_384 = arith.extui %lt3A_383 : i1 to i32
      %cond3A_385 = arith.constant 0 : i32
      %cond3A_386 = arith.cmpi ne, %convert_element_type3A_384, %cond3A_385 : i32
      scf.if %cond3A_386 {
        %add3A_401 = arith.constant 1 : i32
        %add3A_402 = arith.addi %add3A_379, %add3A_401 : i32
        %mul3A_403 = arith.constant 128 : i32
        %mul3A_404 = arith.muli %add3A_402, %mul3A_403 : i32
        %add3A_405 = arith.addi %mul3A_4, %mul3A_404 : i32
        %dma_wait3A_406 = tpu.memref_slice %arg3[%add3A_405] : memref<323584xi32, #tpu.memory_space<hbm>> -> memref<128xi32, #tpu.memory_space<hbm>>
        %dma_wait3A_407 = tpu.memref_slice %arg3[%add3A_405] : memref<323584xi32, #tpu.memory_space<hbm>> -> memref<128xi32, #tpu.memory_space<hbm>>
        tpu.wait_dma2 semaphore(%arg19 : memref<!tpu.dma_semaphore, #tpu.memory_space<semaphore_mem>>) src(%dma_wait3A_407 : memref<128xi32, #tpu.memory_space<hbm>>) dst(%arg7 : memref<128xi32, #tpu.memory_space<vmem>>)
        %mul3A_408 = arith.constant 128 : i32
        %mul3A_409 = arith.muli %add3A_402, %mul3A_408 : i32
        %add3A_410 = arith.addi %mul3A_4, %mul3A_409 : i32
        %dma_wait3A_411 = tpu.memref_slice %arg4[%add3A_410] : memref<323584xi32, #tpu.memory_space<hbm>> -> memref<128xi32, #tpu.memory_space<hbm>>
        %dma_wait3A_412 = tpu.memref_slice %arg4[%add3A_410] : memref<323584xi32, #tpu.memory_space<hbm>> -> memref<128xi32, #tpu.memory_space<hbm>>
        tpu.wait_dma2 semaphore(%arg19 : memref<!tpu.dma_semaphore, #tpu.memory_space<semaphore_mem>>) src(%dma_wait3A_412 : memref<128xi32, #tpu.memory_space<hbm>>) dst(%arg10 : memref<128xi32, #tpu.memory_space<vmem>>)
        %ge3A = arith.constant 1 : i32
        %ge3A_413 = arith.cmpi sge, %add3A_379, %ge3A : i32
        %convert_element_type3A_414 = arith.extui %ge3A_413 : i1 to i32
        %cond3A_415 = arith.constant 0 : i32
        %cond3A_416 = arith.cmpi ne, %convert_element_type3A_414, %cond3A_415 : i32
        scf.if %cond3A_416 {
          %dma_wait3A_420 = arith.constant 0 : i32
          %dma_wait3A_421 = arith.constant 0 : i32
          %dma_wait3A_422 = tpu.memref_slice %arg6[%dma_wait3A_420, %dma_wait3A_421] : memref<10240x128xf32, #tpu.memory_space<vmem_shared>> -> memref<10240x128xf32, #tpu.memory_space<vmem_shared>>
          tpu.wait_indirect_dma semaphore(%arg17 : memref<!tpu.dma_semaphore, #tpu.memory_space<semaphore_mem>>) src(%arg13 : memref<128x128xf32, #tpu.memory_space<vmem>>) dst(%dma_wait3A_422 : memref<10240x128xf32, #tpu.memory_space<vmem_shared>>)
        } else {
        }
        %dma_start3A_417 = arith.constant 0 : i32
        %dma_start3A_418 = arith.constant 0 : i32
        %dma_start3A_419 = tpu.memref_slice %arg2[%dma_start3A_417, %dma_start3A_418] : memref<10000x128xf32, #tpu.memory_space<hbm>> -> memref<10000x128xf32, #tpu.memory_space<hbm>>
        tpu.enqueue_indirect_dma source(%dma_start3A_419 : memref<10000x128xf32, #tpu.memory_space<hbm>>) target(%arg13 : memref<128x128xf32, #tpu.memory_space<vmem>>) offsets(%arg10 : memref<128xi32, #tpu.memory_space<vmem>>) semaphore(%arg15 : memref<!tpu.dma_semaphore, #tpu.memory_space<semaphore_mem>>)
      } else {
      }
      %dma_wait3A_387 = arith.constant 0 : i32
      %dma_wait3A_388 = arith.constant 0 : i32
      %dma_wait3A_389 = tpu.memref_slice %arg2[%dma_wait3A_387, %dma_wait3A_388] : memref<10000x128xf32, #tpu.memory_space<hbm>> -> memref<10000x128xf32, #tpu.memory_space<hbm>>
      tpu.wait_indirect_dma semaphore(%arg16 : memref<!tpu.dma_semaphore, #tpu.memory_space<semaphore_mem>>) src(%dma_wait3A_389 : memref<10000x128xf32, #tpu.memory_space<hbm>>) dst(%arg14 : memref<128x128xf32, #tpu.memory_space<vmem>>)
      %dma_start3A_390 = arith.constant 0 : i32
      %dma_start3A_391 = arith.constant 0 : i32
      %dma_start3A_392 = tpu.memref_slice %arg6[%dma_start3A_390, %dma_start3A_391] : memref<10240x128xf32, #tpu.memory_space<vmem_shared>> -> memref<10240x128xf32, #tpu.memory_space<vmem_shared>>
      tpu.enqueue_indirect_dma source(%arg14 : memref<128x128xf32, #tpu.memory_space<vmem>>) target(%dma_start3A_392 : memref<10240x128xf32, #tpu.memory_space<vmem_shared>>) offsets(%arg9 : memref<128xi32, #tpu.memory_space<vmem>>) semaphore(%arg18 : memref<!tpu.dma_semaphore, #tpu.memory_space<semaphore_mem>>) {add = true}
      %add3A_393 = arith.constant 2 : i32
      %add3A_394 = arith.addi %add3A_379, %add3A_393 : i32
      %lt3A_395 = arith.constant 79 : i32
      %lt3A_396 = arith.cmpi slt, %add3A_394, %lt3A_395 : i32
      %convert_element_type3A_397 = arith.extui %lt3A_396 : i1 to i32
      %cond3A_398 = arith.constant 0 : i32
      %cond3A_399 = arith.cmpi ne, %convert_element_type3A_397, %cond3A_398 : i32
      scf.if %cond3A_399 {
        %add3A_401 = arith.constant 2 : i32
        %add3A_402 = arith.addi %add3A_379, %add3A_401 : i32
        %mul3A_403 = arith.constant 128 : i32
        %mul3A_404 = arith.muli %add3A_402, %mul3A_403 : i32
        %add3A_405 = arith.addi %mul3A_4, %mul3A_404 : i32
        %dma_start3A_406 = tpu.memref_slice %arg3[%add3A_405] : memref<323584xi32, #tpu.memory_space<hbm>> -> memref<128xi32, #tpu.memory_space<hbm>>
        %dma_start3A_407 = tpu.memref_slice %arg3[%add3A_405] : memref<323584xi32, #tpu.memory_space<hbm>> -> memref<128xi32, #tpu.memory_space<hbm>>
        tpu.enqueue_dma source(%dma_start3A_407 : memref<128xi32, #tpu.memory_space<hbm>>) target(%arg8 : memref<128xi32, #tpu.memory_space<vmem>>) target_semaphore(%arg20 : memref<!tpu.dma_semaphore, #tpu.memory_space<semaphore_mem>>)
        %mul3A_408 = arith.constant 128 : i32
        %mul3A_409 = arith.muli %add3A_402, %mul3A_408 : i32
        %add3A_410 = arith.addi %mul3A_4, %mul3A_409 : i32
        %dma_start3A_411 = tpu.memref_slice %arg4[%add3A_410] : memref<323584xi32, #tpu.memory_space<hbm>> -> memref<128xi32, #tpu.memory_space<hbm>>
        %dma_start3A_412 = tpu.memref_slice %arg4[%add3A_410] : memref<323584xi32, #tpu.memory_space<hbm>> -> memref<128xi32, #tpu.memory_space<hbm>>
        tpu.enqueue_dma source(%dma_start3A_412 : memref<128xi32, #tpu.memory_space<hbm>>) target(%arg11 : memref<128xi32, #tpu.memory_space<vmem>>) target_semaphore(%arg20 : memref<!tpu.dma_semaphore, #tpu.memory_space<semaphore_mem>>)
      } else {
      }
      %scan3A_400 = arith.constant 0 : i32
      scf.yield %scan3A_400 : i32
    }
    %scan3A_103 = arith.constant 13 : i32
    %dma_wait3A_104 = arith.constant 0 : i32
    %dma_wait3A_105 = arith.constant 0 : i32
    %dma_wait3A_106 = tpu.memref_slice %arg2[%dma_wait3A_104, %dma_wait3A_105] : memref<10000x128xf32, #tpu.memory_space<hbm>> -> memref<10000x128xf32, #tpu.memory_space<hbm>>
    tpu.wait_indirect_dma semaphore(%arg15 : memref<!tpu.dma_semaphore, #tpu.memory_space<semaphore_mem>>) src(%dma_wait3A_106 : memref<10000x128xf32, #tpu.memory_space<hbm>>) dst(%arg13 : memref<128x128xf32, #tpu.memory_space<vmem>>)
    %dma_start3A_107 = arith.constant 0 : i32
    %dma_start3A_108 = arith.constant 0 : i32
    %dma_start3A_109 = tpu.memref_slice %arg6[%dma_start3A_107, %dma_start3A_108] : memref<10240x128xf32, #tpu.memory_space<vmem_shared>> -> memref<10240x128xf32, #tpu.memory_space<vmem_shared>>
    tpu.enqueue_indirect_dma source(%arg13 : memref<128x128xf32, #tpu.memory_space<vmem>>) target(%dma_start3A_109 : memref<10240x128xf32, #tpu.memory_space<vmem_shared>>) offsets(%arg7 : memref<128xi32, #tpu.memory_space<vmem>>) semaphore(%arg17 : memref<!tpu.dma_semaphore, #tpu.memory_space<semaphore_mem>>) {add = true}
    %dma_wait3A_110 = arith.constant 0 : i32
    %dma_wait3A_111 = arith.constant 0 : i32
    %dma_wait3A_112 = tpu.memref_slice %arg6[%dma_wait3A_110, %dma_wait3A_111] : memref<10240x128xf32, #tpu.memory_space<vmem_shared>> -> memref<10240x128xf32, #tpu.memory_space<vmem_shared>>
    tpu.wait_indirect_dma semaphore(%arg18 : memref<!tpu.dma_semaphore, #tpu.memory_space<semaphore_mem>>) src(%arg14 : memref<128x128xf32, #tpu.memory_space<vmem>>) dst(%dma_wait3A_112 : memref<10240x128xf32, #tpu.memory_space<vmem_shared>>)
    %dma_wait3A_113 = arith.constant 0 : i32
    %dma_wait3A_114 = arith.constant 0 : i32
    %dma_wait3A_115 = tpu.memref_slice %arg6[%dma_wait3A_113, %dma_wait3A_114] : memref<10240x128xf32, #tpu.memory_space<vmem_shared>> -> memref<10240x128xf32, #tpu.memory_space<vmem_shared>>
    tpu.wait_indirect_dma semaphore(%arg17 : memref<!tpu.dma_semaphore, #tpu.memory_space<semaphore_mem>>) src(%arg13 : memref<128x128xf32, #tpu.memory_space<vmem>>) dst(%dma_wait3A_115 : memref<10240x128xf32, #tpu.memory_space<vmem_shared>>)
    %barrier3A_116 = arith.constant 0 : index
    tpu.barrier barrier_id(%barrier3A_116)
    %add3A_117 = arith.constant 0 : i32
    %add3A_118 = arith.addi %mul3A_2, %add3A_117 : i32
    %dma_start3A_119 = arith.constant 0 : i32
    %dma_start3A_120 = tpu.memref_slice %arg6[%add3A_118, %dma_start3A_119] : memref<10240x128xf32, #tpu.memory_space<vmem_shared>> -> memref<128x128xf32, #tpu.memory_space<vmem_shared>>
    %dma_start3A_121 = arith.constant 0 : i32
    %dma_start3A_122 = tpu.memref_slice %arg6[%add3A_118, %dma_start3A_121] : memref<10240x128xf32, #tpu.memory_space<vmem_shared>> -> memref<128x128xf32, #tpu.memory_space<vmem_shared>>
    tpu.enqueue_dma source(%dma_start3A_122 : memref<128x128xf32, #tpu.memory_space<vmem_shared>>) target(%arg13 : memref<128x128xf32, #tpu.memory_space<vmem>>) target_semaphore(%arg15 : memref<!tpu.dma_semaphore, #tpu.memory_space<semaphore_mem>>)
    %add3A_123 = arith.constant 128 : i32
    %add3A_124 = arith.addi %mul3A_2, %add3A_123 : i32
    %dma_start3A_125 = arith.constant 0 : i32
    %dma_start3A_126 = tpu.memref_slice %arg6[%add3A_124, %dma_start3A_125] : memref<10240x128xf32, #tpu.memory_space<vmem_shared>> -> memref<128x128xf32, #tpu.memory_space<vmem_shared>>
    %dma_start3A_127 = arith.constant 0 : i32
    %dma_start3A_128 = tpu.memref_slice %arg6[%add3A_124, %dma_start3A_127] : memref<10240x128xf32, #tpu.memory_space<vmem_shared>> -> memref<128x128xf32, #tpu.memory_space<vmem_shared>>
    tpu.enqueue_dma source(%dma_start3A_128 : memref<128x128xf32, #tpu.memory_space<vmem_shared>>) target(%arg14 : memref<128x128xf32, #tpu.memory_space<vmem>>) target_semaphore(%arg16 : memref<!tpu.dma_semaphore, #tpu.memory_space<semaphore_mem>>)
    %add3A_129 = arith.constant 0 : i32
    %add3A_130 = arith.addi %mul3A_2, %add3A_129 : i32
    %dma_wait3A_131 = arith.constant 0 : i32
    %dma_wait3A_132 = tpu.memref_slice %arg6[%add3A_130, %dma_wait3A_131] : memref<10240x128xf32, #tpu.memory_space<vmem_shared>> -> memref<128x128xf32, #tpu.memory_space<vmem_shared>>
    %dma_wait3A_133 = arith.constant 0 : i32
    %dma_wait3A_134 = tpu.memref_slice %arg6[%add3A_130, %dma_wait3A_133] : memref<10240x128xf32, #tpu.memory_space<vmem_shared>> -> memref<128x128xf32, #tpu.memory_space<vmem_shared>>
    tpu.wait_dma2 semaphore(%arg15 : memref<!tpu.dma_semaphore, #tpu.memory_space<semaphore_mem>>) src(%dma_wait3A_134 : memref<128x128xf32, #tpu.memory_space<vmem_shared>>) dst(%arg13 : memref<128x128xf32, #tpu.memory_space<vmem>>)
    %add3A_135 = arith.constant 0 : i32
    %add3A_136 = arith.addi %mul3A_2, %add3A_135 : i32
    %dma_start3A_137 = arith.constant 0 : i32
    %dma_start3A_138 = tpu.memref_slice %arg5[%arg0, %add3A_136, %dma_start3A_137] : memref<2x10240x128xf32, #tpu.memory_space<hbm>> -> memref<1x128x128xf32, #tpu.memory_space<hbm>>
    %dma_start3A_139 = tpu.memref_squeeze %dma_start3A_138 : memref<1x128x128xf32, #tpu.memory_space<hbm>> -> memref<128x128xf32, #tpu.memory_space<hbm>>
    %dma_start3A_140 = arith.constant 0 : i32
    %dma_start3A_141 = tpu.memref_slice %arg5[%arg0, %add3A_136, %dma_start3A_140] : memref<2x10240x128xf32, #tpu.memory_space<hbm>> -> memref<1x128x128xf32, #tpu.memory_space<hbm>>
    %dma_start3A_142 = tpu.memref_squeeze %dma_start3A_141 : memref<1x128x128xf32, #tpu.memory_space<hbm>> -> memref<128x128xf32, #tpu.memory_space<hbm>>
    tpu.enqueue_dma source(%arg13 : memref<128x128xf32, #tpu.memory_space<vmem>>) target(%dma_start3A_142 : memref<128x128xf32, #tpu.memory_space<hbm>>) target_semaphore(%arg17 : memref<!tpu.dma_semaphore, #tpu.memory_space<semaphore_mem>>)
    %add3A_143 = arith.constant 0 : i32
    %add3A_144 = arith.addi %mul3A_2, %add3A_143 : i32
    %dma_wait3A_145 = arith.constant 0 : i32
    %dma_wait3A_146 = tpu.memref_slice %arg5[%arg0, %add3A_144, %dma_wait3A_145] : memref<2x10240x128xf32, #tpu.memory_space<hbm>> -> memref<1x128x128xf32, #tpu.memory_space<hbm>>
    %dma_wait3A_147 = tpu.memref_squeeze %dma_wait3A_146 : memref<1x128x128xf32, #tpu.memory_space<hbm>> -> memref<128x128xf32, #tpu.memory_space<hbm>>
    %dma_wait3A_148 = arith.constant 0 : i32
    %dma_wait3A_149 = tpu.memref_slice %arg5[%arg0, %add3A_144, %dma_wait3A_148] : memref<2x10240x128xf32, #tpu.memory_space<hbm>> -> memref<1x128x128xf32, #tpu.memory_space<hbm>>
    %dma_wait3A_150 = tpu.memref_squeeze %dma_wait3A_149 : memref<1x128x128xf32, #tpu.memory_space<hbm>> -> memref<128x128xf32, #tpu.memory_space<hbm>>
    tpu.wait_dma2 semaphore(%arg17 : memref<!tpu.dma_semaphore, #tpu.memory_space<semaphore_mem>>) src(%arg13 : memref<128x128xf32, #tpu.memory_space<vmem>>) dst(%dma_wait3A_150 : memref<128x128xf32, #tpu.memory_space<hbm>>)
    %add3A_151 = arith.constant 256 : i32
    %add3A_152 = arith.addi %mul3A_2, %add3A_151 : i32
    %dma_start3A_153 = arith.constant 0 : i32
    %dma_start3A_154 = tpu.memref_slice %arg6[%add3A_152, %dma_start3A_153] : memref<10240x128xf32, #tpu.memory_space<vmem_shared>> -> memref<128x128xf32, #tpu.memory_space<vmem_shared>>
    %dma_start3A_155 = arith.constant 0 : i32
    %dma_start3A_156 = tpu.memref_slice %arg6[%add3A_152, %dma_start3A_155] : memref<10240x128xf32, #tpu.memory_space<vmem_shared>> -> memref<128x128xf32, #tpu.memory_space<vmem_shared>>
    tpu.enqueue_dma source(%dma_start3A_156 : memref<128x128xf32, #tpu.memory_space<vmem_shared>>) target(%arg13 : memref<128x128xf32, #tpu.memory_space<vmem>>) target_semaphore(%arg15 : memref<!tpu.dma_semaphore, #tpu.memory_space<semaphore_mem>>)
    %add3A_157 = arith.constant 128 : i32
    %add3A_158 = arith.addi %mul3A_2, %add3A_157 : i32
    %dma_wait3A_159 = arith.constant 0 : i32
    %dma_wait3A_160 = tpu.memref_slice %arg6[%add3A_158, %dma_wait3A_159] : memref<10240x128xf32, #tpu.memory_space<vmem_shared>> -> memref<128x128xf32, #tpu.memory_space<vmem_shared>>
    %dma_wait3A_161 = arith.constant 0 : i32
    %dma_wait3A_162 = tpu.memref_slice %arg6[%add3A_158, %dma_wait3A_161] : memref<10240x128xf32, #tpu.memory_space<vmem_shared>> -> memref<128x128xf32, #tpu.memory_space<vmem_shared>>
    tpu.wait_dma2 semaphore(%arg16 : memref<!tpu.dma_semaphore, #tpu.memory_space<semaphore_mem>>) src(%dma_wait3A_162 : memref<128x128xf32, #tpu.memory_space<vmem_shared>>) dst(%arg14 : memref<128x128xf32, #tpu.memory_space<vmem>>)
    %add3A_163 = arith.constant 128 : i32
    %add3A_164 = arith.addi %mul3A_2, %add3A_163 : i32
    %dma_start3A_165 = arith.constant 0 : i32
    %dma_start3A_166 = tpu.memref_slice %arg5[%arg0, %add3A_164, %dma_start3A_165] : memref<2x10240x128xf32, #tpu.memory_space<hbm>> -> memref<1x128x128xf32, #tpu.memory_space<hbm>>
    %dma_start3A_167 = tpu.memref_squeeze %dma_start3A_166 : memref<1x128x128xf32, #tpu.memory_space<hbm>> -> memref<128x128xf32, #tpu.memory_space<hbm>>
    %dma_start3A_168 = arith.constant 0 : i32
    %dma_start3A_169 = tpu.memref_slice %arg5[%arg0, %add3A_164, %dma_start3A_168] : memref<2x10240x128xf32, #tpu.memory_space<hbm>> -> memref<1x128x128xf32, #tpu.memory_space<hbm>>
    %dma_start3A_170 = tpu.memref_squeeze %dma_start3A_169 : memref<1x128x128xf32, #tpu.memory_space<hbm>> -> memref<128x128xf32, #tpu.memory_space<hbm>>
    tpu.enqueue_dma source(%arg14 : memref<128x128xf32, #tpu.memory_space<vmem>>) target(%dma_start3A_170 : memref<128x128xf32, #tpu.memory_space<hbm>>) target_semaphore(%arg18 : memref<!tpu.dma_semaphore, #tpu.memory_space<semaphore_mem>>)
    %add3A_171 = arith.constant 128 : i32
    %add3A_172 = arith.addi %mul3A_2, %add3A_171 : i32
    %dma_wait3A_173 = arith.constant 0 : i32
    %dma_wait3A_174 = tpu.memref_slice %arg5[%arg0, %add3A_172, %dma_wait3A_173] : memref<2x10240x128xf32, #tpu.memory_space<hbm>> -> memref<1x128x128xf32, #tpu.memory_space<hbm>>
    %dma_wait3A_175 = tpu.memref_squeeze %dma_wait3A_174 : memref<1x128x128xf32, #tpu.memory_space<hbm>> -> memref<128x128xf32, #tpu.memory_space<hbm>>
    %dma_wait3A_176 = arith.constant 0 : i32
    %dma_wait3A_177 = tpu.memref_slice %arg5[%arg0, %add3A_172, %dma_wait3A_176] : memref<2x10240x128xf32, #tpu.memory_space<hbm>> -> memref<1x128x128xf32, #tpu.memory_space<hbm>>
    %dma_wait3A_178 = tpu.memref_squeeze %dma_wait3A_177 : memref<1x128x128xf32, #tpu.memory_space<hbm>> -> memref<128x128xf32, #tpu.memory_space<hbm>>
    tpu.wait_dma2 semaphore(%arg18 : memref<!tpu.dma_semaphore, #tpu.memory_space<semaphore_mem>>) src(%arg14 : memref<128x128xf32, #tpu.memory_space<vmem>>) dst(%dma_wait3A_178 : memref<128x128xf32, #tpu.memory_space<hbm>>)
    %add3A_179 = arith.constant 384 : i32
    %add3A_180 = arith.addi %mul3A_2, %add3A_179 : i32
    %dma_start3A_181 = arith.constant 0 : i32
    %dma_start3A_182 = tpu.memref_slice %arg6[%add3A_180, %dma_start3A_181] : memref<10240x128xf32, #tpu.memory_space<vmem_shared>> -> memref<128x128xf32, #tpu.memory_space<vmem_shared>>
    %dma_start3A_183 = arith.constant 0 : i32
    %dma_start3A_184 = tpu.memref_slice %arg6[%add3A_180, %dma_start3A_183] : memref<10240x128xf32, #tpu.memory_space<vmem_shared>> -> memref<128x128xf32, #tpu.memory_space<vmem_shared>>
    tpu.enqueue_dma source(%dma_start3A_184 : memref<128x128xf32, #tpu.memory_space<vmem_shared>>) target(%arg14 : memref<128x128xf32, #tpu.memory_space<vmem>>) target_semaphore(%arg16 : memref<!tpu.dma_semaphore, #tpu.memory_space<semaphore_mem>>)
    %add3A_185 = arith.constant 256 : i32
    %add3A_186 = arith.addi %mul3A_2, %add3A_185 : i32
    %dma_wait3A_187 = arith.constant 0 : i32
    %dma_wait3A_188 = tpu.memref_slice %arg6[%add3A_186, %dma_wait3A_187] : memref<10240x128xf32, #tpu.memory_space<vmem_shared>> -> memref<128x128xf32, #tpu.memory_space<vmem_shared>>
    %dma_wait3A_189 = arith.constant 0 : i32
    %dma_wait3A_190 = tpu.memref_slice %arg6[%add3A_186, %dma_wait3A_189] : memref<10240x128xf32, #tpu.memory_space<vmem_shared>> -> memref<128x128xf32, #tpu.memory_space<vmem_shared>>
    tpu.wait_dma2 semaphore(%arg15 : memref<!tpu.dma_semaphore, #tpu.memory_space<semaphore_mem>>) src(%dma_wait3A_190 : memref<128x128xf32, #tpu.memory_space<vmem_shared>>) dst(%arg13 : memref<128x128xf32, #tpu.memory_space<vmem>>)
    %add3A_191 = arith.constant 256 : i32
    %add3A_192 = arith.addi %mul3A_2, %add3A_191 : i32
    %dma_start3A_193 = arith.constant 0 : i32
    %dma_start3A_194 = tpu.memref_slice %arg5[%arg0, %add3A_192, %dma_start3A_193] : memref<2x10240x128xf32, #tpu.memory_space<hbm>> -> memref<1x128x128xf32, #tpu.memory_space<hbm>>
    %dma_start3A_195 = tpu.memref_squeeze %dma_start3A_194 : memref<1x128x128xf32, #tpu.memory_space<hbm>> -> memref<128x128xf32, #tpu.memory_space<hbm>>
    %dma_start3A_196 = arith.constant 0 : i32
    %dma_start3A_197 = tpu.memref_slice %arg5[%arg0, %add3A_192, %dma_start3A_196] : memref<2x10240x128xf32, #tpu.memory_space<hbm>> -> memref<1x128x128xf32, #tpu.memory_space<hbm>>
    %dma_start3A_198 = tpu.memref_squeeze %dma_start3A_197 : memref<1x128x128xf32, #tpu.memory_space<hbm>> -> memref<128x128xf32, #tpu.memory_space<hbm>>
    tpu.enqueue_dma source(%arg13 : memref<128x128xf32, #tpu.memory_space<vmem>>) target(%dma_start3A_198 : memref<128x128xf32, #tpu.memory_space<hbm>>) target_semaphore(%arg17 : memref<!tpu.dma_semaphore, #tpu.memory_space<semaphore_mem>>)
    %add3A_199 = arith.constant 256 : i32
    %add3A_200 = arith.addi %mul3A_2, %add3A_199 : i32
    %dma_wait3A_201 = arith.constant 0 : i32
    %dma_wait3A_202 = tpu.memref_slice %arg5[%arg0, %add3A_200, %dma_wait3A_201] : memref<2x10240x128xf32, #tpu.memory_space<hbm>> -> memref<1x128x128xf32, #tpu.memory_space<hbm>>
    %dma_wait3A_203 = tpu.memref_squeeze %dma_wait3A_202 : memref<1x128x128xf32, #tpu.memory_space<hbm>> -> memref<128x128xf32, #tpu.memory_space<hbm>>
    %dma_wait3A_204 = arith.constant 0 : i32
    %dma_wait3A_205 = tpu.memref_slice %arg5[%arg0, %add3A_200, %dma_wait3A_204] : memref<2x10240x128xf32, #tpu.memory_space<hbm>> -> memref<1x128x128xf32, #tpu.memory_space<hbm>>
    %dma_wait3A_206 = tpu.memref_squeeze %dma_wait3A_205 : memref<1x128x128xf32, #tpu.memory_space<hbm>> -> memref<128x128xf32, #tpu.memory_space<hbm>>
    tpu.wait_dma2 semaphore(%arg17 : memref<!tpu.dma_semaphore, #tpu.memory_space<semaphore_mem>>) src(%arg13 : memref<128x128xf32, #tpu.memory_space<vmem>>) dst(%dma_wait3A_206 : memref<128x128xf32, #tpu.memory_space<hbm>>)
    %add3A_207 = arith.constant 512 : i32
    %add3A_208 = arith.addi %mul3A_2, %add3A_207 : i32
    %dma_start3A_209 = arith.constant 0 : i32
    %dma_start3A_210 = tpu.memref_slice %arg6[%add3A_208, %dma_start3A_209] : memref<10240x128xf32, #tpu.memory_space<vmem_shared>> -> memref<128x128xf32, #tpu.memory_space<vmem_shared>>
    %dma_start3A_211 = arith.constant 0 : i32
    %dma_start3A_212 = tpu.memref_slice %arg6[%add3A_208, %dma_start3A_211] : memref<10240x128xf32, #tpu.memory_space<vmem_shared>> -> memref<128x128xf32, #tpu.memory_space<vmem_shared>>
    tpu.enqueue_dma source(%dma_start3A_212 : memref<128x128xf32, #tpu.memory_space<vmem_shared>>) target(%arg13 : memref<128x128xf32, #tpu.memory_space<vmem>>) target_semaphore(%arg15 : memref<!tpu.dma_semaphore, #tpu.memory_space<semaphore_mem>>)
    %add3A_213 = arith.constant 384 : i32
    %add3A_214 = arith.addi %mul3A_2, %add3A_213 : i32
    %dma_wait3A_215 = arith.constant 0 : i32
    %dma_wait3A_216 = tpu.memref_slice %arg6[%add3A_214, %dma_wait3A_215] : memref<10240x128xf32, #tpu.memory_space<vmem_shared>> -> memref<128x128xf32, #tpu.memory_space<vmem_shared>>
    %dma_wait3A_217 = arith.constant 0 : i32
    %dma_wait3A_218 = tpu.memref_slice %arg6[%add3A_214, %dma_wait3A_217] : memref<10240x128xf32, #tpu.memory_space<vmem_shared>> -> memref<128x128xf32, #tpu.memory_space<vmem_shared>>
    tpu.wait_dma2 semaphore(%arg16 : memref<!tpu.dma_semaphore, #tpu.memory_space<semaphore_mem>>) src(%dma_wait3A_218 : memref<128x128xf32, #tpu.memory_space<vmem_shared>>) dst(%arg14 : memref<128x128xf32, #tpu.memory_space<vmem>>)
    %add3A_219 = arith.constant 384 : i32
    %add3A_220 = arith.addi %mul3A_2, %add3A_219 : i32
    %dma_start3A_221 = arith.constant 0 : i32
    %dma_start3A_222 = tpu.memref_slice %arg5[%arg0, %add3A_220, %dma_start3A_221] : memref<2x10240x128xf32, #tpu.memory_space<hbm>> -> memref<1x128x128xf32, #tpu.memory_space<hbm>>
    %dma_start3A_223 = tpu.memref_squeeze %dma_start3A_222 : memref<1x128x128xf32, #tpu.memory_space<hbm>> -> memref<128x128xf32, #tpu.memory_space<hbm>>
    %dma_start3A_224 = arith.constant 0 : i32
    %dma_start3A_225 = tpu.memref_slice %arg5[%arg0, %add3A_220, %dma_start3A_224] : memref<2x10240x128xf32, #tpu.memory_space<hbm>> -> memref<1x128x128xf32, #tpu.memory_space<hbm>>
    %dma_start3A_226 = tpu.memref_squeeze %dma_start3A_225 : memref<1x128x128xf32, #tpu.memory_space<hbm>> -> memref<128x128xf32, #tpu.memory_space<hbm>>
    tpu.enqueue_dma source(%arg14 : memref<128x128xf32, #tpu.memory_space<vmem>>) target(%dma_start3A_226 : memref<128x128xf32, #tpu.memory_space<hbm>>) target_semaphore(%arg18 : memref<!tpu.dma_semaphore, #tpu.memory_space<semaphore_mem>>)
    %add3A_227 = arith.constant 512 : i32
    %add3A_228 = arith.addi %mul3A_2, %add3A_227 : i32
    %dma_wait3A_229 = arith.constant 0 : i32
    %dma_wait3A_230 = tpu.memref_slice %arg6[%add3A_228, %dma_wait3A_229] : memref<10240x128xf32, #tpu.memory_space<vmem_shared>> -> memref<128x128xf32, #tpu.memory_space<vmem_shared>>
    %dma_wait3A_231 = arith.constant 0 : i32
    %dma_wait3A_232 = tpu.memref_slice %arg6[%add3A_228, %dma_wait3A_231] : memref<10240x128xf32, #tpu.memory_space<vmem_shared>> -> memref<128x128xf32, #tpu.memory_space<vmem_shared>>
    tpu.wait_dma2 semaphore(%arg15 : memref<!tpu.dma_semaphore, #tpu.memory_space<semaphore_mem>>) src(%dma_wait3A_232 : memref<128x128xf32, #tpu.memory_space<vmem_shared>>) dst(%arg13 : memref<128x128xf32, #tpu.memory_space<vmem>>)
    %add3A_233 = arith.constant 512 : i32
    %add3A_234 = arith.addi %mul3A_2, %add3A_233 : i32
    %dma_start3A_235 = arith.constant 0 : i32
    %dma_start3A_236 = tpu.memref_slice %arg5[%arg0, %add3A_234, %dma_start3A_235] : memref<2x10240x128xf32, #tpu.memory_space<hbm>> -> memref<1x128x128xf32, #tpu.memory_space<hbm>>
    %dma_start3A_237 = tpu.memref_squeeze %dma_start3A_236 : memref<1x128x128xf32, #tpu.memory_space<hbm>> -> memref<128x128xf32, #tpu.memory_space<hbm>>
    %dma_start3A_238 = arith.constant 0 : i32
    %dma_start3A_239 = tpu.memref_slice %arg5[%arg0, %add3A_234, %dma_start3A_238] : memref<2x10240x128xf32, #tpu.memory_space<hbm>> -> memref<1x128x128xf32, #tpu.memory_space<hbm>>
    %dma_start3A_240 = tpu.memref_squeeze %dma_start3A_239 : memref<1x128x128xf32, #tpu.memory_space<hbm>> -> memref<128x128xf32, #tpu.memory_space<hbm>>
    tpu.enqueue_dma source(%arg13 : memref<128x128xf32, #tpu.memory_space<vmem>>) target(%dma_start3A_240 : memref<128x128xf32, #tpu.memory_space<hbm>>) target_semaphore(%arg17 : memref<!tpu.dma_semaphore, #tpu.memory_space<semaphore_mem>>)
    %add3A_241 = arith.constant 384 : i32
    %add3A_242 = arith.addi %mul3A_2, %add3A_241 : i32
    %dma_wait3A_243 = arith.constant 0 : i32
    %dma_wait3A_244 = tpu.memref_slice %arg5[%arg0, %add3A_242, %dma_wait3A_243] : memref<2x10240x128xf32, #tpu.memory_space<hbm>> -> memref<1x128x128xf32, #tpu.memory_space<hbm>>
    %dma_wait3A_245 = tpu.memref_squeeze %dma_wait3A_244 : memref<1x128x128xf32, #tpu.memory_space<hbm>> -> memref<128x128xf32, #tpu.memory_space<hbm>>
    %dma_wait3A_246 = arith.constant 0 : i32
    %dma_wait3A_247 = tpu.memref_slice %arg5[%arg0, %add3A_242, %dma_wait3A_246] : memref<2x10240x128xf32, #tpu.memory_space<hbm>> -> memref<1x128x128xf32, #tpu.memory_space<hbm>>
    %dma_wait3A_248 = tpu.memref_squeeze %dma_wait3A_247 : memref<1x128x128xf32, #tpu.memory_space<hbm>> -> memref<128x128xf32, #tpu.memory_space<hbm>>
    tpu.wait_dma2 semaphore(%arg18 : memref<!tpu.dma_semaphore, #tpu.memory_space<semaphore_mem>>) src(%arg14 : memref<128x128xf32, #tpu.memory_space<vmem>>) dst(%dma_wait3A_248 : memref<128x128xf32, #tpu.memory_space<hbm>>)
    %add3A_249 = arith.constant 512 : i32
    %add3A_250 = arith.addi %mul3A_2, %add3A_249 : i32
    %dma_wait3A_251 = arith.constant 0 : i32
    %dma_wait3A_252 = tpu.memref_slice %arg5[%arg0, %add3A_250, %dma_wait3A_251] : memref<2x10240x128xf32, #tpu.memory_space<hbm>> -> memref<1x128x128xf32, #tpu.memory_space<hbm>>
    %dma_wait3A_253 = tpu.memref_squeeze %dma_wait3A_252 : memref<1x128x128xf32, #tpu.memory_space<hbm>> -> memref<128x128xf32, #tpu.memory_space<hbm>>
    %dma_wait3A_254 = arith.constant 0 : i32
    %dma_wait3A_255 = tpu.memref_slice %arg5[%arg0, %add3A_250, %dma_wait3A_254] : memref<2x10240x128xf32, #tpu.memory_space<hbm>> -> memref<1x128x128xf32, #tpu.memory_space<hbm>>
    %dma_wait3A_256 = tpu.memref_squeeze %dma_wait3A_255 : memref<1x128x128xf32, #tpu.memory_space<hbm>> -> memref<128x128xf32, #tpu.memory_space<hbm>>
    tpu.wait_dma2 semaphore(%arg17 : memref<!tpu.dma_semaphore, #tpu.memory_space<semaphore_mem>>) src(%arg13 : memref<128x128xf32, #tpu.memory_space<vmem>>) dst(%dma_wait3A_256 : memref<128x128xf32, #tpu.memory_space<hbm>>)
    return
  }
}

module attributes {stable_mosaic.version = 14 : i64} {
  func.func @_scale_body(%arg0: i32, %arg1: memref<2x1000x128xf32, #tpu.memory_space<vmem>>, %arg2: memref<1000x128xf32, #tpu.memory_space<vmem>>, %arg3: memref<1000x128xf32, #tpu.memory_space<vmem>>, %arg4: memref<1000x128xf32, #tpu.memory_space<vmem>>) attributes {dimension_semantics = [#tpu.dimension_semantics<arbitrary>], iteration_bounds = array<i64: 10>, scalar_prefetch = 0 : i64, scratch_operands = 0 : i64, tpu.core_type = #tpu.core_type<tc>, window_params = [{transform_indices = @transform_0, window_bounds = array<i64: 2, 1000, 128>}, {transform_indices = @transform_1, window_bounds = array<i64: 1000, 128>}, {transform_indices = @transform_2, window_bounds = array<i64: 1000, 128>}, {transform_indices = @transform_3, window_bounds = array<i64: 1000, 128>}]} {
    %get3A = arith.constant 0 : index
    %get3A_0 = arith.constant 0 : index
    %get3A_1 = arith.constant 0 : index
    %get3A_2 = vector.load %arg1[%get3A, %get3A_0, %get3A_1] : memref<2x1000x128xf32, #tpu.memory_space<vmem>>, vector<1x1000x128xf32>
    %get3A_3 = vector.shape_cast %get3A_2 : vector<1x1000x128xf32> to vector<1000x128xf32>
    %get3A_4 = arith.constant 1 : index
    %get3A_5 = arith.constant 0 : index
    %get3A_6 = arith.constant 0 : index
    %get3A_7 = vector.load %arg1[%get3A_4, %get3A_5, %get3A_6] : memref<2x1000x128xf32, #tpu.memory_space<vmem>>, vector<1x1000x128xf32>
    %get3A_8 = vector.shape_cast %get3A_7 : vector<1x1000x128xf32> to vector<1000x128xf32>
    %add3A = arith.addf %get3A_3, %get3A_8 : vector<1000x128xf32>
    %add3A_9 = arith.constant 1.000000e+00 : f32
    %add3A_10 = vector.broadcast %add3A_9 : f32 to vector<1000x128xf32>
    %add3A_11 = arith.addf %add3A_10, %add3A : vector<1000x128xf32>
    %rsqrt3A = math.rsqrt %add3A_11 : vector<1000x128xf32>
    %get3A_12 = arith.constant 0 : index
    %get3A_13 = arith.constant 0 : index
    %get3A_14 = vector.load %arg2[%get3A_12, %get3A_13] : memref<1000x128xf32, #tpu.memory_space<vmem>>, vector<1000x128xf32>
    %mul3A = arith.mulf %rsqrt3A, %get3A_14 : vector<1000x128xf32>
    %swap3A = arith.constant 0 : index
    %swap3A_15 = arith.constant 0 : index
    %swap3A_16 = vector.load %arg3[%swap3A, %swap3A_15] : memref<1000x128xf32, #tpu.memory_space<vmem>>, vector<1000x128xf32>
    tpu.vector_store %arg3[%swap3A, %swap3A_15], %mul3A {strides = array<i32>} : memref<1000x128xf32, #tpu.memory_space<vmem>>, vector<1000x128xf32>,
    %swap3A_17 = arith.constant 0 : index
    %swap3A_18 = arith.constant 0 : index
    %swap3A_19 = vector.load %arg4[%swap3A_17, %swap3A_18] : memref<1000x128xf32, #tpu.memory_space<vmem>>, vector<1000x128xf32>
    tpu.vector_store %arg4[%swap3A_17, %swap3A_18], %rsqrt3A {strides = array<i32>} : memref<1000x128xf32, #tpu.memory_space<vmem>>, vector<1000x128xf32>,
    return
  }
  func.func @transform_0(%arg0: i32) -> (i32, i32, i32) {
    %c0_i32 = arith.constant 0 : i32
    %c0_i32_0 = arith.constant 0 : i32
    %c0_i32_1 = arith.constant 0 : i32
    return %c0_i32, %arg0, %c0_i32_0 : i32, i32, i32
  }
  func.func @transform_1(%arg0: i32) -> (i32, i32) {
    %c0_i32 = arith.constant 0 : i32
    %c0_i32_0 = arith.constant 0 : i32
    return %arg0, %c0_i32 : i32, i32
  }
  func.func @transform_2(%arg0: i32) -> (i32, i32) {
    %c0_i32 = arith.constant 0 : i32
    %c0_i32_0 = arith.constant 0 : i32
    return %arg0, %c0_i32 : i32, i32
  }
  func.func @transform_3(%arg0: i32) -> (i32, i32) {
    %c0_i32 = arith.constant 0 : i32
    %c0_i32_0 = arith.constant 0 : i32
    return %arg0, %c0_i32 : i32, i32
  }
}

module attributes {stable_mosaic.version = 14 : i64} {
  func.func @_mlp_body(%arg0: i32, %arg1: memref<2x1000x128xf32, #tpu.memory_space<vmem>>, %arg2: memref<1000x128xf32, #tpu.memory_space<vmem>>, %arg3: memref<1000x128xf32, #tpu.memory_space<vmem>>, %arg4: memref<128x128xf32, #tpu.memory_space<vmem>>, %arg5: memref<1x128xf32, #tpu.memory_space<vmem>>, %arg6: memref<1000x128xf32, #tpu.memory_space<vmem>>) attributes {dimension_semantics = [#tpu.dimension_semantics<arbitrary>], iteration_bounds = array<i64: 10>, scalar_prefetch = 0 : i64, scratch_operands = 0 : i64, tpu.core_type = #tpu.core_type<tc>, window_params = [{transform_indices = @transform_0, window_bounds = array<i64: 2, 1000, 128>}, {transform_indices = @transform_1, window_bounds = array<i64: 1000, 128>}, {transform_indices = @transform_2, window_bounds = array<i64: 1000, 128>}, {pipeline_mode = #tpu.pipeline_mode<synchronous>, transform_indices = @transform_3, window_bounds = array<i64: 128, 128>}, {pipeline_mode = #tpu.pipeline_mode<synchronous>, transform_indices = @transform_4, window_bounds = array<i64: 1, 128>}, {transform_indices = @transform_5, window_bounds = array<i64: 1000, 128>}]} {
    %get3A = arith.constant 0 : index
    %get3A_0 = arith.constant 0 : index
    %get3A_1 = vector.load %arg3[%get3A, %get3A_0] : memref<1000x128xf32, #tpu.memory_space<vmem>>, vector<1000x128xf32>
    %get3A_2 = arith.constant 0 : index
    %get3A_3 = arith.constant 0 : index
    %get3A_4 = arith.constant 0 : index
    %get3A_5 = vector.load %arg1[%get3A_2, %get3A_3, %get3A_4] : memref<2x1000x128xf32, #tpu.memory_space<vmem>>, vector<1x1000x128xf32>
    %get3A_6 = vector.shape_cast %get3A_5 : vector<1x1000x128xf32> to vector<1000x128xf32>
    %get3A_7 = arith.constant 1 : index
    %get3A_8 = arith.constant 0 : index
    %get3A_9 = arith.constant 0 : index
    %get3A_10 = vector.load %arg1[%get3A_7, %get3A_8, %get3A_9] : memref<2x1000x128xf32, #tpu.memory_space<vmem>>, vector<1x1000x128xf32>
    %get3A_11 = vector.shape_cast %get3A_10 : vector<1x1000x128xf32> to vector<1000x128xf32>
    %add3A = arith.addf %get3A_6, %get3A_11 : vector<1000x128xf32>
    %get3A_12 = arith.constant 0 : index
    %get3A_13 = arith.constant 0 : index
    %get3A_14 = vector.load %arg2[%get3A_12, %get3A_13] : memref<1000x128xf32, #tpu.memory_space<vmem>>, vector<1000x128xf32>
    %add3A_15 = arith.addf %add3A, %get3A_14 : vector<1000x128xf32>
    %mul3A = arith.mulf %get3A_1, %add3A_15 : vector<1000x128xf32>
    %get3A_16 = arith.constant 0 : index
    %get3A_17 = arith.constant 0 : index
    %get3A_18 = vector.load %arg4[%get3A_16, %get3A_17] : memref<128x128xf32, #tpu.memory_space<vmem>>, vector<128x128xf32>
    %dot_general3A = arith.constant dense<0.000000e+00> : vector<1000x128xf32>
    %dot_general3A_19 = tpu.matmul %mul3A, %get3A_18, %dot_general3A {dimension_numbers = #tpu.dot_dimension_numbers<[1], [1], [0], [0], [0, 0, 1, 0], [], []>, transpose_lhs_hint = false} : vector<1000x128xf32>, vector<128x128xf32>, vector<1000x128xf32> -> vector<1000x128xf32>
    %get3A_20 = arith.constant 0 : index
    %get3A_21 = arith.constant 0 : index
    %get3A_22 = vector.load %arg5[%get3A_20, %get3A_21] : memref<1x128xf32, #tpu.memory_space<vmem>>, vector<1x128xf32>
    %add3A_23 = vector.broadcast %get3A_22 : vector<1x128xf32> to vector<1000x128xf32>
    %add3A_24 = arith.addf %dot_general3A_19, %add3A_23 : vector<1000x128xf32>
    %max3A = arith.constant 0.000000e+00 : f32
    %max3A_25 = vector.broadcast %max3A : f32 to vector<1000x128xf32>
    %max3A_26 = arith.maximumf %add3A_24, %max3A_25 : vector<1000x128xf32>
    %mul3A_27 = arith.mulf %get3A_1, %max3A_26 : vector<1000x128xf32>
    %swap3A = arith.constant 0 : index
    %swap3A_28 = arith.constant 0 : index
    %swap3A_29 = vector.load %arg6[%swap3A, %swap3A_28] : memref<1000x128xf32, #tpu.memory_space<vmem>>, vector<1000x128xf32>
    tpu.vector_store %arg6[%swap3A, %swap3A_28], %mul3A_27 {strides = array<i32>} : memref<1000x128xf32, #tpu.memory_space<vmem>>, vector<1000x128xf32>,
    return
  }
  func.func @transform_0(%arg0: i32) -> (i32, i32, i32) {
    %c0_i32 = arith.constant 0 : i32
    %c0_i32_0 = arith.constant 0 : i32
    %c0_i32_1 = arith.constant 0 : i32
    return %c0_i32, %arg0, %c0_i32_0 : i32, i32, i32
  }
  func.func @transform_1(%arg0: i32) -> (i32, i32) {
    %c0_i32 = arith.constant 0 : i32
    %c0_i32_0 = arith.constant 0 : i32
    return %arg0, %c0_i32 : i32, i32
  }
  func.func @transform_2(%arg0: i32) -> (i32, i32) {
    %c0_i32 = arith.constant 0 : i32
    %c0_i32_0 = arith.constant 0 : i32
    return %arg0, %c0_i32 : i32, i32
  }
  func.func @transform_3(%arg0: i32) -> (i32, i32) {
    %c0_i32 = arith.constant 0 : i32
    %c0_i32_0 = arith.constant 0 : i32
    %c0_i32_1 = arith.constant 0 : i32
    return %c0_i32, %c0_i32_0 : i32, i32
  }
  func.func @transform_4(%arg0: i32) -> (i32, i32) {
    %c0_i32 = arith.constant 0 : i32
    %c0_i32_0 = arith.constant 0 : i32
    %c0_i32_1 = arith.constant 0 : i32
    return %c0_i32, %c0_i32_0 : i32, i32
  }
  func.func @transform_5(%arg0: i32) -> (i32, i32) {
    %c0_i32 = arith.constant 0 : i32
    %c0_i32_0 = arith.constant 0 : i32
    return %arg0, %c0_i32 : i32, i32
  }
}

module attributes {stable_mosaic.version = 14 : i64} {
  func.func @_mlp_body(%arg0: i32, %arg1: memref<2x1000x128xf32, #tpu.memory_space<vmem>>, %arg2: memref<1000x128xf32, #tpu.memory_space<vmem>>, %arg3: memref<1000x128xf32, #tpu.memory_space<vmem>>, %arg4: memref<128x128xf32, #tpu.memory_space<vmem>>, %arg5: memref<1x128xf32, #tpu.memory_space<vmem>>, %arg6: memref<1000x128xf32, #tpu.memory_space<vmem>>) attributes {dimension_semantics = [#tpu.dimension_semantics<arbitrary>], iteration_bounds = array<i64: 10>, scalar_prefetch = 0 : i64, scratch_operands = 0 : i64, tpu.core_type = #tpu.core_type<tc>, window_params = [{transform_indices = @transform_0, window_bounds = array<i64: 2, 1000, 128>}, {transform_indices = @transform_1, window_bounds = array<i64: 1000, 128>}, {transform_indices = @transform_2, window_bounds = array<i64: 1000, 128>}, {pipeline_mode = #tpu.pipeline_mode<synchronous>, transform_indices = @transform_3, window_bounds = array<i64: 128, 128>}, {pipeline_mode = #tpu.pipeline_mode<synchronous>, transform_indices = @transform_4, window_bounds = array<i64: 1, 128>}, {transform_indices = @transform_5, window_bounds = array<i64: 1000, 128>}]} {
    %get3A = arith.constant 0 : index
    %get3A_0 = arith.constant 0 : index
    %get3A_1 = vector.load %arg3[%get3A, %get3A_0] : memref<1000x128xf32, #tpu.memory_space<vmem>>, vector<1000x128xf32>
    %get3A_2 = arith.constant 0 : index
    %get3A_3 = arith.constant 0 : index
    %get3A_4 = arith.constant 0 : index
    %get3A_5 = vector.load %arg1[%get3A_2, %get3A_3, %get3A_4] : memref<2x1000x128xf32, #tpu.memory_space<vmem>>, vector<1x1000x128xf32>
    %get3A_6 = vector.shape_cast %get3A_5 : vector<1x1000x128xf32> to vector<1000x128xf32>
    %get3A_7 = arith.constant 1 : index
    %get3A_8 = arith.constant 0 : index
    %get3A_9 = arith.constant 0 : index
    %get3A_10 = vector.load %arg1[%get3A_7, %get3A_8, %get3A_9] : memref<2x1000x128xf32, #tpu.memory_space<vmem>>, vector<1x1000x128xf32>
    %get3A_11 = vector.shape_cast %get3A_10 : vector<1x1000x128xf32> to vector<1000x128xf32>
    %add3A = arith.addf %get3A_6, %get3A_11 : vector<1000x128xf32>
    %get3A_12 = arith.constant 0 : index
    %get3A_13 = arith.constant 0 : index
    %get3A_14 = vector.load %arg2[%get3A_12, %get3A_13] : memref<1000x128xf32, #tpu.memory_space<vmem>>, vector<1000x128xf32>
    %add3A_15 = arith.addf %add3A, %get3A_14 : vector<1000x128xf32>
    %mul3A = arith.mulf %get3A_1, %add3A_15 : vector<1000x128xf32>
    %get3A_16 = arith.constant 0 : index
    %get3A_17 = arith.constant 0 : index
    %get3A_18 = vector.load %arg4[%get3A_16, %get3A_17] : memref<128x128xf32, #tpu.memory_space<vmem>>, vector<128x128xf32>
    %dot_general3A = arith.constant dense<0.000000e+00> : vector<1000x128xf32>
    %dot_general3A_19 = tpu.matmul %mul3A, %get3A_18, %dot_general3A {dimension_numbers = #tpu.dot_dimension_numbers<[1], [1], [0], [0], [0, 0, 1, 0], [], []>, transpose_lhs_hint = false} : vector<1000x128xf32>, vector<128x128xf32>, vector<1000x128xf32> -> vector<1000x128xf32>
    %get3A_20 = arith.constant 0 : index
    %get3A_21 = arith.constant 0 : index
    %get3A_22 = vector.load %arg5[%get3A_20, %get3A_21] : memref<1x128xf32, #tpu.memory_space<vmem>>, vector<1x128xf32>
    %add3A_23 = vector.broadcast %get3A_22 : vector<1x128xf32> to vector<1000x128xf32>
    %add3A_24 = arith.addf %dot_general3A_19, %add3A_23 : vector<1000x128xf32>
    %swap3A = arith.constant 0 : index
    %swap3A_25 = arith.constant 0 : index
    %swap3A_26 = vector.load %arg6[%swap3A, %swap3A_25] : memref<1000x128xf32, #tpu.memory_space<vmem>>, vector<1000x128xf32>
    tpu.vector_store %arg6[%swap3A, %swap3A_25], %add3A_24 {strides = array<i32>} : memref<1000x128xf32, #tpu.memory_space<vmem>>, vector<1000x128xf32>,
    return
  }
  func.func @transform_0(%arg0: i32) -> (i32, i32, i32) {
    %c0_i32 = arith.constant 0 : i32
    %c0_i32_0 = arith.constant 0 : i32
    %c0_i32_1 = arith.constant 0 : i32
    return %c0_i32, %arg0, %c0_i32_0 : i32, i32, i32
  }
  func.func @transform_1(%arg0: i32) -> (i32, i32) {
    %c0_i32 = arith.constant 0 : i32
    %c0_i32_0 = arith.constant 0 : i32
    return %arg0, %c0_i32 : i32, i32
  }
  func.func @transform_2(%arg0: i32) -> (i32, i32) {
    %c0_i32 = arith.constant 0 : i32
    %c0_i32_0 = arith.constant 0 : i32
    return %arg0, %c0_i32 : i32, i32
  }
  func.func @transform_3(%arg0: i32) -> (i32, i32) {
    %c0_i32 = arith.constant 0 : i32
    %c0_i32_0 = arith.constant 0 : i32
    %c0_i32_1 = arith.constant 0 : i32
    return %c0_i32, %c0_i32_0 : i32, i32
  }
  func.func @transform_4(%arg0: i32) -> (i32, i32) {
    %c0_i32 = arith.constant 0 : i32
    %c0_i32_0 = arith.constant 0 : i32
    %c0_i32_1 = arith.constant 0 : i32
    return %c0_i32, %c0_i32_0 : i32, i32
  }
  func.func @transform_5(%arg0: i32) -> (i32, i32) {
    %c0_i32 = arith.constant 0 : i32
    %c0_i32_0 = arith.constant 0 : i32
    return %arg0, %c0_i32 : i32, i32
  }
}

</mosaic_0001>

<sc_bundles>
// kernel: kernel.11.cloned.1.call-start
scs
__scs_entry_jumppad:
0x0: {  	(pc) =	sbr.rel $0x88, $3  }
0x1: {  	(tag) =	ssettag $0x0;
	lr =	simm.s32 $0x1  }
0x2: {  	[smem:$0x3F9B] =	sst lr;
	_ =	strace $0xD0000000  }
0x3: {  	_ = 	snop  }
0x4: {  	_ = 	snop  }
0x5: {  	_ = 	snop  }
0x6: {  	_ = 	snop  }
0x7: {  	_ = 	snop  }
__scs_overlays_trampoline_lowered:
0x8: {  	[smem:$0x3FAA] =	sst s0  }
0x9: {  	[smem:$0x3FAB] =	sst s1  }
0xa: {  	[smem:$0x3FAC] =	sst s2  }
0xb: {  	[smem:$0x3FAD] =	sst s3  }
0xc: {  	[smem:$0x3FAE] =	sst s4  }
0xd: {  	[smem:$0x3FAF] =	sst s5  }
0xe: {  	[smem:$0x3FB0] =	sst s6  }
0xf: {  	[smem:$0x3FB1] =	sst s7  }
0x10: {  	[smem:$0x3FB2] =	sst s8  }
0x11: {  	[smem:$0x3FB3] =	sst s9;
	s0 =	simm.s32 @!p0 $0x0  }
0x12: {  	s1 =	sld [smem:$0x3F99];
	s0 =	simm.s32 @p0 $0x1  }
0x13: {  	[smem:$0x3FB4] =	sst s0;
	s0 =	simm.s32 @!p1 $0x0  }
0x14: {  	s2 =	sld [smem:$0x3F98];
	s0 =	simm.s32 @p1 $0x1  }
0x15: {  	[smem:$0x3FB5] =	sst s0;
	s0 =	simm.s32 @!p2 $0x0  }
0x16: {  	s3 =	sld [smem:$0x3FDB];
	s0 =	simm.s32 @p2 $0x1  }
0x17: {  	s4 =	simm.s32 $0x1BF5;
	[smem:$0x3FB7] =	sst s0  }
0x18: {  	s0 =	sld [smem:$0x3F9A];
	_ =	swait.ge [sflag:s4], $0x0  }
0x19: {  	s7 =	sld [smem:$0x3F9B]  }
0x1a: {  	s8 =	sadd.s32 $0xFFFFE003, lr  }
0x1b: {  	s9 =	sadd.s32 $0xFFFFFEF7, lr;
	s5 =	simm.s32 $0xFFFFFFFF;
	p2 =	slt.u32 s8, $0xFFFFF086  }
0x1c: {  	p1 =	slt.u32 s9, $0xF7A;
	s5 =	simm.s32 @!p2 $0x0  }
0x1d: {  	s5 =	simm.s32 @p1 $0x1;
	p0 =	seq.s32 s7, s2  }
0x1e: {  	s7 =	smul.u32 @!p0 $0xF7A, s2;
	p2 =	seq.s32 @!p0 s5, $0x0  }
0x1f: {  	s9 =	smul.u32 $0xF7A, s1;
	s8 =	simm.s32 @!p0 $0x1BF5;
	p2 =	por !p2, p0  }
0x20: {  	[sflag:s8] =	ssyncset.s32 @!p0 $0xFFFFF086;
	s6 =	sadd.s32 @!p0 s3, s7;
	s7 =	simm.s32 @!p0 $0x108  }
0x21: {  	s3 =	sadd.s32 s3, s9;
	s6 =	sadd.s32 @!p0 $0x88, s6;
	s7 =	simm.s32 @p2 $0x1082  }
0x22: {  	[simem:s7], [sflag:s8] =	dma.local @!p0 [hbm:s6], $0xF7A  }
0x23: {  	s9 =	sor.u32 $0xD0000000, s2;
	s6 =	simm.s32 $0x108;
	_ =	swait.ge @!p0 [sflag:s8], $0x0  }
0x24: {  	s3 =	sadd.s32 $0x88, s3;
	s6 =	simm.s32 @!p1 $0x1082;
	[sflag:s4] =	ssyncset.s32 $0xFFFFF086  }
0x25: {  	[simem:s6], [sflag:s4] =	dma.local [hbm:s3], $0xF7A  }
0x26: {  	[smem:$0x3F9B] =	sst s1;
	(tag) =	ssettag s2;
	_ =	strace s9  }
0x27: {  	s1 =	sld [smem:$0x3FAB]  }
0x28: {  	s2 =	sld [smem:$0x3FAC]  }
0x29: {  	s4 =	sld [smem:$0x3FAE]  }
0x2a: {  	p0 =	seq.s32 s5, $0x0;
	s5 =	sld [smem:$0x3FAF]  }
0x2b: {  	s6 =	sld [smem:$0x3FB0]  }
0x2c: {  	s7 =	sld [smem:$0x3FB1]  }
0x2d: {  	s3 =	simm.s32 $0x108;
	s8 =	sld [smem:$0x3FB2]  }
0x2e: {  	s3 =	simm.s32 @!p0 $0x1082;
	s9 =	sld [smem:$0x3FB3]  }
0x2f: {  	lr =	sadd.s32 s0, s3;
	s0 =	sld [smem:$0x3FAA]  }
0x30: {  	s3 =	sld [smem:$0x3FAD]  }
0x31: {  	[smem:$0x3FB6] =	sst s10  }
0x32: {  	s10 =	sld [smem:$0x3FB4];
	_ =	sdelay $0x3  }
0x33: {  	p0 =	seq.s32 s10, $0x1;
	s10 =	sld [smem:$0x3FB6];
	_ =	sdelay $0x3  }
0x34: {  	[smem:$0x3FB6] =	sst s10  }
0x35: {  	s10 =	sld [smem:$0x3FB5];
	_ =	sdelay $0x3  }
0x36: {  	p1 =	seq.s32 s10, $0x1;
	s10 =	sld [smem:$0x3FB6];
	_ =	sdelay $0x3  }
0x37: {  	[smem:$0x3FB6] =	sst s10  }
0x38: {  	s10 =	sld [smem:$0x3FB7]  }
0x39: {  	_ = 	snop;
	(pc) =	sbr.ind lr, $3  }
0x3a: {  	_ = 	snop  }
0x3b: {  	_ = 	snop  }
0x3c: {  	p2 =	seq.s32 s10, $0x1;
	s10 =	sld [smem:$0x3FB6]  }
0x3d: {  	_ =	shalt  }
0x3e: {  	_ =	shalt  }
0x3f: {  	_ =	shalt  }
0x40: {  	_ =	shalt  }
0x41: {  	_ =	shalt  }
0x42: {  	_ =	shalt  }
0x43: {  	_ =	shalt  }
0x44: {  	_ =	shalt  }
0x45: {  	_ =	shalt  }
0x46: {  	_ =	shalt  }
0x47: {  	_ =	shalt  }
0x48: {  	_ =	shalt  }
0x49: {  	_ =	shalt  }
0x4a: {  	_ =	shalt  }
0x4b: {  	_ =	shalt  }
0x4c: {  	_ =	shalt  }
0x4d: {  	_ =	shalt  }
0x4e: {  	_ =	shalt  }
0x4f: {  	_ =	shalt  }
0x50: {  	_ =	shalt  }
0x51: {  	_ =	shalt  }
0x52: {  	_ =	shalt  }
0x53: {  	_ =	shalt  }
0x54: {  	_ =	shalt  }
0x55: {  	_ =	shalt  }
0x56: {  	_ =	shalt  }
0x57: {  	_ =	shalt  }
0x58: {  	_ =	shalt  }
0x59: {  	_ =	shalt  }
0x5a: {  	_ =	shalt  }
0x5b: {  	_ =	shalt  }
0x5c: {  	_ =	shalt  }
0x5d: {  	_ =	shalt  }
0x5e: {  	_ =	shalt  }
0x5f: {  	_ =	shalt  }
0x60: {  	_ =	shalt  }
0x61: {  	_ =	shalt  }
0x62: {  	_ =	shalt  }
0x63: {  	_ =	shalt  }
0x64: {  	_ =	shalt  }
0x65: {  	_ =	shalt  }
0x66: {  	_ =	shalt  }
0x67: {  	_ =	shalt  }
0x68: {  	_ =	shalt  }
0x69: {  	_ =	shalt  }
0x6a: {  	_ =	shalt  }
0x6b: {  	_ =	shalt  }
0x6c: {  	_ =	shalt  }
0x6d: {  	_ =	shalt  }
0x6e: {  	_ =	shalt  }
0x6f: {  	_ =	shalt  }
0x70: {  	_ =	shalt  }
0x71: {  	_ =	shalt  }
0x72: {  	_ =	shalt  }
0x73: {  	_ =	shalt  }
0x74: {  	_ =	shalt  }
0x75: {  	_ =	shalt  }
0x76: {  	_ =	shalt  }
0x77: {  	_ =	shalt  }
0x78: {  	_ =	shalt  }
0x79: {  	_ =	shalt  }
0x7a: {  	_ =	shalt  }
0x7b: {  	_ =	shalt  }
0x7c: {  	_ =	shalt  }
0x7d: {  	_ =	shalt  }
0x7e: {  	_ =	shalt  }
0x7f: {  	_ =	shalt  }
0x80: {  	_ =	shalt  }
0x81: {  	_ =	shalt  }
0x82: {  	_ =	shalt  }
0x83: {  	_ =	shalt  }
0x84: {  	_ =	shalt  }
0x85: {  	_ =	shalt  }
0x86: {  	_ =	shalt  }
0x87: {  	_ =	shalt  }
.Lfunc_end0:
.L_simem_size_0:
called_computation.1_lowered:
.L_overlay_start_0:
0x88: {  	s2 =	sld [smem:$0x3FD9]  }
0x89: {  	s3 =	sld [smem:$0x3FFE];
	_ =	sdelay $0x1  }
0x8a: {  	s1 =	srdreg.scid  }
0x8b: {  	s0 =	sand.u32 $0x1, s1  }
0x8c: {  	s17 =	sshll.u32 s0, $0xA;
	s2 =	sadd.s32 s3, s2  }
0x8d: {  	s2 =	sadd.s32 s2, s17  }
0x8e: {  	[smem:$0x3FC2] =	sst s2  }
0x8f: {  	_ = 	snop  }
0x90: {  	s2 =	sld [smem:$0x3FD0];
	(tm) =	ssettm $0x1  }
0x91: {  	s18 =	sld [smem:$0x3FFB];
	_ =	sdelay $0x3  }
0x92: {  	_ =	strace s18  }
0x93: {  	s3 =	sld [smem:$0x3FFC];
	_ =	sdelay $0x3  }
0x94: {  	_ =	strace s3  }
0x95: {  	s3 =	sld [smem:$0x3FFD];
	_ =	sdelay $0x3  }
0x96: {  	_ =	strace s3  }
0x97: {  	_ =	strace $0x8FFFFFFF  }
0x98: {  	s19 =	sld [smem:$0x3FDB];
	_ =	sdelay $0x1  }
0x99: {  	s4 =	simm.s32 $_scs_section_size  }
0x9a: {  	s5 =	simm.s32 $_size__tile_overlayer_lowered;
	s6 =	simm.s32 $_tile_overlayer_lowered  }
0x9b: {  	s22 =	simm.s32 $0x1BFF;
	s21 =	sshll.u32 s6, $0x1;
	s3 =	sadd.s32 s4, s19  }
0x9c: {  	s7 =	simm.s32 $0x0;
	s20 =	sshll.u32 s5, $0x1;
	s5 =	sadd.s32 s21, s3  }
0x9d: {  	[timem:s7], [sflag:s22] =	dma.local [hbm:s5], s20  }
0x9e: {  	_ =	swait.ge [sflag:s22], s20  }
0x9f: {  	s4 =	ssub.s32 $0x0, s20;
	[sflag:s22] =	ssyncset.done $0x0  }
0xa0: {  	[sflag:s22] =	ssyncadd.s32 s4;
	_ =	sdelay $0x1  }
0xa1: {  	s23 =	simm.s32 $0x1B8B  }
0xa2: {  	_ =	swait.ge [sflag:s23], $0x1  }
0xa3: {  	[sflag:s23] =	ssyncset.done $0x0  }
0xa4: {  	s25 =	simm.s32 $0x1B8E;
	s24 =	sld [smem:$0x3FFE];
	[sflag:s23] =	ssyncadd.s32 $0xFFFFFFFF  }
0xa5: {  	s26 =	simm.s32 $execute0_lowered;
	[smem:$0x3FD2] =	sst s25  }
0xa6: {  	s5 =	sshll.u32 s26, $0x1;
	_ =	strace $0x80000049;
	[dreg:$0x1] =	wrdreg $0xFFFFFFFF  }
0xa7: {  	s28 =	simm.s32 $_size_execute0_lowered;
	s3 =	sadd.s32 s3, s5;
	[dreg:$0x0] =	wrdreg $0x0  }
0xa8: {  	s5 =	sshll.u32 s28, $0x1;
	[dreg:$0x2] =	wrdreg s3  }
0xa9: {  	[dreg:$0x3] =	wrdreg s5  }
0xaa: {  	[dreg:$0x4] =	wrdreg $0xC0  }
0xab: {  	_ =	task [dreg:s7], $0x5FFFF  }
0xac: {  	[dreg:$0x1] =	wrdreg $0xFFFFFFFF  }
0xad: {  	[dreg:$0x0] =	wrdreg $0x60  }
0xae: {  	[dreg:$0x2] =	wrdreg s2  }
0xaf: {  	[dreg:$0x3] =	wrdreg s24  }
0xb0: {  	[dreg:$0x4] =	wrdreg $0x0  }
0xb1: {  	[dreg:$0x5] =	wrdreg $0x9  }
0xb2: {  	_ =	task.clear_ibuf [dreg:s7], $0x6FFFF;
	_ =	strace $0x90000049  }
0xb3: {  	s29 =	simm.s32 $0x9;
	_ =	strace $0x8000004B  }
0xb4: {  	_ =	swait.ge [sflag:s29], $0x1  }
0xb5: {  	[sflag:s29] =	ssyncadd.s32 $0xFFFFFFFF  }
0xb6: {  	_ =	strace $0x9000004B  }
0xb7: {  	_ =	sfence  }
0xb8: {  	s30 =	sld [smem:$0x0];
	_ =	sdelay $0x2  }
0xb9: {  	s31 =	sshll.u32 s1, $0xD;
	s1 =	sshrl.u32 s1, $0x2  }
0xba: {  	s3 =	sand.u32 $0x4000, s31;
	s1 =	sadd.s32 s1, s30  }
0xbb: {  	s0 =	sor.u32 s3, s0;
	s1 =	sshll.u32 s1, $0x11  }
0xbc: {  	s0 =	sor.u32 s1, s0  }
0xbd: {  	s0 =	sadd.s32 $0x8F2B, s0  }
0xbe: {  	[sflag:s0] =	ssyncadd.remote.s32 $0x1  }
0xbf: {  	_ =	sfence.sel $0xFFFF  }
0xc0: {  	[dreg:$0x0] =	wrdreg $0xFFFFFFFF;
	(pc) =	sbr.abs _section_cstart, $3  }
0xc1: {  	[dreg:$0x1] =	wrdreg $0xFFFFFFFF  }
0xc2: {  	_ =	task.clear_ibuf [dreg:s7], $0x2FFFF;
	_ =	strace $0x9FFFFFFF  }
0xc3: {  	(tm) =	ssettm $0x7FFFFFFF  }
tec
execute0_lowered:
.L_overlay_start_1:
0x0: {  	(tag) =	ssettag $0x1  }
0x1: {  	s1 =	rddreg [dreg:$0x0]  }
0x2: {  	s0 =	rddreg [dreg:$0x1]  }
0x3: {  	s2 =	rddreg [dreg:$0x2]  }
0x4: {  	s3 =	simm.s32 $0x0;
	s4 =	srdreg.scid;
	s13 =	stileid.u32  }
0x5: {  	[smem:$0x7FF] =	sst s3;
	s14 =	sadd.s32 $0x2800, s0;
	s6 =	smul.u32 $0x50000, s13  }
0x6: {  	s4 =	sand.u32 $0x1, s4;
	s15 =	sadd.s32 $0xC600, s0;
	s9 =	smul.u32 $0x14000, s13  }
0x7: {  	s0 =	sadd.s32 $0x16400, s0;
	_ =	strace $0x8000004A;
	s11 =	smul.u32 $0x140000, s4  }
0x8: {  	s5 =	ssub.s32 $0x2, s4;
	s8 =	sshll.u32 s4, $0x4;
	s4 =	smul.u32 $0x27800, s4  }
0x9: {  	s7 =	sshrl.u32 s5, $0x1;
	s17 =	sor.u32 s13, s8;
	s6 =	sshrl.u32 s6, $0x2  }
0xa: {  	s18 =	sadd.s32 $0x4000, s9;
	s20 =	sadd.s32 $0x8000, s9;
	s6 =	sadd.s32 s6, s2  }
0xb: {  	s21 =	sadd.s32 $0xC000, s9;
	s19 =	sadd.s32 s18, s2;
	[dreg:$0x4] =	wrdreg s6  }
0xc: {  	s22 =	sadd.s32 $0x10000, s9;
	s10 =	sadd.s32 s20, s2;
	[dreg:$0x5] =	wrdreg s19  }
0xd: {  	s5 =	ssub.s32 s5, s7;
	s12 =	sadd.s32 s21, s2;
	[dreg:$0x6] =	wrdreg s10  }
0xe: {  	s7 =	smul.u32 $0x2780, s17;
	s16 =	sadd.s32 s22, s2;
	[dreg:$0x7] =	wrdreg s12  }
0xf: {  	s9 =	sadd.s32 s9, s11;
	s8 =	sadd.s32 s11, s18;
	[dreg:$0x8] =	wrdreg s16  }
0x10: {  	s9 =	sshrl.u32 s9, $0x3;
	s6 =	sadd.s32 s11, s20;
	s10 =	sadd.s32 s11, s21  }
0x11: {  	s5 =	smax.u32 s5, $0x1;
	s12 =	simm.s32 $0x14300;
	s7 =	sshrl.u32 s7, $0x3  }
0x12: {  	s26 =	sadd.s32 s0, s9;
	s6 =	sshrl.u32 s6, $0x3;
	s9 =	smul.u32 $0x2780, s13  }
0x13: {  	s13 =	sadd.s32 s11, s22;
	[dreg:$0x12] =	wrdreg s5;
	s11 =	simm.s32 $0x4  }
0x14: {  	s23 =	sadd.s32 s14, s7;
	s24 =	sadd.s32 s15, s7;
	[dreg:$0xd] =	wrdreg s26  }
0x15: {  	s7 =	sadd.s32 $0x10, s7;
	s6 =	sadd.s32 s0, s6;
	[dreg:$0x9] =	wrdreg s23  }
0x16: {  	s16 =	sshrl.u32 s13, $0x3;
	s13 =	simm.s32 $0x3;
	[dreg:$0xa] =	wrdreg s24  }
0x17: {  	s25 =	sadd.s32 s14, s7;
	s7 =	sadd.s32 s15, s7;
	[dreg:$0xf] =	wrdreg s6  }
0x18: {  	s6 =	sshrl.u32 s10, $0x3;
	s4 =	sadd.s32 s9, s4;
	[dreg:$0xb] =	wrdreg s25  }
0x19: {  	s9 =	simm.s32 $0x7;
	s10 =	simm.s32 $0x2;
	[dreg:$0xc] =	wrdreg s7  }
0x1a: {  	s7 =	sshrl.u32 s8, $0x3;
	s6 =	sadd.s32 s0, s6;
	s17 =	sadd.s32 $0x380, s4  }
0x1b: {  	s19 =	sadd.s32 $0x280, s4;
	s23 =	sadd.s32 $0x200, s4;
	s24 =	sadd.s32 $0x300, s4  }
0x1c: {  	s25 =	sadd.s32 $0x180, s4;
	s4 =	sadd.s32 $0x100, s4;
	s8 =	simm.s32 $0x14280  }
0x1d: {  	s7 =	sadd.s32 s0, s7;
	[dreg:$0x10] =	wrdreg s6;
	s0 =	sadd.s32 s0, s16  }
0x1e: {  	s18 =	sshrl.u32 s17, $0x3;
	s21 =	sshrl.u32 s19, $0x3;
	[dreg:$0x17] =	wrdreg s24  }
0x1f: {  	s26 =	sshrl.u32 s25, $0x3;
	s4 =	sshrl.u32 s4, $0x3;
	s25 =	smov.u32 s15  }
0x20: {  	s24 =	smov.u32 s14;
	s16 =	simm.s32 $0x5;
	s17 =	simm.s32 $0x80  }
0x21: {  	s19 =	simm.s32 $0x14200;
	s6 =	simm.s32 $0x0;
	[dreg:$0xe] =	wrdreg s7  }
0x22: {  	[dreg:$0x11] =	wrdreg s0;
	s20 =	sadd.s32 s18, s15;
	s0 =	sadd.s32 s18, s14  }
0x23: {  	s22 =	sadd.s32 s21, s15;
	s5 =	sadd.s32 s21, s14;
	s30 =	sadd.s32 s26, s15  }
0x24: {  	s31 =	sadd.s32 s26, s14;
	s18 =	simm.s32 $0x14080;
	[dreg:$0x13] =	wrdreg s20  }
.Ltmp0:
0x25: {  	s21 =	simm.s32 $0x18300;
	[dreg:$0x14] =	wrdreg s0;
	(pc) =	sbr.rel .LBB2_1-.Ltmp0, $4  }
0x26: {  	s26 =	simm.s32 $0x1;
	s7 =	simm.s32 $0x14100;
	[dreg:$0x15] =	wrdreg s22  }
0x27: {  	[dreg:$0x16] =	wrdreg s5;
	s0 =	sshrl.u32 s23, $0x3;
	s20 =	simm.s32 $0x6  }
0x28: {  	s28 =	sadd.s32 s0, s15;
	s29 =	sadd.s32 s0, s14;
	s0 =	sadd.s32 s4, s15  }
0x29: {  	v0 =	vimm.f32 $0.0e+00;
	s4 =	sadd.s32 s4, s14;
	s14 =	simm.s32 $0x14000;
	s15 =	simm.s32 $0x14180  }
.LBB2_6:
0x2a: {  	_ =	swait.ge [sflag:s26], $0x4000  }
0x2b: {  	[sflag:s26] =	ssyncset.done $0x0  }
0x2c: {  	[sflag:s26] =	ssyncadd.s32 $0xFFFFC000  }
0x2d: {  	[spmem:s2] =	stream.indirect.scatter.add.f32 [tilespmem:s12], [sflag:$0x3], $0x80, s14, s17, $0xb8;
	[tilespmem:$0x1C300] =	vst v63  }
0x2e: {  	_ =	swait.ge [sflag:s11], $0x4000  }
0x2f: {  	[sflag:s11] =	ssyncset.done $0x0  }
0x30: {  	[sflag:s11] =	ssyncadd.s32 $0xFFFFC000  }
0x31: {  	_ =	swait.ge [sflag:s13], $0x4000  }
0x32: {  	[sflag:s13] =	ssyncset.done $0x0  }
0x33: {  	[sflag:s13] =	ssyncadd.s32 $0xFFFFC000  }
0x34: {  	[bflag:$0x0] =	sbarrier.arrive $0xFFFF  }
0x35: {  	s5 =	rddreg [dreg:$0x4]  }
0x36: {  	[tilespmem:s12], [sflag:$0x1] =	stream.linear.gather [spmem:s5], $0x4000, $0x38;
	[tilespmem:$0x1C300] =	vst v63  }
0x37: {  	s23 =	rddreg [dreg:$0x5]  }
0x38: {  	[tilespmem:s21], [sflag:$0x2] =	stream.linear.gather [spmem:s23], $0x4000, $0x38;
	[tilespmem:$0x1C300] =	vst v63  }
0x39: {  	_ =	swait.ge [sflag:s26], $0x4000  }
0x3a: {  	[sflag:s26] =	ssyncset.done $0x0  }
0x3b: {  	s6 =	rddreg [dreg:$0xd];
	[sflag:s26] =	ssyncadd.s32 $0xFFFFC000  }
0x3c: {  	[hbm4b:s6+s3] =	stream.linear.scatter [tilespmem:s12], [sflag:$0x3], $0x4000, $0x38;
	[tilespmem:$0x1C300] =	vst v63  }
0x3d: {  	_ =	swait.ge [sflag:s13], $0x4000  }
0x3e: {  	[sflag:s13] =	ssyncset.done $0x0  }
0x3f: {  	s22 =	rddreg [dreg:$0x6];
	[sflag:s13] =	ssyncadd.s32 $0xFFFFC000  }
0x40: {  	[tilespmem:s12], [sflag:$0x1] =	stream.linear.gather [spmem:s22], $0x4000, $0x38;
	[tilespmem:$0x1C300] =	vst v63  }
0x41: {  	_ =	swait.ge [sflag:s10], $0x4000  }
0x42: {  	[sflag:s10] =	ssyncset.done $0x0  }
0x43: {  	s23 =	rddreg [dreg:$0xe];
	[sflag:s10] =	ssyncadd.s32 $0xFFFFC000  }
0x44: {  	[hbm4b:s23+s3] =	stream.linear.scatter [tilespmem:s21], [sflag:$0x4], $0x4000, $0x38;
	[tilespmem:$0x1C300] =	vst v63  }
0x45: {  	_ =	swait.ge [sflag:s11], $0x4000  }
0x46: {  	[sflag:s11] =	ssyncset.done $0x0  }
0x47: {  	s6 =	rddreg [dreg:$0x7];
	[sflag:s11] =	ssyncadd.s32 $0xFFFFC000  }
0x48: {  	[tilespmem:s21], [sflag:$0x2] =	stream.linear.gather [spmem:s6], $0x4000, $0x38;
	[tilespmem:$0x1C300] =	vst v63  }
0x49: {  	_ =	swait.ge [sflag:s26], $0x4000  }
0x4a: {  	[sflag:s26] =	ssyncset.done $0x0  }
0x4b: {  	s22 =	rddreg [dreg:$0xf];
	[sflag:s26] =	ssyncadd.s32 $0xFFFFC000  }
0x4c: {  	[hbm4b:s22+s3] =	stream.linear.scatter [tilespmem:s12], [sflag:$0x3], $0x4000, $0x38;
	[tilespmem:$0x1C300] =	vst v63  }
0x4d: {  	_ =	swait.ge [sflag:s13], $0x4000  }
0x4e: {  	[sflag:s13] =	ssyncset.done $0x0  }
0x4f: {  	s23 =	rddreg [dreg:$0x8];
	[sflag:s13] =	ssyncadd.s32 $0xFFFFC000  }
0x50: {  	[tilespmem:s12], [sflag:$0x1] =	stream.linear.gather [spmem:s23], $0x4000, $0x38;
	[tilespmem:$0x1C300] =	vst v63  }
0x51: {  	_ =	swait.ge [sflag:s10], $0x4000  }
0x52: {  	[sflag:s10] =	ssyncset.done $0x0  }
0x53: {  	s6 =	rddreg [dreg:$0x10];
	[sflag:s10] =	ssyncadd.s32 $0xFFFFC000  }
0x54: {  	[hbm4b:s6+s3] =	stream.linear.scatter [tilespmem:s21], [sflag:$0x4], $0x4000, $0x38;
	[tilespmem:$0x1C300] =	vst v63  }
0x55: {  	_ =	swait.ge [sflag:s26], $0x4000  }
0x56: {  	[sflag:s26] =	ssyncset.done $0x0  }
0x57: {  	s22 =	rddreg [dreg:$0x11];
	[sflag:s26] =	ssyncadd.s32 $0xFFFFC000  }
0x58: {  	[hbm4b:s22+s3] =	stream.linear.scatter [tilespmem:s12], [sflag:$0x3], $0x4000, $0x38;
	[tilespmem:$0x1C300] =	vst v63  }
0x59: {  	_ =	swait.ge [sflag:s11], $0x4000  }
0x5a: {  	[sflag:s11] =	ssyncset.done $0x0  }
0x5b: {  	[sflag:s11] =	ssyncadd.s32 $0xFFFFC000  }
0x5c: {  	_ =	swait.ge [sflag:s13], $0x4000  }
0x5d: {  	s6 =	rddreg [dreg:$0x18]  }
0x5e: {  	s23 =	rddreg [dreg:$0x12];
	s6 =	sadd.s32 $0x1, s6  }
0x5f: {  	p0 =	sne.s32 s6, s23  }
.Ltmp1:
0x60: {  	_ = 	snop;
	(pc) =	sbr.rel @!p0 .LBB2_7-.Ltmp1, $3  }
0x61: {  	_ =	sdelay $0x1  }
0x62: {  	[sflag:s13] =	ssyncset.done $0x0  }
0x63: {  	[sflag:s13] =	ssyncadd.s32 $0xFFFFC000  }
.LBB2_1:
0x64: {  	s5 =	sand.u32 $0xFE00, s3  }
0x65: {  	[dreg:$0x18] =	wrdreg s6;
	s23 =	sand.u32 $0x70, s3;
	s22 =	sshrl.u32 s5, $0x2  }
0x66: {  	s6 =	simm.s32 $0x0;
	s5 =	simm.s32 $0x40;
	s22 =	sor.u32 s23, s22  }
.LBB2_2:
0x67: {  	p0 =	sne.s32 s5, $0xFFC0  }
0x68: {  	[tilespmem:s22+$0x14300] =	vst v0;
	s6 =	sadd.s32 $0x10, s6;
	s22 =	smov.u32 s5;
	s5 =	sadd.s32 $0x40, s5  }
.Ltmp2:
0x69: {  	(pc) =	sbr.rel @p0 .LBB2_2-.Ltmp2, $4  }
0x6a: {  	_ = 	snop  }
0x6b: {  	s22 =	sand.u32 $0xFE00, s22  }
0x6c: {  	s23 =	sand.u32 $0x70, s6;
	s22 =	sshrl.u32 s22, $0x2  }
0x6d: {  	s22 =	sor.u32 s23, s22  }
0x6e: {  	[tilespmem:s22+$0x14300] =	vst v0;
	s5 =	rddreg [dreg:$0x4]  }
0x6f: {  	[spmem:s5] =	stream.linear.scatter [tilespmem:s12], [sflag:$0x3], $0x4000, $0x38;
	[tilespmem:$0x1C300] =	vst v63  }
0x70: {  	s22 =	rddreg [dreg:$0x5]  }
0x71: {  	[spmem:s22] =	stream.linear.scatter [tilespmem:s12], [sflag:$0x3], $0x4000, $0x38;
	[tilespmem:$0x1C300] =	vst v63  }
0x72: {  	s23 =	rddreg [dreg:$0x6]  }
0x73: {  	[spmem:s23] =	stream.linear.scatter [tilespmem:s12], [sflag:$0x3], $0x4000, $0x38;
	[tilespmem:$0x1C300] =	vst v63  }
0x74: {  	s6 =	rddreg [dreg:$0x7]  }
0x75: {  	[spmem:s6] =	stream.linear.scatter [tilespmem:s12], [sflag:$0x3], $0x4000, $0x38;
	[tilespmem:$0x1C300] =	vst v63  }
0x76: {  	s22 =	rddreg [dreg:$0x8]  }
0x77: {  	[spmem:s22] =	stream.linear.scatter [tilespmem:s12], [sflag:$0x3], $0x4000, $0x38;
	[tilespmem:$0x1C300] =	vst v63  }
0x78: {  	_ =	swait.ge [sflag:s13], $0x4000  }
0x79: {  	[sflag:s13] =	ssyncset.done $0x0  }
0x7a: {  	[sflag:s13] =	ssyncadd.s32 $0xFFFFC000  }
0x7b: {  	_ =	swait.ge [sflag:s13], $0x4000  }
0x7c: {  	[sflag:s13] =	ssyncset.done $0x0  }
0x7d: {  	[sflag:s13] =	ssyncadd.s32 $0xFFFFC000  }
0x7e: {  	_ =	swait.ge [sflag:s13], $0x4000  }
0x7f: {  	[sflag:s13] =	ssyncset.done $0x0  }
0x80: {  	[sflag:s13] =	ssyncadd.s32 $0xFFFFC000  }
0x81: {  	_ =	swait.ge [sflag:s13], $0x4000  }
0x82: {  	[sflag:s13] =	ssyncset.done $0x0  }
0x83: {  	[sflag:s13] =	ssyncadd.s32 $0xFFFFC000  }
0x84: {  	_ =	swait.ge [sflag:s13], $0x4000  }
0x85: {  	[sflag:s13] =	ssyncset.done $0x0  }
0x86: {  	[sflag:s13] =	ssyncadd.s32 $0xFFFFC000  }
0x87: {  	[bflag:$0x0] =	sbarrier.arrive $0xFFFF  }
0x88: {  	s5 =	simm.s32 $0x0;
	s6 =	rddreg [dreg:$0x9]  }
0x89: {  	[tilespmem:s14], [sflag:$0x5] =	stream.linear.gather [hbm4b:s6+s5], $0x80, $0x38;
	[tilespmem:$0x1C300] =	vst v63  }
0x8a: {  	s23 =	rddreg [dreg:$0xa]  }
0x8b: {  	[tilespmem:s15], [sflag:$0x5] =	stream.linear.gather [hbm4b:s23+s5], $0x80, $0x38;
	[tilespmem:$0x1C300] =	vst v63  }
0x8c: {  	_ =	swait.ge [sflag:s16], $0x80  }
0x8d: {  	[sflag:s16] =	ssyncset.done $0x0  }
0x8e: {  	[sflag:s16] =	ssyncadd.s32 $0xFFFFFF80  }
0x8f: {  	_ =	swait.ge [sflag:s16], $0x80  }
0x90: {  	[sflag:s16] =	ssyncset.done $0x0  }
0x91: {  	s22 =	rddreg [dreg:$0xb];
	[sflag:s16] =	ssyncadd.s32 $0xFFFFFF80  }
0x92: {  	[tilespmem:s12], [sflag:$0x1] =	stream.indirect.gather [hbm4b:s1+s17], $0x80, s15, s17, $0xb8;
	[tilespmem:$0x1C300] =	vst v63  }
0x93: {  	s23 =	rddreg [dreg:$0xc]  }
0x94: {  	[tilespmem:s18], [sflag:$0x6] =	stream.linear.gather [hbm4b:s22+s5], $0x80, $0x38;
	[tilespmem:$0x1C300] =	vst v63  }
0x95: {  	s6 =	rddreg [dreg:$0x17]  }
0x96: {  	[tilespmem:s19], [sflag:$0x6] =	stream.linear.gather [hbm4b:s23+s5], $0x80, $0x38;
	[tilespmem:$0x1C300] =	vst v63  }
.LBB2_4:
0x97: {  	_ =	swait.ge [sflag:s20], $0x80  }
0x98: {  	[sflag:s20] =	ssyncset.done $0x0  }
0x99: {  	[sflag:s20] =	ssyncadd.s32 $0xFFFFFF80  }
0x9a: {  	_ =	swait.ge [sflag:s20], $0x80  }
0x9b: {  	p0 =	seq.s32 s5, $0x0;
	[sflag:s20] =	ssyncset.done $0x0  }
0x9c: {  	s22 =	simm.s32 @!p0 $0x4;
	[sflag:s20] =	ssyncadd.s32 $0xFFFFFF80  }
0x9d: {  	_ =	swait.ge @!p0 [sflag:s22], $0x4000  }
0x9e: {  	[sflag:s22] =	ssyncset.done @!p0 $0x0  }
0x9f: {  	[sflag:s22] =	ssyncadd.s32 @!p0 $0xFFFFC000  }
0xa0: {  	[tilespmem:s21], [sflag:$0x2] =	stream.indirect.gather [hbm4b:s1+s17], $0x80, s19, s17, $0xb8;
	[tilespmem:$0x1C300] =	vst v63  }
0xa1: {  	_ =	swait.ge [sflag:s26], $0x4000  }
0xa2: {  	[sflag:s26] =	ssyncset.done $0x0  }
0xa3: {  	[sflag:s26] =	ssyncadd.s32 $0xFFFFC000  }
0xa4: {  	[spmem:s2] =	stream.indirect.scatter.add.f32 [tilespmem:s12], [sflag:$0x3], $0x80, s14, s17, $0xb8;
	[tilespmem:$0x1C300] =	vst v63  }
0xa5: {  	s23 =	sadd.s32 s5, s4  }
0xa6: {  	[tilespmem:s7], [sflag:$0x7] =	stream.linear.gather [hbm4b:s23+s3], $0x80, $0x38;
	[tilespmem:$0x1C300] =	vst v63  }
0xa7: {  	s23 =	sadd.s32 s5, s0  }
0xa8: {  	[tilespmem:s8], [sflag:$0x7] =	stream.linear.gather [hbm4b:s23+s3], $0x80, $0x38;
	[tilespmem:$0x1C300] =	vst v63  }
0xa9: {  	_ =	swait.ge [sflag:s9], $0x80  }
0xaa: {  	[sflag:s9] =	ssyncset.done $0x0  }
0xab: {  	[sflag:s9] =	ssyncadd.s32 $0xFFFFFF80  }
0xac: {  	_ =	swait.ge [sflag:s9], $0x80  }
0xad: {  	[sflag:s9] =	ssyncset.done $0x0  }
0xae: {  	[sflag:s9] =	ssyncadd.s32 $0xFFFFFF80  }
0xaf: {  	_ =	swait.ge [sflag:s13], $0x4000  }
0xb0: {  	[sflag:s13] =	ssyncset.done $0x0  }
0xb1: {  	[sflag:s13] =	ssyncadd.s32 $0xFFFFC000  }
0xb2: {  	[tilespmem:s12], [sflag:$0x1] =	stream.indirect.gather [hbm4b:s1+s17], $0x80, s8, s17, $0xb8;
	[tilespmem:$0x1C300] =	vst v63  }
0xb3: {  	_ =	swait.ge [sflag:s10], $0x4000  }
0xb4: {  	[sflag:s10] =	ssyncset.done $0x0  }
0xb5: {  	[sflag:s10] =	ssyncadd.s32 $0xFFFFC000  }
0xb6: {  	[spmem:s2] =	stream.indirect.scatter.add.f32 [tilespmem:s21], [sflag:$0x4], $0x80, s18, s17, $0xb8;
	[tilespmem:$0x1C300] =	vst v63  }
0xb7: {  	s23 =	sadd.s32 s5, s31  }
0xb8: {  	[tilespmem:s14], [sflag:$0x5] =	stream.linear.gather [hbm4b:s23+s3], $0x80, $0x38;
	[tilespmem:$0x1C300] =	vst v63  }
0xb9: {  	s23 =	sadd.s32 s5, s30  }
0xba: {  	[tilespmem:s15], [sflag:$0x5] =	stream.linear.gather [hbm4b:s23+s3], $0x80, $0x38;
	[tilespmem:$0x1C300] =	vst v63  }
0xbb: {  	_ =	swait.ge [sflag:s16], $0x80  }
0xbc: {  	[sflag:s16] =	ssyncset.done $0x0  }
0xbd: {  	[sflag:s16] =	ssyncadd.s32 $0xFFFFFF80  }
0xbe: {  	_ =	swait.ge [sflag:s16], $0x80  }
0xbf: {  	[sflag:s16] =	ssyncset.done $0x0  }
0xc0: {  	[sflag:s16] =	ssyncadd.s32 $0xFFFFFF80  }
0xc1: {  	_ =	swait.ge [sflag:s11], $0x4000  }
0xc2: {  	[sflag:s11] =	ssyncset.done $0x0  }
0xc3: {  	[sflag:s11] =	ssyncadd.s32 $0xFFFFC000  }
0xc4: {  	[tilespmem:s21], [sflag:$0x2] =	stream.indirect.gather [hbm4b:s1+s17], $0x80, s15, s17, $0xb8;
	[tilespmem:$0x1C300] =	vst v63  }
0xc5: {  	_ =	swait.ge [sflag:s26], $0x4000  }
0xc6: {  	[sflag:s26] =	ssyncset.done $0x0  }
0xc7: {  	[sflag:s26] =	ssyncadd.s32 $0xFFFFC000  }
0xc8: {  	[spmem:s2] =	stream.indirect.scatter.add.f32 [tilespmem:s12], [sflag:$0x3], $0x80, s7, s17, $0xb8;
	[tilespmem:$0x1C300] =	vst v63  }
0xc9: {  	s23 =	sadd.s32 s5, s29  }
0xca: {  	[tilespmem:s18], [sflag:$0x6] =	stream.linear.gather [hbm4b:s23+s3], $0x80, $0x38;
	[tilespmem:$0x1C300] =	vst v63  }
0xcb: {  	s23 =	sadd.s32 s5, s28  }
0xcc: {  	[tilespmem:s19], [sflag:$0x6] =	stream.linear.gather [hbm4b:s23+s3], $0x80, $0x38;
	[tilespmem:$0x1C300] =	vst v63  }
0xcd: {  	_ =	swait.ge [sflag:s20], $0x80  }
0xce: {  	[sflag:s20] =	ssyncset.done $0x0  }
0xcf: {  	[sflag:s20] =	ssyncadd.s32 $0xFFFFFF80  }
0xd0: {  	_ =	swait.ge [sflag:s20], $0x80  }
0xd1: {  	[sflag:s20] =	ssyncset.done $0x0  }
0xd2: {  	[sflag:s20] =	ssyncadd.s32 $0xFFFFFF80  }
0xd3: {  	_ =	swait.ge [sflag:s13], $0x4000  }
0xd4: {  	[sflag:s13] =	ssyncset.done $0x0  }
0xd5: {  	[sflag:s13] =	ssyncadd.s32 $0xFFFFC000  }
0xd6: {  	[tilespmem:s12], [sflag:$0x1] =	stream.indirect.gather [hbm4b:s1+s17], $0x80, s19, s17, $0xb8;
	[tilespmem:$0x1C300] =	vst v63  }
0xd7: {  	_ =	swait.ge [sflag:s10], $0x4000  }
0xd8: {  	[sflag:s10] =	ssyncset.done $0x0  }
0xd9: {  	s23 =	rddreg [dreg:$0x16];
	[sflag:s10] =	ssyncadd.s32 $0xFFFFC000  }
0xda: {  	[spmem:s2] =	stream.indirect.scatter.add.f32 [tilespmem:s21], [sflag:$0x4], $0x80, s14, s17, $0xb8;
	[tilespmem:$0x1C300] =	vst v63  }
0xdb: {  	s22 =	sadd.s32 s5, s23;
	s23 =	rddreg [dreg:$0x15]  }
0xdc: {  	[tilespmem:s7], [sflag:$0x7] =	stream.linear.gather [hbm4b:s22+s3], $0x80, $0x38;
	[tilespmem:$0x1C300] =	vst v63  }
0xdd: {  	s22 =	sadd.s32 s5, s23  }
0xde: {  	[tilespmem:s8], [sflag:$0x7] =	stream.linear.gather [hbm4b:s22+s3], $0x80, $0x38;
	[tilespmem:$0x1C300] =	vst v63  }
0xdf: {  	_ =	swait.ge [sflag:s9], $0x80  }
0xe0: {  	[sflag:s9] =	ssyncset.done $0x0  }
0xe1: {  	[sflag:s9] =	ssyncadd.s32 $0xFFFFFF80  }
0xe2: {  	_ =	swait.ge [sflag:s9], $0x80  }
0xe3: {  	[sflag:s9] =	ssyncset.done $0x0  }
0xe4: {  	[sflag:s9] =	ssyncadd.s32 $0xFFFFFF80  }
0xe5: {  	_ =	swait.ge [sflag:s11], $0x4000  }
0xe6: {  	[sflag:s11] =	ssyncset.done $0x0  }
0xe7: {  	[sflag:s11] =	ssyncadd.s32 $0xFFFFC000  }
0xe8: {  	[tilespmem:s21], [sflag:$0x2] =	stream.indirect.gather [hbm4b:s1+s17], $0x80, s8, s17, $0xb8;
	[tilespmem:$0x1C300] =	vst v63  }
0xe9: {  	_ =	swait.ge [sflag:s26], $0x4000  }
0xea: {  	[sflag:s26] =	ssyncset.done $0x0  }
0xeb: {  	s22 =	sshrl.u32 s6, $0x3;
	[sflag:s26] =	ssyncadd.s32 $0xFFFFC000  }
0xec: {  	[spmem:s2] =	stream.indirect.scatter.add.f32 [tilespmem:s12], [sflag:$0x3], $0x80, s18, s17, $0xb8;
	[tilespmem:$0x1C300] =	vst v63  }
0xed: {  	s23 =	sadd.s32 s24, s22  }
0xee: {  	[tilespmem:s14], [sflag:$0x5] =	stream.linear.gather [hbm4b:s23+s3], $0x80, $0x38;
	[tilespmem:$0x1C300] =	vst v63  }
0xef: {  	s22 =	sadd.s32 s25, s22  }
0xf0: {  	[tilespmem:s15], [sflag:$0x5] =	stream.linear.gather [hbm4b:s22+s3], $0x80, $0x38;
	[tilespmem:$0x1C300] =	vst v63  }
0xf1: {  	_ =	swait.ge [sflag:s16], $0x80  }
0xf2: {  	[sflag:s16] =	ssyncset.done $0x0  }
0xf3: {  	[sflag:s16] =	ssyncadd.s32 $0xFFFFFF80  }
0xf4: {  	_ =	swait.ge [sflag:s16], $0x80  }
0xf5: {  	[sflag:s16] =	ssyncset.done $0x0  }
0xf6: {  	[sflag:s16] =	ssyncadd.s32 $0xFFFFFF80  }
0xf7: {  	_ =	swait.ge [sflag:s13], $0x4000  }
0xf8: {  	[sflag:s13] =	ssyncset.done $0x0  }
0xf9: {  	p0 =	seq.s32 s5, $0x480;
	[sflag:s13] =	ssyncadd.s32 $0xFFFFC000  }
0xfa: {  	[tilespmem:s12], [sflag:$0x1] =	stream.indirect.gather [hbm4b:s1+s17], $0x80, s15, s17, $0xb8;
	[tilespmem:$0x1C300] =	vst v63  }
.Ltmp3:
0xfb: {  	_ = 	snop;
	(pc) =	sbr.rel @p0 .LBB2_6-.Ltmp3, $4  }
0xfc: {  	_ =	swait.ge [sflag:s10], $0x4000  }
0xfd: {  	[sflag:s10] =	ssyncset.done $0x0  }
0xfe: {  	[sflag:s10] =	ssyncadd.s32 $0xFFFFC000  }
0xff: {  	[spmem:s2] =	stream.indirect.scatter.add.f32 [tilespmem:s21], [sflag:$0x4], $0x80, s7, s17, $0xb8;
	[tilespmem:$0x1C300] =	vst v63  }
.Ltmp4:
0x100: {  	s22 =	rddreg [dreg:$0x14];
	(pc) =	sbr.rel .LBB2_4-.Ltmp4, $4  }
0x101: {  	s23 =	rddreg [dreg:$0x13];
	s22 =	sadd.s32 s5, s22  }
0x102: {  	[tilespmem:s18], [sflag:$0x6] =	stream.linear.gather [hbm4b:s22+s3], $0x80, $0x38;
	[tilespmem:$0x1C300] =	vst v63  }
0x103: {  	s6 =	sadd.s32 $0x300, s6;
	s22 =	sadd.s32 s5, s23;
	s5 =	sadd.s32 $0x60, s5  }
0x104: {  	[tilespmem:s19], [sflag:$0x6] =	stream.linear.gather [hbm4b:s22+s3], $0x80, $0x38;
	[tilespmem:$0x1C300] =	vst v63  }
.LBB2_7:
0x105: {  	_ =	sfence.sel $0x180000  }
0x106: {  	[bflag:$0x0] =	sbarrier.arrive $0xFFFF  }
0x107: {  	_ =	strace $0x9000004A  }
0x108: {  	s0 =	stileid.u32;
	[bflag:$0x2] =	sbarrier.arrive $0xFFFF  }
0x109: {  	p0 =	sne.s32 s0, $0x0;
	s0 =	rddreg [dreg:$0x3]  }
0x10a: {  	s0 =	sadd.s32 @!p0 $0x100000, s0  }
0x10b: {  	[sflag:s0] =	ssyncadd.tile.s32 @!p0 $0x1;
	_ =	shalt  }
.Lfunc_end2:
_tile_overlayer_lowered:
.L_overlay_start_2:
0x10c: {  	(tag) =	ssettag $0x2  }
0x10d: {  	s0 =	rddreg [dreg:$0x0];
	s2 =	stileid.u32  }
0x10e: {  	s1 =	rddreg [dreg:$0x1];
	p0 =	sne.s32 s2, $0x0  }
0x10f: {  	s3 =	rddreg [dreg:$0x2];
	[bflag:$0x3] =	sbarrier.arrive $0xFFFF;
	s2 =	simm.s32 @!p0 $0x1C08  }
0x110: {  	[timem:s3], [sflag:s2] =	dma.local @!p0 [hbm:s0], s1  }
0x111: {  	s0 =	simm.s32 @!p0 $0x8  }
0x112: {  	_ =	swait.ge @!p0 [sflag:s0], s1  }
0x113: {  	s1 =	ssub.s32 @!p0 $0x0, s1;
	[sflag:s0] =	ssyncset.done @!p0 $0x0  }
0x114: {  	[sflag:s0] =	ssyncadd.s32 @!p0 s1  }
0x115: {  	[bflag:$0x3] =	sbarrier.arrive $0xFFFF  }
0x116: {  	_ =	shalt  }

// kernel: kernel.14.cloned.1.call-start
scs
__scs_entry_jumppad:
0x0: {  	(pc) =	sbr.rel $0x88, $3  }
0x1: {  	(tag) =	ssettag $0x0;
	lr =	simm.s32 $0x1  }
0x2: {  	[smem:$0x3F9B] =	sst lr;
	_ =	strace $0xD0000000  }
0x3: {  	_ = 	snop  }
0x4: {  	_ = 	snop  }
0x5: {  	_ = 	snop  }
0x6: {  	_ = 	snop  }
0x7: {  	_ = 	snop  }
__scs_overlays_trampoline_lowered:
0x8: {  	[smem:$0x3FAA] =	sst s0  }
0x9: {  	[smem:$0x3FAB] =	sst s1  }
0xa: {  	[smem:$0x3FAC] =	sst s2  }
0xb: {  	[smem:$0x3FAD] =	sst s3  }
0xc: {  	[smem:$0x3FAE] =	sst s4  }
0xd: {  	[smem:$0x3FAF] =	sst s5  }
0xe: {  	[smem:$0x3FB0] =	sst s6  }
0xf: {  	[smem:$0x3FB1] =	sst s7  }
0x10: {  	[smem:$0x3FB2] =	sst s8  }
0x11: {  	[smem:$0x3FB3] =	sst s9;
	s0 =	simm.s32 @!p0 $0x0  }
0x12: {  	s1 =	sld [smem:$0x3F99];
	s0 =	simm.s32 @p0 $0x1  }
0x13: {  	[smem:$0x3FB4] =	sst s0;
	s0 =	simm.s32 @!p1 $0x0  }
0x14: {  	s2 =	sld [smem:$0x3F98];
	s0 =	simm.s32 @p1 $0x1  }
0x15: {  	[smem:$0x3FB5] =	sst s0;
	s0 =	simm.s32 @!p2 $0x0  }
0x16: {  	s3 =	sld [smem:$0x3FDB];
	s0 =	simm.s32 @p2 $0x1  }
0x17: {  	s4 =	simm.s32 $0x1BF5;
	[smem:$0x3FB7] =	sst s0  }
0x18: {  	s0 =	sld [smem:$0x3F9A];
	_ =	swait.ge [sflag:s4], $0x0  }
0x19: {  	s7 =	sld [smem:$0x3F9B]  }
0x1a: {  	s8 =	sadd.s32 $0xFFFFE003, lr  }
0x1b: {  	s9 =	sadd.s32 $0xFFFFFEF7, lr;
	s5 =	simm.s32 $0xFFFFFFFF;
	p2 =	slt.u32 s8, $0xFFFFF086  }
0x1c: {  	p1 =	slt.u32 s9, $0xF7A;
	s5 =	simm.s32 @!p2 $0x0  }
0x1d: {  	s5 =	simm.s32 @p1 $0x1;
	p0 =	seq.s32 s7, s2  }
0x1e: {  	s7 =	smul.u32 @!p0 $0xF7A, s2;
	p2 =	seq.s32 @!p0 s5, $0x0  }
0x1f: {  	s9 =	smul.u32 $0xF7A, s1;
	s8 =	simm.s32 @!p0 $0x1BF5;
	p2 =	por !p2, p0  }
0x20: {  	[sflag:s8] =	ssyncset.s32 @!p0 $0xFFFFF086;
	s6 =	sadd.s32 @!p0 s3, s7;
	s7 =	simm.s32 @!p0 $0x108  }
0x21: {  	s3 =	sadd.s32 s3, s9;
	s6 =	sadd.s32 @!p0 $0x88, s6;
	s7 =	simm.s32 @p2 $0x1082  }
0x22: {  	[simem:s7], [sflag:s8] =	dma.local @!p0 [hbm:s6], $0xF7A  }
0x23: {  	s9 =	sor.u32 $0xD0000000, s2;
	s6 =	simm.s32 $0x108;
	_ =	swait.ge @!p0 [sflag:s8], $0x0  }
0x24: {  	s3 =	sadd.s32 $0x88, s3;
	s6 =	simm.s32 @!p1 $0x1082;
	[sflag:s4] =	ssyncset.s32 $0xFFFFF086  }
0x25: {  	[simem:s6], [sflag:s4] =	dma.local [hbm:s3], $0xF7A  }
0x26: {  	[smem:$0x3F9B] =	sst s1;
	(tag) =	ssettag s2;
	_ =	strace s9  }
0x27: {  	s1 =	sld [smem:$0x3FAB]  }
0x28: {  	s2 =	sld [smem:$0x3FAC]  }
0x29: {  	s4 =	sld [smem:$0x3FAE]  }
0x2a: {  	p0 =	seq.s32 s5, $0x0;
	s5 =	sld [smem:$0x3FAF]  }
0x2b: {  	s6 =	sld [smem:$0x3FB0]  }
0x2c: {  	s7 =	sld [smem:$0x3FB1]  }
0x2d: {  	s3 =	simm.s32 $0x108;
	s8 =	sld [smem:$0x3FB2]  }
0x2e: {  	s3 =	simm.s32 @!p0 $0x1082;
	s9 =	sld [smem:$0x3FB3]  }
0x2f: {  	lr =	sadd.s32 s0, s3;
	s0 =	sld [smem:$0x3FAA]  }
0x30: {  	s3 =	sld [smem:$0x3FAD]  }
0x31: {  	[smem:$0x3FB6] =	sst s10  }
0x32: {  	s10 =	sld [smem:$0x3FB4];
	_ =	sdelay $0x3  }
0x33: {  	p0 =	seq.s32 s10, $0x1;
	s10 =	sld [smem:$0x3FB6];
	_ =	sdelay $0x3  }
0x34: {  	[smem:$0x3FB6] =	sst s10  }
0x35: {  	s10 =	sld [smem:$0x3FB5];
	_ =	sdelay $0x3  }
0x36: {  	p1 =	seq.s32 s10, $0x1;
	s10 =	sld [smem:$0x3FB6];
	_ =	sdelay $0x3  }
0x37: {  	[smem:$0x3FB6] =	sst s10  }
0x38: {  	s10 =	sld [smem:$0x3FB7]  }
0x39: {  	_ = 	snop;
	(pc) =	sbr.ind lr, $3  }
0x3a: {  	_ = 	snop  }
0x3b: {  	_ = 	snop  }
0x3c: {  	p2 =	seq.s32 s10, $0x1;
	s10 =	sld [smem:$0x3FB6]  }
0x3d: {  	_ =	shalt  }
0x3e: {  	_ =	shalt  }
0x3f: {  	_ =	shalt  }
0x40: {  	_ =	shalt  }
0x41: {  	_ =	shalt  }
0x42: {  	_ =	shalt  }
0x43: {  	_ =	shalt  }
0x44: {  	_ =	shalt  }
0x45: {  	_ =	shalt  }
0x46: {  	_ =	shalt  }
0x47: {  	_ =	shalt  }
0x48: {  	_ =	shalt  }
0x49: {  	_ =	shalt  }
0x4a: {  	_ =	shalt  }
0x4b: {  	_ =	shalt  }
0x4c: {  	_ =	shalt  }
0x4d: {  	_ =	shalt  }
0x4e: {  	_ =	shalt  }
0x4f: {  	_ =	shalt  }
0x50: {  	_ =	shalt  }
0x51: {  	_ =	shalt  }
0x52: {  	_ =	shalt  }
0x53: {  	_ =	shalt  }
0x54: {  	_ =	shalt  }
0x55: {  	_ =	shalt  }
0x56: {  	_ =	shalt  }
0x57: {  	_ =	shalt  }
0x58: {  	_ =	shalt  }
0x59: {  	_ =	shalt  }
0x5a: {  	_ =	shalt  }
0x5b: {  	_ =	shalt  }
0x5c: {  	_ =	shalt  }
0x5d: {  	_ =	shalt  }
0x5e: {  	_ =	shalt  }
0x5f: {  	_ =	shalt  }
0x60: {  	_ =	shalt  }
0x61: {  	_ =	shalt  }
0x62: {  	_ =	shalt  }
0x63: {  	_ =	shalt  }
0x64: {  	_ =	shalt  }
0x65: {  	_ =	shalt  }
0x66: {  	_ =	shalt  }
0x67: {  	_ =	shalt  }
0x68: {  	_ =	shalt  }
0x69: {  	_ =	shalt  }
0x6a: {  	_ =	shalt  }
0x6b: {  	_ =	shalt  }
0x6c: {  	_ =	shalt  }
0x6d: {  	_ =	shalt  }
0x6e: {  	_ =	shalt  }
0x6f: {  	_ =	shalt  }
0x70: {  	_ =	shalt  }
0x71: {  	_ =	shalt  }
0x72: {  	_ =	shalt  }
0x73: {  	_ =	shalt  }
0x74: {  	_ =	shalt  }
0x75: {  	_ =	shalt  }
0x76: {  	_ =	shalt  }
0x77: {  	_ =	shalt  }
0x78: {  	_ =	shalt  }
0x79: {  	_ =	shalt  }
0x7a: {  	_ =	shalt  }
0x7b: {  	_ =	shalt  }
0x7c: {  	_ =	shalt  }
0x7d: {  	_ =	shalt  }
0x7e: {  	_ =	shalt  }
0x7f: {  	_ =	shalt  }
0x80: {  	_ =	shalt  }
0x81: {  	_ =	shalt  }
0x82: {  	_ =	shalt  }
0x83: {  	_ =	shalt  }
0x84: {  	_ =	shalt  }
0x85: {  	_ =	shalt  }
0x86: {  	_ =	shalt  }
0x87: {  	_ =	shalt  }
.Lfunc_end0:
.L_simem_size_0:
called_computation.2_lowered:
.L_overlay_start_0:
0x88: {  	s2 =	sld [smem:$0x3FD9]  }
0x89: {  	s3 =	sld [smem:$0x3FFE];
	_ =	sdelay $0x1  }
0x8a: {  	s1 =	srdreg.scid  }
0x8b: {  	s0 =	sand.u32 $0x1, s1  }
0x8c: {  	s17 =	sshll.u32 s0, $0xA;
	s2 =	sadd.s32 s3, s2  }
0x8d: {  	s2 =	sadd.s32 s2, s17  }
0x8e: {  	[smem:$0x3FC2] =	sst s2  }
0x8f: {  	_ = 	snop  }
0x90: {  	s2 =	sld [smem:$0x3FD0];
	(tm) =	ssettm $0x1  }
0x91: {  	s18 =	sld [smem:$0x3FFB];
	_ =	sdelay $0x3  }
0x92: {  	_ =	strace s18  }
0x93: {  	s3 =	sld [smem:$0x3FFC];
	_ =	sdelay $0x3  }
0x94: {  	_ =	strace s3  }
0x95: {  	s3 =	sld [smem:$0x3FFD];
	_ =	sdelay $0x3  }
0x96: {  	_ =	strace s3  }
0x97: {  	_ =	strace $0x8FFFFFFF  }
0x98: {  	s19 =	sld [smem:$0x3FDB];
	_ =	sdelay $0x1  }
0x99: {  	s4 =	simm.s32 $_scs_section_size  }
0x9a: {  	s5 =	simm.s32 $_size__tile_overlayer_lowered;
	s6 =	simm.s32 $_tile_overlayer_lowered  }
0x9b: {  	s22 =	simm.s32 $0x1BFF;
	s21 =	sshll.u32 s6, $0x1;
	s3 =	sadd.s32 s4, s19  }
0x9c: {  	s7 =	simm.s32 $0x0;
	s20 =	sshll.u32 s5, $0x1;
	s5 =	sadd.s32 s21, s3  }
0x9d: {  	[timem:s7], [sflag:s22] =	dma.local [hbm:s5], s20  }
0x9e: {  	_ =	swait.ge [sflag:s22], s20  }
0x9f: {  	s4 =	ssub.s32 $0x0, s20;
	[sflag:s22] =	ssyncset.done $0x0  }
0xa0: {  	[sflag:s22] =	ssyncadd.s32 s4;
	_ =	sdelay $0x1  }
0xa1: {  	s23 =	simm.s32 $0x1B8B  }
0xa2: {  	_ =	swait.ge [sflag:s23], $0x1  }
0xa3: {  	[sflag:s23] =	ssyncset.done $0x0  }
0xa4: {  	s25 =	simm.s32 $0x1B8E;
	s24 =	sld [smem:$0x3FFE];
	[sflag:s23] =	ssyncadd.s32 $0xFFFFFFFF  }
0xa5: {  	s26 =	simm.s32 $execute0_lowered;
	[smem:$0x3FD2] =	sst s25  }
0xa6: {  	s5 =	sshll.u32 s26, $0x1;
	_ =	strace $0x8000004C;
	[dreg:$0x1] =	wrdreg $0xFFFFFFFF  }
0xa7: {  	s28 =	simm.s32 $_size_execute0_lowered;
	s3 =	sadd.s32 s3, s5;
	[dreg:$0x0] =	wrdreg $0x0  }
0xa8: {  	s5 =	sshll.u32 s28, $0x1;
	[dreg:$0x2] =	wrdreg s3  }
0xa9: {  	[dreg:$0x3] =	wrdreg s5  }
0xaa: {  	[dreg:$0x4] =	wrdreg $0xC0  }
0xab: {  	_ =	task [dreg:s7], $0x5FFFF  }
0xac: {  	[dreg:$0x1] =	wrdreg $0xFFFFFFFF  }
0xad: {  	[dreg:$0x0] =	wrdreg $0x60  }
0xae: {  	[dreg:$0x2] =	wrdreg s2  }
0xaf: {  	[dreg:$0x3] =	wrdreg s24  }
0xb0: {  	[dreg:$0x4] =	wrdreg $0x0  }
0xb1: {  	[dreg:$0x5] =	wrdreg $0x9  }
0xb2: {  	_ =	task.clear_ibuf [dreg:s7], $0x6FFFF;
	_ =	strace $0x9000004C  }
0xb3: {  	s29 =	simm.s32 $0x9;
	_ =	strace $0x8000004E  }
0xb4: {  	_ =	swait.ge [sflag:s29], $0x1  }
0xb5: {  	[sflag:s29] =	ssyncadd.s32 $0xFFFFFFFF  }
0xb6: {  	_ =	strace $0x9000004E  }
0xb7: {  	_ =	sfence  }
0xb8: {  	s30 =	sld [smem:$0x0];
	_ =	sdelay $0x2  }
0xb9: {  	s31 =	sshll.u32 s1, $0xD;
	s1 =	sshrl.u32 s1, $0x2  }
0xba: {  	s3 =	sand.u32 $0x4000, s31;
	s1 =	sadd.s32 s1, s30  }
0xbb: {  	s0 =	sor.u32 s3, s0;
	s1 =	sshll.u32 s1, $0x11  }
0xbc: {  	s0 =	sor.u32 s1, s0  }
0xbd: {  	s0 =	sadd.s32 $0x8F2B, s0  }
0xbe: {  	[sflag:s0] =	ssyncadd.remote.s32 $0x1  }
0xbf: {  	_ =	sfence.sel $0xFFFF  }
0xc0: {  	[dreg:$0x0] =	wrdreg $0xFFFFFFFF;
	(pc) =	sbr.abs _section_cstart, $3  }
0xc1: {  	[dreg:$0x1] =	wrdreg $0xFFFFFFFF  }
0xc2: {  	_ =	task.clear_ibuf [dreg:s7], $0x2FFFF;
	_ =	strace $0x9FFFFFFF  }
0xc3: {  	(tm) =	ssettm $0x7FFFFFFF  }
tec
execute0_lowered:
.L_overlay_start_1:
0x0: {  	(tag) =	ssettag $0x1  }
0x1: {  	s1 =	rddreg [dreg:$0x0]  }
0x2: {  	s0 =	rddreg [dreg:$0x1]  }
0x3: {  	s2 =	rddreg [dreg:$0x2]  }
0x4: {  	s3 =	simm.s32 $0x0;
	s4 =	srdreg.scid;
	s13 =	stileid.u32  }
0x5: {  	[smem:$0x7FF] =	sst s3;
	s14 =	sadd.s32 $0x2800, s0;
	s6 =	smul.u32 $0x50000, s13  }
0x6: {  	s4 =	sand.u32 $0x1, s4;
	s15 =	sadd.s32 $0xC600, s0;
	s9 =	smul.u32 $0x14000, s13  }
0x7: {  	s0 =	sadd.s32 $0x16400, s0;
	_ =	strace $0x8000004D;
	s11 =	smul.u32 $0x140000, s4  }
0x8: {  	s5 =	ssub.s32 $0x2, s4;
	s8 =	sshll.u32 s4, $0x4;
	s4 =	smul.u32 $0x27800, s4  }
0x9: {  	s7 =	sshrl.u32 s5, $0x1;
	s17 =	sor.u32 s13, s8;
	s6 =	sshrl.u32 s6, $0x2  }
0xa: {  	s18 =	sadd.s32 $0x4000, s9;
	s20 =	sadd.s32 $0x8000, s9;
	s6 =	sadd.s32 s6, s2  }
0xb: {  	s21 =	sadd.s32 $0xC000, s9;
	s19 =	sadd.s32 s18, s2;
	[dreg:$0x4] =	wrdreg s6  }
0xc: {  	s22 =	sadd.s32 $0x10000, s9;
	s10 =	sadd.s32 s20, s2;
	[dreg:$0x5] =	wrdreg s19  }
0xd: {  	s5 =	ssub.s32 s5, s7;
	s12 =	sadd.s32 s21, s2;
	[dreg:$0x6] =	wrdreg s10  }
0xe: {  	s7 =	smul.u32 $0x2780, s17;
	s16 =	sadd.s32 s22, s2;
	[dreg:$0x7] =	wrdreg s12  }
0xf: {  	s9 =	sadd.s32 s9, s11;
	s8 =	sadd.s32 s11, s18;
	[dreg:$0x8] =	wrdreg s16  }
0x10: {  	s9 =	sshrl.u32 s9, $0x3;
	s6 =	sadd.s32 s11, s20;
	s10 =	sadd.s32 s11, s21  }
0x11: {  	s5 =	smax.u32 s5, $0x1;
	s12 =	simm.s32 $0x14300;
	s7 =	sshrl.u32 s7, $0x3  }
0x12: {  	s26 =	sadd.s32 s0, s9;
	s6 =	sshrl.u32 s6, $0x3;
	s9 =	smul.u32 $0x2780, s13  }
0x13: {  	s13 =	sadd.s32 s11, s22;
	[dreg:$0x12] =	wrdreg s5;
	s11 =	simm.s32 $0x4  }
0x14: {  	s23 =	sadd.s32 s14, s7;
	s24 =	sadd.s32 s15, s7;
	[dreg:$0xd] =	wrdreg s26  }
0x15: {  	s7 =	sadd.s32 $0x10, s7;
	s6 =	sadd.s32 s0, s6;
	[dreg:$0x9] =	wrdreg s23  }
0x16: {  	s16 =	sshrl.u32 s13, $0x3;
	s13 =	simm.s32 $0x3;
	[dreg:$0xa] =	wrdreg s24  }
0x17: {  	s25 =	sadd.s32 s14, s7;
	s7 =	sadd.s32 s15, s7;
	[dreg:$0xf] =	wrdreg s6  }
0x18: {  	s6 =	sshrl.u32 s10, $0x3;
	s4 =	sadd.s32 s9, s4;
	[dreg:$0xb] =	wrdreg s25  }
0x19: {  	s9 =	simm.s32 $0x7;
	s10 =	simm.s32 $0x2;
	[dreg:$0xc] =	wrdreg s7  }
0x1a: {  	s7 =	sshrl.u32 s8, $0x3;
	s6 =	sadd.s32 s0, s6;
	s17 =	sadd.s32 $0x380, s4  }
0x1b: {  	s19 =	sadd.s32 $0x280, s4;
	s23 =	sadd.s32 $0x200, s4;
	s24 =	sadd.s32 $0x300, s4  }
0x1c: {  	s25 =	sadd.s32 $0x180, s4;
	s4 =	sadd.s32 $0x100, s4;
	s8 =	simm.s32 $0x14280  }
0x1d: {  	s7 =	sadd.s32 s0, s7;
	[dreg:$0x10] =	wrdreg s6;
	s0 =	sadd.s32 s0, s16  }
0x1e: {  	s18 =	sshrl.u32 s17, $0x3;
	s21 =	sshrl.u32 s19, $0x3;
	[dreg:$0x17] =	wrdreg s24  }
0x1f: {  	s26 =	sshrl.u32 s25, $0x3;
	s4 =	sshrl.u32 s4, $0x3;
	s25 =	smov.u32 s15  }
0x20: {  	s24 =	smov.u32 s14;
	s16 =	simm.s32 $0x5;
	s17 =	simm.s32 $0x80  }
0x21: {  	s19 =	simm.s32 $0x14200;
	s6 =	simm.s32 $0x0;
	[dreg:$0xe] =	wrdreg s7  }
0x22: {  	[dreg:$0x11] =	wrdreg s0;
	s20 =	sadd.s32 s18, s15;
	s0 =	sadd.s32 s18, s14  }
0x23: {  	s22 =	sadd.s32 s21, s15;
	s5 =	sadd.s32 s21, s14;
	s30 =	sadd.s32 s26, s15  }
0x24: {  	s31 =	sadd.s32 s26, s14;
	s18 =	simm.s32 $0x14080;
	[dreg:$0x13] =	wrdreg s20  }
.Ltmp0:
0x25: {  	s21 =	simm.s32 $0x18300;
	[dreg:$0x14] =	wrdreg s0;
	(pc) =	sbr.rel .LBB2_1-.Ltmp0, $4  }
0x26: {  	s26 =	simm.s32 $0x1;
	s7 =	simm.s32 $0x14100;
	[dreg:$0x15] =	wrdreg s22  }
0x27: {  	[dreg:$0x16] =	wrdreg s5;
	s0 =	sshrl.u32 s23, $0x3;
	s20 =	simm.s32 $0x6  }
0x28: {  	s28 =	sadd.s32 s0, s15;
	s29 =	sadd.s32 s0, s14;
	s0 =	sadd.s32 s4, s15  }
0x29: {  	v0 =	vimm.f32 $0.0e+00;
	s4 =	sadd.s32 s4, s14;
	s14 =	simm.s32 $0x14000;
	s15 =	simm.s32 $0x14180  }
.LBB2_6:
0x2a: {  	_ =	swait.ge [sflag:s26], $0x4000  }
0x2b: {  	[sflag:s26] =	ssyncset.done $0x0  }
0x2c: {  	[sflag:s26] =	ssyncadd.s32 $0xFFFFC000  }
0x2d: {  	[spmem:s2] =	stream.indirect.scatter.add.f32 [tilespmem:s12], [sflag:$0x3], $0x80, s14, s17, $0xb8;
	[tilespmem:$0x1C300] =	vst v63  }
0x2e: {  	_ =	swait.ge [sflag:s11], $0x4000  }
0x2f: {  	[sflag:s11] =	ssyncset.done $0x0  }
0x30: {  	[sflag:s11] =	ssyncadd.s32 $0xFFFFC000  }
0x31: {  	_ =	swait.ge [sflag:s13], $0x4000  }
0x32: {  	[sflag:s13] =	ssyncset.done $0x0  }
0x33: {  	[sflag:s13] =	ssyncadd.s32 $0xFFFFC000  }
0x34: {  	[bflag:$0x0] =	sbarrier.arrive $0xFFFF  }
0x35: {  	s5 =	rddreg [dreg:$0x4]  }
0x36: {  	[tilespmem:s12], [sflag:$0x1] =	stream.linear.gather [spmem:s5], $0x4000, $0x38;
	[tilespmem:$0x1C300] =	vst v63  }
0x37: {  	s23 =	rddreg [dreg:$0x5]  }
0x38: {  	[tilespmem:s21], [sflag:$0x2] =	stream.linear.gather [spmem:s23], $0x4000, $0x38;
	[tilespmem:$0x1C300] =	vst v63  }
0x39: {  	_ =	swait.ge [sflag:s26], $0x4000  }
0x3a: {  	[sflag:s26] =	ssyncset.done $0x0  }
0x3b: {  	s6 =	rddreg [dreg:$0xd];
	[sflag:s26] =	ssyncadd.s32 $0xFFFFC000  }
0x3c: {  	[hbm4b:s6+s3] =	stream.linear.scatter [tilespmem:s12], [sflag:$0x3], $0x4000, $0x38;
	[tilespmem:$0x1C300] =	vst v63  }
0x3d: {  	_ =	swait.ge [sflag:s13], $0x4000  }
0x3e: {  	[sflag:s13] =	ssyncset.done $0x0  }
0x3f: {  	s22 =	rddreg [dreg:$0x6];
	[sflag:s13] =	ssyncadd.s32 $0xFFFFC000  }
0x40: {  	[tilespmem:s12], [sflag:$0x1] =	stream.linear.gather [spmem:s22], $0x4000, $0x38;
	[tilespmem:$0x1C300] =	vst v63  }
0x41: {  	_ =	swait.ge [sflag:s10], $0x4000  }
0x42: {  	[sflag:s10] =	ssyncset.done $0x0  }
0x43: {  	s23 =	rddreg [dreg:$0xe];
	[sflag:s10] =	ssyncadd.s32 $0xFFFFC000  }
0x44: {  	[hbm4b:s23+s3] =	stream.linear.scatter [tilespmem:s21], [sflag:$0x4], $0x4000, $0x38;
	[tilespmem:$0x1C300] =	vst v63  }
0x45: {  	_ =	swait.ge [sflag:s11], $0x4000  }
0x46: {  	[sflag:s11] =	ssyncset.done $0x0  }
0x47: {  	s6 =	rddreg [dreg:$0x7];
	[sflag:s11] =	ssyncadd.s32 $0xFFFFC000  }
0x48: {  	[tilespmem:s21], [sflag:$0x2] =	stream.linear.gather [spmem:s6], $0x4000, $0x38;
	[tilespmem:$0x1C300] =	vst v63  }
0x49: {  	_ =	swait.ge [sflag:s26], $0x4000  }
0x4a: {  	[sflag:s26] =	ssyncset.done $0x0  }
0x4b: {  	s22 =	rddreg [dreg:$0xf];
	[sflag:s26] =	ssyncadd.s32 $0xFFFFC000  }
0x4c: {  	[hbm4b:s22+s3] =	stream.linear.scatter [tilespmem:s12], [sflag:$0x3], $0x4000, $0x38;
	[tilespmem:$0x1C300] =	vst v63  }
0x4d: {  	_ =	swait.ge [sflag:s13], $0x4000  }
0x4e: {  	[sflag:s13] =	ssyncset.done $0x0  }
0x4f: {  	s23 =	rddreg [dreg:$0x8];
	[sflag:s13] =	ssyncadd.s32 $0xFFFFC000  }
0x50: {  	[tilespmem:s12], [sflag:$0x1] =	stream.linear.gather [spmem:s23], $0x4000, $0x38;
	[tilespmem:$0x1C300] =	vst v63  }
0x51: {  	_ =	swait.ge [sflag:s10], $0x4000  }
0x52: {  	[sflag:s10] =	ssyncset.done $0x0  }
0x53: {  	s6 =	rddreg [dreg:$0x10];
	[sflag:s10] =	ssyncadd.s32 $0xFFFFC000  }
0x54: {  	[hbm4b:s6+s3] =	stream.linear.scatter [tilespmem:s21], [sflag:$0x4], $0x4000, $0x38;
	[tilespmem:$0x1C300] =	vst v63  }
0x55: {  	_ =	swait.ge [sflag:s26], $0x4000  }
0x56: {  	[sflag:s26] =	ssyncset.done $0x0  }
0x57: {  	s22 =	rddreg [dreg:$0x11];
	[sflag:s26] =	ssyncadd.s32 $0xFFFFC000  }
0x58: {  	[hbm4b:s22+s3] =	stream.linear.scatter [tilespmem:s12], [sflag:$0x3], $0x4000, $0x38;
	[tilespmem:$0x1C300] =	vst v63  }
0x59: {  	_ =	swait.ge [sflag:s11], $0x4000  }
0x5a: {  	[sflag:s11] =	ssyncset.done $0x0  }
0x5b: {  	[sflag:s11] =	ssyncadd.s32 $0xFFFFC000  }
0x5c: {  	_ =	swait.ge [sflag:s13], $0x4000  }
0x5d: {  	s6 =	rddreg [dreg:$0x18]  }
0x5e: {  	s23 =	rddreg [dreg:$0x12];
	s6 =	sadd.s32 $0x1, s6  }
0x5f: {  	p0 =	sne.s32 s6, s23  }
.Ltmp1:
0x60: {  	_ = 	snop;
	(pc) =	sbr.rel @!p0 .LBB2_7-.Ltmp1, $3  }
0x61: {  	_ =	sdelay $0x1  }
0x62: {  	[sflag:s13] =	ssyncset.done $0x0  }
0x63: {  	[sflag:s13] =	ssyncadd.s32 $0xFFFFC000  }
.LBB2_1:
0x64: {  	s5 =	sand.u32 $0xFE00, s3  }
0x65: {  	[dreg:$0x18] =	wrdreg s6;
	s23 =	sand.u32 $0x70, s3;
	s22 =	sshrl.u32 s5, $0x2  }
0x66: {  	s6 =	simm.s32 $0x0;
	s5 =	simm.s32 $0x40;
	s22 =	sor.u32 s23, s22  }
.LBB2_2:
0x67: {  	p0 =	sne.s32 s5, $0xFFC0  }
0x68: {  	[tilespmem:s22+$0x14300] =	vst v0;
	s6 =	sadd.s32 $0x10, s6;
	s22 =	smov.u32 s5;
	s5 =	sadd.s32 $0x40, s5  }
.Ltmp2:
0x69: {  	(pc) =	sbr.rel @p0 .LBB2_2-.Ltmp2, $4  }
0x6a: {  	_ = 	snop  }
0x6b: {  	s22 =	sand.u32 $0xFE00, s22  }
0x6c: {  	s23 =	sand.u32 $0x70, s6;
	s22 =	sshrl.u32 s22, $0x2  }
0x6d: {  	s22 =	sor.u32 s23, s22  }
0x6e: {  	[tilespmem:s22+$0x14300] =	vst v0;
	s5 =	rddreg [dreg:$0x4]  }
0x6f: {  	[spmem:s5] =	stream.linear.scatter [tilespmem:s12], [sflag:$0x3], $0x4000, $0x38;
	[tilespmem:$0x1C300] =	vst v63  }
0x70: {  	s22 =	rddreg [dreg:$0x5]  }
0x71: {  	[spmem:s22] =	stream.linear.scatter [tilespmem:s12], [sflag:$0x3], $0x4000, $0x38;
	[tilespmem:$0x1C300] =	vst v63  }
0x72: {  	s23 =	rddreg [dreg:$0x6]  }
0x73: {  	[spmem:s23] =	stream.linear.scatter [tilespmem:s12], [sflag:$0x3], $0x4000, $0x38;
	[tilespmem:$0x1C300] =	vst v63  }
0x74: {  	s6 =	rddreg [dreg:$0x7]  }
0x75: {  	[spmem:s6] =	stream.linear.scatter [tilespmem:s12], [sflag:$0x3], $0x4000, $0x38;
	[tilespmem:$0x1C300] =	vst v63  }
0x76: {  	s22 =	rddreg [dreg:$0x8]  }
0x77: {  	[spmem:s22] =	stream.linear.scatter [tilespmem:s12], [sflag:$0x3], $0x4000, $0x38;
	[tilespmem:$0x1C300] =	vst v63  }
0x78: {  	_ =	swait.ge [sflag:s13], $0x4000  }
0x79: {  	[sflag:s13] =	ssyncset.done $0x0  }
0x7a: {  	[sflag:s13] =	ssyncadd.s32 $0xFFFFC000  }
0x7b: {  	_ =	swait.ge [sflag:s13], $0x4000  }
0x7c: {  	[sflag:s13] =	ssyncset.done $0x0  }
0x7d: {  	[sflag:s13] =	ssyncadd.s32 $0xFFFFC000  }
0x7e: {  	_ =	swait.ge [sflag:s13], $0x4000  }
0x7f: {  	[sflag:s13] =	ssyncset.done $0x0  }
0x80: {  	[sflag:s13] =	ssyncadd.s32 $0xFFFFC000  }
0x81: {  	_ =	swait.ge [sflag:s13], $0x4000  }
0x82: {  	[sflag:s13] =	ssyncset.done $0x0  }
0x83: {  	[sflag:s13] =	ssyncadd.s32 $0xFFFFC000  }
0x84: {  	_ =	swait.ge [sflag:s13], $0x4000  }
0x85: {  	[sflag:s13] =	ssyncset.done $0x0  }
0x86: {  	[sflag:s13] =	ssyncadd.s32 $0xFFFFC000  }
0x87: {  	[bflag:$0x0] =	sbarrier.arrive $0xFFFF  }
0x88: {  	s5 =	simm.s32 $0x0;
	s6 =	rddreg [dreg:$0x9]  }
0x89: {  	[tilespmem:s14], [sflag:$0x5] =	stream.linear.gather [hbm4b:s6+s5], $0x80, $0x38;
	[tilespmem:$0x1C300] =	vst v63  }
0x8a: {  	s23 =	rddreg [dreg:$0xa]  }
0x8b: {  	[tilespmem:s15], [sflag:$0x5] =	stream.linear.gather [hbm4b:s23+s5], $0x80, $0x38;
	[tilespmem:$0x1C300] =	vst v63  }
0x8c: {  	_ =	swait.ge [sflag:s16], $0x80  }
0x8d: {  	[sflag:s16] =	ssyncset.done $0x0  }
0x8e: {  	[sflag:s16] =	ssyncadd.s32 $0xFFFFFF80  }
0x8f: {  	_ =	swait.ge [sflag:s16], $0x80  }
0x90: {  	[sflag:s16] =	ssyncset.done $0x0  }
0x91: {  	s22 =	rddreg [dreg:$0xb];
	[sflag:s16] =	ssyncadd.s32 $0xFFFFFF80  }
0x92: {  	[tilespmem:s12], [sflag:$0x1] =	stream.indirect.gather [hbm4b:s1+s17], $0x80, s15, s17, $0xb8;
	[tilespmem:$0x1C300] =	vst v63  }
0x93: {  	s23 =	rddreg [dreg:$0xc]  }
0x94: {  	[tilespmem:s18], [sflag:$0x6] =	stream.linear.gather [hbm4b:s22+s5], $0x80, $0x38;
	[tilespmem:$0x1C300] =	vst v63  }
0x95: {  	s6 =	rddreg [dreg:$0x17]  }
0x96: {  	[tilespmem:s19], [sflag:$0x6] =	stream.linear.gather [hbm4b:s23+s5], $0x80, $0x38;
	[tilespmem:$0x1C300] =	vst v63  }
.LBB2_4:
0x97: {  	_ =	swait.ge [sflag:s20], $0x80  }
0x98: {  	[sflag:s20] =	ssyncset.done $0x0  }
0x99: {  	[sflag:s20] =	ssyncadd.s32 $0xFFFFFF80  }
0x9a: {  	_ =	swait.ge [sflag:s20], $0x80  }
0x9b: {  	p0 =	seq.s32 s5, $0x0;
	[sflag:s20] =	ssyncset.done $0x0  }
0x9c: {  	s22 =	simm.s32 @!p0 $0x4;
	[sflag:s20] =	ssyncadd.s32 $0xFFFFFF80  }
0x9d: {  	_ =	swait.ge @!p0 [sflag:s22], $0x4000  }
0x9e: {  	[sflag:s22] =	ssyncset.done @!p0 $0x0  }
0x9f: {  	[sflag:s22] =	ssyncadd.s32 @!p0 $0xFFFFC000  }
0xa0: {  	[tilespmem:s21], [sflag:$0x2] =	stream.indirect.gather [hbm4b:s1+s17], $0x80, s19, s17, $0xb8;
	[tilespmem:$0x1C300] =	vst v63  }
0xa1: {  	_ =	swait.ge [sflag:s26], $0x4000  }
0xa2: {  	[sflag:s26] =	ssyncset.done $0x0  }
0xa3: {  	[sflag:s26] =	ssyncadd.s32 $0xFFFFC000  }
0xa4: {  	[spmem:s2] =	stream.indirect.scatter.add.f32 [tilespmem:s12], [sflag:$0x3], $0x80, s14, s17, $0xb8;
	[tilespmem:$0x1C300] =	vst v63  }
0xa5: {  	s23 =	sadd.s32 s5, s4  }
0xa6: {  	[tilespmem:s7], [sflag:$0x7] =	stream.linear.gather [hbm4b:s23+s3], $0x80, $0x38;
	[tilespmem:$0x1C300] =	vst v63  }
0xa7: {  	s23 =	sadd.s32 s5, s0  }
0xa8: {  	[tilespmem:s8], [sflag:$0x7] =	stream.linear.gather [hbm4b:s23+s3], $0x80, $0x38;
	[tilespmem:$0x1C300] =	vst v63  }
0xa9: {  	_ =	swait.ge [sflag:s9], $0x80  }
0xaa: {  	[sflag:s9] =	ssyncset.done $0x0  }
0xab: {  	[sflag:s9] =	ssyncadd.s32 $0xFFFFFF80  }
0xac: {  	_ =	swait.ge [sflag:s9], $0x80  }
0xad: {  	[sflag:s9] =	ssyncset.done $0x0  }
0xae: {  	[sflag:s9] =	ssyncadd.s32 $0xFFFFFF80  }
0xaf: {  	_ =	swait.ge [sflag:s13], $0x4000  }
0xb0: {  	[sflag:s13] =	ssyncset.done $0x0  }
0xb1: {  	[sflag:s13] =	ssyncadd.s32 $0xFFFFC000  }
0xb2: {  	[tilespmem:s12], [sflag:$0x1] =	stream.indirect.gather [hbm4b:s1+s17], $0x80, s8, s17, $0xb8;
	[tilespmem:$0x1C300] =	vst v63  }
0xb3: {  	_ =	swait.ge [sflag:s10], $0x4000  }
0xb4: {  	[sflag:s10] =	ssyncset.done $0x0  }
0xb5: {  	[sflag:s10] =	ssyncadd.s32 $0xFFFFC000  }
0xb6: {  	[spmem:s2] =	stream.indirect.scatter.add.f32 [tilespmem:s21], [sflag:$0x4], $0x80, s18, s17, $0xb8;
	[tilespmem:$0x1C300] =	vst v63  }
0xb7: {  	s23 =	sadd.s32 s5, s31  }
0xb8: {  	[tilespmem:s14], [sflag:$0x5] =	stream.linear.gather [hbm4b:s23+s3], $0x80, $0x38;
	[tilespmem:$0x1C300] =	vst v63  }
0xb9: {  	s23 =	sadd.s32 s5, s30  }
0xba: {  	[tilespmem:s15], [sflag:$0x5] =	stream.linear.gather [hbm4b:s23+s3], $0x80, $0x38;
	[tilespmem:$0x1C300] =	vst v63  }
0xbb: {  	_ =	swait.ge [sflag:s16], $0x80  }
0xbc: {  	[sflag:s16] =	ssyncset.done $0x0  }
0xbd: {  	[sflag:s16] =	ssyncadd.s32 $0xFFFFFF80  }
0xbe: {  	_ =	swait.ge [sflag:s16], $0x80  }
0xbf: {  	[sflag:s16] =	ssyncset.done $0x0  }
0xc0: {  	[sflag:s16] =	ssyncadd.s32 $0xFFFFFF80  }
0xc1: {  	_ =	swait.ge [sflag:s11], $0x4000  }
0xc2: {  	[sflag:s11] =	ssyncset.done $0x0  }
0xc3: {  	[sflag:s11] =	ssyncadd.s32 $0xFFFFC000  }
0xc4: {  	[tilespmem:s21], [sflag:$0x2] =	stream.indirect.gather [hbm4b:s1+s17], $0x80, s15, s17, $0xb8;
	[tilespmem:$0x1C300] =	vst v63  }
0xc5: {  	_ =	swait.ge [sflag:s26], $0x4000  }
0xc6: {  	[sflag:s26] =	ssyncset.done $0x0  }
0xc7: {  	[sflag:s26] =	ssyncadd.s32 $0xFFFFC000  }
0xc8: {  	[spmem:s2] =	stream.indirect.scatter.add.f32 [tilespmem:s12], [sflag:$0x3], $0x80, s7, s17, $0xb8;
	[tilespmem:$0x1C300] =	vst v63  }
0xc9: {  	s23 =	sadd.s32 s5, s29  }
0xca: {  	[tilespmem:s18], [sflag:$0x6] =	stream.linear.gather [hbm4b:s23+s3], $0x80, $0x38;
	[tilespmem:$0x1C300] =	vst v63  }
0xcb: {  	s23 =	sadd.s32 s5, s28  }
0xcc: {  	[tilespmem:s19], [sflag:$0x6] =	stream.linear.gather [hbm4b:s23+s3], $0x80, $0x38;
	[tilespmem:$0x1C300] =	vst v63  }
0xcd: {  	_ =	swait.ge [sflag:s20], $0x80  }
0xce: {  	[sflag:s20] =	ssyncset.done $0x0  }
0xcf: {  	[sflag:s20] =	ssyncadd.s32 $0xFFFFFF80  }
0xd0: {  	_ =	swait.ge [sflag:s20], $0x80  }
0xd1: {  	[sflag:s20] =	ssyncset.done $0x0  }
0xd2: {  	[sflag:s20] =	ssyncadd.s32 $0xFFFFFF80  }
0xd3: {  	_ =	swait.ge [sflag:s13], $0x4000  }
0xd4: {  	[sflag:s13] =	ssyncset.done $0x0  }
0xd5: {  	[sflag:s13] =	ssyncadd.s32 $0xFFFFC000  }
0xd6: {  	[tilespmem:s12], [sflag:$0x1] =	stream.indirect.gather [hbm4b:s1+s17], $0x80, s19, s17, $0xb8;
	[tilespmem:$0x1C300] =	vst v63  }
0xd7: {  	_ =	swait.ge [sflag:s10], $0x4000  }
0xd8: {  	[sflag:s10] =	ssyncset.done $0x0  }
0xd9: {  	s23 =	rddreg [dreg:$0x16];
	[sflag:s10] =	ssyncadd.s32 $0xFFFFC000  }
0xda: {  	[spmem:s2] =	stream.indirect.scatter.add.f32 [tilespmem:s21], [sflag:$0x4], $0x80, s14, s17, $0xb8;
	[tilespmem:$0x1C300] =	vst v63  }
0xdb: {  	s22 =	sadd.s32 s5, s23;
	s23 =	rddreg [dreg:$0x15]  }
0xdc: {  	[tilespmem:s7], [sflag:$0x7] =	stream.linear.gather [hbm4b:s22+s3], $0x80, $0x38;
	[tilespmem:$0x1C300] =	vst v63  }
0xdd: {  	s22 =	sadd.s32 s5, s23  }
0xde: {  	[tilespmem:s8], [sflag:$0x7] =	stream.linear.gather [hbm4b:s22+s3], $0x80, $0x38;
	[tilespmem:$0x1C300] =	vst v63  }
0xdf: {  	_ =	swait.ge [sflag:s9], $0x80  }
0xe0: {  	[sflag:s9] =	ssyncset.done $0x0  }
0xe1: {  	[sflag:s9] =	ssyncadd.s32 $0xFFFFFF80  }
0xe2: {  	_ =	swait.ge [sflag:s9], $0x80  }
0xe3: {  	[sflag:s9] =	ssyncset.done $0x0  }
0xe4: {  	[sflag:s9] =	ssyncadd.s32 $0xFFFFFF80  }
0xe5: {  	_ =	swait.ge [sflag:s11], $0x4000  }
0xe6: {  	[sflag:s11] =	ssyncset.done $0x0  }
0xe7: {  	[sflag:s11] =	ssyncadd.s32 $0xFFFFC000  }
0xe8: {  	[tilespmem:s21], [sflag:$0x2] =	stream.indirect.gather [hbm4b:s1+s17], $0x80, s8, s17, $0xb8;
	[tilespmem:$0x1C300] =	vst v63  }
0xe9: {  	_ =	swait.ge [sflag:s26], $0x4000  }
0xea: {  	[sflag:s26] =	ssyncset.done $0x0  }
0xeb: {  	s22 =	sshrl.u32 s6, $0x3;
	[sflag:s26] =	ssyncadd.s32 $0xFFFFC000  }
0xec: {  	[spmem:s2] =	stream.indirect.scatter.add.f32 [tilespmem:s12], [sflag:$0x3], $0x80, s18, s17, $0xb8;
	[tilespmem:$0x1C300] =	vst v63  }
0xed: {  	s23 =	sadd.s32 s24, s22  }
0xee: {  	[tilespmem:s14], [sflag:$0x5] =	stream.linear.gather [hbm4b:s23+s3], $0x80, $0x38;
	[tilespmem:$0x1C300] =	vst v63  }
0xef: {  	s22 =	sadd.s32 s25, s22  }
0xf0: {  	[tilespmem:s15], [sflag:$0x5] =	stream.linear.gather [hbm4b:s22+s3], $0x80, $0x38;
	[tilespmem:$0x1C300] =	vst v63  }
0xf1: {  	_ =	swait.ge [sflag:s16], $0x80  }
0xf2: {  	[sflag:s16] =	ssyncset.done $0x0  }
0xf3: {  	[sflag:s16] =	ssyncadd.s32 $0xFFFFFF80  }
0xf4: {  	_ =	swait.ge [sflag:s16], $0x80  }
0xf5: {  	[sflag:s16] =	ssyncset.done $0x0  }
0xf6: {  	[sflag:s16] =	ssyncadd.s32 $0xFFFFFF80  }
0xf7: {  	_ =	swait.ge [sflag:s13], $0x4000  }
0xf8: {  	[sflag:s13] =	ssyncset.done $0x0  }
0xf9: {  	p0 =	seq.s32 s5, $0x480;
	[sflag:s13] =	ssyncadd.s32 $0xFFFFC000  }
0xfa: {  	[tilespmem:s12], [sflag:$0x1] =	stream.indirect.gather [hbm4b:s1+s17], $0x80, s15, s17, $0xb8;
	[tilespmem:$0x1C300] =	vst v63  }
.Ltmp3:
0xfb: {  	_ = 	snop;
	(pc) =	sbr.rel @p0 .LBB2_6-.Ltmp3, $4  }
0xfc: {  	_ =	swait.ge [sflag:s10], $0x4000  }
0xfd: {  	[sflag:s10] =	ssyncset.done $0x0  }
0xfe: {  	[sflag:s10] =	ssyncadd.s32 $0xFFFFC000  }
0xff: {  	[spmem:s2] =	stream.indirect.scatter.add.f32 [tilespmem:s21], [sflag:$0x4], $0x80, s7, s17, $0xb8;
	[tilespmem:$0x1C300] =	vst v63  }
.Ltmp4:
0x100: {  	s22 =	rddreg [dreg:$0x14];
	(pc) =	sbr.rel .LBB2_4-.Ltmp4, $4  }
0x101: {  	s23 =	rddreg [dreg:$0x13];
	s22 =	sadd.s32 s5, s22  }
0x102: {  	[tilespmem:s18], [sflag:$0x6] =	stream.linear.gather [hbm4b:s22+s3], $0x80, $0x38;
	[tilespmem:$0x1C300] =	vst v63  }
0x103: {  	s6 =	sadd.s32 $0x300, s6;
	s22 =	sadd.s32 s5, s23;
	s5 =	sadd.s32 $0x60, s5  }
0x104: {  	[tilespmem:s19], [sflag:$0x6] =	stream.linear.gather [hbm4b:s22+s3], $0x80, $0x38;
	[tilespmem:$0x1C300] =	vst v63  }
.LBB2_7:
0x105: {  	_ =	sfence.sel $0x180000  }
0x106: {  	[bflag:$0x0] =	sbarrier.arrive $0xFFFF  }
0x107: {  	_ =	strace $0x9000004D  }
0x108: {  	s0 =	stileid.u32;
	[bflag:$0x2] =	sbarrier.arrive $0xFFFF  }
0x109: {  	p0 =	sne.s32 s0, $0x0;
	s0 =	rddreg [dreg:$0x3]  }
0x10a: {  	s0 =	sadd.s32 @!p0 $0x100000, s0  }
0x10b: {  	[sflag:s0] =	ssyncadd.tile.s32 @!p0 $0x1;
	_ =	shalt  }
.Lfunc_end2:
_tile_overlayer_lowered:
.L_overlay_start_2:
0x10c: {  	(tag) =	ssettag $0x2  }
0x10d: {  	s0 =	rddreg [dreg:$0x0];
	s2 =	stileid.u32  }
0x10e: {  	s1 =	rddreg [dreg:$0x1];
	p0 =	sne.s32 s2, $0x0  }
0x10f: {  	s3 =	rddreg [dreg:$0x2];
	[bflag:$0x3] =	sbarrier.arrive $0xFFFF;
	s2 =	simm.s32 @!p0 $0x1C08  }
0x110: {  	[timem:s3], [sflag:s2] =	dma.local @!p0 [hbm:s0], s1  }
0x111: {  	s0 =	simm.s32 @!p0 $0x8  }
0x112: {  	_ =	swait.ge @!p0 [sflag:s0], s1  }
0x113: {  	s1 =	ssub.s32 @!p0 $0x0, s1;
	[sflag:s0] =	ssyncset.done @!p0 $0x0  }
0x114: {  	[sflag:s0] =	ssyncadd.s32 @!p0 s1  }
0x115: {  	[bflag:$0x3] =	sbarrier.arrive $0xFFFF  }
0x116: {  	_ =	shalt  }

// kernel: kernel.8.cloned.1.call-start
scs
__scs_entry_jumppad:
0x0: {  	(pc) =	sbr.rel $0x88, $3  }
0x1: {  	(tag) =	ssettag $0x0;
	lr =	simm.s32 $0x1  }
0x2: {  	[smem:$0x3F9B] =	sst lr;
	_ =	strace $0xD0000000  }
0x3: {  	_ = 	snop  }
0x4: {  	_ = 	snop  }
0x5: {  	_ = 	snop  }
0x6: {  	_ = 	snop  }
0x7: {  	_ = 	snop  }
__scs_overlays_trampoline_lowered:
0x8: {  	[smem:$0x3FAA] =	sst s0  }
0x9: {  	[smem:$0x3FAB] =	sst s1  }
0xa: {  	[smem:$0x3FAC] =	sst s2  }
0xb: {  	[smem:$0x3FAD] =	sst s3  }
0xc: {  	[smem:$0x3FAE] =	sst s4  }
0xd: {  	[smem:$0x3FAF] =	sst s5  }
0xe: {  	[smem:$0x3FB0] =	sst s6  }
0xf: {  	[smem:$0x3FB1] =	sst s7  }
0x10: {  	[smem:$0x3FB2] =	sst s8  }
0x11: {  	[smem:$0x3FB3] =	sst s9;
	s0 =	simm.s32 @!p0 $0x0  }
0x12: {  	s1 =	sld [smem:$0x3F99];
	s0 =	simm.s32 @p0 $0x1  }
0x13: {  	[smem:$0x3FB4] =	sst s0;
	s0 =	simm.s32 @!p1 $0x0  }
0x14: {  	s2 =	sld [smem:$0x3F98];
	s0 =	simm.s32 @p1 $0x1  }
0x15: {  	[smem:$0x3FB5] =	sst s0;
	s0 =	simm.s32 @!p2 $0x0  }
0x16: {  	s3 =	sld [smem:$0x3FDB];
	s0 =	simm.s32 @p2 $0x1  }
0x17: {  	s4 =	simm.s32 $0x1BF5;
	[smem:$0x3FB7] =	sst s0  }
0x18: {  	s0 =	sld [smem:$0x3F9A];
	_ =	swait.ge [sflag:s4], $0x0  }
0x19: {  	s7 =	sld [smem:$0x3F9B]  }
0x1a: {  	s8 =	sadd.s32 $0xFFFFE003, lr  }
0x1b: {  	s9 =	sadd.s32 $0xFFFFFEF7, lr;
	s5 =	simm.s32 $0xFFFFFFFF;
	p2 =	slt.u32 s8, $0xFFFFF086  }
0x1c: {  	p1 =	slt.u32 s9, $0xF7A;
	s5 =	simm.s32 @!p2 $0x0  }
0x1d: {  	s5 =	simm.s32 @p1 $0x1;
	p0 =	seq.s32 s7, s2  }
0x1e: {  	s7 =	smul.u32 @!p0 $0xF7A, s2;
	p2 =	seq.s32 @!p0 s5, $0x0  }
0x1f: {  	s9 =	smul.u32 $0xF7A, s1;
	s8 =	simm.s32 @!p0 $0x1BF5;
	p2 =	por !p2, p0  }
0x20: {  	[sflag:s8] =	ssyncset.s32 @!p0 $0xFFFFF086;
	s6 =	sadd.s32 @!p0 s3, s7;
	s7 =	simm.s32 @!p0 $0x108  }
0x21: {  	s3 =	sadd.s32 s3, s9;
	s6 =	sadd.s32 @!p0 $0x88, s6;
	s7 =	simm.s32 @p2 $0x1082  }
0x22: {  	[simem:s7], [sflag:s8] =	dma.local @!p0 [hbm:s6], $0xF7A  }
0x23: {  	s9 =	sor.u32 $0xD0000000, s2;
	s6 =	simm.s32 $0x108;
	_ =	swait.ge @!p0 [sflag:s8], $0x0  }
0x24: {  	s3 =	sadd.s32 $0x88, s3;
	s6 =	simm.s32 @!p1 $0x1082;
	[sflag:s4] =	ssyncset.s32 $0xFFFFF086  }
0x25: {  	[simem:s6], [sflag:s4] =	dma.local [hbm:s3], $0xF7A  }
0x26: {  	[smem:$0x3F9B] =	sst s1;
	(tag) =	ssettag s2;
	_ =	strace s9  }
0x27: {  	s1 =	sld [smem:$0x3FAB]  }
0x28: {  	s2 =	sld [smem:$0x3FAC]  }
0x29: {  	s4 =	sld [smem:$0x3FAE]  }
0x2a: {  	p0 =	seq.s32 s5, $0x0;
	s5 =	sld [smem:$0x3FAF]  }
0x2b: {  	s6 =	sld [smem:$0x3FB0]  }
0x2c: {  	s7 =	sld [smem:$0x3FB1]  }
0x2d: {  	s3 =	simm.s32 $0x108;
	s8 =	sld [smem:$0x3FB2]  }
0x2e: {  	s3 =	simm.s32 @!p0 $0x1082;
	s9 =	sld [smem:$0x3FB3]  }
0x2f: {  	lr =	sadd.s32 s0, s3;
	s0 =	sld [smem:$0x3FAA]  }
0x30: {  	s3 =	sld [smem:$0x3FAD]  }
0x31: {  	[smem:$0x3FB6] =	sst s10  }
0x32: {  	s10 =	sld [smem:$0x3FB4];
	_ =	sdelay $0x3  }
0x33: {  	p0 =	seq.s32 s10, $0x1;
	s10 =	sld [smem:$0x3FB6];
	_ =	sdelay $0x3  }
0x34: {  	[smem:$0x3FB6] =	sst s10  }
0x35: {  	s10 =	sld [smem:$0x3FB5];
	_ =	sdelay $0x3  }
0x36: {  	p1 =	seq.s32 s10, $0x1;
	s10 =	sld [smem:$0x3FB6];
	_ =	sdelay $0x3  }
0x37: {  	[smem:$0x3FB6] =	sst s10  }
0x38: {  	s10 =	sld [smem:$0x3FB7]  }
0x39: {  	_ = 	snop;
	(pc) =	sbr.ind lr, $3  }
0x3a: {  	_ = 	snop  }
0x3b: {  	_ = 	snop  }
0x3c: {  	p2 =	seq.s32 s10, $0x1;
	s10 =	sld [smem:$0x3FB6]  }
0x3d: {  	_ =	shalt  }
0x3e: {  	_ =	shalt  }
0x3f: {  	_ =	shalt  }
0x40: {  	_ =	shalt  }
0x41: {  	_ =	shalt  }
0x42: {  	_ =	shalt  }
0x43: {  	_ =	shalt  }
0x44: {  	_ =	shalt  }
0x45: {  	_ =	shalt  }
0x46: {  	_ =	shalt  }
0x47: {  	_ =	shalt  }
0x48: {  	_ =	shalt  }
0x49: {  	_ =	shalt  }
0x4a: {  	_ =	shalt  }
0x4b: {  	_ =	shalt  }
0x4c: {  	_ =	shalt  }
0x4d: {  	_ =	shalt  }
0x4e: {  	_ =	shalt  }
0x4f: {  	_ =	shalt  }
0x50: {  	_ =	shalt  }
0x51: {  	_ =	shalt  }
0x52: {  	_ =	shalt  }
0x53: {  	_ =	shalt  }
0x54: {  	_ =	shalt  }
0x55: {  	_ =	shalt  }
0x56: {  	_ =	shalt  }
0x57: {  	_ =	shalt  }
0x58: {  	_ =	shalt  }
0x59: {  	_ =	shalt  }
0x5a: {  	_ =	shalt  }
0x5b: {  	_ =	shalt  }
0x5c: {  	_ =	shalt  }
0x5d: {  	_ =	shalt  }
0x5e: {  	_ =	shalt  }
0x5f: {  	_ =	shalt  }
0x60: {  	_ =	shalt  }
0x61: {  	_ =	shalt  }
0x62: {  	_ =	shalt  }
0x63: {  	_ =	shalt  }
0x64: {  	_ =	shalt  }
0x65: {  	_ =	shalt  }
0x66: {  	_ =	shalt  }
0x67: {  	_ =	shalt  }
0x68: {  	_ =	shalt  }
0x69: {  	_ =	shalt  }
0x6a: {  	_ =	shalt  }
0x6b: {  	_ =	shalt  }
0x6c: {  	_ =	shalt  }
0x6d: {  	_ =	shalt  }
0x6e: {  	_ =	shalt  }
0x6f: {  	_ =	shalt  }
0x70: {  	_ =	shalt  }
0x71: {  	_ =	shalt  }
0x72: {  	_ =	shalt  }
0x73: {  	_ =	shalt  }
0x74: {  	_ =	shalt  }
0x75: {  	_ =	shalt  }
0x76: {  	_ =	shalt  }
0x77: {  	_ =	shalt  }
0x78: {  	_ =	shalt  }
0x79: {  	_ =	shalt  }
0x7a: {  	_ =	shalt  }
0x7b: {  	_ =	shalt  }
0x7c: {  	_ =	shalt  }
0x7d: {  	_ =	shalt  }
0x7e: {  	_ =	shalt  }
0x7f: {  	_ =	shalt  }
0x80: {  	_ =	shalt  }
0x81: {  	_ =	shalt  }
0x82: {  	_ =	shalt  }
0x83: {  	_ =	shalt  }
0x84: {  	_ =	shalt  }
0x85: {  	_ =	shalt  }
0x86: {  	_ =	shalt  }
0x87: {  	_ =	shalt  }
.Lfunc_end0:
.L_simem_size_0:
called_computation_lowered:
.L_overlay_start_0:
0x88: {  	s2 =	sld [smem:$0x3FD9]  }
0x89: {  	s3 =	sld [smem:$0x3FFE];
	_ =	sdelay $0x1  }
0x8a: {  	s1 =	srdreg.scid  }
0x8b: {  	s0 =	sand.u32 $0x1, s1  }
0x8c: {  	s16 =	sshll.u32 s0, $0xA;
	s2 =	sadd.s32 s3, s2  }
0x8d: {  	s2 =	sadd.s32 s2, s16  }
0x8e: {  	[smem:$0x3FC2] =	sst s2  }
0x8f: {  	_ = 	snop  }
0x90: {  	(tm) =	ssettm $0x1  }
0x91: {  	s17 =	sld [smem:$0x3FFB];
	_ =	sdelay $0x3  }
0x92: {  	_ =	strace s17  }
0x93: {  	s2 =	sld [smem:$0x3FFC];
	_ =	sdelay $0x3  }
0x94: {  	_ =	strace s2  }
0x95: {  	s2 =	sld [smem:$0x3FFD];
	_ =	sdelay $0x3  }
0x96: {  	_ =	strace s2  }
0x97: {  	_ =	strace $0x8FFFFFFF  }
0x98: {  	s18 =	sld [smem:$0x3FDB];
	_ =	sdelay $0x1  }
0x99: {  	s19 =	simm.s32 $_scs_section_size  }
0x9a: {  	s4 =	simm.s32 $_size__tile_overlayer_lowered;
	s5 =	simm.s32 $_tile_overlayer_lowered  }
0x9b: {  	s22 =	simm.s32 $0x1BFF;
	s21 =	sshll.u32 s5, $0x1;
	s2 =	sadd.s32 s19, s18  }
0x9c: {  	s6 =	simm.s32 $0x0;
	s20 =	sshll.u32 s4, $0x1;
	s4 =	sadd.s32 s21, s2  }
0x9d: {  	[timem:s6], [sflag:s22] =	dma.local [hbm:s4], s20  }
0x9e: {  	_ =	swait.ge [sflag:s22], s20  }
0x9f: {  	s3 =	ssub.s32 $0x0, s20;
	[sflag:s22] =	ssyncset.done $0x0  }
0xa0: {  	[sflag:s22] =	ssyncadd.s32 s3;
	_ =	sdelay $0x1  }
0xa1: {  	s23 =	simm.s32 $0x1B8B  }
0xa2: {  	_ =	swait.ge [sflag:s23], $0x1  }
0xa3: {  	[sflag:s23] =	ssyncset.done $0x0  }
0xa4: {  	s25 =	simm.s32 $0x1B8E;
	s24 =	sld [smem:$0x3FFE];
	[sflag:s23] =	ssyncadd.s32 $0xFFFFFFFF  }
0xa5: {  	s26 =	simm.s32 $execute0_lowered;
	[smem:$0x3FD2] =	sst s25  }
0xa6: {  	s4 =	sshll.u32 s26, $0x1;
	_ =	strace $0x80000046;
	[dreg:$0x1] =	wrdreg $0xFFFFFFFF  }
0xa7: {  	s28 =	simm.s32 $_size_execute0_lowered;
	s2 =	sadd.s32 s2, s4;
	[dreg:$0x0] =	wrdreg $0x0  }
0xa8: {  	s4 =	sshll.u32 s28, $0x1;
	[dreg:$0x2] =	wrdreg s2  }
0xa9: {  	[dreg:$0x3] =	wrdreg s4  }
0xaa: {  	[dreg:$0x4] =	wrdreg $0xC0  }
0xab: {  	_ =	task [dreg:s6], $0x5FFFF  }
0xac: {  	[dreg:$0x1] =	wrdreg $0xFFFFFFFF  }
0xad: {  	[dreg:$0x0] =	wrdreg $0x60  }
0xae: {  	[dreg:$0x2] =	wrdreg s24  }
0xaf: {  	[dreg:$0x3] =	wrdreg $0x0  }
0xb0: {  	[dreg:$0x4] =	wrdreg $0x9  }
0xb1: {  	_ =	task.clear_ibuf [dreg:s6], $0x5FFFF;
	_ =	strace $0x90000046  }
0xb2: {  	s29 =	simm.s32 $0x9;
	_ =	strace $0x80000048  }
0xb3: {  	_ =	swait.ge [sflag:s29], $0x1  }
0xb4: {  	[sflag:s29] =	ssyncadd.s32 $0xFFFFFFFF  }
0xb5: {  	_ =	strace $0x90000048  }
0xb6: {  	_ =	sfence  }
0xb7: {  	s30 =	sld [smem:$0x0];
	_ =	sdelay $0x2  }
0xb8: {  	s31 =	sshll.u32 s1, $0xD;
	s1 =	sshrl.u32 s1, $0x2  }
0xb9: {  	s3 =	sand.u32 $0x4000, s31;
	s1 =	sadd.s32 s1, s30  }
0xba: {  	s0 =	sor.u32 s3, s0;
	s1 =	sshll.u32 s1, $0x11  }
0xbb: {  	s0 =	sor.u32 s1, s0  }
0xbc: {  	s0 =	sadd.s32 $0x8F2B, s0  }
0xbd: {  	[sflag:s0] =	ssyncadd.remote.s32 $0x1  }
0xbe: {  	_ =	sfence.sel $0xFFFF  }
0xbf: {  	[dreg:$0x0] =	wrdreg $0xFFFFFFFF;
	(pc) =	sbr.abs _section_cstart, $3  }
0xc0: {  	[dreg:$0x1] =	wrdreg $0xFFFFFFFF  }
0xc1: {  	_ =	task.clear_ibuf [dreg:s6], $0x2FFFF;
	_ =	strace $0x9FFFFFFF  }
0xc2: {  	(tm) =	ssettm $0x7FFFFFFF  }
0xc3: {  	_ =	shalt  }
tec
execute0_lowered:
.L_overlay_start_1:
0x0: {  	(tag) =	ssettag $0x1  }
0x1: {  	s5 =	rddreg [dreg:$0x0]  }
0x2: {  	s1 =	rddreg [dreg:$0x1];
	s2 =	simm.s32 $0x0  }
0x3: {  	s6 =	srdreg.scid;
	s0 =	stileid.u32;
	s22 =	simm.s32 $0x14080  }
0x4: {  	s23 =	simm.s32 $0x1;
	s24 =	simm.s32 $0x80;
	s26 =	smul.u32 $0x50000, s0  }
0x5: {  	s28 =	simm.s32 $0x0;
	[smem:$0x7FF] =	sst s2;
	s9 =	smul.u32 $0x14000, s0  }
0x6: {  	s4 =	sadd.s32 $0x2800, s5;
	s11 =	sand.u32 $0x1, s6;
	s21 =	smul.u32 $0x2780, s0  }
0x7: {  	s15 =	sadd.s32 $0x16400, s5;
	_ =	strace $0x80000047;
	s17 =	smul.u32 $0x140000, s11  }
0x8: {  	s25 =	ssub.s32 $0x2, s11;
	s8 =	sshll.u32 s11, $0x4;
	s20 =	smul.u32 $0x27800, s11  }
0x9: {  	s7 =	sshrl.u32 s25, $0x1;
	s29 =	sor.u32 s0, s8;
	s6 =	sshrl.u32 s26, $0x2  }
0xa: {  	s12 =	sadd.s32 $0x4000, s9;
	s13 =	sadd.s32 $0x8000, s9;
	s14 =	sadd.s32 $0xC000, s9  }
0xb: {  	s18 =	sadd.s32 $0x10000, s9;
	s26 =	simm.s32 $0x2;
	s16 =	ssub.s32 s25, s7  }
0xc: {  	s10 =	smul.u32 $0x2780, s29;
	s5 =	sadd.s32 s6, s1;
	s6 =	sadd.s32 s12, s1  }
0xd: {  	s7 =	sadd.s32 s13, s1;
	s8 =	sadd.s32 s14, s1;
	s19 =	sadd.s32 s9, s17  }
0xe: {  	s9 =	sadd.s32 s18, s1;
	s12 =	sadd.s32 s17, s12;
	s13 =	sadd.s32 s17, s13  }
0xf: {  	s14 =	sadd.s32 s17, s14;
	s17 =	sadd.s32 s17, s18;
	s30 =	sadd.s32 s21, s20  }
0x10: {  	s20 =	simm.s32 $0x3;
	s21 =	simm.s32 $0x14000;
	s25 =	simm.s32 $0x14100  }
0x11: {  	s19 =	sshrl.u32 s19, $0x3;
	s12 =	sshrl.u32 s12, $0x3;
	s13 =	sshrl.u32 s13, $0x3  }
0x12: {  	s14 =	sshrl.u32 s14, $0x3;
	s17 =	sshrl.u32 s17, $0x3;
	s31 =	sadd.s32 $0x80, s30  }
0x13: {  	s16 =	smax.u32 s16, $0x1;
	s10 =	sshrl.u32 s10, $0x3;
	s11 =	sadd.s32 s15, s19  }
0x14: {  	s12 =	sadd.s32 s15, s12;
	s13 =	sadd.s32 s15, s13;
	s14 =	sadd.s32 s15, s14  }
0x15: {  	s15 =	sadd.s32 s15, s17;
	s19 =	sshrl.u32 s31, $0x3;
	s17 =	sadd.s32 $0x100, s30  }
0x16: {  	v0 =	vimm.f32 $0.0e+00;
	v1 =	vimm.f32 $1.000000000e+00;
	s10 =	sadd.s32 s4, s10;
	s18 =	sadd.s32 s19, s4;
	s19 =	simm.s32 $0x18100  }
.LBB2_1:
0x17: {  	s29 =	simm.s32 $0x0;
	s30 =	simm.s32 $0x0  }
.LBB2_2:
0x18: {  	p0 =	sne.s32 s30, $0xFFC0  }
.Ltmp0:
0x19: {  	_ = 	snop;
	(pc) =	sbr.rel @p0 .LBB2_2-.Ltmp0, $4  }
0x1a: {  	s31 =	sand.u32 $0xFE00, s30  }
0x1b: {  	s0 =	sand.u32 $0x70, s29;
	s31 =	sshrl.u32 s31, $0x2  }
0x1c: {  	s0 =	sor.u32 s0, s31  }
0x1d: {  	s29 =	sadd.s32 $0x10, s29;
	s30 =	sadd.s32 $0x40, s30;
	[tilespmem:s0+$0x18100] =	vst v0  }
0x1e: {  	s29 =	simm.s32 $0x0  }
0x1f: {  	s0 =	sand.u32 $0xFE00, s29  }
0x20: {  	s31 =	sand.u32 $0x70, s29;
	s0 =	sshrl.u32 s0, $0x2  }
0x21: {  	s30 =	simm.s32 $0x40;
	s31 =	sor.u32 s31, s0  }
.LBB2_4:
0x22: {  	p0 =	sne.s32 s30, $0xFFC0  }
0x23: {  	[tilespmem:s31+$0x14100] =	vst v1;
	s29 =	sadd.s32 $0x10, s29;
	s0 =	smov.u32 s30;
	s30 =	sadd.s32 $0x40, s30  }
.Ltmp1:
0x24: {  	(pc) =	sbr.rel @p0 .LBB2_4-.Ltmp1, $4  }
0x25: {  	_ = 	snop  }
0x26: {  	s0 =	sand.u32 $0xFE00, s0  }
0x27: {  	s31 =	sand.u32 $0x70, s29;
	s0 =	sshrl.u32 s0, $0x2  }
0x28: {  	s31 =	sor.u32 s31, s0  }
0x29: {  	[tilespmem:s31+$0x14100] =	vst v1  }
0x2a: {  	[spmem:s5] =	stream.linear.scatter [tilespmem:s19], [sflag:$0x3], $0x4000, $0x38;
	[tilespmem:$0x1C100] =	vst v63  }
0x2b: {  	_ =	swait.ge [sflag:s20], $0x4000  }
0x2c: {  	[sflag:s20] =	ssyncset.done $0x0  }
0x2d: {  	[sflag:s20] =	ssyncadd.s32 $0xFFFFC000  }
0x2e: {  	[spmem:s6] =	stream.linear.scatter [tilespmem:s19], [sflag:$0x3], $0x4000, $0x38;
	[tilespmem:$0x1C100] =	vst v63  }
0x2f: {  	_ =	swait.ge [sflag:s20], $0x4000  }
0x30: {  	[sflag:s20] =	ssyncset.done $0x0  }
0x31: {  	[sflag:s20] =	ssyncadd.s32 $0xFFFFC000  }
0x32: {  	[spmem:s7] =	stream.linear.scatter [tilespmem:s19], [sflag:$0x3], $0x4000, $0x38;
	[tilespmem:$0x1C100] =	vst v63  }
0x33: {  	_ =	swait.ge [sflag:s20], $0x4000  }
0x34: {  	[sflag:s20] =	ssyncset.done $0x0  }
0x35: {  	[sflag:s20] =	ssyncadd.s32 $0xFFFFC000  }
0x36: {  	[spmem:s8] =	stream.linear.scatter [tilespmem:s19], [sflag:$0x3], $0x4000, $0x38;
	[tilespmem:$0x1C100] =	vst v63  }
0x37: {  	_ =	swait.ge [sflag:s20], $0x4000  }
0x38: {  	[sflag:s20] =	ssyncset.done $0x0  }
0x39: {  	[sflag:s20] =	ssyncadd.s32 $0xFFFFC000  }
0x3a: {  	[spmem:s9] =	stream.linear.scatter [tilespmem:s19], [sflag:$0x3], $0x4000, $0x38;
	[tilespmem:$0x1C100] =	vst v63  }
0x3b: {  	_ =	swait.ge [sflag:s20], $0x4000  }
0x3c: {  	[sflag:s20] =	ssyncset.done $0x0  }
0x3d: {  	[sflag:s20] =	ssyncadd.s32 $0xFFFFC000  }
0x3e: {  	s0 =	simm.s32 $0x0;
	[bflag:$0x0] =	sbarrier.arrive $0xFFFF  }
0x3f: {  	[tilespmem:s21], [sflag:$0x1] =	stream.linear.gather [hbm4b:s10+s0], $0x80, $0x38;
	[tilespmem:$0x1C100] =	vst v63  }
0x40: {  	s3 =	sadd.s32 $0x0, s18  }
0x41: {  	[tilespmem:s22], [sflag:$0x2] =	stream.linear.gather [hbm4b:s3+s2], $0x80, $0x38;
	[tilespmem:$0x1C100] =	vst v63  }
0x42: {  	_ =	swait.ge [sflag:s23], $0x80  }
0x43: {  	[sflag:s23] =	ssyncset.done $0x0  }
0x44: {  	[sflag:s23] =	ssyncadd.s32 $0xFFFFFF80  }
0x45: {  	[spmem:s1] =	stream.indirect.scatter.add.f32 [tilespmem:s25], [sflag:$0x3], $0x80, s21, s24, $0xb8;
	[tilespmem:$0x1C100] =	vst v63  }
0x46: {  	_ =	swait.ge [sflag:s20], $0x4000  }
0x47: {  	s3 =	sshrl.u32 s17, $0x3;
	[sflag:s20] =	ssyncset.done $0x0  }
0x48: {  	s0 =	sadd.s32 s4, s3;
	[sflag:s20] =	ssyncadd.s32 $0xFFFFC000  }
0x49: {  	[tilespmem:s21], [sflag:$0x1] =	stream.linear.gather [hbm4b:s0+s2], $0x80, $0x38;
	[tilespmem:$0x1C100] =	vst v63  }
0x4a: {  	_ =	swait.ge [sflag:s26], $0x80  }
0x4b: {  	[sflag:s26] =	ssyncset.done $0x0  }
0x4c: {  	[sflag:s26] =	ssyncadd.s32 $0xFFFFFF80  }
0x4d: {  	[spmem:s1] =	stream.indirect.scatter.add.f32 [tilespmem:s25], [sflag:$0x3], $0x80, s22, s24, $0xb8;
	[tilespmem:$0x1C100] =	vst v63  }
0x4e: {  	s30 =	simm.s32 $0x20;
	_ =	swait.ge [sflag:s20], $0x4000  }
0x4f: {  	s31 =	simm.s32 $0x40;
	s29 =	sadd.s32 $0x100, s17;
	[sflag:s20] =	ssyncset.done $0x0  }
.LBB2_6:
0x50: {  	s0 =	sadd.s32 s30, s18  }
0x51: {  	[sflag:s20] =	ssyncadd.s32 $0xFFFFC000;
	s30 =	smov.u32 s31;
	s3 =	sadd.s32 $0x20, s31  }
0x52: {  	[tilespmem:s22], [sflag:$0x2] =	stream.linear.gather [hbm4b:s0+s2], $0x80, $0x38;
	[tilespmem:$0x1C100] =	vst v63  }
0x53: {  	p0 =	sne.s32 s31, $0x4C0;
	_ =	swait.ge [sflag:s23], $0x80  }
0x54: {  	[sflag:s23] =	ssyncset.done $0x0  }
0x55: {  	[sflag:s23] =	ssyncadd.s32 $0xFFFFFF80  }
0x56: {  	[spmem:s1] =	stream.indirect.scatter.add.f32 [tilespmem:s25], [sflag:$0x3], $0x80, s21, s24, $0xb8;
	[tilespmem:$0x1C100] =	vst v63  }
0x57: {  	_ =	swait.ge [sflag:s20], $0x4000  }
0x58: {  	s0 =	sshrl.u32 s29, $0x3;
	[sflag:s20] =	ssyncset.done $0x0  }
0x59: {  	s0 =	sadd.s32 s4, s0;
	[sflag:s20] =	ssyncadd.s32 $0xFFFFC000  }
0x5a: {  	[tilespmem:s21], [sflag:$0x1] =	stream.linear.gather [hbm4b:s0+s2], $0x80, $0x38;
	[tilespmem:$0x1C100] =	vst v63  }
0x5b: {  	_ =	swait.ge [sflag:s26], $0x80  }
.Ltmp2:
0x5c: {  	[sflag:s26] =	ssyncset.done $0x0;
	(pc) =	sbr.rel @p0 .LBB2_6-.Ltmp2, $4  }
0x5d: {  	[sflag:s26] =	ssyncadd.s32 $0xFFFFFF80  }
0x5e: {  	[spmem:s1] =	stream.indirect.scatter.add.f32 [tilespmem:s25], [sflag:$0x3], $0x80, s22, s24, $0xb8;
	[tilespmem:$0x1C100] =	vst v63  }
0x5f: {  	_ =	swait.ge [sflag:s20], $0x4000  }
0x60: {  	s29 =	sadd.s32 $0x100, s29;
	s31 =	smov.u32 s3;
	[sflag:s20] =	ssyncset.done $0x0  }
0x61: {  	s0 =	sadd.s32 s30, s18;
	[sflag:s20] =	ssyncadd.s32 $0xFFFFC000  }
0x62: {  	[tilespmem:s22], [sflag:$0x2] =	stream.linear.gather [hbm4b:s0+s2], $0x80, $0x38;
	[tilespmem:$0x1C100] =	vst v63  }
0x63: {  	_ =	swait.ge [sflag:s23], $0x80  }
0x64: {  	[sflag:s23] =	ssyncset.done $0x0  }
0x65: {  	[sflag:s23] =	ssyncadd.s32 $0xFFFFFF80  }
0x66: {  	[spmem:s1] =	stream.indirect.scatter.add.f32 [tilespmem:s25], [sflag:$0x3], $0x80, s21, s24, $0xb8;
	[tilespmem:$0x1C100] =	vst v63  }
0x67: {  	_ =	swait.ge [sflag:s20], $0x4000  }
0x68: {  	s31 =	sshrl.u32 s29, $0x3;
	[sflag:s20] =	ssyncset.done $0x0  }
0x69: {  	s0 =	sadd.s32 s4, s31;
	[sflag:s20] =	ssyncadd.s32 $0xFFFFC000  }
0x6a: {  	[tilespmem:s21], [sflag:$0x1] =	stream.linear.gather [hbm4b:s0+s2], $0x80, $0x38;
	[tilespmem:$0x1C100] =	vst v63  }
0x6b: {  	_ =	swait.ge [sflag:s26], $0x80  }
0x6c: {  	[sflag:s26] =	ssyncset.done $0x0  }
0x6d: {  	[sflag:s26] =	ssyncadd.s32 $0xFFFFFF80  }
0x6e: {  	[spmem:s1] =	stream.indirect.scatter.add.f32 [tilespmem:s25], [sflag:$0x3], $0x80, s22, s24, $0xb8;
	[tilespmem:$0x1C100] =	vst v63  }
0x6f: {  	_ =	swait.ge [sflag:s20], $0x4000  }
0x70: {  	[sflag:s20] =	ssyncset.done $0x0  }
0x71: {  	[sflag:s20] =	ssyncadd.s32 $0xFFFFC000  }
0x72: {  	_ =	swait.ge [sflag:s23], $0x80  }
0x73: {  	[sflag:s23] =	ssyncset.done $0x0  }
0x74: {  	[sflag:s23] =	ssyncadd.s32 $0xFFFFFF80  }
0x75: {  	[spmem:s1] =	stream.indirect.scatter.add.f32 [tilespmem:s25], [sflag:$0x3], $0x80, s21, s24, $0xb8;
	[tilespmem:$0x1C100] =	vst v63  }
0x76: {  	_ =	swait.ge [sflag:s20], $0x4000  }
0x77: {  	[sflag:s20] =	ssyncset.done $0x0  }
0x78: {  	[sflag:s20] =	ssyncadd.s32 $0xFFFFC000  }
0x79: {  	[bflag:$0x0] =	sbarrier.arrive $0xFFFF  }
0x7a: {  	[tilespmem:s19], [sflag:$0x3] =	stream.linear.gather [spmem:s5], $0x4000, $0x38;
	[tilespmem:$0x1C100] =	vst v63  }
0x7b: {  	_ =	swait.ge [sflag:s20], $0x4000  }
0x7c: {  	[sflag:s20] =	ssyncset.done $0x0  }
0x7d: {  	[sflag:s20] =	ssyncadd.s32 $0xFFFFC000  }
0x7e: {  	[hbm4b:s11+s2] =	stream.linear.scatter [tilespmem:s19], [sflag:$0x3], $0x4000, $0x38;
	[tilespmem:$0x1C100] =	vst v63  }
0x7f: {  	_ =	swait.ge [sflag:s20], $0x4000  }
0x80: {  	[sflag:s20] =	ssyncset.done $0x0  }
0x81: {  	[sflag:s20] =	ssyncadd.s32 $0xFFFFC000  }
0x82: {  	[tilespmem:s19], [sflag:$0x3] =	stream.linear.gather [spmem:s6], $0x4000, $0x38;
	[tilespmem:$0x1C100] =	vst v63  }
0x83: {  	_ =	swait.ge [sflag:s20], $0x4000  }
0x84: {  	[sflag:s20] =	ssyncset.done $0x0  }
0x85: {  	[sflag:s20] =	ssyncadd.s32 $0xFFFFC000  }
0x86: {  	[hbm4b:s12+s2] =	stream.linear.scatter [tilespmem:s19], [sflag:$0x3], $0x4000, $0x38;
	[tilespmem:$0x1C100] =	vst v63  }
0x87: {  	_ =	swait.ge [sflag:s20], $0x4000  }
0x88: {  	[sflag:s20] =	ssyncset.done $0x0  }
0x89: {  	[sflag:s20] =	ssyncadd.s32 $0xFFFFC000  }
0x8a: {  	[tilespmem:s19], [sflag:$0x3] =	stream.linear.gather [spmem:s7], $0x4000, $0x38;
	[tilespmem:$0x1C100] =	vst v63  }
0x8b: {  	_ =	swait.ge [sflag:s20], $0x4000  }
0x8c: {  	[sflag:s20] =	ssyncset.done $0x0  }
0x8d: {  	[sflag:s20] =	ssyncadd.s32 $0xFFFFC000  }
0x8e: {  	[hbm4b:s13+s2] =	stream.linear.scatter [tilespmem:s19], [sflag:$0x3], $0x4000, $0x38;
	[tilespmem:$0x1C100] =	vst v63  }
0x8f: {  	_ =	swait.ge [sflag:s20], $0x4000  }
0x90: {  	[sflag:s20] =	ssyncset.done $0x0  }
0x91: {  	[sflag:s20] =	ssyncadd.s32 $0xFFFFC000  }
0x92: {  	[tilespmem:s19], [sflag:$0x3] =	stream.linear.gather [spmem:s8], $0x4000, $0x38;
	[tilespmem:$0x1C100] =	vst v63  }
0x93: {  	_ =	swait.ge [sflag:s20], $0x4000  }
0x94: {  	[sflag:s20] =	ssyncset.done $0x0  }
0x95: {  	[sflag:s20] =	ssyncadd.s32 $0xFFFFC000  }
0x96: {  	[hbm4b:s14+s2] =	stream.linear.scatter [tilespmem:s19], [sflag:$0x3], $0x4000, $0x38;
	[tilespmem:$0x1C100] =	vst v63  }
0x97: {  	_ =	swait.ge [sflag:s20], $0x4000  }
0x98: {  	[sflag:s20] =	ssyncset.done $0x0  }
0x99: {  	[sflag:s20] =	ssyncadd.s32 $0xFFFFC000  }
0x9a: {  	[tilespmem:s19], [sflag:$0x3] =	stream.linear.gather [spmem:s9], $0x4000, $0x38;
	[tilespmem:$0x1C100] =	vst v63  }
0x9b: {  	s28 =	sadd.s32 $0x1, s28;
	_ =	swait.ge [sflag:s20], $0x4000  }
0x9c: {  	p0 =	sne.s32 s28, s16;
	[sflag:s20] =	ssyncset.done $0x0  }
.Ltmp3:
0x9d: {  	[sflag:s20] =	ssyncadd.s32 $0xFFFFC000;
	(pc) =	sbr.rel @p0 .LBB2_1-.Ltmp3, $4  }
0x9e: {  	[hbm4b:s15+s2] =	stream.linear.scatter [tilespmem:s19], [sflag:$0x3], $0x4000, $0x38;
	[tilespmem:$0x1C100] =	vst v63  }
0x9f: {  	_ =	swait.ge [sflag:s20], $0x4000  }
0xa0: {  	[sflag:s20] =	ssyncset.done $0x0  }
0xa1: {  	[sflag:s20] =	ssyncadd.s32 $0xFFFFC000  }
0xa2: {  	_ =	sfence.sel $0x180000  }
0xa3: {  	[bflag:$0x0] =	sbarrier.arrive $0xFFFF  }
0xa4: {  	_ =	strace $0x90000047  }
0xa5: {  	s0 =	stileid.u32;
	[bflag:$0x2] =	sbarrier.arrive $0xFFFF  }
0xa6: {  	p0 =	sne.s32 s0, $0x0;
	s0 =	rddreg [dreg:$0x2]  }
0xa7: {  	s0 =	sadd.s32 @!p0 $0x100000, s0  }
0xa8: {  	[sflag:s0] =	ssyncadd.tile.s32 @!p0 $0x1;
	_ =	shalt  }
.Lfunc_end2:
_tile_overlayer_lowered:
.L_overlay_start_2:
0xa9: {  	(tag) =	ssettag $0x2  }
0xaa: {  	s0 =	rddreg [dreg:$0x0];
	s2 =	stileid.u32  }
0xab: {  	s1 =	rddreg [dreg:$0x1];
	p0 =	sne.s32 s2, $0x0  }
0xac: {  	s3 =	rddreg [dreg:$0x2];
	[bflag:$0x3] =	sbarrier.arrive $0xFFFF;
	s2 =	simm.s32 @!p0 $0x1C03  }
0xad: {  	[timem:s3], [sflag:s2] =	dma.local @!p0 [hbm:s0], s1  }
0xae: {  	s0 =	simm.s32 @!p0 $0x3  }
0xaf: {  	_ =	swait.ge @!p0 [sflag:s0], s1  }
0xb0: {  	s1 =	ssub.s32 @!p0 $0x0, s1;
	[sflag:s0] =	ssyncset.done @!p0 $0x0  }
0xb1: {  	[sflag:s0] =	ssyncadd.s32 @!p0 s1  }
0xb2: {  	[bflag:$0x3] =	sbarrier.arrive $0xFFFF  }
0xb3: {  	_ =	shalt  }

</sc_bundles>
